<compile_context>
chip_gen: v7x
topology: tpu7x:2x2x1
jax: 0.10.2.dev20260603
libtpu: 0.0.44.dev20260713+nightly
codegen_flags: <defaults>
</compile_context>

<pallas_src>
import functools

import jax
import jax.numpy as jnp
from jax import lax
from jax.experimental import pallas as pl
from jax.experimental.pallas import tpu as pltpu
from jax.experimental.pallas import tpu_sc as plsc

N = 10000
NPAD = 10240
E = 320000
NG = 16
NCORES = 2
NSUB = 16
WIN = 128
NWIN = 80
EPAD = NCORES * NSUB * NWIN * WIN
K = 4
STRIPE = NPAD // NSUB

BLK = 1280
NB = NPAD // BLK

_MESH = plsc.VectorSubcoreMesh(core_axis_name="c", subcore_axis_name="s")


def _fill2d(ref, rows, cols, value):
    vec = jnp.full((16,), value, jnp.float32)

    @pl.loop(0, rows)
    def _(r):
        @pl.loop(0, cols // 16)
        def _(cc):
            ref[r, pl.ds(cc * 16, 16)] = vec


def _zero_acc(acc_sh, zbuf, sid):
    d = zbuf.shape[1]
    _fill2d(zbuf, WIN, d, 0.0)

    @pl.loop(0, STRIPE // WIN)
    def _(j):
        pltpu.sync_copy(zbuf, acc_sh.at[pl.ds(sid * STRIPE + j * WIN, WIN)])


def _make_sc_deg():

    @functools.partial(
        pl.kernel,
        out_type=jax.ShapeDtypeStruct((NCORES, NPAD, 16), jnp.float32),
        mesh=_MESH,
        scratch_types=[
            pltpu.VMEM_SHARED((NPAD, 16), jnp.float32),
            pltpu.VMEM((WIN, 16), jnp.float32),
            pltpu.VMEM((NWIN, WIN), jnp.int32),
            pltpu.SemaphoreType.DMA,
        ],
    )
    def sc_deg(dst_hbm, out_hbm, acc_sh, buf, idst, sem):
        cid = lax.axis_index("c")
        sid = lax.axis_index("s")
        wid = cid * NSUB + sid
        _zero_acc(acc_sh, buf, sid)
        _fill2d(buf, WIN, 16, 1.0)
        pltpu.sync_copy(dst_hbm.at[pl.ds(wid * NWIN, NWIN)], idst)
        plsc.subcore_barrier()

        @pl.loop(0, NWIN, step=8)
        def _(g):
            for b in range(8):
                pltpu.async_copy(buf, acc_sh.at[idst.at[g + b]], sem, add=True)
            for b in range(8):
                pltpu.make_async_copy(buf, acc_sh.at[idst.at[0]], sem).wait()

        plsc.subcore_barrier()
        pltpu.sync_copy(
            acc_sh.at[pl.ds(sid * STRIPE, STRIPE)],
            out_hbm.at[cid, pl.ds(sid * STRIPE, STRIPE)],
        )

    return sc_deg


def _make_sc_papply(d):

    @functools.partial(
        pl.kernel,
        out_type=jax.ShapeDtypeStruct((NCORES, NPAD, d), jnp.float32),
        mesh=_MESH,
        scratch_types=[
            pltpu.VMEM_SHARED((NPAD, d), jnp.float32),
            pltpu.VMEM_SHARED((NPAD, d), jnp.float32),
            pltpu.VMEM((K, WIN, d), jnp.float32),
            pltpu.VMEM((NWIN, WIN), jnp.int32),
            pltpu.VMEM((NWIN, WIN), jnp.int32),
            pltpu.SemaphoreType.DMA((K,)),
            pltpu.SemaphoreType.DMA((K,)),
        ],
    )
    def sc_papply(tab_hbm, src_hbm, dst_hbm, out_hbm, tab_sh, acc_sh,
                  rows, isrc, idst, gsem, ssem):
        cid = lax.axis_index("c")
        sid = lax.axis_index("s")
        wid = cid * NSUB + sid
        _zero_acc(acc_sh, rows.at[0], sid)
        pltpu.sync_copy(
            tab_hbm.at[pl.ds(sid * STRIPE, STRIPE)],
            tab_sh.at[pl.ds(sid * STRIPE, STRIPE)],
        )
        pltpu.sync_copy(src_hbm.at[pl.ds(wid * NWIN, NWIN)], isrc)
        pltpu.sync_copy(dst_hbm.at[pl.ds(wid * NWIN, NWIN)], idst)
        plsc.subcore_barrier()

        def gather_start(j, b):
            pltpu.async_copy(tab_sh.at[isrc.at[j]], rows.at[b], gsem.at[b])

        def gather_wait(b):
            pltpu.make_async_copy(
                tab_sh.at[isrc.at[0]], rows.at[b], gsem.at[b]).wait()

        def scat_start(j, b):
            pltpu.async_copy(rows.at[b], acc_sh.at[idst.at[j]], ssem.at[b],
                             add=True)

        def scat_wait(b):
            pltpu.make_async_copy(
                rows.at[b], acc_sh.at[idst.at[0]], ssem.at[b]).wait()

        for b in range(K):
            gather_start(b, b)

        @pl.loop(0, NWIN - K, step=K)
        def _(g):
            for b in range(K):
                gather_wait(b)
                scat_start(g + b, b)
            for b in range(K):
                scat_wait(b)
                gather_start(g + K + b, b)

        for b in range(K):
            gather_wait(b)
            scat_start(NWIN - K + b, b)
        for b in range(K):
            scat_wait(b)

        plsc.subcore_barrier()
        pltpu.sync_copy(
            acc_sh.at[pl.ds(sid * STRIPE, STRIPE)],
            out_hbm.at[cid, pl.ds(sid * STRIPE, STRIPE)],
        )

    return sc_papply


_sc_deg = _make_sc_deg()
_sc_papply32 = _make_sc_papply(32)
_sc_papply16 = _make_sc_papply(16)




def _tc1_body(degp, x, w, dinv_o, hp_o):
    deg = degp[0, :, 0:1] + degp[1, :, 0:1] + 1.0
    dinv = lax.rsqrt(deg)
    dinv_o[...] = dinv
    h = jnp.dot(x[...], w[...], preferred_element_type=jnp.float32)
    hp_o[...] = dinv * h


def _tc1(degp, x, w):
    do = w.shape[1]
    return pl.pallas_call(
        _tc1_body,
        grid=(NB,),
        in_specs=[
            pl.BlockSpec((2, BLK, 16), lambda i: (0, i, 0)),
            pl.BlockSpec((BLK, 128), lambda i: (i, 0)),
            pl.BlockSpec((128, do), lambda i: (0, 0)),
        ],
        out_specs=(
            pl.BlockSpec((BLK, 1), lambda i: (i, 0)),
            pl.BlockSpec((BLK, do), lambda i: (i, 0)),
        ),
        out_shape=(
            jax.ShapeDtypeStruct((NPAD, 1), jnp.float32),
            jax.ShapeDtypeStruct((NPAD, do), jnp.float32),
        ),
    )(degp, x, w)


def _tc_mid_body(act, accp, hp, dinv, w, b, out_o):
    s = dinv[...] * (accp[0] + accp[1] + hp[...]) + b[...]
    a = act(s)
    h = jnp.dot(a, w[...], preferred_element_type=jnp.float32)
    out_o[...] = dinv[...] * h


def _tc_mid(act, accp, hp, dinv, w, b):
    di, do = w.shape
    return pl.pallas_call(
        functools.partial(_tc_mid_body, act),
        grid=(NB,),
        in_specs=[
            pl.BlockSpec((2, BLK, di), lambda i: (0, i, 0)),
            pl.BlockSpec((BLK, di), lambda i: (i, 0)),
            pl.BlockSpec((BLK, 1), lambda i: (i, 0)),
            pl.BlockSpec((di, do), lambda i: (0, 0)),
            pl.BlockSpec((1, di), lambda i: (0, 0)),
        ],
        out_specs=pl.BlockSpec((BLK, do), lambda i: (i, 0)),
        out_shape=jax.ShapeDtypeStruct((NPAD, do), jnp.float32),
    )(accp, hp, dinv, w, b)


def _tc_final_body(accp, hp, dinv, b4, batch, out_o, s_acc, c_acc):
    i = pl.program_id(0)

    @pl.when(i == 0)
    def _():
        s_acc[...] = jnp.zeros_like(s_acc)
        c_acc[...] = jnp.zeros_like(c_acc)

    g = dinv[...] * (accp[0] + accp[1] + hp[...])
    g = g[:, 0:1] + b4[...]
    iot = lax.broadcasted_iota(jnp.int32, (BLK, NG), 1)
    m = iot == batch[...]
    s_acc[0, :] += jnp.sum(jnp.where(m, g, 0.0), axis=0)
    c_acc[0, :] += jnp.sum(jnp.where(m, 1.0, 0.0), axis=0)

    @pl.when(i == NB - 1)
    def _():
        out_o[0, :] = s_acc[0, :] / jnp.maximum(c_acc[0, :], 1.0)


def _tc_final(accp, hp, dinv, b4, batch):
    return pl.pallas_call(
        _tc_final_body,
        grid=(NB,),
        in_specs=[
            pl.BlockSpec((2, BLK, 16), lambda i: (0, i, 0)),
            pl.BlockSpec((BLK, 16), lambda i: (i, 0)),
            pl.BlockSpec((BLK, 1), lambda i: (i, 0)),
            pl.BlockSpec((1, 1), lambda i: (0, 0)),
            pl.BlockSpec((BLK, 1), lambda i: (i, 0)),
        ],
        out_specs=pl.BlockSpec((1, NG), lambda i: (0, 0)),
        out_shape=jax.ShapeDtypeStruct((1, NG), jnp.float32),
        scratch_shapes=[
            pltpu.VMEM((1, NG), jnp.float32),
            pltpu.VMEM((1, NG), jnp.float32),
        ],
    )(accp, hp, dinv, b4, batch)


def _pad2(w, r, c):
    return jnp.zeros((r, c), jnp.float32).at[: w.shape[0], : w.shape[1]].set(w)


def kernel(x, edge_index, edge_attr, batch, W1, b1, W2, b2, W3, b3, W4, b4):
    pad = jnp.full((EPAD - E,), N, jnp.int32)
    src = jnp.concatenate([edge_index[0], pad]).reshape(EPAD // WIN, WIN)
    dst = jnp.concatenate([edge_index[1], pad]).reshape(EPAD // WIN, WIN)
    xp = jnp.concatenate([x, jnp.zeros((NPAD - N, 128), jnp.float32)])
    batchp = jnp.concatenate(
        [batch, jnp.full((NPAD - N,), NG, jnp.int32)]).reshape(NPAD, 1)

    W1p = _pad2(W1, 128, 32)
    W2p = _pad2(W2, 32, 32)
    W3p = _pad2(W3, 32, 16)
    W4p = _pad2(W4, 16, 16)
    b1p = _pad2(b1[None, :], 1, 32)
    b2p = _pad2(b2[None, :], 1, 32)
    b3p = _pad2(b3[None, :], 1, 16)
    b4p = b4[None, :]

    degp = _sc_deg(dst)
    dinv, h1p = _tc1(degp, xp, W1p)
    acc1 = _sc_papply32(h1p, src, dst)
    h2p = _tc_mid(jax.nn.gelu, acc1, h1p, dinv, W2p, b1p)
    acc2 = _sc_papply32(h2p, src, dst)
    h3p = _tc_mid(jax.nn.relu, acc2, h2p, dinv, W3p, b2p)
    acc3 = _sc_papply16(h3p, src, dst)
    h4p = _tc_mid(jax.nn.gelu, acc3, h3p, dinv, W4p, b3p)
    acc4 = _sc_papply16(h4p, src, dst)
    out = _tc_final(acc4, h4p, dinv, b4p, batchp)
    return out.reshape(NG)

# --- scband reference (transcript-rebuilt; emitter-appended) ---
"""Pipeline reference for scband-graph-net-45140106281309 (READ-ONLY COPY).

The authoritative reference and input builder live on the scoring server;
editing this copy changes nothing except your own understanding.
"""

import jax, jax.numpy as jnp
import numpy as np

N_NODES = 10000
N_EDGES = 320000
N_GRAPHS = 16
D_IN = 128


def _glorot(key, shape):
    fan_in, fan_out = shape[0], shape[1]
    lim = jnp.sqrt(6.0 / (fan_in + fan_out))
    return jax.random.uniform(key, shape, minval=-lim, maxval=lim, dtype=jnp.float32)


def setup_inputs(seed: int = 0) -> dict:
    key = jax.random.key(seed)
    ks = jax.random.split(key, 12)
    x = jax.random.normal(ks[0], (N_NODES, D_IN), dtype=jnp.float32)
    edge_index = jax.random.randint(ks[1], (2, N_EDGES), 0, N_NODES, dtype=jnp.int64 if jax.config.jax_enable_x64 else jnp.int32).astype(jnp.int32)
    edge_attr = jax.random.uniform(ks[2], (N_EDGES,), dtype=jnp.float32)
    batch = jnp.sort(jax.random.randint(ks[3], (N_NODES,), 0, N_GRAPHS).astype(jnp.int32))
    W1 = _glorot(ks[4], (D_IN, 25)); b1 = jnp.zeros((25,), jnp.float32)
    W2 = _glorot(ks[5], (25, 18)); b2 = jnp.zeros((18,), jnp.float32)
    W3 = _glorot(ks[6], (18, 12)); b3 = jnp.zeros((12,), jnp.float32)
    W4 = _glorot(ks[7], (12, 1)); b4 = jnp.zeros((1,), jnp.float32)
    return {"x": x, "edge_index": edge_index, "edge_attr": edge_attr, "batch": batch,
            "W1": W1, "b1": b1, "W2": W2, "b2": b2, "W3": W3, "b3": b3, "W4": W4, "b4": b4}


def _gcn_conv(x, edge_index, W, b):
    n = x.shape[0]
    loop = jnp.arange(n, dtype=edge_index.dtype)
    src = jnp.concatenate([edge_index[0], loop])
    dst = jnp.concatenate([edge_index[1], loop])
    # symmetric normalization with self-loops (PyG GCNConv default)
    deg = jnp.zeros((n,), jnp.float32).at[dst].add(1.0)
    dinv = jnp.where(deg > 0, deg ** -0.5, 0.0)
    norm = dinv[src] * dinv[dst]
    h = x @ W
    msg = h[src] * norm[:, None]
    out = jnp.zeros((n, W.shape[1]), jnp.float32).at[dst].add(msg)
    return out + b


def reference(x, edge_index, edge_attr, batch, W1, b1, W2, b2, W3, b3, W4, b4):
    h = jax.nn.gelu(_gcn_conv(x, edge_index, W1, b1))
    h = jax.nn.relu(_gcn_conv(h, edge_index, W2, b2))
    h = jax.nn.gelu(_gcn_conv(h, edge_index, W3, b3))
    h = _gcn_conv(h, edge_index, W4, b4)
    h = jnp.squeeze(h, axis=-1)
    sums = jax.ops.segment_sum(h, batch, num_segments=N_GRAPHS)
    counts = jax.ops.segment_sum(jnp.ones_like(h), batch, num_segments=N_GRAPHS)
    return sums / jnp.maximum(counts, 1.0)

if __name__ == "__main__":
    import jax
    _d = setup_inputs()
    print(jax.jit(kernel)(*tuple(_d.values())))

</pallas_src>

<mosaic_0001>
#map = affine_map<(d0, d1) -> (0, 0)>
#map1 = affine_map<(d0, d1) -> (0, 0, 0)>
module attributes {stable_mosaic.version = 14 : i64} {
  func.func @sc_papply(%arg0: i32, %arg1: i32, %arg2: memref<10240x32xf32, #tpu.memory_space<hbm>>, %arg3: memref<2560x128xi32, #tpu.memory_space<hbm>>, %arg4: memref<2560x128xi32, #tpu.memory_space<hbm>>, %arg5: memref<2x10240x32xf32, #tpu.memory_space<hbm>>, %arg6: memref<10240x32xf32, #tpu.memory_space<vmem_shared>>, %arg7: memref<10240x32xf32, #tpu.memory_space<vmem_shared>>, %arg8: memref<4x128x32xf32, #tpu.memory_space<vmem>>, %arg9: memref<80x128xi32, #tpu.memory_space<vmem>>, %arg10: memref<80x128xi32, #tpu.memory_space<vmem>>, %arg11: memref<4x!tpu.dma_semaphore, #tpu.memory_space<semaphore_mem>>, %arg12: memref<4x!tpu.dma_semaphore, #tpu.memory_space<semaphore_mem>>) attributes {dimension_semantics = [#tpu.dimension_semantics<core_parallel>, #tpu.dimension_semantics<subcore_parallel>], iteration_bounds = array<i64: 2, 16>, scalar_prefetch = 0 : i64, scratch_operands = 7 : i64, tpu.core_type = #tpu.core_type<sc_vector_subcore>, window_params = [{transform_indices = #map}, {transform_indices = #map}, {transform_indices = #map}, {transform_indices = #map1}]} {
    %mul3A = arith.constant 16 : i32
    %mul3A_0 = arith.muli %arg0, %mul3A : i32
    %add3A = arith.addi %mul3A_0, %arg1 : i32
    %broadcast_in_dim3A = arith.constant 0.000000e+00 : f32
    %broadcast_in_dim3A_1 = vector.broadcast %broadcast_in_dim3A : f32 to vector<16xf32>
    %scan3A = arith.constant 0 : i32
    %scan3A_2 = arith.constant 0 : i32
    %scan3A_3 = arith.constant 128 : i32
    %scan3A_4 = arith.addi %scan3A_2, %scan3A_3 : i32
    %scan3A_5 = arith.constant 1 : i32
    scf.for %scan3A_269 = %scan3A_2 to %scan3A_4 step %scan3A_5  : i32 {
      %mul3A_270 = arith.constant 1 : i32
      %mul3A_271 = arith.muli %scan3A_269, %mul3A_270 : i32
      %add3A_272 = arith.constant 0 : i32
      %add3A_273 = arith.addi %add3A_272, %mul3A_271 : i32
      %scan3A_274 = arith.constant 0 : i32
      %scan3A_275 = arith.constant 2 : i32
      %scan3A_276 = arith.addi %scan3A_274, %scan3A_275 : i32
      %scan3A_277 = arith.constant 1 : i32
      scf.for %scan3A_279 = %scan3A_274 to %scan3A_276 step %scan3A_277  : i32 {
        %mul3A_280 = arith.constant 1 : i32
        %mul3A_281 = arith.muli %scan3A_279, %mul3A_280 : i32
        %add3A_282 = arith.constant 0 : i32
        %add3A_283 = arith.addi %add3A_282, %mul3A_281 : i32
        %mul3A_284 = arith.constant 16 : i32
        %mul3A_285 = arith.muli %add3A_283, %mul3A_284 : i32
        %swap3A = arith.constant 0 : i32
        %swap3A_286 = arith.constant 0 : i32
        %swap3A_287 = tpu.memref_slice %arg8[%scan3A, %swap3A, %swap3A_286] : memref<4x128x32xf32, #tpu.memory_space<vmem>> -> memref<1x128x32xf32, #tpu.memory_space<vmem>>
        %swap3A_288 = tpu.memref_squeeze %swap3A_287 : memref<1x128x32xf32, #tpu.memory_space<vmem>> -> memref<128x32xf32, #tpu.memory_space<vmem>>
        %swap3A_289 = arith.index_cast %add3A_273 : i32 to index
        %swap3A_290 = arith.index_cast %mul3A_285 : i32 to index
        %swap3A_291 = tpu.vector_load %swap3A_288[%swap3A_289, %swap3A_290] {strides = array<i32>} : memref<128x32xf32, #tpu.memory_space<vmem>>, vector<1x16xf32>,
        %swap3A_292 = vector.shape_cast %swap3A_291 : vector<1x16xf32> to vector<16xf32>
        %swap3A_293 = vector.shape_cast %broadcast_in_dim3A_1 : vector<16xf32> to vector<1x16xf32>
        tpu.vector_store %swap3A_288[%swap3A_289, %swap3A_290], %swap3A_293 {strides = array<i32>} : memref<128x32xf32, #tpu.memory_space<vmem>>, vector<1x16xf32>,
      }
      %scan3A_278 = arith.constant 2 : i32
    }
    %scan3A_6 = arith.constant 128 : i32
    %scan3A_7 = arith.constant 0 : i32
    %scan3A_8 = arith.constant 0 : i32
    %scan3A_9 = arith.constant 5 : i32
    %scan3A_10 = arith.addi %scan3A_8, %scan3A_9 : i32
    %scan3A_11 = arith.constant 1 : i32
    scf.for %scan3A_269 = %scan3A_8 to %scan3A_10 step %scan3A_11  : i32 {
      %mul3A_270 = arith.constant 1 : i32
      %mul3A_271 = arith.muli %scan3A_269, %mul3A_270 : i32
      %add3A_272 = arith.constant 0 : i32
      %add3A_273 = arith.addi %add3A_272, %mul3A_271 : i32
      %mul3A_274 = arith.constant 640 : i32
      %mul3A_275 = arith.muli %arg1, %mul3A_274 : i32
      %mul3A_276 = arith.constant 128 : i32
      %mul3A_277 = arith.muli %add3A_273, %mul3A_276 : i32
      %add3A_278 = arith.addi %mul3A_275, %mul3A_277 : i32
      "tpu.region"() ({
        %run_scoped3A = tpu.sem_alloc : memref<!tpu.dma_semaphore, #tpu.memory_space<semaphore_mem>>
        %dma_start3A_279 = arith.constant 0 : i32
        %dma_start3A_280 = arith.constant 0 : i32
        %dma_start3A_281 = tpu.memref_slice %arg8[%scan3A_7, %dma_start3A_279, %dma_start3A_280] : memref<4x128x32xf32, #tpu.memory_space<vmem>> -> memref<1x128x32xf32, #tpu.memory_space<vmem>>
        %dma_start3A_282 = tpu.memref_squeeze %dma_start3A_281 : memref<1x128x32xf32, #tpu.memory_space<vmem>> -> memref<128x32xf32, #tpu.memory_space<vmem>>
        %dma_start3A_283 = arith.constant 0 : i32
        %dma_start3A_284 = tpu.memref_slice %arg7[%add3A_278, %dma_start3A_283] : memref<10240x32xf32, #tpu.memory_space<vmem_shared>> -> memref<128x32xf32, #tpu.memory_space<vmem_shared>>
        %dma_start3A_285 = arith.constant 0 : i32
        %dma_start3A_286 = tpu.memref_slice %arg7[%add3A_278, %dma_start3A_285] : memref<10240x32xf32, #tpu.memory_space<vmem_shared>> -> memref<128x32xf32, #tpu.memory_space<vmem_shared>>
        %dma_start3A_287 = arith.constant 0 : i32
        %dma_start3A_288 = arith.constant 0 : i32
        %dma_start3A_289 = tpu.memref_slice %arg8[%scan3A_7, %dma_start3A_287, %dma_start3A_288] : memref<4x128x32xf32, #tpu.memory_space<vmem>> -> memref<1x128x32xf32, #tpu.memory_space<vmem>>
        %dma_start3A_290 = tpu.memref_squeeze %dma_start3A_289 : memref<1x128x32xf32, #tpu.memory_space<vmem>> -> memref<128x32xf32, #tpu.memory_space<vmem>>
        tpu.enqueue_dma source(%dma_start3A_290 : memref<128x32xf32, #tpu.memory_space<vmem>>) target(%dma_start3A_286 : memref<128x32xf32, #tpu.memory_space<vmem_shared>>) target_semaphore(%run_scoped3A : memref<!tpu.dma_semaphore, #tpu.memory_space<semaphore_mem>>)
        %dma_wait3A_291 = arith.constant 0 : i32
        %dma_wait3A_292 = arith.constant 0 : i32
        %dma_wait3A_293 = tpu.memref_slice %arg8[%scan3A_7, %dma_wait3A_291, %dma_wait3A_292] : memref<4x128x32xf32, #tpu.memory_space<vmem>> -> memref<1x128x32xf32, #tpu.memory_space<vmem>>
        %dma_wait3A_294 = tpu.memref_squeeze %dma_wait3A_293 : memref<1x128x32xf32, #tpu.memory_space<vmem>> -> memref<128x32xf32, #tpu.memory_space<vmem>>
        %dma_wait3A_295 = arith.constant 0 : i32
        %dma_wait3A_296 = tpu.memref_slice %arg7[%add3A_278, %dma_wait3A_295] : memref<10240x32xf32, #tpu.memory_space<vmem_shared>> -> memref<128x32xf32, #tpu.memory_space<vmem_shared>>
        %dma_wait3A_297 = arith.constant 0 : i32
        %dma_wait3A_298 = tpu.memref_slice %arg7[%add3A_278, %dma_wait3A_297] : memref<10240x32xf32, #tpu.memory_space<vmem_shared>> -> memref<128x32xf32, #tpu.memory_space<vmem_shared>>
        %dma_wait3A_299 = arith.constant 0 : i32
        %dma_wait3A_300 = arith.constant 0 : i32
        %dma_wait3A_301 = tpu.memref_slice %arg8[%scan3A_7, %dma_wait3A_299, %dma_wait3A_300] : memref<4x128x32xf32, #tpu.memory_space<vmem>> -> memref<1x128x32xf32, #tpu.memory_space<vmem>>
        %dma_wait3A_302 = tpu.memref_squeeze %dma_wait3A_301 : memref<1x128x32xf32, #tpu.memory_space<vmem>> -> memref<128x32xf32, #tpu.memory_space<vmem>>
        tpu.wait_dma2 semaphore(%run_scoped3A : memref<!tpu.dma_semaphore, #tpu.memory_space<semaphore_mem>>) src(%dma_wait3A_302 : memref<128x32xf32, #tpu.memory_space<vmem>>) dst(%dma_wait3A_298 : memref<128x32xf32, #tpu.memory_space<vmem_shared>>)
        tpu.yield
      }) : () -> ()
    }
    %scan3A_12 = arith.constant 5 : i32
    %mul3A_13 = arith.constant 640 : i32
    %mul3A_14 = arith.muli %arg1, %mul3A_13 : i32
    %mul3A_15 = arith.constant 640 : i32
    %mul3A_16 = arith.muli %arg1, %mul3A_15 : i32
    "tpu.region"() ({
      %run_scoped3A = tpu.sem_alloc : memref<!tpu.dma_semaphore, #tpu.memory_space<semaphore_mem>>
      %dma_start3A_269 = arith.constant 0 : i32
      %dma_start3A_270 = tpu.memref_slice %arg6[%mul3A_16, %dma_start3A_269] : memref<10240x32xf32, #tpu.memory_space<vmem_shared>> -> memref<640x32xf32, #tpu.memory_space<vmem_shared>>
      %dma_start3A_271 = arith.constant 0 : i32
      %dma_start3A_272 = tpu.memref_slice %arg2[%mul3A_14, %dma_start3A_271] : memref<10240x32xf32, #tpu.memory_space<hbm>> -> memref<640x32xf32, #tpu.memory_space<hbm>>
      tpu.enqueue_dma source(%dma_start3A_272 : memref<640x32xf32, #tpu.memory_space<hbm>>) target(%dma_start3A_270 : memref<640x32xf32, #tpu.memory_space<vmem_shared>>) target_semaphore(%run_scoped3A : memref<!tpu.dma_semaphore, #tpu.memory_space<semaphore_mem>>)
      %dma_wait3A_273 = arith.constant 0 : i32
      %dma_wait3A_274 = tpu.memref_slice %arg6[%mul3A_16, %dma_wait3A_273] : memref<10240x32xf32, #tpu.memory_space<vmem_shared>> -> memref<640x32xf32, #tpu.memory_space<vmem_shared>>
      %dma_wait3A_275 = arith.constant 0 : i32
      %dma_wait3A_276 = tpu.memref_slice %arg2[%mul3A_14, %dma_wait3A_275] : memref<10240x32xf32, #tpu.memory_space<hbm>> -> memref<640x32xf32, #tpu.memory_space<hbm>>
      tpu.wait_dma2 semaphore(%run_scoped3A : memref<!tpu.dma_semaphore, #tpu.memory_space<semaphore_mem>>) src(%dma_wait3A_276 : memref<640x32xf32, #tpu.memory_space<hbm>>) dst(%dma_wait3A_274 : memref<640x32xf32, #tpu.memory_space<vmem_shared>>)
      tpu.yield
    }) : () -> ()
    %mul3A_17 = arith.constant 80 : i32
    %mul3A_18 = arith.muli %add3A, %mul3A_17 : i32
    "tpu.region"() ({
      %run_scoped3A = tpu.sem_alloc : memref<!tpu.dma_semaphore, #tpu.memory_space<semaphore_mem>>
      %dma_start3A_269 = arith.constant 0 : i32
      %dma_start3A_270 = tpu.memref_slice %arg3[%mul3A_18, %dma_start3A_269] : memref<2560x128xi32, #tpu.memory_space<hbm>> -> memref<80x128xi32, #tpu.memory_space<hbm>>
      %dma_start3A_271 = arith.constant 0 : i32
      %dma_start3A_272 = tpu.memref_slice %arg3[%mul3A_18, %dma_start3A_271] : memref<2560x128xi32, #tpu.memory_space<hbm>> -> memref<80x128xi32, #tpu.memory_space<hbm>>
      tpu.enqueue_dma source(%dma_start3A_272 : memref<80x128xi32, #tpu.memory_space<hbm>>) target(%arg9 : memref<80x128xi32, #tpu.memory_space<vmem>>) target_semaphore(%run_scoped3A : memref<!tpu.dma_semaphore, #tpu.memory_space<semaphore_mem>>)
      %dma_wait3A_273 = arith.constant 0 : i32
      %dma_wait3A_274 = tpu.memref_slice %arg3[%mul3A_18, %dma_wait3A_273] : memref<2560x128xi32, #tpu.memory_space<hbm>> -> memref<80x128xi32, #tpu.memory_space<hbm>>
      %dma_wait3A_275 = arith.constant 0 : i32
      %dma_wait3A_276 = tpu.memref_slice %arg3[%mul3A_18, %dma_wait3A_275] : memref<2560x128xi32, #tpu.memory_space<hbm>> -> memref<80x128xi32, #tpu.memory_space<hbm>>
      tpu.wait_dma2 semaphore(%run_scoped3A : memref<!tpu.dma_semaphore, #tpu.memory_space<semaphore_mem>>) src(%dma_wait3A_276 : memref<80x128xi32, #tpu.memory_space<hbm>>) dst(%arg9 : memref<80x128xi32, #tpu.memory_space<vmem>>)
      tpu.yield
    }) : () -> ()
    %mul3A_19 = arith.constant 80 : i32
    %mul3A_20 = arith.muli %add3A, %mul3A_19 : i32
    "tpu.region"() ({
      %run_scoped3A = tpu.sem_alloc : memref<!tpu.dma_semaphore, #tpu.memory_space<semaphore_mem>>
      %dma_start3A_269 = arith.constant 0 : i32
      %dma_start3A_270 = tpu.memref_slice %arg4[%mul3A_20, %dma_start3A_269] : memref<2560x128xi32, #tpu.memory_space<hbm>> -> memref<80x128xi32, #tpu.memory_space<hbm>>
      %dma_start3A_271 = arith.constant 0 : i32
      %dma_start3A_272 = tpu.memref_slice %arg4[%mul3A_20, %dma_start3A_271] : memref<2560x128xi32, #tpu.memory_space<hbm>> -> memref<80x128xi32, #tpu.memory_space<hbm>>
      tpu.enqueue_dma source(%dma_start3A_272 : memref<80x128xi32, #tpu.memory_space<hbm>>) target(%arg10 : memref<80x128xi32, #tpu.memory_space<vmem>>) target_semaphore(%run_scoped3A : memref<!tpu.dma_semaphore, #tpu.memory_space<semaphore_mem>>)
      %dma_wait3A_273 = arith.constant 0 : i32
      %dma_wait3A_274 = tpu.memref_slice %arg4[%mul3A_20, %dma_wait3A_273] : memref<2560x128xi32, #tpu.memory_space<hbm>> -> memref<80x128xi32, #tpu.memory_space<hbm>>
      %dma_wait3A_275 = arith.constant 0 : i32
      %dma_wait3A_276 = tpu.memref_slice %arg4[%mul3A_20, %dma_wait3A_275] : memref<2560x128xi32, #tpu.memory_space<hbm>> -> memref<80x128xi32, #tpu.memory_space<hbm>>
      tpu.wait_dma2 semaphore(%run_scoped3A : memref<!tpu.dma_semaphore, #tpu.memory_space<semaphore_mem>>) src(%dma_wait3A_276 : memref<80x128xi32, #tpu.memory_space<hbm>>) dst(%arg10 : memref<80x128xi32, #tpu.memory_space<vmem>>)
      tpu.yield
    }) : () -> ()
    %barrier3A = arith.constant 0 : index
    tpu.barrier barrier_id(%barrier3A)
    %dma_start3A = arith.constant 0 : i32
    %dma_start3A_21 = arith.constant 0 : i32
    %dma_start3A_22 = arith.constant 0 : i32
    %dma_start3A_23 = arith.constant 0 : i32
    %dma_start3A_24 = arith.constant 0 : i32
    %dma_start3A_25 = tpu.memref_slice %arg8[%dma_start3A_21, %dma_start3A_23, %dma_start3A_24] : memref<4x128x32xf32, #tpu.memory_space<vmem>> -> memref<1x128x32xf32, #tpu.memory_space<vmem>>
    %dma_start3A_26 = tpu.memref_squeeze %dma_start3A_25 : memref<1x128x32xf32, #tpu.memory_space<vmem>> -> memref<128x32xf32, #tpu.memory_space<vmem>>
    %dma_start3A_27 = arith.constant 0 : i32
    %dma_start3A_28 = tpu.memref_slice %arg9[%dma_start3A, %dma_start3A_27] : memref<80x128xi32, #tpu.memory_space<vmem>> -> memref<1x128xi32, #tpu.memory_space<vmem>>
    %dma_start3A_29 = tpu.memref_squeeze %dma_start3A_28 : memref<1x128xi32, #tpu.memory_space<vmem>> -> memref<128xi32, #tpu.memory_space<vmem>>
    %dma_start3A_30 = arith.constant 0 : i32
    %dma_start3A_31 = arith.constant 0 : i32
    %dma_start3A_32 = tpu.memref_slice %arg6[%dma_start3A_30, %dma_start3A_31] : memref<10240x32xf32, #tpu.memory_space<vmem_shared>> -> memref<10240x32xf32, #tpu.memory_space<vmem_shared>>
    %dma_start3A_33 = tpu.memref_slice %arg11[%dma_start3A_22] : memref<4x!tpu.dma_semaphore, #tpu.memory_space<semaphore_mem>> -> memref<1x!tpu.dma_semaphore, #tpu.memory_space<semaphore_mem>>
    %dma_start3A_34 = tpu.memref_squeeze %dma_start3A_33 : memref<1x!tpu.dma_semaphore, #tpu.memory_space<semaphore_mem>> -> memref<!tpu.dma_semaphore, #tpu.memory_space<semaphore_mem>>
    tpu.enqueue_indirect_dma source(%dma_start3A_32 : memref<10240x32xf32, #tpu.memory_space<vmem_shared>>) target(%dma_start3A_26 : memref<128x32xf32, #tpu.memory_space<vmem>>) offsets(%dma_start3A_29 : memref<128xi32, #tpu.memory_space<vmem>>) semaphore(%dma_start3A_34 : memref<!tpu.dma_semaphore, #tpu.memory_space<semaphore_mem>>)
    %dma_start3A_35 = arith.constant 1 : i32
    %dma_start3A_36 = arith.constant 1 : i32
    %dma_start3A_37 = arith.constant 1 : i32
    %dma_start3A_38 = arith.constant 0 : i32
    %dma_start3A_39 = arith.constant 0 : i32
    %dma_start3A_40 = tpu.memref_slice %arg8[%dma_start3A_36, %dma_start3A_38, %dma_start3A_39] : memref<4x128x32xf32, #tpu.memory_space<vmem>> -> memref<1x128x32xf32, #tpu.memory_space<vmem>>
    %dma_start3A_41 = tpu.memref_squeeze %dma_start3A_40 : memref<1x128x32xf32, #tpu.memory_space<vmem>> -> memref<128x32xf32, #tpu.memory_space<vmem>>
    %dma_start3A_42 = arith.constant 0 : i32
    %dma_start3A_43 = tpu.memref_slice %arg9[%dma_start3A_35, %dma_start3A_42] : memref<80x128xi32, #tpu.memory_space<vmem>> -> memref<1x128xi32, #tpu.memory_space<vmem>>
    %dma_start3A_44 = tpu.memref_squeeze %dma_start3A_43 : memref<1x128xi32, #tpu.memory_space<vmem>> -> memref<128xi32, #tpu.memory_space<vmem>>
    %dma_start3A_45 = arith.constant 0 : i32
    %dma_start3A_46 = arith.constant 0 : i32
    %dma_start3A_47 = tpu.memref_slice %arg6[%dma_start3A_45, %dma_start3A_46] : memref<10240x32xf32, #tpu.memory_space<vmem_shared>> -> memref<10240x32xf32, #tpu.memory_space<vmem_shared>>
    %dma_start3A_48 = tpu.memref_slice %arg11[%dma_start3A_37] : memref<4x!tpu.dma_semaphore, #tpu.memory_space<semaphore_mem>> -> memref<1x!tpu.dma_semaphore, #tpu.memory_space<semaphore_mem>>
    %dma_start3A_49 = tpu.memref_squeeze %dma_start3A_48 : memref<1x!tpu.dma_semaphore, #tpu.memory_space<semaphore_mem>> -> memref<!tpu.dma_semaphore, #tpu.memory_space<semaphore_mem>>
    tpu.enqueue_indirect_dma source(%dma_start3A_47 : memref<10240x32xf32, #tpu.memory_space<vmem_shared>>) target(%dma_start3A_41 : memref<128x32xf32, #tpu.memory_space<vmem>>) offsets(%dma_start3A_44 : memref<128xi32, #tpu.memory_space<vmem>>) semaphore(%dma_start3A_49 : memref<!tpu.dma_semaphore, #tpu.memory_space<semaphore_mem>>)
    %dma_start3A_50 = arith.constant 2 : i32
    %dma_start3A_51 = arith.constant 2 : i32
    %dma_start3A_52 = arith.constant 2 : i32
    %dma_start3A_53 = arith.constant 0 : i32
    %dma_start3A_54 = arith.constant 0 : i32
    %dma_start3A_55 = tpu.memref_slice %arg8[%dma_start3A_51, %dma_start3A_53, %dma_start3A_54] : memref<4x128x32xf32, #tpu.memory_space<vmem>> -> memref<1x128x32xf32, #tpu.memory_space<vmem>>
    %dma_start3A_56 = tpu.memref_squeeze %dma_start3A_55 : memref<1x128x32xf32, #tpu.memory_space<vmem>> -> memref<128x32xf32, #tpu.memory_space<vmem>>
    %dma_start3A_57 = arith.constant 0 : i32
    %dma_start3A_58 = tpu.memref_slice %arg9[%dma_start3A_50, %dma_start3A_57] : memref<80x128xi32, #tpu.memory_space<vmem>> -> memref<1x128xi32, #tpu.memory_space<vmem>>
    %dma_start3A_59 = tpu.memref_squeeze %dma_start3A_58 : memref<1x128xi32, #tpu.memory_space<vmem>> -> memref<128xi32, #tpu.memory_space<vmem>>
    %dma_start3A_60 = arith.constant 0 : i32
    %dma_start3A_61 = arith.constant 0 : i32
    %dma_start3A_62 = tpu.memref_slice %arg6[%dma_start3A_60, %dma_start3A_61] : memref<10240x32xf32, #tpu.memory_space<vmem_shared>> -> memref<10240x32xf32, #tpu.memory_space<vmem_shared>>
    %dma_start3A_63 = tpu.memref_slice %arg11[%dma_start3A_52] : memref<4x!tpu.dma_semaphore, #tpu.memory_space<semaphore_mem>> -> memref<1x!tpu.dma_semaphore, #tpu.memory_space<semaphore_mem>>
    %dma_start3A_64 = tpu.memref_squeeze %dma_start3A_63 : memref<1x!tpu.dma_semaphore, #tpu.memory_space<semaphore_mem>> -> memref<!tpu.dma_semaphore, #tpu.memory_space<semaphore_mem>>
    tpu.enqueue_indirect_dma source(%dma_start3A_62 : memref<10240x32xf32, #tpu.memory_space<vmem_shared>>) target(%dma_start3A_56 : memref<128x32xf32, #tpu.memory_space<vmem>>) offsets(%dma_start3A_59 : memref<128xi32, #tpu.memory_space<vmem>>) semaphore(%dma_start3A_64 : memref<!tpu.dma_semaphore, #tpu.memory_space<semaphore_mem>>)
    %dma_start3A_65 = arith.constant 3 : i32
    %dma_start3A_66 = arith.constant 3 : i32
    %dma_start3A_67 = arith.constant 3 : i32
    %dma_start3A_68 = arith.constant 0 : i32
    %dma_start3A_69 = arith.constant 0 : i32
    %dma_start3A_70 = tpu.memref_slice %arg8[%dma_start3A_66, %dma_start3A_68, %dma_start3A_69] : memref<4x128x32xf32, #tpu.memory_space<vmem>> -> memref<1x128x32xf32, #tpu.memory_space<vmem>>
    %dma_start3A_71 = tpu.memref_squeeze %dma_start3A_70 : memref<1x128x32xf32, #tpu.memory_space<vmem>> -> memref<128x32xf32, #tpu.memory_space<vmem>>
    %dma_start3A_72 = arith.constant 0 : i32
    %dma_start3A_73 = tpu.memref_slice %arg9[%dma_start3A_65, %dma_start3A_72] : memref<80x128xi32, #tpu.memory_space<vmem>> -> memref<1x128xi32, #tpu.memory_space<vmem>>
    %dma_start3A_74 = tpu.memref_squeeze %dma_start3A_73 : memref<1x128xi32, #tpu.memory_space<vmem>> -> memref<128xi32, #tpu.memory_space<vmem>>
    %dma_start3A_75 = arith.constant 0 : i32
    %dma_start3A_76 = arith.constant 0 : i32
    %dma_start3A_77 = tpu.memref_slice %arg6[%dma_start3A_75, %dma_start3A_76] : memref<10240x32xf32, #tpu.memory_space<vmem_shared>> -> memref<10240x32xf32, #tpu.memory_space<vmem_shared>>
    %dma_start3A_78 = tpu.memref_slice %arg11[%dma_start3A_67] : memref<4x!tpu.dma_semaphore, #tpu.memory_space<semaphore_mem>> -> memref<1x!tpu.dma_semaphore, #tpu.memory_space<semaphore_mem>>
    %dma_start3A_79 = tpu.memref_squeeze %dma_start3A_78 : memref<1x!tpu.dma_semaphore, #tpu.memory_space<semaphore_mem>> -> memref<!tpu.dma_semaphore, #tpu.memory_space<semaphore_mem>>
    tpu.enqueue_indirect_dma source(%dma_start3A_77 : memref<10240x32xf32, #tpu.memory_space<vmem_shared>>) target(%dma_start3A_71 : memref<128x32xf32, #tpu.memory_space<vmem>>) offsets(%dma_start3A_74 : memref<128xi32, #tpu.memory_space<vmem>>) semaphore(%dma_start3A_79 : memref<!tpu.dma_semaphore, #tpu.memory_space<semaphore_mem>>)
    %scan3A_80 = arith.constant 0 : i32
    %scan3A_81 = arith.constant 19 : i32
    %scan3A_82 = arith.addi %scan3A_80, %scan3A_81 : i32
    %scan3A_83 = arith.constant 1 : i32
    scf.for %scan3A_269 = %scan3A_80 to %scan3A_82 step %scan3A_83  : i32 {
      %mul3A_270 = arith.constant 4 : i32
      %mul3A_271 = arith.muli %scan3A_269, %mul3A_270 : i32
      %add3A_272 = arith.constant 0 : i32
      %add3A_273 = arith.addi %add3A_272, %mul3A_271 : i32
      %dma_wait3A_274 = arith.constant 0 : i32
      %dma_wait3A_275 = arith.constant 0 : i32
      %dma_wait3A_276 = arith.constant 0 : i32
      %dma_wait3A_277 = arith.constant 0 : i32
      %dma_wait3A_278 = arith.constant 0 : i32
      %dma_wait3A_279 = tpu.memref_slice %arg8[%dma_wait3A_275, %dma_wait3A_277, %dma_wait3A_278] : memref<4x128x32xf32, #tpu.memory_space<vmem>> -> memref<1x128x32xf32, #tpu.memory_space<vmem>>
      %dma_wait3A_280 = tpu.memref_squeeze %dma_wait3A_279 : memref<1x128x32xf32, #tpu.memory_space<vmem>> -> memref<128x32xf32, #tpu.memory_space<vmem>>
      %dma_wait3A_281 = arith.constant 0 : i32
      %dma_wait3A_282 = tpu.memref_slice %arg9[%dma_wait3A_274, %dma_wait3A_281] : memref<80x128xi32, #tpu.memory_space<vmem>> -> memref<1x128xi32, #tpu.memory_space<vmem>>
      %dma_wait3A_283 = tpu.memref_squeeze %dma_wait3A_282 : memref<1x128xi32, #tpu.memory_space<vmem>> -> memref<128xi32, #tpu.memory_space<vmem>>
      %dma_wait3A_284 = arith.constant 0 : i32
      %dma_wait3A_285 = arith.constant 0 : i32
      %dma_wait3A_286 = tpu.memref_slice %arg6[%dma_wait3A_284, %dma_wait3A_285] : memref<10240x32xf32, #tpu.memory_space<vmem_shared>> -> memref<10240x32xf32, #tpu.memory_space<vmem_shared>>
      %dma_wait3A_287 = tpu.memref_slice %arg11[%dma_wait3A_276] : memref<4x!tpu.dma_semaphore, #tpu.memory_space<semaphore_mem>> -> memref<1x!tpu.dma_semaphore, #tpu.memory_space<semaphore_mem>>
      %dma_wait3A_288 = tpu.memref_squeeze %dma_wait3A_287 : memref<1x!tpu.dma_semaphore, #tpu.memory_space<semaphore_mem>> -> memref<!tpu.dma_semaphore, #tpu.memory_space<semaphore_mem>>
      tpu.wait_indirect_dma semaphore(%dma_wait3A_288 : memref<!tpu.dma_semaphore, #tpu.memory_space<semaphore_mem>>) src(%dma_wait3A_286 : memref<10240x32xf32, #tpu.memory_space<vmem_shared>>) dst(%dma_wait3A_280 : memref<128x32xf32, #tpu.memory_space<vmem>>)
      %add3A_289 = arith.constant 0 : i32
      %add3A_290 = arith.addi %add3A_273, %add3A_289 : i32
      %dma_start3A_291 = arith.constant 0 : i32
      %dma_start3A_292 = arith.constant 0 : i32
      %dma_start3A_293 = arith.constant 0 : i32
      %dma_start3A_294 = arith.constant 0 : i32
      %dma_start3A_295 = tpu.memref_slice %arg8[%dma_start3A_291, %dma_start3A_293, %dma_start3A_294] : memref<4x128x32xf32, #tpu.memory_space<vmem>> -> memref<1x128x32xf32, #tpu.memory_space<vmem>>
      %dma_start3A_296 = tpu.memref_squeeze %dma_start3A_295 : memref<1x128x32xf32, #tpu.memory_space<vmem>> -> memref<128x32xf32, #tpu.memory_space<vmem>>
      %dma_start3A_297 = arith.constant 0 : i32
      %dma_start3A_298 = tpu.memref_slice %arg10[%add3A_290, %dma_start3A_297] : memref<80x128xi32, #tpu.memory_space<vmem>> -> memref<1x128xi32, #tpu.memory_space<vmem>>
      %dma_start3A_299 = tpu.memref_squeeze %dma_start3A_298 : memref<1x128xi32, #tpu.memory_space<vmem>> -> memref<128xi32, #tpu.memory_space<vmem>>
      %dma_start3A_300 = arith.constant 0 : i32
      %dma_start3A_301 = arith.constant 0 : i32
      %dma_start3A_302 = tpu.memref_slice %arg7[%dma_start3A_300, %dma_start3A_301] : memref<10240x32xf32, #tpu.memory_space<vmem_shared>> -> memref<10240x32xf32, #tpu.memory_space<vmem_shared>>
      %dma_start3A_303 = tpu.memref_slice %arg12[%dma_start3A_292] : memref<4x!tpu.dma_semaphore, #tpu.memory_space<semaphore_mem>> -> memref<1x!tpu.dma_semaphore, #tpu.memory_space<semaphore_mem>>
      %dma_start3A_304 = tpu.memref_squeeze %dma_start3A_303 : memref<1x!tpu.dma_semaphore, #tpu.memory_space<semaphore_mem>> -> memref<!tpu.dma_semaphore, #tpu.memory_space<semaphore_mem>>
      tpu.enqueue_indirect_dma source(%dma_start3A_296 : memref<128x32xf32, #tpu.memory_space<vmem>>) target(%dma_start3A_302 : memref<10240x32xf32, #tpu.memory_space<vmem_shared>>) offsets(%dma_start3A_299 : memref<128xi32, #tpu.memory_space<vmem>>) semaphore(%dma_start3A_304 : memref<!tpu.dma_semaphore, #tpu.memory_space<semaphore_mem>>) {add = true}
      %dma_wait3A_305 = arith.constant 0 : i32
      %dma_wait3A_306 = arith.constant 1 : i32
      %dma_wait3A_307 = arith.constant 1 : i32
      %dma_wait3A_308 = arith.constant 0 : i32
      %dma_wait3A_309 = arith.constant 0 : i32
      %dma_wait3A_310 = tpu.memref_slice %arg8[%dma_wait3A_306, %dma_wait3A_308, %dma_wait3A_309] : memref<4x128x32xf32, #tpu.memory_space<vmem>> -> memref<1x128x32xf32, #tpu.memory_space<vmem>>
      %dma_wait3A_311 = tpu.memref_squeeze %dma_wait3A_310 : memref<1x128x32xf32, #tpu.memory_space<vmem>> -> memref<128x32xf32, #tpu.memory_space<vmem>>
      %dma_wait3A_312 = arith.constant 0 : i32
      %dma_wait3A_313 = tpu.memref_slice %arg9[%dma_wait3A_305, %dma_wait3A_312] : memref<80x128xi32, #tpu.memory_space<vmem>> -> memref<1x128xi32, #tpu.memory_space<vmem>>
      %dma_wait3A_314 = tpu.memref_squeeze %dma_wait3A_313 : memref<1x128xi32, #tpu.memory_space<vmem>> -> memref<128xi32, #tpu.memory_space<vmem>>
      %dma_wait3A_315 = arith.constant 0 : i32
      %dma_wait3A_316 = arith.constant 0 : i32
      %dma_wait3A_317 = tpu.memref_slice %arg6[%dma_wait3A_315, %dma_wait3A_316] : memref<10240x32xf32, #tpu.memory_space<vmem_shared>> -> memref<10240x32xf32, #tpu.memory_space<vmem_shared>>
      %dma_wait3A_318 = tpu.memref_slice %arg11[%dma_wait3A_307] : memref<4x!tpu.dma_semaphore, #tpu.memory_space<semaphore_mem>> -> memref<1x!tpu.dma_semaphore, #tpu.memory_space<semaphore_mem>>
      %dma_wait3A_319 = tpu.memref_squeeze %dma_wait3A_318 : memref<1x!tpu.dma_semaphore, #tpu.memory_space<semaphore_mem>> -> memref<!tpu.dma_semaphore, #tpu.memory_space<semaphore_mem>>
      tpu.wait_indirect_dma semaphore(%dma_wait3A_319 : memref<!tpu.dma_semaphore, #tpu.memory_space<semaphore_mem>>) src(%dma_wait3A_317 : memref<10240x32xf32, #tpu.memory_space<vmem_shared>>) dst(%dma_wait3A_311 : memref<128x32xf32, #tpu.memory_space<vmem>>)
      %add3A_320 = arith.constant 1 : i32
      %add3A_321 = arith.addi %add3A_273, %add3A_320 : i32
      %dma_start3A_322 = arith.constant 1 : i32
      %dma_start3A_323 = arith.constant 1 : i32
      %dma_start3A_324 = arith.constant 0 : i32
      %dma_start3A_325 = arith.constant 0 : i32
      %dma_start3A_326 = tpu.memref_slice %arg8[%dma_start3A_322, %dma_start3A_324, %dma_start3A_325] : memref<4x128x32xf32, #tpu.memory_space<vmem>> -> memref<1x128x32xf32, #tpu.memory_space<vmem>>
      %dma_start3A_327 = tpu.memref_squeeze %dma_start3A_326 : memref<1x128x32xf32, #tpu.memory_space<vmem>> -> memref<128x32xf32, #tpu.memory_space<vmem>>
      %dma_start3A_328 = arith.constant 0 : i32
      %dma_start3A_329 = tpu.memref_slice %arg10[%add3A_321, %dma_start3A_328] : memref<80x128xi32, #tpu.memory_space<vmem>> -> memref<1x128xi32, #tpu.memory_space<vmem>>
      %dma_start3A_330 = tpu.memref_squeeze %dma_start3A_329 : memref<1x128xi32, #tpu.memory_space<vmem>> -> memref<128xi32, #tpu.memory_space<vmem>>
      %dma_start3A_331 = arith.constant 0 : i32
      %dma_start3A_332 = arith.constant 0 : i32
      %dma_start3A_333 = tpu.memref_slice %arg7[%dma_start3A_331, %dma_start3A_332] : memref<10240x32xf32, #tpu.memory_space<vmem_shared>> -> memref<10240x32xf32, #tpu.memory_space<vmem_shared>>
      %dma_start3A_334 = tpu.memref_slice %arg12[%dma_start3A_323] : memref<4x!tpu.dma_semaphore, #tpu.memory_space<semaphore_mem>> -> memref<1x!tpu.dma_semaphore, #tpu.memory_space<semaphore_mem>>
      %dma_start3A_335 = tpu.memref_squeeze %dma_start3A_334 : memref<1x!tpu.dma_semaphore, #tpu.memory_space<semaphore_mem>> -> memref<!tpu.dma_semaphore, #tpu.memory_space<semaphore_mem>>
      tpu.enqueue_indirect_dma source(%dma_start3A_327 : memref<128x32xf32, #tpu.memory_space<vmem>>) target(%dma_start3A_333 : memref<10240x32xf32, #tpu.memory_space<vmem_shared>>) offsets(%dma_start3A_330 : memref<128xi32, #tpu.memory_space<vmem>>) semaphore(%dma_start3A_335 : memref<!tpu.dma_semaphore, #tpu.memory_space<semaphore_mem>>) {add = true}
      %dma_wait3A_336 = arith.constant 0 : i32
      %dma_wait3A_337 = arith.constant 2 : i32
      %dma_wait3A_338 = arith.constant 2 : i32
      %dma_wait3A_339 = arith.constant 0 : i32
      %dma_wait3A_340 = arith.constant 0 : i32
      %dma_wait3A_341 = tpu.memref_slice %arg8[%dma_wait3A_337, %dma_wait3A_339, %dma_wait3A_340] : memref<4x128x32xf32, #tpu.memory_space<vmem>> -> memref<1x128x32xf32, #tpu.memory_space<vmem>>
      %dma_wait3A_342 = tpu.memref_squeeze %dma_wait3A_341 : memref<1x128x32xf32, #tpu.memory_space<vmem>> -> memref<128x32xf32, #tpu.memory_space<vmem>>
      %dma_wait3A_343 = arith.constant 0 : i32
      %dma_wait3A_344 = tpu.memref_slice %arg9[%dma_wait3A_336, %dma_wait3A_343] : memref<80x128xi32, #tpu.memory_space<vmem>> -> memref<1x128xi32, #tpu.memory_space<vmem>>
      %dma_wait3A_345 = tpu.memref_squeeze %dma_wait3A_344 : memref<1x128xi32, #tpu.memory_space<vmem>> -> memref<128xi32, #tpu.memory_space<vmem>>
      %dma_wait3A_346 = arith.constant 0 : i32
      %dma_wait3A_347 = arith.constant 0 : i32
      %dma_wait3A_348 = tpu.memref_slice %arg6[%dma_wait3A_346, %dma_wait3A_347] : memref<10240x32xf32, #tpu.memory_space<vmem_shared>> -> memref<10240x32xf32, #tpu.memory_space<vmem_shared>>
      %dma_wait3A_349 = tpu.memref_slice %arg11[%dma_wait3A_338] : memref<4x!tpu.dma_semaphore, #tpu.memory_space<semaphore_mem>> -> memref<1x!tpu.dma_semaphore, #tpu.memory_space<semaphore_mem>>
      %dma_wait3A_350 = tpu.memref_squeeze %dma_wait3A_349 : memref<1x!tpu.dma_semaphore, #tpu.memory_space<semaphore_mem>> -> memref<!tpu.dma_semaphore, #tpu.memory_space<semaphore_mem>>
      tpu.wait_indirect_dma semaphore(%dma_wait3A_350 : memref<!tpu.dma_semaphore, #tpu.memory_space<semaphore_mem>>) src(%dma_wait3A_348 : memref<10240x32xf32, #tpu.memory_space<vmem_shared>>) dst(%dma_wait3A_342 : memref<128x32xf32, #tpu.memory_space<vmem>>)
      %add3A_351 = arith.constant 2 : i32
      %add3A_352 = arith.addi %add3A_273, %add3A_351 : i32
      %dma_start3A_353 = arith.constant 2 : i32
      %dma_start3A_354 = arith.constant 2 : i32
      %dma_start3A_355 = arith.constant 0 : i32
      %dma_start3A_356 = arith.constant 0 : i32
      %dma_start3A_357 = tpu.memref_slice %arg8[%dma_start3A_353, %dma_start3A_355, %dma_start3A_356] : memref<4x128x32xf32, #tpu.memory_space<vmem>> -> memref<1x128x32xf32, #tpu.memory_space<vmem>>
      %dma_start3A_358 = tpu.memref_squeeze %dma_start3A_357 : memref<1x128x32xf32, #tpu.memory_space<vmem>> -> memref<128x32xf32, #tpu.memory_space<vmem>>
      %dma_start3A_359 = arith.constant 0 : i32
      %dma_start3A_360 = tpu.memref_slice %arg10[%add3A_352, %dma_start3A_359] : memref<80x128xi32, #tpu.memory_space<vmem>> -> memref<1x128xi32, #tpu.memory_space<vmem>>
      %dma_start3A_361 = tpu.memref_squeeze %dma_start3A_360 : memref<1x128xi32, #tpu.memory_space<vmem>> -> memref<128xi32, #tpu.memory_space<vmem>>
      %dma_start3A_362 = arith.constant 0 : i32
      %dma_start3A_363 = arith.constant 0 : i32
      %dma_start3A_364 = tpu.memref_slice %arg7[%dma_start3A_362, %dma_start3A_363] : memref<10240x32xf32, #tpu.memory_space<vmem_shared>> -> memref<10240x32xf32, #tpu.memory_space<vmem_shared>>
      %dma_start3A_365 = tpu.memref_slice %arg12[%dma_start3A_354] : memref<4x!tpu.dma_semaphore, #tpu.memory_space<semaphore_mem>> -> memref<1x!tpu.dma_semaphore, #tpu.memory_space<semaphore_mem>>
      %dma_start3A_366 = tpu.memref_squeeze %dma_start3A_365 : memref<1x!tpu.dma_semaphore, #tpu.memory_space<semaphore_mem>> -> memref<!tpu.dma_semaphore, #tpu.memory_space<semaphore_mem>>
      tpu.enqueue_indirect_dma source(%dma_start3A_358 : memref<128x32xf32, #tpu.memory_space<vmem>>) target(%dma_start3A_364 : memref<10240x32xf32, #tpu.memory_space<vmem_shared>>) offsets(%dma_start3A_361 : memref<128xi32, #tpu.memory_space<vmem>>) semaphore(%dma_start3A_366 : memref<!tpu.dma_semaphore, #tpu.memory_space<semaphore_mem>>) {add = true}
      %dma_wait3A_367 = arith.constant 0 : i32
      %dma_wait3A_368 = arith.constant 3 : i32
      %dma_wait3A_369 = arith.constant 3 : i32
      %dma_wait3A_370 = arith.constant 0 : i32
      %dma_wait3A_371 = arith.constant 0 : i32
      %dma_wait3A_372 = tpu.memref_slice %arg8[%dma_wait3A_368, %dma_wait3A_370, %dma_wait3A_371] : memref<4x128x32xf32, #tpu.memory_space<vmem>> -> memref<1x128x32xf32, #tpu.memory_space<vmem>>
      %dma_wait3A_373 = tpu.memref_squeeze %dma_wait3A_372 : memref<1x128x32xf32, #tpu.memory_space<vmem>> -> memref<128x32xf32, #tpu.memory_space<vmem>>
      %dma_wait3A_374 = arith.constant 0 : i32
      %dma_wait3A_375 = tpu.memref_slice %arg9[%dma_wait3A_367, %dma_wait3A_374] : memref<80x128xi32, #tpu.memory_space<vmem>> -> memref<1x128xi32, #tpu.memory_space<vmem>>
      %dma_wait3A_376 = tpu.memref_squeeze %dma_wait3A_375 : memref<1x128xi32, #tpu.memory_space<vmem>> -> memref<128xi32, #tpu.memory_space<vmem>>
      %dma_wait3A_377 = arith.constant 0 : i32
      %dma_wait3A_378 = arith.constant 0 : i32
      %dma_wait3A_379 = tpu.memref_slice %arg6[%dma_wait3A_377, %dma_wait3A_378] : memref<10240x32xf32, #tpu.memory_space<vmem_shared>> -> memref<10240x32xf32, #tpu.memory_space<vmem_shared>>
      %dma_wait3A_380 = tpu.memref_slice %arg11[%dma_wait3A_369] : memref<4x!tpu.dma_semaphore, #tpu.memory_space<semaphore_mem>> -> memref<1x!tpu.dma_semaphore, #tpu.memory_space<semaphore_mem>>
      %dma_wait3A_381 = tpu.memref_squeeze %dma_wait3A_380 : memref<1x!tpu.dma_semaphore, #tpu.memory_space<semaphore_mem>> -> memref<!tpu.dma_semaphore, #tpu.memory_space<semaphore_mem>>
      tpu.wait_indirect_dma semaphore(%dma_wait3A_381 : memref<!tpu.dma_semaphore, #tpu.memory_space<semaphore_mem>>) src(%dma_wait3A_379 : memref<10240x32xf32, #tpu.memory_space<vmem_shared>>) dst(%dma_wait3A_373 : memref<128x32xf32, #tpu.memory_space<vmem>>)
      %add3A_382 = arith.constant 3 : i32
      %add3A_383 = arith.addi %add3A_273, %add3A_382 : i32
      %dma_start3A_384 = arith.constant 3 : i32
      %dma_start3A_385 = arith.constant 3 : i32
      %dma_start3A_386 = arith.constant 0 : i32
      %dma_start3A_387 = arith.constant 0 : i32
      %dma_start3A_388 = tpu.memref_slice %arg8[%dma_start3A_384, %dma_start3A_386, %dma_start3A_387] : memref<4x128x32xf32, #tpu.memory_space<vmem>> -> memref<1x128x32xf32, #tpu.memory_space<vmem>>
      %dma_start3A_389 = tpu.memref_squeeze %dma_start3A_388 : memref<1x128x32xf32, #tpu.memory_space<vmem>> -> memref<128x32xf32, #tpu.memory_space<vmem>>
      %dma_start3A_390 = arith.constant 0 : i32
      %dma_start3A_391 = tpu.memref_slice %arg10[%add3A_383, %dma_start3A_390] : memref<80x128xi32, #tpu.memory_space<vmem>> -> memref<1x128xi32, #tpu.memory_space<vmem>>
      %dma_start3A_392 = tpu.memref_squeeze %dma_start3A_391 : memref<1x128xi32, #tpu.memory_space<vmem>> -> memref<128xi32, #tpu.memory_space<vmem>>
      %dma_start3A_393 = arith.constant 0 : i32
      %dma_start3A_394 = arith.constant 0 : i32
      %dma_start3A_395 = tpu.memref_slice %arg7[%dma_start3A_393, %dma_start3A_394] : memref<10240x32xf32, #tpu.memory_space<vmem_shared>> -> memref<10240x32xf32, #tpu.memory_space<vmem_shared>>
      %dma_start3A_396 = tpu.memref_slice %arg12[%dma_start3A_385] : memref<4x!tpu.dma_semaphore, #tpu.memory_space<semaphore_mem>> -> memref<1x!tpu.dma_semaphore, #tpu.memory_space<semaphore_mem>>
      %dma_start3A_397 = tpu.memref_squeeze %dma_start3A_396 : memref<1x!tpu.dma_semaphore, #tpu.memory_space<semaphore_mem>> -> memref<!tpu.dma_semaphore, #tpu.memory_space<semaphore_mem>>
      tpu.enqueue_indirect_dma source(%dma_start3A_389 : memref<128x32xf32, #tpu.memory_space<vmem>>) target(%dma_start3A_395 : memref<10240x32xf32, #tpu.memory_space<vmem_shared>>) offsets(%dma_start3A_392 : memref<128xi32, #tpu.memory_space<vmem>>) semaphore(%dma_start3A_397 : memref<!tpu.dma_semaphore, #tpu.memory_space<semaphore_mem>>) {add = true}
      %dma_wait3A_398 = arith.constant 0 : i32
      %dma_wait3A_399 = arith.constant 0 : i32
      %dma_wait3A_400 = arith.constant 0 : i32
      %dma_wait3A_401 = arith.constant 0 : i32
      %dma_wait3A_402 = arith.constant 0 : i32
      %dma_wait3A_403 = tpu.memref_slice %arg8[%dma_wait3A_398, %dma_wait3A_401, %dma_wait3A_402] : memref<4x128x32xf32, #tpu.memory_space<vmem>> -> memref<1x128x32xf32, #tpu.memory_space<vmem>>
      %dma_wait3A_404 = tpu.memref_squeeze %dma_wait3A_403 : memref<1x128x32xf32, #tpu.memory_space<vmem>> -> memref<128x32xf32, #tpu.memory_space<vmem>>
      %dma_wait3A_405 = arith.constant 0 : i32
      %dma_wait3A_406 = tpu.memref_slice %arg10[%dma_wait3A_399, %dma_wait3A_405] : memref<80x128xi32, #tpu.memory_space<vmem>> -> memref<1x128xi32, #tpu.memory_space<vmem>>
      %dma_wait3A_407 = tpu.memref_squeeze %dma_wait3A_406 : memref<1x128xi32, #tpu.memory_space<vmem>> -> memref<128xi32, #tpu.memory_space<vmem>>
      %dma_wait3A_408 = arith.constant 0 : i32
      %dma_wait3A_409 = arith.constant 0 : i32
      %dma_wait3A_410 = tpu.memref_slice %arg7[%dma_wait3A_408, %dma_wait3A_409] : memref<10240x32xf32, #tpu.memory_space<vmem_shared>> -> memref<10240x32xf32, #tpu.memory_space<vmem_shared>>
      %dma_wait3A_411 = tpu.memref_slice %arg12[%dma_wait3A_400] : memref<4x!tpu.dma_semaphore, #tpu.memory_space<semaphore_mem>> -> memref<1x!tpu.dma_semaphore, #tpu.memory_space<semaphore_mem>>
      %dma_wait3A_412 = tpu.memref_squeeze %dma_wait3A_411 : memref<1x!tpu.dma_semaphore, #tpu.memory_space<semaphore_mem>> -> memref<!tpu.dma_semaphore, #tpu.memory_space<semaphore_mem>>
      tpu.wait_indirect_dma semaphore(%dma_wait3A_412 : memref<!tpu.dma_semaphore, #tpu.memory_space<semaphore_mem>>) src(%dma_wait3A_404 : memref<128x32xf32, #tpu.memory_space<vmem>>) dst(%dma_wait3A_410 : memref<10240x32xf32, #tpu.memory_space<vmem_shared>>)
      %add3A_413 = arith.constant 4 : i32
      %add3A_414 = arith.addi %add3A_273, %add3A_413 : i32
      %add3A_415 = arith.constant 0 : i32
      %add3A_416 = arith.addi %add3A_414, %add3A_415 : i32
      %dma_start3A_417 = arith.constant 0 : i32
      %dma_start3A_418 = arith.constant 0 : i32
      %dma_start3A_419 = arith.constant 0 : i32
      %dma_start3A_420 = arith.constant 0 : i32
      %dma_start3A_421 = tpu.memref_slice %arg8[%dma_start3A_417, %dma_start3A_419, %dma_start3A_420] : memref<4x128x32xf32, #tpu.memory_space<vmem>> -> memref<1x128x32xf32, #tpu.memory_space<vmem>>
      %dma_start3A_422 = tpu.memref_squeeze %dma_start3A_421 : memref<1x128x32xf32, #tpu.memory_space<vmem>> -> memref<128x32xf32, #tpu.memory_space<vmem>>
      %dma_start3A_423 = arith.constant 0 : i32
      %dma_start3A_424 = tpu.memref_slice %arg9[%add3A_416, %dma_start3A_423] : memref<80x128xi32, #tpu.memory_space<vmem>> -> memref<1x128xi32, #tpu.memory_space<vmem>>
      %dma_start3A_425 = tpu.memref_squeeze %dma_start3A_424 : memref<1x128xi32, #tpu.memory_space<vmem>> -> memref<128xi32, #tpu.memory_space<vmem>>
      %dma_start3A_426 = arith.constant 0 : i32
      %dma_start3A_427 = arith.constant 0 : i32
      %dma_start3A_428 = tpu.memref_slice %arg6[%dma_start3A_426, %dma_start3A_427] : memref<10240x32xf32, #tpu.memory_space<vmem_shared>> -> memref<10240x32xf32, #tpu.memory_space<vmem_shared>>
      %dma_start3A_429 = tpu.memref_slice %arg11[%dma_start3A_418] : memref<4x!tpu.dma_semaphore, #tpu.memory_space<semaphore_mem>> -> memref<1x!tpu.dma_semaphore, #tpu.memory_space<semaphore_mem>>
      %dma_start3A_430 = tpu.memref_squeeze %dma_start3A_429 : memref<1x!tpu.dma_semaphore, #tpu.memory_space<semaphore_mem>> -> memref<!tpu.dma_semaphore, #tpu.memory_space<semaphore_mem>>
      tpu.enqueue_indirect_dma source(%dma_start3A_428 : memref<10240x32xf32, #tpu.memory_space<vmem_shared>>) target(%dma_start3A_422 : memref<128x32xf32, #tpu.memory_space<vmem>>) offsets(%dma_start3A_425 : memref<128xi32, #tpu.memory_space<vmem>>) semaphore(%dma_start3A_430 : memref<!tpu.dma_semaphore, #tpu.memory_space<semaphore_mem>>)
      %dma_wait3A_431 = arith.constant 1 : i32
      %dma_wait3A_432 = arith.constant 0 : i32
      %dma_wait3A_433 = arith.constant 1 : i32
      %dma_wait3A_434 = arith.constant 0 : i32
      %dma_wait3A_435 = arith.constant 0 : i32
      %dma_wait3A_436 = tpu.memref_slice %arg8[%dma_wait3A_431, %dma_wait3A_434, %dma_wait3A_435] : memref<4x128x32xf32, #tpu.memory_space<vmem>> -> memref<1x128x32xf32, #tpu.memory_space<vmem>>
      %dma_wait3A_437 = tpu.memref_squeeze %dma_wait3A_436 : memref<1x128x32xf32, #tpu.memory_space<vmem>> -> memref<128x32xf32, #tpu.memory_space<vmem>>
      %dma_wait3A_438 = arith.constant 0 : i32
      %dma_wait3A_439 = tpu.memref_slice %arg10[%dma_wait3A_432, %dma_wait3A_438] : memref<80x128xi32, #tpu.memory_space<vmem>> -> memref<1x128xi32, #tpu.memory_space<vmem>>
      %dma_wait3A_440 = tpu.memref_squeeze %dma_wait3A_439 : memref<1x128xi32, #tpu.memory_space<vmem>> -> memref<128xi32, #tpu.memory_space<vmem>>
      %dma_wait3A_441 = arith.constant 0 : i32
      %dma_wait3A_442 = arith.constant 0 : i32
      %dma_wait3A_443 = tpu.memref_slice %arg7[%dma_wait3A_441, %dma_wait3A_442] : memref<10240x32xf32, #tpu.memory_space<vmem_shared>> -> memref<10240x32xf32, #tpu.memory_space<vmem_shared>>
      %dma_wait3A_444 = tpu.memref_slice %arg12[%dma_wait3A_433] : memref<4x!tpu.dma_semaphore, #tpu.memory_space<semaphore_mem>> -> memref<1x!tpu.dma_semaphore, #tpu.memory_space<semaphore_mem>>
      %dma_wait3A_445 = tpu.memref_squeeze %dma_wait3A_444 : memref<1x!tpu.dma_semaphore, #tpu.memory_space<semaphore_mem>> -> memref<!tpu.dma_semaphore, #tpu.memory_space<semaphore_mem>>
      tpu.wait_indirect_dma semaphore(%dma_wait3A_445 : memref<!tpu.dma_semaphore, #tpu.memory_space<semaphore_mem>>) src(%dma_wait3A_437 : memref<128x32xf32, #tpu.memory_space<vmem>>) dst(%dma_wait3A_443 : memref<10240x32xf32, #tpu.memory_space<vmem_shared>>)
      %add3A_446 = arith.constant 4 : i32
      %add3A_447 = arith.addi %add3A_273, %add3A_446 : i32
      %add3A_448 = arith.constant 1 : i32
      %add3A_449 = arith.addi %add3A_447, %add3A_448 : i32
      %dma_start3A_450 = arith.constant 1 : i32
      %dma_start3A_451 = arith.constant 1 : i32
      %dma_start3A_452 = arith.constant 0 : i32
      %dma_start3A_453 = arith.constant 0 : i32
      %dma_start3A_454 = tpu.memref_slice %arg8[%dma_start3A_450, %dma_start3A_452, %dma_start3A_453] : memref<4x128x32xf32, #tpu.memory_space<vmem>> -> memref<1x128x32xf32, #tpu.memory_space<vmem>>
      %dma_start3A_455 = tpu.memref_squeeze %dma_start3A_454 : memref<1x128x32xf32, #tpu.memory_space<vmem>> -> memref<128x32xf32, #tpu.memory_space<vmem>>
      %dma_start3A_456 = arith.constant 0 : i32
      %dma_start3A_457 = tpu.memref_slice %arg9[%add3A_449, %dma_start3A_456] : memref<80x128xi32, #tpu.memory_space<vmem>> -> memref<1x128xi32, #tpu.memory_space<vmem>>
      %dma_start3A_458 = tpu.memref_squeeze %dma_start3A_457 : memref<1x128xi32, #tpu.memory_space<vmem>> -> memref<128xi32, #tpu.memory_space<vmem>>
      %dma_start3A_459 = arith.constant 0 : i32
      %dma_start3A_460 = arith.constant 0 : i32
      %dma_start3A_461 = tpu.memref_slice %arg6[%dma_start3A_459, %dma_start3A_460] : memref<10240x32xf32, #tpu.memory_space<vmem_shared>> -> memref<10240x32xf32, #tpu.memory_space<vmem_shared>>
      %dma_start3A_462 = tpu.memref_slice %arg11[%dma_start3A_451] : memref<4x!tpu.dma_semaphore, #tpu.memory_space<semaphore_mem>> -> memref<1x!tpu.dma_semaphore, #tpu.memory_space<semaphore_mem>>
      %dma_start3A_463 = tpu.memref_squeeze %dma_start3A_462 : memref<1x!tpu.dma_semaphore, #tpu.memory_space<semaphore_mem>> -> memref<!tpu.dma_semaphore, #tpu.memory_space<semaphore_mem>>
      tpu.enqueue_indirect_dma source(%dma_start3A_461 : memref<10240x32xf32, #tpu.memory_space<vmem_shared>>) target(%dma_start3A_455 : memref<128x32xf32, #tpu.memory_space<vmem>>) offsets(%dma_start3A_458 : memref<128xi32, #tpu.memory_space<vmem>>) semaphore(%dma_start3A_463 : memref<!tpu.dma_semaphore, #tpu.memory_space<semaphore_mem>>)
      %dma_wait3A_464 = arith.constant 2 : i32
      %dma_wait3A_465 = arith.constant 0 : i32
      %dma_wait3A_466 = arith.constant 2 : i32
      %dma_wait3A_467 = arith.constant 0 : i32
      %dma_wait3A_468 = arith.constant 0 : i32
      %dma_wait3A_469 = tpu.memref_slice %arg8[%dma_wait3A_464, %dma_wait3A_467, %dma_wait3A_468] : memref<4x128x32xf32, #tpu.memory_space<vmem>> -> memref<1x128x32xf32, #tpu.memory_space<vmem>>
      %dma_wait3A_470 = tpu.memref_squeeze %dma_wait3A_469 : memref<1x128x32xf32, #tpu.memory_space<vmem>> -> memref<128x32xf32, #tpu.memory_space<vmem>>
      %dma_wait3A_471 = arith.constant 0 : i32
      %dma_wait3A_472 = tpu.memref_slice %arg10[%dma_wait3A_465, %dma_wait3A_471] : memref<80x128xi32, #tpu.memory_space<vmem>> -> memref<1x128xi32, #tpu.memory_space<vmem>>
      %dma_wait3A_473 = tpu.memref_squeeze %dma_wait3A_472 : memref<1x128xi32, #tpu.memory_space<vmem>> -> memref<128xi32, #tpu.memory_space<vmem>>
      %dma_wait3A_474 = arith.constant 0 : i32
      %dma_wait3A_475 = arith.constant 0 : i32
      %dma_wait3A_476 = tpu.memref_slice %arg7[%dma_wait3A_474, %dma_wait3A_475] : memref<10240x32xf32, #tpu.memory_space<vmem_shared>> -> memref<10240x32xf32, #tpu.memory_space<vmem_shared>>
      %dma_wait3A_477 = tpu.memref_slice %arg12[%dma_wait3A_466] : memref<4x!tpu.dma_semaphore, #tpu.memory_space<semaphore_mem>> -> memref<1x!tpu.dma_semaphore, #tpu.memory_space<semaphore_mem>>
      %dma_wait3A_478 = tpu.memref_squeeze %dma_wait3A_477 : memref<1x!tpu.dma_semaphore, #tpu.memory_space<semaphore_mem>> -> memref<!tpu.dma_semaphore, #tpu.memory_space<semaphore_mem>>
      tpu.wait_indirect_dma semaphore(%dma_wait3A_478 : memref<!tpu.dma_semaphore, #tpu.memory_space<semaphore_mem>>) src(%dma_wait3A_470 : memref<128x32xf32, #tpu.memory_space<vmem>>) dst(%dma_wait3A_476 : memref<10240x32xf32, #tpu.memory_space<vmem_shared>>)
      %add3A_479 = arith.constant 4 : i32
      %add3A_480 = arith.addi %add3A_273, %add3A_479 : i32
      %add3A_481 = arith.constant 2 : i32
      %add3A_482 = arith.addi %add3A_480, %add3A_481 : i32
      %dma_start3A_483 = arith.constant 2 : i32
      %dma_start3A_484 = arith.constant 2 : i32
      %dma_start3A_485 = arith.constant 0 : i32
      %dma_start3A_486 = arith.constant 0 : i32
      %dma_start3A_487 = tpu.memref_slice %arg8[%dma_start3A_483, %dma_start3A_485, %dma_start3A_486] : memref<4x128x32xf32, #tpu.memory_space<vmem>> -> memref<1x128x32xf32, #tpu.memory_space<vmem>>
      %dma_start3A_488 = tpu.memref_squeeze %dma_start3A_487 : memref<1x128x32xf32, #tpu.memory_space<vmem>> -> memref<128x32xf32, #tpu.memory_space<vmem>>
      %dma_start3A_489 = arith.constant 0 : i32
      %dma_start3A_490 = tpu.memref_slice %arg9[%add3A_482, %dma_start3A_489] : memref<80x128xi32, #tpu.memory_space<vmem>> -> memref<1x128xi32, #tpu.memory_space<vmem>>
      %dma_start3A_491 = tpu.memref_squeeze %dma_start3A_490 : memref<1x128xi32, #tpu.memory_space<vmem>> -> memref<128xi32, #tpu.memory_space<vmem>>
      %dma_start3A_492 = arith.constant 0 : i32
      %dma_start3A_493 = arith.constant 0 : i32
      %dma_start3A_494 = tpu.memref_slice %arg6[%dma_start3A_492, %dma_start3A_493] : memref<10240x32xf32, #tpu.memory_space<vmem_shared>> -> memref<10240x32xf32, #tpu.memory_space<vmem_shared>>
      %dma_start3A_495 = tpu.memref_slice %arg11[%dma_start3A_484] : memref<4x!tpu.dma_semaphore, #tpu.memory_space<semaphore_mem>> -> memref<1x!tpu.dma_semaphore, #tpu.memory_space<semaphore_mem>>
      %dma_start3A_496 = tpu.memref_squeeze %dma_start3A_495 : memref<1x!tpu.dma_semaphore, #tpu.memory_space<semaphore_mem>> -> memref<!tpu.dma_semaphore, #tpu.memory_space<semaphore_mem>>
      tpu.enqueue_indirect_dma source(%dma_start3A_494 : memref<10240x32xf32, #tpu.memory_space<vmem_shared>>) target(%dma_start3A_488 : memref<128x32xf32, #tpu.memory_space<vmem>>) offsets(%dma_start3A_491 : memref<128xi32, #tpu.memory_space<vmem>>) semaphore(%dma_start3A_496 : memref<!tpu.dma_semaphore, #tpu.memory_space<semaphore_mem>>)
      %dma_wait3A_497 = arith.constant 3 : i32
      %dma_wait3A_498 = arith.constant 0 : i32
      %dma_wait3A_499 = arith.constant 3 : i32
      %dma_wait3A_500 = arith.constant 0 : i32
      %dma_wait3A_501 = arith.constant 0 : i32
      %dma_wait3A_502 = tpu.memref_slice %arg8[%dma_wait3A_497, %dma_wait3A_500, %dma_wait3A_501] : memref<4x128x32xf32, #tpu.memory_space<vmem>> -> memref<1x128x32xf32, #tpu.memory_space<vmem>>
      %dma_wait3A_503 = tpu.memref_squeeze %dma_wait3A_502 : memref<1x128x32xf32, #tpu.memory_space<vmem>> -> memref<128x32xf32, #tpu.memory_space<vmem>>
      %dma_wait3A_504 = arith.constant 0 : i32
      %dma_wait3A_505 = tpu.memref_slice %arg10[%dma_wait3A_498, %dma_wait3A_504] : memref<80x128xi32, #tpu.memory_space<vmem>> -> memref<1x128xi32, #tpu.memory_space<vmem>>
      %dma_wait3A_506 = tpu.memref_squeeze %dma_wait3A_505 : memref<1x128xi32, #tpu.memory_space<vmem>> -> memref<128xi32, #tpu.memory_space<vmem>>
      %dma_wait3A_507 = arith.constant 0 : i32
      %dma_wait3A_508 = arith.constant 0 : i32
      %dma_wait3A_509 = tpu.memref_slice %arg7[%dma_wait3A_507, %dma_wait3A_508] : memref<10240x32xf32, #tpu.memory_space<vmem_shared>> -> memref<10240x32xf32, #tpu.memory_space<vmem_shared>>
      %dma_wait3A_510 = tpu.memref_slice %arg12[%dma_wait3A_499] : memref<4x!tpu.dma_semaphore, #tpu.memory_space<semaphore_mem>> -> memref<1x!tpu.dma_semaphore, #tpu.memory_space<semaphore_mem>>
      %dma_wait3A_511 = tpu.memref_squeeze %dma_wait3A_510 : memref<1x!tpu.dma_semaphore, #tpu.memory_space<semaphore_mem>> -> memref<!tpu.dma_semaphore, #tpu.memory_space<semaphore_mem>>
      tpu.wait_indirect_dma semaphore(%dma_wait3A_511 : memref<!tpu.dma_semaphore, #tpu.memory_space<semaphore_mem>>) src(%dma_wait3A_503 : memref<128x32xf32, #tpu.memory_space<vmem>>) dst(%dma_wait3A_509 : memref<10240x32xf32, #tpu.memory_space<vmem_shared>>)
      %add3A_512 = arith.constant 4 : i32
      %add3A_513 = arith.addi %add3A_273, %add3A_512 : i32
      %add3A_514 = arith.constant 3 : i32
      %add3A_515 = arith.addi %add3A_513, %add3A_514 : i32
      %dma_start3A_516 = arith.constant 3 : i32
      %dma_start3A_517 = arith.constant 3 : i32
      %dma_start3A_518 = arith.constant 0 : i32
      %dma_start3A_519 = arith.constant 0 : i32
      %dma_start3A_520 = tpu.memref_slice %arg8[%dma_start3A_516, %dma_start3A_518, %dma_start3A_519] : memref<4x128x32xf32, #tpu.memory_space<vmem>> -> memref<1x128x32xf32, #tpu.memory_space<vmem>>
      %dma_start3A_521 = tpu.memref_squeeze %dma_start3A_520 : memref<1x128x32xf32, #tpu.memory_space<vmem>> -> memref<128x32xf32, #tpu.memory_space<vmem>>
      %dma_start3A_522 = arith.constant 0 : i32
      %dma_start3A_523 = tpu.memref_slice %arg9[%add3A_515, %dma_start3A_522] : memref<80x128xi32, #tpu.memory_space<vmem>> -> memref<1x128xi32, #tpu.memory_space<vmem>>
      %dma_start3A_524 = tpu.memref_squeeze %dma_start3A_523 : memref<1x128xi32, #tpu.memory_space<vmem>> -> memref<128xi32, #tpu.memory_space<vmem>>
      %dma_start3A_525 = arith.constant 0 : i32
      %dma_start3A_526 = arith.constant 0 : i32
      %dma_start3A_527 = tpu.memref_slice %arg6[%dma_start3A_525, %dma_start3A_526] : memref<10240x32xf32, #tpu.memory_space<vmem_shared>> -> memref<10240x32xf32, #tpu.memory_space<vmem_shared>>
      %dma_start3A_528 = tpu.memref_slice %arg11[%dma_start3A_517] : memref<4x!tpu.dma_semaphore, #tpu.memory_space<semaphore_mem>> -> memref<1x!tpu.dma_semaphore, #tpu.memory_space<semaphore_mem>>
      %dma_start3A_529 = tpu.memref_squeeze %dma_start3A_528 : memref<1x!tpu.dma_semaphore, #tpu.memory_space<semaphore_mem>> -> memref<!tpu.dma_semaphore, #tpu.memory_space<semaphore_mem>>
      tpu.enqueue_indirect_dma source(%dma_start3A_527 : memref<10240x32xf32, #tpu.memory_space<vmem_shared>>) target(%dma_start3A_521 : memref<128x32xf32, #tpu.memory_space<vmem>>) offsets(%dma_start3A_524 : memref<128xi32, #tpu.memory_space<vmem>>) semaphore(%dma_start3A_529 : memref<!tpu.dma_semaphore, #tpu.memory_space<semaphore_mem>>)
    }
    %scan3A_84 = arith.constant 19 : i32
    %dma_wait3A = arith.constant 0 : i32
    %dma_wait3A_85 = arith.constant 0 : i32
    %dma_wait3A_86 = arith.constant 0 : i32
    %dma_wait3A_87 = arith.constant 0 : i32
    %dma_wait3A_88 = arith.constant 0 : i32
    %dma_wait3A_89 = tpu.memref_slice %arg8[%dma_wait3A_85, %dma_wait3A_87, %dma_wait3A_88] : memref<4x128x32xf32, #tpu.memory_space<vmem>> -> memref<1x128x32xf32, #tpu.memory_space<vmem>>
    %dma_wait3A_90 = tpu.memref_squeeze %dma_wait3A_89 : memref<1x128x32xf32, #tpu.memory_space<vmem>> -> memref<128x32xf32, #tpu.memory_space<vmem>>
    %dma_wait3A_91 = arith.constant 0 : i32
    %dma_wait3A_92 = tpu.memref_slice %arg9[%dma_wait3A, %dma_wait3A_91] : memref<80x128xi32, #tpu.memory_space<vmem>> -> memref<1x128xi32, #tpu.memory_space<vmem>>
    %dma_wait3A_93 = tpu.memref_squeeze %dma_wait3A_92 : memref<1x128xi32, #tpu.memory_space<vmem>> -> memref<128xi32, #tpu.memory_space<vmem>>
    %dma_wait3A_94 = arith.constant 0 : i32
    %dma_wait3A_95 = arith.constant 0 : i32
    %dma_wait3A_96 = tpu.memref_slice %arg6[%dma_wait3A_94, %dma_wait3A_95] : memref<10240x32xf32, #tpu.memory_space<vmem_shared>> -> memref<10240x32xf32, #tpu.memory_space<vmem_shared>>
    %dma_wait3A_97 = tpu.memref_slice %arg11[%dma_wait3A_86] : memref<4x!tpu.dma_semaphore, #tpu.memory_space<semaphore_mem>> -> memref<1x!tpu.dma_semaphore, #tpu.memory_space<semaphore_mem>>
    %dma_wait3A_98 = tpu.memref_squeeze %dma_wait3A_97 : memref<1x!tpu.dma_semaphore, #tpu.memory_space<semaphore_mem>> -> memref<!tpu.dma_semaphore, #tpu.memory_space<semaphore_mem>>
    tpu.wait_indirect_dma semaphore(%dma_wait3A_98 : memref<!tpu.dma_semaphore, #tpu.memory_space<semaphore_mem>>) src(%dma_wait3A_96 : memref<10240x32xf32, #tpu.memory_space<vmem_shared>>) dst(%dma_wait3A_90 : memref<128x32xf32, #tpu.memory_space<vmem>>)
    %dma_start3A_99 = arith.constant 0 : i32
    %dma_start3A_100 = arith.constant 76 : i32
    %dma_start3A_101 = arith.constant 0 : i32
    %dma_start3A_102 = arith.constant 0 : i32
    %dma_start3A_103 = arith.constant 0 : i32
    %dma_start3A_104 = tpu.memref_slice %arg8[%dma_start3A_99, %dma_start3A_102, %dma_start3A_103] : memref<4x128x32xf32, #tpu.memory_space<vmem>> -> memref<1x128x32xf32, #tpu.memory_space<vmem>>
    %dma_start3A_105 = tpu.memref_squeeze %dma_start3A_104 : memref<1x128x32xf32, #tpu.memory_space<vmem>> -> memref<128x32xf32, #tpu.memory_space<vmem>>
    %dma_start3A_106 = arith.constant 0 : i32
    %dma_start3A_107 = tpu.memref_slice %arg10[%dma_start3A_100, %dma_start3A_106] : memref<80x128xi32, #tpu.memory_space<vmem>> -> memref<1x128xi32, #tpu.memory_space<vmem>>
    %dma_start3A_108 = tpu.memref_squeeze %dma_start3A_107 : memref<1x128xi32, #tpu.memory_space<vmem>> -> memref<128xi32, #tpu.memory_space<vmem>>
    %dma_start3A_109 = arith.constant 0 : i32
    %dma_start3A_110 = arith.constant 0 : i32
    %dma_start3A_111 = tpu.memref_slice %arg7[%dma_start3A_109, %dma_start3A_110] : memref<10240x32xf32, #tpu.memory_space<vmem_shared>> -> memref<10240x32xf32, #tpu.memory_space<vmem_shared>>
    %dma_start3A_112 = tpu.memref_slice %arg12[%dma_start3A_101] : memref<4x!tpu.dma_semaphore, #tpu.memory_space<semaphore_mem>> -> memref<1x!tpu.dma_semaphore, #tpu.memory_space<semaphore_mem>>
    %dma_start3A_113 = tpu.memref_squeeze %dma_start3A_112 : memref<1x!tpu.dma_semaphore, #tpu.memory_space<semaphore_mem>> -> memref<!tpu.dma_semaphore, #tpu.memory_space<semaphore_mem>>
    tpu.enqueue_indirect_dma source(%dma_start3A_105 : memref<128x32xf32, #tpu.memory_space<vmem>>) target(%dma_start3A_111 : memref<10240x32xf32, #tpu.memory_space<vmem_shared>>) offsets(%dma_start3A_108 : memref<128xi32, #tpu.memory_space<vmem>>) semaphore(%dma_start3A_113 : memref<!tpu.dma_semaphore, #tpu.memory_space<semaphore_mem>>) {add = true}
    %dma_wait3A_114 = arith.constant 0 : i32
    %dma_wait3A_115 = arith.constant 1 : i32
    %dma_wait3A_116 = arith.constant 1 : i32
    %dma_wait3A_117 = arith.constant 0 : i32
    %dma_wait3A_118 = arith.constant 0 : i32
    %dma_wait3A_119 = tpu.memref_slice %arg8[%dma_wait3A_115, %dma_wait3A_117, %dma_wait3A_118] : memref<4x128x32xf32, #tpu.memory_space<vmem>> -> memref<1x128x32xf32, #tpu.memory_space<vmem>>
    %dma_wait3A_120 = tpu.memref_squeeze %dma_wait3A_119 : memref<1x128x32xf32, #tpu.memory_space<vmem>> -> memref<128x32xf32, #tpu.memory_space<vmem>>
    %dma_wait3A_121 = arith.constant 0 : i32
    %dma_wait3A_122 = tpu.memref_slice %arg9[%dma_wait3A_114, %dma_wait3A_121] : memref<80x128xi32, #tpu.memory_space<vmem>> -> memref<1x128xi32, #tpu.memory_space<vmem>>
    %dma_wait3A_123 = tpu.memref_squeeze %dma_wait3A_122 : memref<1x128xi32, #tpu.memory_space<vmem>> -> memref<128xi32, #tpu.memory_space<vmem>>
    %dma_wait3A_124 = arith.constant 0 : i32
    %dma_wait3A_125 = arith.constant 0 : i32
    %dma_wait3A_126 = tpu.memref_slice %arg6[%dma_wait3A_124, %dma_wait3A_125] : memref<10240x32xf32, #tpu.memory_space<vmem_shared>> -> memref<10240x32xf32, #tpu.memory_space<vmem_shared>>
    %dma_wait3A_127 = tpu.memref_slice %arg11[%dma_wait3A_116] : memref<4x!tpu.dma_semaphore, #tpu.memory_space<semaphore_mem>> -> memref<1x!tpu.dma_semaphore, #tpu.memory_space<semaphore_mem>>
    %dma_wait3A_128 = tpu.memref_squeeze %dma_wait3A_127 : memref<1x!tpu.dma_semaphore, #tpu.memory_space<semaphore_mem>> -> memref<!tpu.dma_semaphore, #tpu.memory_space<semaphore_mem>>
    tpu.wait_indirect_dma semaphore(%dma_wait3A_128 : memref<!tpu.dma_semaphore, #tpu.memory_space<semaphore_mem>>) src(%dma_wait3A_126 : memref<10240x32xf32, #tpu.memory_space<vmem_shared>>) dst(%dma_wait3A_120 : memref<128x32xf32, #tpu.memory_space<vmem>>)
    %dma_start3A_129 = arith.constant 1 : i32
    %dma_start3A_130 = arith.constant 77 : i32
    %dma_start3A_131 = arith.constant 1 : i32
    %dma_start3A_132 = arith.constant 0 : i32
    %dma_start3A_133 = arith.constant 0 : i32
    %dma_start3A_134 = tpu.memref_slice %arg8[%dma_start3A_129, %dma_start3A_132, %dma_start3A_133] : memref<4x128x32xf32, #tpu.memory_space<vmem>> -> memref<1x128x32xf32, #tpu.memory_space<vmem>>
    %dma_start3A_135 = tpu.memref_squeeze %dma_start3A_134 : memref<1x128x32xf32, #tpu.memory_space<vmem>> -> memref<128x32xf32, #tpu.memory_space<vmem>>
    %dma_start3A_136 = arith.constant 0 : i32
    %dma_start3A_137 = tpu.memref_slice %arg10[%dma_start3A_130, %dma_start3A_136] : memref<80x128xi32, #tpu.memory_space<vmem>> -> memref<1x128xi32, #tpu.memory_space<vmem>>
    %dma_start3A_138 = tpu.memref_squeeze %dma_start3A_137 : memref<1x128xi32, #tpu.memory_space<vmem>> -> memref<128xi32, #tpu.memory_space<vmem>>
    %dma_start3A_139 = arith.constant 0 : i32
    %dma_start3A_140 = arith.constant 0 : i32
    %dma_start3A_141 = tpu.memref_slice %arg7[%dma_start3A_139, %dma_start3A_140] : memref<10240x32xf32, #tpu.memory_space<vmem_shared>> -> memref<10240x32xf32, #tpu.memory_space<vmem_shared>>
    %dma_start3A_142 = tpu.memref_slice %arg12[%dma_start3A_131] : memref<4x!tpu.dma_semaphore, #tpu.memory_space<semaphore_mem>> -> memref<1x!tpu.dma_semaphore, #tpu.memory_space<semaphore_mem>>
    %dma_start3A_143 = tpu.memref_squeeze %dma_start3A_142 : memref<1x!tpu.dma_semaphore, #tpu.memory_space<semaphore_mem>> -> memref<!tpu.dma_semaphore, #tpu.memory_space<semaphore_mem>>
    tpu.enqueue_indirect_dma source(%dma_start3A_135 : memref<128x32xf32, #tpu.memory_space<vmem>>) target(%dma_start3A_141 : memref<10240x32xf32, #tpu.memory_space<vmem_shared>>) offsets(%dma_start3A_138 : memref<128xi32, #tpu.memory_space<vmem>>) semaphore(%dma_start3A_143 : memref<!tpu.dma_semaphore, #tpu.memory_space<semaphore_mem>>) {add = true}
    %dma_wait3A_144 = arith.constant 0 : i32
    %dma_wait3A_145 = arith.constant 2 : i32
    %dma_wait3A_146 = arith.constant 2 : i32
    %dma_wait3A_147 = arith.constant 0 : i32
    %dma_wait3A_148 = arith.constant 0 : i32
    %dma_wait3A_149 = tpu.memref_slice %arg8[%dma_wait3A_145, %dma_wait3A_147, %dma_wait3A_148] : memref<4x128x32xf32, #tpu.memory_space<vmem>> -> memref<1x128x32xf32, #tpu.memory_space<vmem>>
    %dma_wait3A_150 = tpu.memref_squeeze %dma_wait3A_149 : memref<1x128x32xf32, #tpu.memory_space<vmem>> -> memref<128x32xf32, #tpu.memory_space<vmem>>
    %dma_wait3A_151 = arith.constant 0 : i32
    %dma_wait3A_152 = tpu.memref_slice %arg9[%dma_wait3A_144, %dma_wait3A_151] : memref<80x128xi32, #tpu.memory_space<vmem>> -> memref<1x128xi32, #tpu.memory_space<vmem>>
    %dma_wait3A_153 = tpu.memref_squeeze %dma_wait3A_152 : memref<1x128xi32, #tpu.memory_space<vmem>> -> memref<128xi32, #tpu.memory_space<vmem>>
    %dma_wait3A_154 = arith.constant 0 : i32
    %dma_wait3A_155 = arith.constant 0 : i32
    %dma_wait3A_156 = tpu.memref_slice %arg6[%dma_wait3A_154, %dma_wait3A_155] : memref<10240x32xf32, #tpu.memory_space<vmem_shared>> -> memref<10240x32xf32, #tpu.memory_space<vmem_shared>>
    %dma_wait3A_157 = tpu.memref_slice %arg11[%dma_wait3A_146] : memref<4x!tpu.dma_semaphore, #tpu.memory_space<semaphore_mem>> -> memref<1x!tpu.dma_semaphore, #tpu.memory_space<semaphore_mem>>
    %dma_wait3A_158 = tpu.memref_squeeze %dma_wait3A_157 : memref<1x!tpu.dma_semaphore, #tpu.memory_space<semaphore_mem>> -> memref<!tpu.dma_semaphore, #tpu.memory_space<semaphore_mem>>
    tpu.wait_indirect_dma semaphore(%dma_wait3A_158 : memref<!tpu.dma_semaphore, #tpu.memory_space<semaphore_mem>>) src(%dma_wait3A_156 : memref<10240x32xf32, #tpu.memory_space<vmem_shared>>) dst(%dma_wait3A_150 : memref<128x32xf32, #tpu.memory_space<vmem>>)
    %dma_start3A_159 = arith.constant 2 : i32
    %dma_start3A_160 = arith.constant 78 : i32
    %dma_start3A_161 = arith.constant 2 : i32
    %dma_start3A_162 = arith.constant 0 : i32
    %dma_start3A_163 = arith.constant 0 : i32
    %dma_start3A_164 = tpu.memref_slice %arg8[%dma_start3A_159, %dma_start3A_162, %dma_start3A_163] : memref<4x128x32xf32, #tpu.memory_space<vmem>> -> memref<1x128x32xf32, #tpu.memory_space<vmem>>
    %dma_start3A_165 = tpu.memref_squeeze %dma_start3A_164 : memref<1x128x32xf32, #tpu.memory_space<vmem>> -> memref<128x32xf32, #tpu.memory_space<vmem>>
    %dma_start3A_166 = arith.constant 0 : i32
    %dma_start3A_167 = tpu.memref_slice %arg10[%dma_start3A_160, %dma_start3A_166] : memref<80x128xi32, #tpu.memory_space<vmem>> -> memref<1x128xi32, #tpu.memory_space<vmem>>
    %dma_start3A_168 = tpu.memref_squeeze %dma_start3A_167 : memref<1x128xi32, #tpu.memory_space<vmem>> -> memref<128xi32, #tpu.memory_space<vmem>>
    %dma_start3A_169 = arith.constant 0 : i32
    %dma_start3A_170 = arith.constant 0 : i32
    %dma_start3A_171 = tpu.memref_slice %arg7[%dma_start3A_169, %dma_start3A_170] : memref<10240x32xf32, #tpu.memory_space<vmem_shared>> -> memref<10240x32xf32, #tpu.memory_space<vmem_shared>>
    %dma_start3A_172 = tpu.memref_slice %arg12[%dma_start3A_161] : memref<4x!tpu.dma_semaphore, #tpu.memory_space<semaphore_mem>> -> memref<1x!tpu.dma_semaphore, #tpu.memory_space<semaphore_mem>>
    %dma_start3A_173 = tpu.memref_squeeze %dma_start3A_172 : memref<1x!tpu.dma_semaphore, #tpu.memory_space<semaphore_mem>> -> memref<!tpu.dma_semaphore, #tpu.memory_space<semaphore_mem>>
    tpu.enqueue_indirect_dma source(%dma_start3A_165 : memref<128x32xf32, #tpu.memory_space<vmem>>) target(%dma_start3A_171 : memref<10240x32xf32, #tpu.memory_space<vmem_shared>>) offsets(%dma_start3A_168 : memref<128xi32, #tpu.memory_space<vmem>>) semaphore(%dma_start3A_173 : memref<!tpu.dma_semaphore, #tpu.memory_space<semaphore_mem>>) {add = true}
    %dma_wait3A_174 = arith.constant 0 : i32
    %dma_wait3A_175 = arith.constant 3 : i32
    %dma_wait3A_176 = arith.constant 3 : i32
    %dma_wait3A_177 = arith.constant 0 : i32
    %dma_wait3A_178 = arith.constant 0 : i32
    %dma_wait3A_179 = tpu.memref_slice %arg8[%dma_wait3A_175, %dma_wait3A_177, %dma_wait3A_178] : memref<4x128x32xf32, #tpu.memory_space<vmem>> -> memref<1x128x32xf32, #tpu.memory_space<vmem>>
    %dma_wait3A_180 = tpu.memref_squeeze %dma_wait3A_179 : memref<1x128x32xf32, #tpu.memory_space<vmem>> -> memref<128x32xf32, #tpu.memory_space<vmem>>
    %dma_wait3A_181 = arith.constant 0 : i32
    %dma_wait3A_182 = tpu.memref_slice %arg9[%dma_wait3A_174, %dma_wait3A_181] : memref<80x128xi32, #tpu.memory_space<vmem>> -> memref<1x128xi32, #tpu.memory_space<vmem>>
    %dma_wait3A_183 = tpu.memref_squeeze %dma_wait3A_182 : memref<1x128xi32, #tpu.memory_space<vmem>> -> memref<128xi32, #tpu.memory_space<vmem>>
    %dma_wait3A_184 = arith.constant 0 : i32
    %dma_wait3A_185 = arith.constant 0 : i32
    %dma_wait3A_186 = tpu.memref_slice %arg6[%dma_wait3A_184, %dma_wait3A_185] : memref<10240x32xf32, #tpu.memory_space<vmem_shared>> -> memref<10240x32xf32, #tpu.memory_space<vmem_shared>>
    %dma_wait3A_187 = tpu.memref_slice %arg11[%dma_wait3A_176] : memref<4x!tpu.dma_semaphore, #tpu.memory_space<semaphore_mem>> -> memref<1x!tpu.dma_semaphore, #tpu.memory_space<semaphore_mem>>
    %dma_wait3A_188 = tpu.memref_squeeze %dma_wait3A_187 : memref<1x!tpu.dma_semaphore, #tpu.memory_space<semaphore_mem>> -> memref<!tpu.dma_semaphore, #tpu.memory_space<semaphore_mem>>
    tpu.wait_indirect_dma semaphore(%dma_wait3A_188 : memref<!tpu.dma_semaphore, #tpu.memory_space<semaphore_mem>>) src(%dma_wait3A_186 : memref<10240x32xf32, #tpu.memory_space<vmem_shared>>) dst(%dma_wait3A_180 : memref<128x32xf32, #tpu.memory_space<vmem>>)
    %dma_start3A_189 = arith.constant 3 : i32
    %dma_start3A_190 = arith.constant 79 : i32
    %dma_start3A_191 = arith.constant 3 : i32
    %dma_start3A_192 = arith.constant 0 : i32
    %dma_start3A_193 = arith.constant 0 : i32
    %dma_start3A_194 = tpu.memref_slice %arg8[%dma_start3A_189, %dma_start3A_192, %dma_start3A_193] : memref<4x128x32xf32, #tpu.memory_space<vmem>> -> memref<1x128x32xf32, #tpu.memory_space<vmem>>
    %dma_start3A_195 = tpu.memref_squeeze %dma_start3A_194 : memref<1x128x32xf32, #tpu.memory_space<vmem>> -> memref<128x32xf32, #tpu.memory_space<vmem>>
    %dma_start3A_196 = arith.constant 0 : i32
    %dma_start3A_197 = tpu.memref_slice %arg10[%dma_start3A_190, %dma_start3A_196] : memref<80x128xi32, #tpu.memory_space<vmem>> -> memref<1x128xi32, #tpu.memory_space<vmem>>
    %dma_start3A_198 = tpu.memref_squeeze %dma_start3A_197 : memref<1x128xi32, #tpu.memory_space<vmem>> -> memref<128xi32, #tpu.memory_space<vmem>>
    %dma_start3A_199 = arith.constant 0 : i32
    %dma_start3A_200 = arith.constant 0 : i32
    %dma_start3A_201 = tpu.memref_slice %arg7[%dma_start3A_199, %dma_start3A_200] : memref<10240x32xf32, #tpu.memory_space<vmem_shared>> -> memref<10240x32xf32, #tpu.memory_space<vmem_shared>>
    %dma_start3A_202 = tpu.memref_slice %arg12[%dma_start3A_191] : memref<4x!tpu.dma_semaphore, #tpu.memory_space<semaphore_mem>> -> memref<1x!tpu.dma_semaphore, #tpu.memory_space<semaphore_mem>>
    %dma_start3A_203 = tpu.memref_squeeze %dma_start3A_202 : memref<1x!tpu.dma_semaphore, #tpu.memory_space<semaphore_mem>> -> memref<!tpu.dma_semaphore, #tpu.memory_space<semaphore_mem>>
    tpu.enqueue_indirect_dma source(%dma_start3A_195 : memref<128x32xf32, #tpu.memory_space<vmem>>) target(%dma_start3A_201 : memref<10240x32xf32, #tpu.memory_space<vmem_shared>>) offsets(%dma_start3A_198 : memref<128xi32, #tpu.memory_space<vmem>>) semaphore(%dma_start3A_203 : memref<!tpu.dma_semaphore, #tpu.memory_space<semaphore_mem>>) {add = true}
    %dma_wait3A_204 = arith.constant 0 : i32
    %dma_wait3A_205 = arith.constant 0 : i32
    %dma_wait3A_206 = arith.constant 0 : i32
    %dma_wait3A_207 = arith.constant 0 : i32
    %dma_wait3A_208 = arith.constant 0 : i32
    %dma_wait3A_209 = tpu.memref_slice %arg8[%dma_wait3A_204, %dma_wait3A_207, %dma_wait3A_208] : memref<4x128x32xf32, #tpu.memory_space<vmem>> -> memref<1x128x32xf32, #tpu.memory_space<vmem>>
    %dma_wait3A_210 = tpu.memref_squeeze %dma_wait3A_209 : memref<1x128x32xf32, #tpu.memory_space<vmem>> -> memref<128x32xf32, #tpu.memory_space<vmem>>
    %dma_wait3A_211 = arith.constant 0 : i32
    %dma_wait3A_212 = tpu.memref_slice %arg10[%dma_wait3A_205, %dma_wait3A_211] : memref<80x128xi32, #tpu.memory_space<vmem>> -> memref<1x128xi32, #tpu.memory_space<vmem>>
    %dma_wait3A_213 = tpu.memref_squeeze %dma_wait3A_212 : memref<1x128xi32, #tpu.memory_space<vmem>> -> memref<128xi32, #tpu.memory_space<vmem>>
    %dma_wait3A_214 = arith.constant 0 : i32
    %dma_wait3A_215 = arith.constant 0 : i32
    %dma_wait3A_216 = tpu.memref_slice %arg7[%dma_wait3A_214, %dma_wait3A_215] : memref<10240x32xf32, #tpu.memory_space<vmem_shared>> -> memref<10240x32xf32, #tpu.memory_space<vmem_shared>>
    %dma_wait3A_217 = tpu.memref_slice %arg12[%dma_wait3A_206] : memref<4x!tpu.dma_semaphore, #tpu.memory_space<semaphore_mem>> -> memref<1x!tpu.dma_semaphore, #tpu.memory_space<semaphore_mem>>
    %dma_wait3A_218 = tpu.memref_squeeze %dma_wait3A_217 : memref<1x!tpu.dma_semaphore, #tpu.memory_space<semaphore_mem>> -> memref<!tpu.dma_semaphore, #tpu.memory_space<semaphore_mem>>
    tpu.wait_indirect_dma semaphore(%dma_wait3A_218 : memref<!tpu.dma_semaphore, #tpu.memory_space<semaphore_mem>>) src(%dma_wait3A_210 : memref<128x32xf32, #tpu.memory_space<vmem>>) dst(%dma_wait3A_216 : memref<10240x32xf32, #tpu.memory_space<vmem_shared>>)
    %dma_wait3A_219 = arith.constant 1 : i32
    %dma_wait3A_220 = arith.constant 0 : i32
    %dma_wait3A_221 = arith.constant 1 : i32
    %dma_wait3A_222 = arith.constant 0 : i32
    %dma_wait3A_223 = arith.constant 0 : i32
    %dma_wait3A_224 = tpu.memref_slice %arg8[%dma_wait3A_219, %dma_wait3A_222, %dma_wait3A_223] : memref<4x128x32xf32, #tpu.memory_space<vmem>> -> memref<1x128x32xf32, #tpu.memory_space<vmem>>
    %dma_wait3A_225 = tpu.memref_squeeze %dma_wait3A_224 : memref<1x128x32xf32, #tpu.memory_space<vmem>> -> memref<128x32xf32, #tpu.memory_space<vmem>>
    %dma_wait3A_226 = arith.constant 0 : i32
    %dma_wait3A_227 = tpu.memref_slice %arg10[%dma_wait3A_220, %dma_wait3A_226] : memref<80x128xi32, #tpu.memory_space<vmem>> -> memref<1x128xi32, #tpu.memory_space<vmem>>
    %dma_wait3A_228 = tpu.memref_squeeze %dma_wait3A_227 : memref<1x128xi32, #tpu.memory_space<vmem>> -> memref<128xi32, #tpu.memory_space<vmem>>
    %dma_wait3A_229 = arith.constant 0 : i32
    %dma_wait3A_230 = arith.constant 0 : i32
    %dma_wait3A_231 = tpu.memref_slice %arg7[%dma_wait3A_229, %dma_wait3A_230] : memref<10240x32xf32, #tpu.memory_space<vmem_shared>> -> memref<10240x32xf32, #tpu.memory_space<vmem_shared>>
    %dma_wait3A_232 = tpu.memref_slice %arg12[%dma_wait3A_221] : memref<4x!tpu.dma_semaphore, #tpu.memory_space<semaphore_mem>> -> memref<1x!tpu.dma_semaphore, #tpu.memory_space<semaphore_mem>>
    %dma_wait3A_233 = tpu.memref_squeeze %dma_wait3A_232 : memref<1x!tpu.dma_semaphore, #tpu.memory_space<semaphore_mem>> -> memref<!tpu.dma_semaphore, #tpu.memory_space<semaphore_mem>>
    tpu.wait_indirect_dma semaphore(%dma_wait3A_233 : memref<!tpu.dma_semaphore, #tpu.memory_space<semaphore_mem>>) src(%dma_wait3A_225 : memref<128x32xf32, #tpu.memory_space<vmem>>) dst(%dma_wait3A_231 : memref<10240x32xf32, #tpu.memory_space<vmem_shared>>)
    %dma_wait3A_234 = arith.constant 2 : i32
    %dma_wait3A_235 = arith.constant 0 : i32
    %dma_wait3A_236 = arith.constant 2 : i32
    %dma_wait3A_237 = arith.constant 0 : i32
    %dma_wait3A_238 = arith.constant 0 : i32
    %dma_wait3A_239 = tpu.memref_slice %arg8[%dma_wait3A_234, %dma_wait3A_237, %dma_wait3A_238] : memref<4x128x32xf32, #tpu.memory_space<vmem>> -> memref<1x128x32xf32, #tpu.memory_space<vmem>>
    %dma_wait3A_240 = tpu.memref_squeeze %dma_wait3A_239 : memref<1x128x32xf32, #tpu.memory_space<vmem>> -> memref<128x32xf32, #tpu.memory_space<vmem>>
    %dma_wait3A_241 = arith.constant 0 : i32
    %dma_wait3A_242 = tpu.memref_slice %arg10[%dma_wait3A_235, %dma_wait3A_241] : memref<80x128xi32, #tpu.memory_space<vmem>> -> memref<1x128xi32, #tpu.memory_space<vmem>>
    %dma_wait3A_243 = tpu.memref_squeeze %dma_wait3A_242 : memref<1x128xi32, #tpu.memory_space<vmem>> -> memref<128xi32, #tpu.memory_space<vmem>>
    %dma_wait3A_244 = arith.constant 0 : i32
    %dma_wait3A_245 = arith.constant 0 : i32
    %dma_wait3A_246 = tpu.memref_slice %arg7[%dma_wait3A_244, %dma_wait3A_245] : memref<10240x32xf32, #tpu.memory_space<vmem_shared>> -> memref<10240x32xf32, #tpu.memory_space<vmem_shared>>
    %dma_wait3A_247 = tpu.memref_slice %arg12[%dma_wait3A_236] : memref<4x!tpu.dma_semaphore, #tpu.memory_space<semaphore_mem>> -> memref<1x!tpu.dma_semaphore, #tpu.memory_space<semaphore_mem>>
    %dma_wait3A_248 = tpu.memref_squeeze %dma_wait3A_247 : memref<1x!tpu.dma_semaphore, #tpu.memory_space<semaphore_mem>> -> memref<!tpu.dma_semaphore, #tpu.memory_space<semaphore_mem>>
    tpu.wait_indirect_dma semaphore(%dma_wait3A_248 : memref<!tpu.dma_semaphore, #tpu.memory_space<semaphore_mem>>) src(%dma_wait3A_240 : memref<128x32xf32, #tpu.memory_space<vmem>>) dst(%dma_wait3A_246 : memref<10240x32xf32, #tpu.memory_space<vmem_shared>>)
    %dma_wait3A_249 = arith.constant 3 : i32
    %dma_wait3A_250 = arith.constant 0 : i32
    %dma_wait3A_251 = arith.constant 3 : i32
    %dma_wait3A_252 = arith.constant 0 : i32
    %dma_wait3A_253 = arith.constant 0 : i32
    %dma_wait3A_254 = tpu.memref_slice %arg8[%dma_wait3A_249, %dma_wait3A_252, %dma_wait3A_253] : memref<4x128x32xf32, #tpu.memory_space<vmem>> -> memref<1x128x32xf32, #tpu.memory_space<vmem>>
    %dma_wait3A_255 = tpu.memref_squeeze %dma_wait3A_254 : memref<1x128x32xf32, #tpu.memory_space<vmem>> -> memref<128x32xf32, #tpu.memory_space<vmem>>
    %dma_wait3A_256 = arith.constant 0 : i32
    %dma_wait3A_257 = tpu.memref_slice %arg10[%dma_wait3A_250, %dma_wait3A_256] : memref<80x128xi32, #tpu.memory_space<vmem>> -> memref<1x128xi32, #tpu.memory_space<vmem>>
    %dma_wait3A_258 = tpu.memref_squeeze %dma_wait3A_257 : memref<1x128xi32, #tpu.memory_space<vmem>> -> memref<128xi32, #tpu.memory_space<vmem>>
    %dma_wait3A_259 = arith.constant 0 : i32
    %dma_wait3A_260 = arith.constant 0 : i32
    %dma_wait3A_261 = tpu.memref_slice %arg7[%dma_wait3A_259, %dma_wait3A_260] : memref<10240x32xf32, #tpu.memory_space<vmem_shared>> -> memref<10240x32xf32, #tpu.memory_space<vmem_shared>>
    %dma_wait3A_262 = tpu.memref_slice %arg12[%dma_wait3A_251] : memref<4x!tpu.dma_semaphore, #tpu.memory_space<semaphore_mem>> -> memref<1x!tpu.dma_semaphore, #tpu.memory_space<semaphore_mem>>
    %dma_wait3A_263 = tpu.memref_squeeze %dma_wait3A_262 : memref<1x!tpu.dma_semaphore, #tpu.memory_space<semaphore_mem>> -> memref<!tpu.dma_semaphore, #tpu.memory_space<semaphore_mem>>
    tpu.wait_indirect_dma semaphore(%dma_wait3A_263 : memref<!tpu.dma_semaphore, #tpu.memory_space<semaphore_mem>>) src(%dma_wait3A_255 : memref<128x32xf32, #tpu.memory_space<vmem>>) dst(%dma_wait3A_261 : memref<10240x32xf32, #tpu.memory_space<vmem_shared>>)
    %barrier3A_264 = arith.constant 0 : index
    tpu.barrier barrier_id(%barrier3A_264)
    %mul3A_265 = arith.constant 640 : i32
    %mul3A_266 = arith.muli %arg1, %mul3A_265 : i32
    %mul3A_267 = arith.constant 640 : i32
    %mul3A_268 = arith.muli %arg1, %mul3A_267 : i32
    "tpu.region"() ({
      %run_scoped3A = tpu.sem_alloc : memref<!tpu.dma_semaphore, #tpu.memory_space<semaphore_mem>>
      %dma_start3A_269 = arith.constant 0 : i32
      %dma_start3A_270 = tpu.memref_slice %arg5[%arg0, %mul3A_268, %dma_start3A_269] : memref<2x10240x32xf32, #tpu.memory_space<hbm>> -> memref<1x640x32xf32, #tpu.memory_space<hbm>>
      %dma_start3A_271 = tpu.memref_squeeze %dma_start3A_270 : memref<1x640x32xf32, #tpu.memory_space<hbm>> -> memref<640x32xf32, #tpu.memory_space<hbm>>
      %dma_start3A_272 = arith.constant 0 : i32
      %dma_start3A_273 = tpu.memref_slice %arg7[%mul3A_266, %dma_start3A_272] : memref<10240x32xf32, #tpu.memory_space<vmem_shared>> -> memref<640x32xf32, #tpu.memory_space<vmem_shared>>
      tpu.enqueue_dma source(%dma_start3A_273 : memref<640x32xf32, #tpu.memory_space<vmem_shared>>) target(%dma_start3A_271 : memref<640x32xf32, #tpu.memory_space<hbm>>) target_semaphore(%run_scoped3A : memref<!tpu.dma_semaphore, #tpu.memory_space<semaphore_mem>>)
      %dma_wait3A_274 = arith.constant 0 : i32
      %dma_wait3A_275 = tpu.memref_slice %arg5[%arg0, %mul3A_268, %dma_wait3A_274] : memref<2x10240x32xf32, #tpu.memory_space<hbm>> -> memref<1x640x32xf32, #tpu.memory_space<hbm>>
      %dma_wait3A_276 = tpu.memref_squeeze %dma_wait3A_275 : memref<1x640x32xf32, #tpu.memory_space<hbm>> -> memref<640x32xf32, #tpu.memory_space<hbm>>
      %dma_wait3A_277 = arith.constant 0 : i32
      %dma_wait3A_278 = tpu.memref_slice %arg7[%mul3A_266, %dma_wait3A_277] : memref<10240x32xf32, #tpu.memory_space<vmem_shared>> -> memref<640x32xf32, #tpu.memory_space<vmem_shared>>
      tpu.wait_dma2 semaphore(%run_scoped3A : memref<!tpu.dma_semaphore, #tpu.memory_space<semaphore_mem>>) src(%dma_wait3A_278 : memref<640x32xf32, #tpu.memory_space<vmem_shared>>) dst(%dma_wait3A_276 : memref<640x32xf32, #tpu.memory_space<hbm>>)
      tpu.yield
    }) : () -> ()
    return
  }
}

#map = affine_map<(d0, d1) -> (0, 0)>
#map1 = affine_map<(d0, d1) -> (0, 0, 0)>
module attributes {stable_mosaic.version = 14 : i64} {
  func.func @sc_papply(%arg0: i32, %arg1: i32, %arg2: memref<10240x32xf32, #tpu.memory_space<hbm>>, %arg3: memref<2560x128xi32, #tpu.memory_space<hbm>>, %arg4: memref<2560x128xi32, #tpu.memory_space<hbm>>, %arg5: memref<2x10240x32xf32, #tpu.memory_space<hbm>>, %arg6: memref<10240x32xf32, #tpu.memory_space<vmem_shared>>, %arg7: memref<10240x32xf32, #tpu.memory_space<vmem_shared>>, %arg8: memref<4x128x32xf32, #tpu.memory_space<vmem>>, %arg9: memref<80x128xi32, #tpu.memory_space<vmem>>, %arg10: memref<80x128xi32, #tpu.memory_space<vmem>>, %arg11: memref<4x!tpu.dma_semaphore, #tpu.memory_space<semaphore_mem>>, %arg12: memref<4x!tpu.dma_semaphore, #tpu.memory_space<semaphore_mem>>) attributes {dimension_semantics = [#tpu.dimension_semantics<core_parallel>, #tpu.dimension_semantics<subcore_parallel>], iteration_bounds = array<i64: 2, 16>, scalar_prefetch = 0 : i64, scratch_operands = 7 : i64, tpu.core_type = #tpu.core_type<sc_vector_subcore>, window_params = [{transform_indices = #map}, {transform_indices = #map}, {transform_indices = #map}, {transform_indices = #map1}]} {
    %mul3A = arith.constant 16 : i32
    %mul3A_0 = arith.muli %arg0, %mul3A : i32
    %add3A = arith.addi %mul3A_0, %arg1 : i32
    %broadcast_in_dim3A = arith.constant 0.000000e+00 : f32
    %broadcast_in_dim3A_1 = vector.broadcast %broadcast_in_dim3A : f32 to vector<16xf32>
    %scan3A = arith.constant 0 : i32
    %scan3A_2 = arith.constant 0 : i32
    %scan3A_3 = arith.constant 128 : i32
    %scan3A_4 = arith.addi %scan3A_2, %scan3A_3 : i32
    %scan3A_5 = arith.constant 1 : i32
    scf.for %scan3A_269 = %scan3A_2 to %scan3A_4 step %scan3A_5  : i32 {
      %mul3A_270 = arith.constant 1 : i32
      %mul3A_271 = arith.muli %scan3A_269, %mul3A_270 : i32
      %add3A_272 = arith.constant 0 : i32
      %add3A_273 = arith.addi %add3A_272, %mul3A_271 : i32
      %scan3A_274 = arith.constant 0 : i32
      %scan3A_275 = arith.constant 2 : i32
      %scan3A_276 = arith.addi %scan3A_274, %scan3A_275 : i32
      %scan3A_277 = arith.constant 1 : i32
      scf.for %scan3A_279 = %scan3A_274 to %scan3A_276 step %scan3A_277  : i32 {
        %mul3A_280 = arith.constant 1 : i32
        %mul3A_281 = arith.muli %scan3A_279, %mul3A_280 : i32
        %add3A_282 = arith.constant 0 : i32
        %add3A_283 = arith.addi %add3A_282, %mul3A_281 : i32
        %mul3A_284 = arith.constant 16 : i32
        %mul3A_285 = arith.muli %add3A_283, %mul3A_284 : i32
        %swap3A = arith.constant 0 : i32
        %swap3A_286 = arith.constant 0 : i32
        %swap3A_287 = tpu.memref_slice %arg8[%scan3A, %swap3A, %swap3A_286] : memref<4x128x32xf32, #tpu.memory_space<vmem>> -> memref<1x128x32xf32, #tpu.memory_space<vmem>>
        %swap3A_288 = tpu.memref_squeeze %swap3A_287 : memref<1x128x32xf32, #tpu.memory_space<vmem>> -> memref<128x32xf32, #tpu.memory_space<vmem>>
        %swap3A_289 = arith.index_cast %add3A_273 : i32 to index
        %swap3A_290 = arith.index_cast %mul3A_285 : i32 to index
        %swap3A_291 = tpu.vector_load %swap3A_288[%swap3A_289, %swap3A_290] {strides = array<i32>} : memref<128x32xf32, #tpu.memory_space<vmem>>, vector<1x16xf32>,
        %swap3A_292 = vector.shape_cast %swap3A_291 : vector<1x16xf32> to vector<16xf32>
        %swap3A_293 = vector.shape_cast %broadcast_in_dim3A_1 : vector<16xf32> to vector<1x16xf32>
        tpu.vector_store %swap3A_288[%swap3A_289, %swap3A_290], %swap3A_293 {strides = array<i32>} : memref<128x32xf32, #tpu.memory_space<vmem>>, vector<1x16xf32>,
      }
      %scan3A_278 = arith.constant 2 : i32
    }
    %scan3A_6 = arith.constant 128 : i32
    %scan3A_7 = arith.constant 0 : i32
    %scan3A_8 = arith.constant 0 : i32
    %scan3A_9 = arith.constant 5 : i32
    %scan3A_10 = arith.addi %scan3A_8, %scan3A_9 : i32
    %scan3A_11 = arith.constant 1 : i32
    scf.for %scan3A_269 = %scan3A_8 to %scan3A_10 step %scan3A_11  : i32 {
      %mul3A_270 = arith.constant 1 : i32
      %mul3A_271 = arith.muli %scan3A_269, %mul3A_270 : i32
      %add3A_272 = arith.constant 0 : i32
      %add3A_273 = arith.addi %add3A_272, %mul3A_271 : i32
      %mul3A_274 = arith.constant 640 : i32
      %mul3A_275 = arith.muli %arg1, %mul3A_274 : i32
      %mul3A_276 = arith.constant 128 : i32
      %mul3A_277 = arith.muli %add3A_273, %mul3A_276 : i32
      %add3A_278 = arith.addi %mul3A_275, %mul3A_277 : i32
      "tpu.region"() ({
        %run_scoped3A = tpu.sem_alloc : memref<!tpu.dma_semaphore, #tpu.memory_space<semaphore_mem>>
        %dma_start3A_279 = arith.constant 0 : i32
        %dma_start3A_280 = arith.constant 0 : i32
        %dma_start3A_281 = tpu.memref_slice %arg8[%scan3A_7, %dma_start3A_279, %dma_start3A_280] : memref<4x128x32xf32, #tpu.memory_space<vmem>> -> memref<1x128x32xf32, #tpu.memory_space<vmem>>
        %dma_start3A_282 = tpu.memref_squeeze %dma_start3A_281 : memref<1x128x32xf32, #tpu.memory_space<vmem>> -> memref<128x32xf32, #tpu.memory_space<vmem>>
        %dma_start3A_283 = arith.constant 0 : i32
        %dma_start3A_284 = tpu.memref_slice %arg7[%add3A_278, %dma_start3A_283] : memref<10240x32xf32, #tpu.memory_space<vmem_shared>> -> memref<128x32xf32, #tpu.memory_space<vmem_shared>>
        %dma_start3A_285 = arith.constant 0 : i32
        %dma_start3A_286 = tpu.memref_slice %arg7[%add3A_278, %dma_start3A_285] : memref<10240x32xf32, #tpu.memory_space<vmem_shared>> -> memref<128x32xf32, #tpu.memory_space<vmem_shared>>
        %dma_start3A_287 = arith.constant 0 : i32
        %dma_start3A_288 = arith.constant 0 : i32
        %dma_start3A_289 = tpu.memref_slice %arg8[%scan3A_7, %dma_start3A_287, %dma_start3A_288] : memref<4x128x32xf32, #tpu.memory_space<vmem>> -> memref<1x128x32xf32, #tpu.memory_space<vmem>>
        %dma_start3A_290 = tpu.memref_squeeze %dma_start3A_289 : memref<1x128x32xf32, #tpu.memory_space<vmem>> -> memref<128x32xf32, #tpu.memory_space<vmem>>
        tpu.enqueue_dma source(%dma_start3A_290 : memref<128x32xf32, #tpu.memory_space<vmem>>) target(%dma_start3A_286 : memref<128x32xf32, #tpu.memory_space<vmem_shared>>) target_semaphore(%run_scoped3A : memref<!tpu.dma_semaphore, #tpu.memory_space<semaphore_mem>>)
        %dma_wait3A_291 = arith.constant 0 : i32
        %dma_wait3A_292 = arith.constant 0 : i32
        %dma_wait3A_293 = tpu.memref_slice %arg8[%scan3A_7, %dma_wait3A_291, %dma_wait3A_292] : memref<4x128x32xf32, #tpu.memory_space<vmem>> -> memref<1x128x32xf32, #tpu.memory_space<vmem>>
        %dma_wait3A_294 = tpu.memref_squeeze %dma_wait3A_293 : memref<1x128x32xf32, #tpu.memory_space<vmem>> -> memref<128x32xf32, #tpu.memory_space<vmem>>
        %dma_wait3A_295 = arith.constant 0 : i32
        %dma_wait3A_296 = tpu.memref_slice %arg7[%add3A_278, %dma_wait3A_295] : memref<10240x32xf32, #tpu.memory_space<vmem_shared>> -> memref<128x32xf32, #tpu.memory_space<vmem_shared>>
        %dma_wait3A_297 = arith.constant 0 : i32
        %dma_wait3A_298 = tpu.memref_slice %arg7[%add3A_278, %dma_wait3A_297] : memref<10240x32xf32, #tpu.memory_space<vmem_shared>> -> memref<128x32xf32, #tpu.memory_space<vmem_shared>>
        %dma_wait3A_299 = arith.constant 0 : i32
        %dma_wait3A_300 = arith.constant 0 : i32
        %dma_wait3A_301 = tpu.memref_slice %arg8[%scan3A_7, %dma_wait3A_299, %dma_wait3A_300] : memref<4x128x32xf32, #tpu.memory_space<vmem>> -> memref<1x128x32xf32, #tpu.memory_space<vmem>>
        %dma_wait3A_302 = tpu.memref_squeeze %dma_wait3A_301 : memref<1x128x32xf32, #tpu.memory_space<vmem>> -> memref<128x32xf32, #tpu.memory_space<vmem>>
        tpu.wait_dma2 semaphore(%run_scoped3A : memref<!tpu.dma_semaphore, #tpu.memory_space<semaphore_mem>>) src(%dma_wait3A_302 : memref<128x32xf32, #tpu.memory_space<vmem>>) dst(%dma_wait3A_298 : memref<128x32xf32, #tpu.memory_space<vmem_shared>>)
        tpu.yield
      }) : () -> ()
    }
    %scan3A_12 = arith.constant 5 : i32
    %mul3A_13 = arith.constant 640 : i32
    %mul3A_14 = arith.muli %arg1, %mul3A_13 : i32
    %mul3A_15 = arith.constant 640 : i32
    %mul3A_16 = arith.muli %arg1, %mul3A_15 : i32
    "tpu.region"() ({
      %run_scoped3A = tpu.sem_alloc : memref<!tpu.dma_semaphore, #tpu.memory_space<semaphore_mem>>
      %dma_start3A_269 = arith.constant 0 : i32
      %dma_start3A_270 = tpu.memref_slice %arg6[%mul3A_16, %dma_start3A_269] : memref<10240x32xf32, #tpu.memory_space<vmem_shared>> -> memref<640x32xf32, #tpu.memory_space<vmem_shared>>
      %dma_start3A_271 = arith.constant 0 : i32
      %dma_start3A_272 = tpu.memref_slice %arg2[%mul3A_14, %dma_start3A_271] : memref<10240x32xf32, #tpu.memory_space<hbm>> -> memref<640x32xf32, #tpu.memory_space<hbm>>
      tpu.enqueue_dma source(%dma_start3A_272 : memref<640x32xf32, #tpu.memory_space<hbm>>) target(%dma_start3A_270 : memref<640x32xf32, #tpu.memory_space<vmem_shared>>) target_semaphore(%run_scoped3A : memref<!tpu.dma_semaphore, #tpu.memory_space<semaphore_mem>>)
      %dma_wait3A_273 = arith.constant 0 : i32
      %dma_wait3A_274 = tpu.memref_slice %arg6[%mul3A_16, %dma_wait3A_273] : memref<10240x32xf32, #tpu.memory_space<vmem_shared>> -> memref<640x32xf32, #tpu.memory_space<vmem_shared>>
      %dma_wait3A_275 = arith.constant 0 : i32
      %dma_wait3A_276 = tpu.memref_slice %arg2[%mul3A_14, %dma_wait3A_275] : memref<10240x32xf32, #tpu.memory_space<hbm>> -> memref<640x32xf32, #tpu.memory_space<hbm>>
      tpu.wait_dma2 semaphore(%run_scoped3A : memref<!tpu.dma_semaphore, #tpu.memory_space<semaphore_mem>>) src(%dma_wait3A_276 : memref<640x32xf32, #tpu.memory_space<hbm>>) dst(%dma_wait3A_274 : memref<640x32xf32, #tpu.memory_space<vmem_shared>>)
      tpu.yield
    }) : () -> ()
    %mul3A_17 = arith.constant 80 : i32
    %mul3A_18 = arith.muli %add3A, %mul3A_17 : i32
    "tpu.region"() ({
      %run_scoped3A = tpu.sem_alloc : memref<!tpu.dma_semaphore, #tpu.memory_space<semaphore_mem>>
      %dma_start3A_269 = arith.constant 0 : i32
      %dma_start3A_270 = tpu.memref_slice %arg3[%mul3A_18, %dma_start3A_269] : memref<2560x128xi32, #tpu.memory_space<hbm>> -> memref<80x128xi32, #tpu.memory_space<hbm>>
      %dma_start3A_271 = arith.constant 0 : i32
      %dma_start3A_272 = tpu.memref_slice %arg3[%mul3A_18, %dma_start3A_271] : memref<2560x128xi32, #tpu.memory_space<hbm>> -> memref<80x128xi32, #tpu.memory_space<hbm>>
      tpu.enqueue_dma source(%dma_start3A_272 : memref<80x128xi32, #tpu.memory_space<hbm>>) target(%arg9 : memref<80x128xi32, #tpu.memory_space<vmem>>) target_semaphore(%run_scoped3A : memref<!tpu.dma_semaphore, #tpu.memory_space<semaphore_mem>>)
      %dma_wait3A_273 = arith.constant 0 : i32
      %dma_wait3A_274 = tpu.memref_slice %arg3[%mul3A_18, %dma_wait3A_273] : memref<2560x128xi32, #tpu.memory_space<hbm>> -> memref<80x128xi32, #tpu.memory_space<hbm>>
      %dma_wait3A_275 = arith.constant 0 : i32
      %dma_wait3A_276 = tpu.memref_slice %arg3[%mul3A_18, %dma_wait3A_275] : memref<2560x128xi32, #tpu.memory_space<hbm>> -> memref<80x128xi32, #tpu.memory_space<hbm>>
      tpu.wait_dma2 semaphore(%run_scoped3A : memref<!tpu.dma_semaphore, #tpu.memory_space<semaphore_mem>>) src(%dma_wait3A_276 : memref<80x128xi32, #tpu.memory_space<hbm>>) dst(%arg9 : memref<80x128xi32, #tpu.memory_space<vmem>>)
      tpu.yield
    }) : () -> ()
    %mul3A_19 = arith.constant 80 : i32
    %mul3A_20 = arith.muli %add3A, %mul3A_19 : i32
    "tpu.region"() ({
      %run_scoped3A = tpu.sem_alloc : memref<!tpu.dma_semaphore, #tpu.memory_space<semaphore_mem>>
      %dma_start3A_269 = arith.constant 0 : i32
      %dma_start3A_270 = tpu.memref_slice %arg4[%mul3A_20, %dma_start3A_269] : memref<2560x128xi32, #tpu.memory_space<hbm>> -> memref<80x128xi32, #tpu.memory_space<hbm>>
      %dma_start3A_271 = arith.constant 0 : i32
      %dma_start3A_272 = tpu.memref_slice %arg4[%mul3A_20, %dma_start3A_271] : memref<2560x128xi32, #tpu.memory_space<hbm>> -> memref<80x128xi32, #tpu.memory_space<hbm>>
      tpu.enqueue_dma source(%dma_start3A_272 : memref<80x128xi32, #tpu.memory_space<hbm>>) target(%arg10 : memref<80x128xi32, #tpu.memory_space<vmem>>) target_semaphore(%run_scoped3A : memref<!tpu.dma_semaphore, #tpu.memory_space<semaphore_mem>>)
      %dma_wait3A_273 = arith.constant 0 : i32
      %dma_wait3A_274 = tpu.memref_slice %arg4[%mul3A_20, %dma_wait3A_273] : memref<2560x128xi32, #tpu.memory_space<hbm>> -> memref<80x128xi32, #tpu.memory_space<hbm>>
      %dma_wait3A_275 = arith.constant 0 : i32
      %dma_wait3A_276 = tpu.memref_slice %arg4[%mul3A_20, %dma_wait3A_275] : memref<2560x128xi32, #tpu.memory_space<hbm>> -> memref<80x128xi32, #tpu.memory_space<hbm>>
      tpu.wait_dma2 semaphore(%run_scoped3A : memref<!tpu.dma_semaphore, #tpu.memory_space<semaphore_mem>>) src(%dma_wait3A_276 : memref<80x128xi32, #tpu.memory_space<hbm>>) dst(%arg10 : memref<80x128xi32, #tpu.memory_space<vmem>>)
      tpu.yield
    }) : () -> ()
    %barrier3A = arith.constant 0 : index
    tpu.barrier barrier_id(%barrier3A)
    %dma_start3A = arith.constant 0 : i32
    %dma_start3A_21 = arith.constant 0 : i32
    %dma_start3A_22 = arith.constant 0 : i32
    %dma_start3A_23 = arith.constant 0 : i32
    %dma_start3A_24 = arith.constant 0 : i32
    %dma_start3A_25 = tpu.memref_slice %arg8[%dma_start3A_21, %dma_start3A_23, %dma_start3A_24] : memref<4x128x32xf32, #tpu.memory_space<vmem>> -> memref<1x128x32xf32, #tpu.memory_space<vmem>>
    %dma_start3A_26 = tpu.memref_squeeze %dma_start3A_25 : memref<1x128x32xf32, #tpu.memory_space<vmem>> -> memref<128x32xf32, #tpu.memory_space<vmem>>
    %dma_start3A_27 = arith.constant 0 : i32
    %dma_start3A_28 = tpu.memref_slice %arg9[%dma_start3A, %dma_start3A_27] : memref<80x128xi32, #tpu.memory_space<vmem>> -> memref<1x128xi32, #tpu.memory_space<vmem>>
    %dma_start3A_29 = tpu.memref_squeeze %dma_start3A_28 : memref<1x128xi32, #tpu.memory_space<vmem>> -> memref<128xi32, #tpu.memory_space<vmem>>
    %dma_start3A_30 = arith.constant 0 : i32
    %dma_start3A_31 = arith.constant 0 : i32
    %dma_start3A_32 = tpu.memref_slice %arg6[%dma_start3A_30, %dma_start3A_31] : memref<10240x32xf32, #tpu.memory_space<vmem_shared>> -> memref<10240x32xf32, #tpu.memory_space<vmem_shared>>
    %dma_start3A_33 = tpu.memref_slice %arg11[%dma_start3A_22] : memref<4x!tpu.dma_semaphore, #tpu.memory_space<semaphore_mem>> -> memref<1x!tpu.dma_semaphore, #tpu.memory_space<semaphore_mem>>
    %dma_start3A_34 = tpu.memref_squeeze %dma_start3A_33 : memref<1x!tpu.dma_semaphore, #tpu.memory_space<semaphore_mem>> -> memref<!tpu.dma_semaphore, #tpu.memory_space<semaphore_mem>>
    tpu.enqueue_indirect_dma source(%dma_start3A_32 : memref<10240x32xf32, #tpu.memory_space<vmem_shared>>) target(%dma_start3A_26 : memref<128x32xf32, #tpu.memory_space<vmem>>) offsets(%dma_start3A_29 : memref<128xi32, #tpu.memory_space<vmem>>) semaphore(%dma_start3A_34 : memref<!tpu.dma_semaphore, #tpu.memory_space<semaphore_mem>>)
    %dma_start3A_35 = arith.constant 1 : i32
    %dma_start3A_36 = arith.constant 1 : i32
    %dma_start3A_37 = arith.constant 1 : i32
    %dma_start3A_38 = arith.constant 0 : i32
    %dma_start3A_39 = arith.constant 0 : i32
    %dma_start3A_40 = tpu.memref_slice %arg8[%dma_start3A_36, %dma_start3A_38, %dma_start3A_39] : memref<4x128x32xf32, #tpu.memory_space<vmem>> -> memref<1x128x32xf32, #tpu.memory_space<vmem>>
    %dma_start3A_41 = tpu.memref_squeeze %dma_start3A_40 : memref<1x128x32xf32, #tpu.memory_space<vmem>> -> memref<128x32xf32, #tpu.memory_space<vmem>>
    %dma_start3A_42 = arith.constant 0 : i32
    %dma_start3A_43 = tpu.memref_slice %arg9[%dma_start3A_35, %dma_start3A_42] : memref<80x128xi32, #tpu.memory_space<vmem>> -> memref<1x128xi32, #tpu.memory_space<vmem>>
    %dma_start3A_44 = tpu.memref_squeeze %dma_start3A_43 : memref<1x128xi32, #tpu.memory_space<vmem>> -> memref<128xi32, #tpu.memory_space<vmem>>
    %dma_start3A_45 = arith.constant 0 : i32
    %dma_start3A_46 = arith.constant 0 : i32
    %dma_start3A_47 = tpu.memref_slice %arg6[%dma_start3A_45, %dma_start3A_46] : memref<10240x32xf32, #tpu.memory_space<vmem_shared>> -> memref<10240x32xf32, #tpu.memory_space<vmem_shared>>
    %dma_start3A_48 = tpu.memref_slice %arg11[%dma_start3A_37] : memref<4x!tpu.dma_semaphore, #tpu.memory_space<semaphore_mem>> -> memref<1x!tpu.dma_semaphore, #tpu.memory_space<semaphore_mem>>
    %dma_start3A_49 = tpu.memref_squeeze %dma_start3A_48 : memref<1x!tpu.dma_semaphore, #tpu.memory_space<semaphore_mem>> -> memref<!tpu.dma_semaphore, #tpu.memory_space<semaphore_mem>>
    tpu.enqueue_indirect_dma source(%dma_start3A_47 : memref<10240x32xf32, #tpu.memory_space<vmem_shared>>) target(%dma_start3A_41 : memref<128x32xf32, #tpu.memory_space<vmem>>) offsets(%dma_start3A_44 : memref<128xi32, #tpu.memory_space<vmem>>) semaphore(%dma_start3A_49 : memref<!tpu.dma_semaphore, #tpu.memory_space<semaphore_mem>>)
    %dma_start3A_50 = arith.constant 2 : i32
    %dma_start3A_51 = arith.constant 2 : i32
    %dma_start3A_52 = arith.constant 2 : i32
    %dma_start3A_53 = arith.constant 0 : i32
    %dma_start3A_54 = arith.constant 0 : i32
    %dma_start3A_55 = tpu.memref_slice %arg8[%dma_start3A_51, %dma_start3A_53, %dma_start3A_54] : memref<4x128x32xf32, #tpu.memory_space<vmem>> -> memref<1x128x32xf32, #tpu.memory_space<vmem>>
    %dma_start3A_56 = tpu.memref_squeeze %dma_start3A_55 : memref<1x128x32xf32, #tpu.memory_space<vmem>> -> memref<128x32xf32, #tpu.memory_space<vmem>>
    %dma_start3A_57 = arith.constant 0 : i32
    %dma_start3A_58 = tpu.memref_slice %arg9[%dma_start3A_50, %dma_start3A_57] : memref<80x128xi32, #tpu.memory_space<vmem>> -> memref<1x128xi32, #tpu.memory_space<vmem>>
    %dma_start3A_59 = tpu.memref_squeeze %dma_start3A_58 : memref<1x128xi32, #tpu.memory_space<vmem>> -> memref<128xi32, #tpu.memory_space<vmem>>
    %dma_start3A_60 = arith.constant 0 : i32
    %dma_start3A_61 = arith.constant 0 : i32
    %dma_start3A_62 = tpu.memref_slice %arg6[%dma_start3A_60, %dma_start3A_61] : memref<10240x32xf32, #tpu.memory_space<vmem_shared>> -> memref<10240x32xf32, #tpu.memory_space<vmem_shared>>
    %dma_start3A_63 = tpu.memref_slice %arg11[%dma_start3A_52] : memref<4x!tpu.dma_semaphore, #tpu.memory_space<semaphore_mem>> -> memref<1x!tpu.dma_semaphore, #tpu.memory_space<semaphore_mem>>
    %dma_start3A_64 = tpu.memref_squeeze %dma_start3A_63 : memref<1x!tpu.dma_semaphore, #tpu.memory_space<semaphore_mem>> -> memref<!tpu.dma_semaphore, #tpu.memory_space<semaphore_mem>>
    tpu.enqueue_indirect_dma source(%dma_start3A_62 : memref<10240x32xf32, #tpu.memory_space<vmem_shared>>) target(%dma_start3A_56 : memref<128x32xf32, #tpu.memory_space<vmem>>) offsets(%dma_start3A_59 : memref<128xi32, #tpu.memory_space<vmem>>) semaphore(%dma_start3A_64 : memref<!tpu.dma_semaphore, #tpu.memory_space<semaphore_mem>>)
    %dma_start3A_65 = arith.constant 3 : i32
    %dma_start3A_66 = arith.constant 3 : i32
    %dma_start3A_67 = arith.constant 3 : i32
    %dma_start3A_68 = arith.constant 0 : i32
    %dma_start3A_69 = arith.constant 0 : i32
    %dma_start3A_70 = tpu.memref_slice %arg8[%dma_start3A_66, %dma_start3A_68, %dma_start3A_69] : memref<4x128x32xf32, #tpu.memory_space<vmem>> -> memref<1x128x32xf32, #tpu.memory_space<vmem>>
    %dma_start3A_71 = tpu.memref_squeeze %dma_start3A_70 : memref<1x128x32xf32, #tpu.memory_space<vmem>> -> memref<128x32xf32, #tpu.memory_space<vmem>>
    %dma_start3A_72 = arith.constant 0 : i32
    %dma_start3A_73 = tpu.memref_slice %arg9[%dma_start3A_65, %dma_start3A_72] : memref<80x128xi32, #tpu.memory_space<vmem>> -> memref<1x128xi32, #tpu.memory_space<vmem>>
    %dma_start3A_74 = tpu.memref_squeeze %dma_start3A_73 : memref<1x128xi32, #tpu.memory_space<vmem>> -> memref<128xi32, #tpu.memory_space<vmem>>
    %dma_start3A_75 = arith.constant 0 : i32
    %dma_start3A_76 = arith.constant 0 : i32
    %dma_start3A_77 = tpu.memref_slice %arg6[%dma_start3A_75, %dma_start3A_76] : memref<10240x32xf32, #tpu.memory_space<vmem_shared>> -> memref<10240x32xf32, #tpu.memory_space<vmem_shared>>
    %dma_start3A_78 = tpu.memref_slice %arg11[%dma_start3A_67] : memref<4x!tpu.dma_semaphore, #tpu.memory_space<semaphore_mem>> -> memref<1x!tpu.dma_semaphore, #tpu.memory_space<semaphore_mem>>
    %dma_start3A_79 = tpu.memref_squeeze %dma_start3A_78 : memref<1x!tpu.dma_semaphore, #tpu.memory_space<semaphore_mem>> -> memref<!tpu.dma_semaphore, #tpu.memory_space<semaphore_mem>>
    tpu.enqueue_indirect_dma source(%dma_start3A_77 : memref<10240x32xf32, #tpu.memory_space<vmem_shared>>) target(%dma_start3A_71 : memref<128x32xf32, #tpu.memory_space<vmem>>) offsets(%dma_start3A_74 : memref<128xi32, #tpu.memory_space<vmem>>) semaphore(%dma_start3A_79 : memref<!tpu.dma_semaphore, #tpu.memory_space<semaphore_mem>>)
    %scan3A_80 = arith.constant 0 : i32
    %scan3A_81 = arith.constant 19 : i32
    %scan3A_82 = arith.addi %scan3A_80, %scan3A_81 : i32
    %scan3A_83 = arith.constant 1 : i32
    scf.for %scan3A_269 = %scan3A_80 to %scan3A_82 step %scan3A_83  : i32 {
      %mul3A_270 = arith.constant 4 : i32
      %mul3A_271 = arith.muli %scan3A_269, %mul3A_270 : i32
      %add3A_272 = arith.constant 0 : i32
      %add3A_273 = arith.addi %add3A_272, %mul3A_271 : i32
      %dma_wait3A_274 = arith.constant 0 : i32
      %dma_wait3A_275 = arith.constant 0 : i32
      %dma_wait3A_276 = arith.constant 0 : i32
      %dma_wait3A_277 = arith.constant 0 : i32
      %dma_wait3A_278 = arith.constant 0 : i32
      %dma_wait3A_279 = tpu.memref_slice %arg8[%dma_wait3A_275, %dma_wait3A_277, %dma_wait3A_278] : memref<4x128x32xf32, #tpu.memory_space<vmem>> -> memref<1x128x32xf32, #tpu.memory_space<vmem>>
      %dma_wait3A_280 = tpu.memref_squeeze %dma_wait3A_279 : memref<1x128x32xf32, #tpu.memory_space<vmem>> -> memref<128x32xf32, #tpu.memory_space<vmem>>
      %dma_wait3A_281 = arith.constant 0 : i32
      %dma_wait3A_282 = tpu.memref_slice %arg9[%dma_wait3A_274, %dma_wait3A_281] : memref<80x128xi32, #tpu.memory_space<vmem>> -> memref<1x128xi32, #tpu.memory_space<vmem>>
      %dma_wait3A_283 = tpu.memref_squeeze %dma_wait3A_282 : memref<1x128xi32, #tpu.memory_space<vmem>> -> memref<128xi32, #tpu.memory_space<vmem>>
      %dma_wait3A_284 = arith.constant 0 : i32
      %dma_wait3A_285 = arith.constant 0 : i32
      %dma_wait3A_286 = tpu.memref_slice %arg6[%dma_wait3A_284, %dma_wait3A_285] : memref<10240x32xf32, #tpu.memory_space<vmem_shared>> -> memref<10240x32xf32, #tpu.memory_space<vmem_shared>>
      %dma_wait3A_287 = tpu.memref_slice %arg11[%dma_wait3A_276] : memref<4x!tpu.dma_semaphore, #tpu.memory_space<semaphore_mem>> -> memref<1x!tpu.dma_semaphore, #tpu.memory_space<semaphore_mem>>
      %dma_wait3A_288 = tpu.memref_squeeze %dma_wait3A_287 : memref<1x!tpu.dma_semaphore, #tpu.memory_space<semaphore_mem>> -> memref<!tpu.dma_semaphore, #tpu.memory_space<semaphore_mem>>
      tpu.wait_indirect_dma semaphore(%dma_wait3A_288 : memref<!tpu.dma_semaphore, #tpu.memory_space<semaphore_mem>>) src(%dma_wait3A_286 : memref<10240x32xf32, #tpu.memory_space<vmem_shared>>) dst(%dma_wait3A_280 : memref<128x32xf32, #tpu.memory_space<vmem>>)
      %add3A_289 = arith.constant 0 : i32
      %add3A_290 = arith.addi %add3A_273, %add3A_289 : i32
      %dma_start3A_291 = arith.constant 0 : i32
      %dma_start3A_292 = arith.constant 0 : i32
      %dma_start3A_293 = arith.constant 0 : i32
      %dma_start3A_294 = arith.constant 0 : i32
      %dma_start3A_295 = tpu.memref_slice %arg8[%dma_start3A_291, %dma_start3A_293, %dma_start3A_294] : memref<4x128x32xf32, #tpu.memory_space<vmem>> -> memref<1x128x32xf32, #tpu.memory_space<vmem>>
      %dma_start3A_296 = tpu.memref_squeeze %dma_start3A_295 : memref<1x128x32xf32, #tpu.memory_space<vmem>> -> memref<128x32xf32, #tpu.memory_space<vmem>>
      %dma_start3A_297 = arith.constant 0 : i32
      %dma_start3A_298 = tpu.memref_slice %arg10[%add3A_290, %dma_start3A_297] : memref<80x128xi32, #tpu.memory_space<vmem>> -> memref<1x128xi32, #tpu.memory_space<vmem>>
      %dma_start3A_299 = tpu.memref_squeeze %dma_start3A_298 : memref<1x128xi32, #tpu.memory_space<vmem>> -> memref<128xi32, #tpu.memory_space<vmem>>
      %dma_start3A_300 = arith.constant 0 : i32
      %dma_start3A_301 = arith.constant 0 : i32
      %dma_start3A_302 = tpu.memref_slice %arg7[%dma_start3A_300, %dma_start3A_301] : memref<10240x32xf32, #tpu.memory_space<vmem_shared>> -> memref<10240x32xf32, #tpu.memory_space<vmem_shared>>
      %dma_start3A_303 = tpu.memref_slice %arg12[%dma_start3A_292] : memref<4x!tpu.dma_semaphore, #tpu.memory_space<semaphore_mem>> -> memref<1x!tpu.dma_semaphore, #tpu.memory_space<semaphore_mem>>
      %dma_start3A_304 = tpu.memref_squeeze %dma_start3A_303 : memref<1x!tpu.dma_semaphore, #tpu.memory_space<semaphore_mem>> -> memref<!tpu.dma_semaphore, #tpu.memory_space<semaphore_mem>>
      tpu.enqueue_indirect_dma source(%dma_start3A_296 : memref<128x32xf32, #tpu.memory_space<vmem>>) target(%dma_start3A_302 : memref<10240x32xf32, #tpu.memory_space<vmem_shared>>) offsets(%dma_start3A_299 : memref<128xi32, #tpu.memory_space<vmem>>) semaphore(%dma_start3A_304 : memref<!tpu.dma_semaphore, #tpu.memory_space<semaphore_mem>>) {add = true}
      %dma_wait3A_305 = arith.constant 0 : i32
      %dma_wait3A_306 = arith.constant 1 : i32
      %dma_wait3A_307 = arith.constant 1 : i32
      %dma_wait3A_308 = arith.constant 0 : i32
      %dma_wait3A_309 = arith.constant 0 : i32
      %dma_wait3A_310 = tpu.memref_slice %arg8[%dma_wait3A_306, %dma_wait3A_308, %dma_wait3A_309] : memref<4x128x32xf32, #tpu.memory_space<vmem>> -> memref<1x128x32xf32, #tpu.memory_space<vmem>>
      %dma_wait3A_311 = tpu.memref_squeeze %dma_wait3A_310 : memref<1x128x32xf32, #tpu.memory_space<vmem>> -> memref<128x32xf32, #tpu.memory_space<vmem>>
      %dma_wait3A_312 = arith.constant 0 : i32
      %dma_wait3A_313 = tpu.memref_slice %arg9[%dma_wait3A_305, %dma_wait3A_312] : memref<80x128xi32, #tpu.memory_space<vmem>> -> memref<1x128xi32, #tpu.memory_space<vmem>>
      %dma_wait3A_314 = tpu.memref_squeeze %dma_wait3A_313 : memref<1x128xi32, #tpu.memory_space<vmem>> -> memref<128xi32, #tpu.memory_space<vmem>>
      %dma_wait3A_315 = arith.constant 0 : i32
      %dma_wait3A_316 = arith.constant 0 : i32
      %dma_wait3A_317 = tpu.memref_slice %arg6[%dma_wait3A_315, %dma_wait3A_316] : memref<10240x32xf32, #tpu.memory_space<vmem_shared>> -> memref<10240x32xf32, #tpu.memory_space<vmem_shared>>
      %dma_wait3A_318 = tpu.memref_slice %arg11[%dma_wait3A_307] : memref<4x!tpu.dma_semaphore, #tpu.memory_space<semaphore_mem>> -> memref<1x!tpu.dma_semaphore, #tpu.memory_space<semaphore_mem>>
      %dma_wait3A_319 = tpu.memref_squeeze %dma_wait3A_318 : memref<1x!tpu.dma_semaphore, #tpu.memory_space<semaphore_mem>> -> memref<!tpu.dma_semaphore, #tpu.memory_space<semaphore_mem>>
      tpu.wait_indirect_dma semaphore(%dma_wait3A_319 : memref<!tpu.dma_semaphore, #tpu.memory_space<semaphore_mem>>) src(%dma_wait3A_317 : memref<10240x32xf32, #tpu.memory_space<vmem_shared>>) dst(%dma_wait3A_311 : memref<128x32xf32, #tpu.memory_space<vmem>>)
      %add3A_320 = arith.constant 1 : i32
      %add3A_321 = arith.addi %add3A_273, %add3A_320 : i32
      %dma_start3A_322 = arith.constant 1 : i32
      %dma_start3A_323 = arith.constant 1 : i32
      %dma_start3A_324 = arith.constant 0 : i32
      %dma_start3A_325 = arith.constant 0 : i32
      %dma_start3A_326 = tpu.memref_slice %arg8[%dma_start3A_322, %dma_start3A_324, %dma_start3A_325] : memref<4x128x32xf32, #tpu.memory_space<vmem>> -> memref<1x128x32xf32, #tpu.memory_space<vmem>>
      %dma_start3A_327 = tpu.memref_squeeze %dma_start3A_326 : memref<1x128x32xf32, #tpu.memory_space<vmem>> -> memref<128x32xf32, #tpu.memory_space<vmem>>
      %dma_start3A_328 = arith.constant 0 : i32
      %dma_start3A_329 = tpu.memref_slice %arg10[%add3A_321, %dma_start3A_328] : memref<80x128xi32, #tpu.memory_space<vmem>> -> memref<1x128xi32, #tpu.memory_space<vmem>>
      %dma_start3A_330 = tpu.memref_squeeze %dma_start3A_329 : memref<1x128xi32, #tpu.memory_space<vmem>> -> memref<128xi32, #tpu.memory_space<vmem>>
      %dma_start3A_331 = arith.constant 0 : i32
      %dma_start3A_332 = arith.constant 0 : i32
      %dma_start3A_333 = tpu.memref_slice %arg7[%dma_start3A_331, %dma_start3A_332] : memref<10240x32xf32, #tpu.memory_space<vmem_shared>> -> memref<10240x32xf32, #tpu.memory_space<vmem_shared>>
      %dma_start3A_334 = tpu.memref_slice %arg12[%dma_start3A_323] : memref<4x!tpu.dma_semaphore, #tpu.memory_space<semaphore_mem>> -> memref<1x!tpu.dma_semaphore, #tpu.memory_space<semaphore_mem>>
      %dma_start3A_335 = tpu.memref_squeeze %dma_start3A_334 : memref<1x!tpu.dma_semaphore, #tpu.memory_space<semaphore_mem>> -> memref<!tpu.dma_semaphore, #tpu.memory_space<semaphore_mem>>
      tpu.enqueue_indirect_dma source(%dma_start3A_327 : memref<128x32xf32, #tpu.memory_space<vmem>>) target(%dma_start3A_333 : memref<10240x32xf32, #tpu.memory_space<vmem_shared>>) offsets(%dma_start3A_330 : memref<128xi32, #tpu.memory_space<vmem>>) semaphore(%dma_start3A_335 : memref<!tpu.dma_semaphore, #tpu.memory_space<semaphore_mem>>) {add = true}
      %dma_wait3A_336 = arith.constant 0 : i32
      %dma_wait3A_337 = arith.constant 2 : i32
      %dma_wait3A_338 = arith.constant 2 : i32
      %dma_wait3A_339 = arith.constant 0 : i32
      %dma_wait3A_340 = arith.constant 0 : i32
      %dma_wait3A_341 = tpu.memref_slice %arg8[%dma_wait3A_337, %dma_wait3A_339, %dma_wait3A_340] : memref<4x128x32xf32, #tpu.memory_space<vmem>> -> memref<1x128x32xf32, #tpu.memory_space<vmem>>
      %dma_wait3A_342 = tpu.memref_squeeze %dma_wait3A_341 : memref<1x128x32xf32, #tpu.memory_space<vmem>> -> memref<128x32xf32, #tpu.memory_space<vmem>>
      %dma_wait3A_343 = arith.constant 0 : i32
      %dma_wait3A_344 = tpu.memref_slice %arg9[%dma_wait3A_336, %dma_wait3A_343] : memref<80x128xi32, #tpu.memory_space<vmem>> -> memref<1x128xi32, #tpu.memory_space<vmem>>
      %dma_wait3A_345 = tpu.memref_squeeze %dma_wait3A_344 : memref<1x128xi32, #tpu.memory_space<vmem>> -> memref<128xi32, #tpu.memory_space<vmem>>
      %dma_wait3A_346 = arith.constant 0 : i32
      %dma_wait3A_347 = arith.constant 0 : i32
      %dma_wait3A_348 = tpu.memref_slice %arg6[%dma_wait3A_346, %dma_wait3A_347] : memref<10240x32xf32, #tpu.memory_space<vmem_shared>> -> memref<10240x32xf32, #tpu.memory_space<vmem_shared>>
      %dma_wait3A_349 = tpu.memref_slice %arg11[%dma_wait3A_338] : memref<4x!tpu.dma_semaphore, #tpu.memory_space<semaphore_mem>> -> memref<1x!tpu.dma_semaphore, #tpu.memory_space<semaphore_mem>>
      %dma_wait3A_350 = tpu.memref_squeeze %dma_wait3A_349 : memref<1x!tpu.dma_semaphore, #tpu.memory_space<semaphore_mem>> -> memref<!tpu.dma_semaphore, #tpu.memory_space<semaphore_mem>>
      tpu.wait_indirect_dma semaphore(%dma_wait3A_350 : memref<!tpu.dma_semaphore, #tpu.memory_space<semaphore_mem>>) src(%dma_wait3A_348 : memref<10240x32xf32, #tpu.memory_space<vmem_shared>>) dst(%dma_wait3A_342 : memref<128x32xf32, #tpu.memory_space<vmem>>)
      %add3A_351 = arith.constant 2 : i32
      %add3A_352 = arith.addi %add3A_273, %add3A_351 : i32
      %dma_start3A_353 = arith.constant 2 : i32
      %dma_start3A_354 = arith.constant 2 : i32
      %dma_start3A_355 = arith.constant 0 : i32
      %dma_start3A_356 = arith.constant 0 : i32
      %dma_start3A_357 = tpu.memref_slice %arg8[%dma_start3A_353, %dma_start3A_355, %dma_start3A_356] : memref<4x128x32xf32, #tpu.memory_space<vmem>> -> memref<1x128x32xf32, #tpu.memory_space<vmem>>
      %dma_start3A_358 = tpu.memref_squeeze %dma_start3A_357 : memref<1x128x32xf32, #tpu.memory_space<vmem>> -> memref<128x32xf32, #tpu.memory_space<vmem>>
      %dma_start3A_359 = arith.constant 0 : i32
      %dma_start3A_360 = tpu.memref_slice %arg10[%add3A_352, %dma_start3A_359] : memref<80x128xi32, #tpu.memory_space<vmem>> -> memref<1x128xi32, #tpu.memory_space<vmem>>
      %dma_start3A_361 = tpu.memref_squeeze %dma_start3A_360 : memref<1x128xi32, #tpu.memory_space<vmem>> -> memref<128xi32, #tpu.memory_space<vmem>>
      %dma_start3A_362 = arith.constant 0 : i32
      %dma_start3A_363 = arith.constant 0 : i32
      %dma_start3A_364 = tpu.memref_slice %arg7[%dma_start3A_362, %dma_start3A_363] : memref<10240x32xf32, #tpu.memory_space<vmem_shared>> -> memref<10240x32xf32, #tpu.memory_space<vmem_shared>>
      %dma_start3A_365 = tpu.memref_slice %arg12[%dma_start3A_354] : memref<4x!tpu.dma_semaphore, #tpu.memory_space<semaphore_mem>> -> memref<1x!tpu.dma_semaphore, #tpu.memory_space<semaphore_mem>>
      %dma_start3A_366 = tpu.memref_squeeze %dma_start3A_365 : memref<1x!tpu.dma_semaphore, #tpu.memory_space<semaphore_mem>> -> memref<!tpu.dma_semaphore, #tpu.memory_space<semaphore_mem>>
      tpu.enqueue_indirect_dma source(%dma_start3A_358 : memref<128x32xf32, #tpu.memory_space<vmem>>) target(%dma_start3A_364 : memref<10240x32xf32, #tpu.memory_space<vmem_shared>>) offsets(%dma_start3A_361 : memref<128xi32, #tpu.memory_space<vmem>>) semaphore(%dma_start3A_366 : memref<!tpu.dma_semaphore, #tpu.memory_space<semaphore_mem>>) {add = true}
      %dma_wait3A_367 = arith.constant 0 : i32
      %dma_wait3A_368 = arith.constant 3 : i32
      %dma_wait3A_369 = arith.constant 3 : i32
      %dma_wait3A_370 = arith.constant 0 : i32
      %dma_wait3A_371 = arith.constant 0 : i32
      %dma_wait3A_372 = tpu.memref_slice %arg8[%dma_wait3A_368, %dma_wait3A_370, %dma_wait3A_371] : memref<4x128x32xf32, #tpu.memory_space<vmem>> -> memref<1x128x32xf32, #tpu.memory_space<vmem>>
      %dma_wait3A_373 = tpu.memref_squeeze %dma_wait3A_372 : memref<1x128x32xf32, #tpu.memory_space<vmem>> -> memref<128x32xf32, #tpu.memory_space<vmem>>
      %dma_wait3A_374 = arith.constant 0 : i32
      %dma_wait3A_375 = tpu.memref_slice %arg9[%dma_wait3A_367, %dma_wait3A_374] : memref<80x128xi32, #tpu.memory_space<vmem>> -> memref<1x128xi32, #tpu.memory_space<vmem>>
      %dma_wait3A_376 = tpu.memref_squeeze %dma_wait3A_375 : memref<1x128xi32, #tpu.memory_space<vmem>> -> memref<128xi32, #tpu.memory_space<vmem>>
      %dma_wait3A_377 = arith.constant 0 : i32
      %dma_wait3A_378 = arith.constant 0 : i32
      %dma_wait3A_379 = tpu.memref_slice %arg6[%dma_wait3A_377, %dma_wait3A_378] : memref<10240x32xf32, #tpu.memory_space<vmem_shared>> -> memref<10240x32xf32, #tpu.memory_space<vmem_shared>>
      %dma_wait3A_380 = tpu.memref_slice %arg11[%dma_wait3A_369] : memref<4x!tpu.dma_semaphore, #tpu.memory_space<semaphore_mem>> -> memref<1x!tpu.dma_semaphore, #tpu.memory_space<semaphore_mem>>
      %dma_wait3A_381 = tpu.memref_squeeze %dma_wait3A_380 : memref<1x!tpu.dma_semaphore, #tpu.memory_space<semaphore_mem>> -> memref<!tpu.dma_semaphore, #tpu.memory_space<semaphore_mem>>
      tpu.wait_indirect_dma semaphore(%dma_wait3A_381 : memref<!tpu.dma_semaphore, #tpu.memory_space<semaphore_mem>>) src(%dma_wait3A_379 : memref<10240x32xf32, #tpu.memory_space<vmem_shared>>) dst(%dma_wait3A_373 : memref<128x32xf32, #tpu.memory_space<vmem>>)
      %add3A_382 = arith.constant 3 : i32
      %add3A_383 = arith.addi %add3A_273, %add3A_382 : i32
      %dma_start3A_384 = arith.constant 3 : i32
      %dma_start3A_385 = arith.constant 3 : i32
      %dma_start3A_386 = arith.constant 0 : i32
      %dma_start3A_387 = arith.constant 0 : i32
      %dma_start3A_388 = tpu.memref_slice %arg8[%dma_start3A_384, %dma_start3A_386, %dma_start3A_387] : memref<4x128x32xf32, #tpu.memory_space<vmem>> -> memref<1x128x32xf32, #tpu.memory_space<vmem>>
      %dma_start3A_389 = tpu.memref_squeeze %dma_start3A_388 : memref<1x128x32xf32, #tpu.memory_space<vmem>> -> memref<128x32xf32, #tpu.memory_space<vmem>>
      %dma_start3A_390 = arith.constant 0 : i32
      %dma_start3A_391 = tpu.memref_slice %arg10[%add3A_383, %dma_start3A_390] : memref<80x128xi32, #tpu.memory_space<vmem>> -> memref<1x128xi32, #tpu.memory_space<vmem>>
      %dma_start3A_392 = tpu.memref_squeeze %dma_start3A_391 : memref<1x128xi32, #tpu.memory_space<vmem>> -> memref<128xi32, #tpu.memory_space<vmem>>
      %dma_start3A_393 = arith.constant 0 : i32
      %dma_start3A_394 = arith.constant 0 : i32
      %dma_start3A_395 = tpu.memref_slice %arg7[%dma_start3A_393, %dma_start3A_394] : memref<10240x32xf32, #tpu.memory_space<vmem_shared>> -> memref<10240x32xf32, #tpu.memory_space<vmem_shared>>
      %dma_start3A_396 = tpu.memref_slice %arg12[%dma_start3A_385] : memref<4x!tpu.dma_semaphore, #tpu.memory_space<semaphore_mem>> -> memref<1x!tpu.dma_semaphore, #tpu.memory_space<semaphore_mem>>
      %dma_start3A_397 = tpu.memref_squeeze %dma_start3A_396 : memref<1x!tpu.dma_semaphore, #tpu.memory_space<semaphore_mem>> -> memref<!tpu.dma_semaphore, #tpu.memory_space<semaphore_mem>>
      tpu.enqueue_indirect_dma source(%dma_start3A_389 : memref<128x32xf32, #tpu.memory_space<vmem>>) target(%dma_start3A_395 : memref<10240x32xf32, #tpu.memory_space<vmem_shared>>) offsets(%dma_start3A_392 : memref<128xi32, #tpu.memory_space<vmem>>) semaphore(%dma_start3A_397 : memref<!tpu.dma_semaphore, #tpu.memory_space<semaphore_mem>>) {add = true}
      %dma_wait3A_398 = arith.constant 0 : i32
      %dma_wait3A_399 = arith.constant 0 : i32
      %dma_wait3A_400 = arith.constant 0 : i32
      %dma_wait3A_401 = arith.constant 0 : i32
      %dma_wait3A_402 = arith.constant 0 : i32
      %dma_wait3A_403 = tpu.memref_slice %arg8[%dma_wait3A_398, %dma_wait3A_401, %dma_wait3A_402] : memref<4x128x32xf32, #tpu.memory_space<vmem>> -> memref<1x128x32xf32, #tpu.memory_space<vmem>>
      %dma_wait3A_404 = tpu.memref_squeeze %dma_wait3A_403 : memref<1x128x32xf32, #tpu.memory_space<vmem>> -> memref<128x32xf32, #tpu.memory_space<vmem>>
      %dma_wait3A_405 = arith.constant 0 : i32
      %dma_wait3A_406 = tpu.memref_slice %arg10[%dma_wait3A_399, %dma_wait3A_405] : memref<80x128xi32, #tpu.memory_space<vmem>> -> memref<1x128xi32, #tpu.memory_space<vmem>>
      %dma_wait3A_407 = tpu.memref_squeeze %dma_wait3A_406 : memref<1x128xi32, #tpu.memory_space<vmem>> -> memref<128xi32, #tpu.memory_space<vmem>>
      %dma_wait3A_408 = arith.constant 0 : i32
      %dma_wait3A_409 = arith.constant 0 : i32
      %dma_wait3A_410 = tpu.memref_slice %arg7[%dma_wait3A_408, %dma_wait3A_409] : memref<10240x32xf32, #tpu.memory_space<vmem_shared>> -> memref<10240x32xf32, #tpu.memory_space<vmem_shared>>
      %dma_wait3A_411 = tpu.memref_slice %arg12[%dma_wait3A_400] : memref<4x!tpu.dma_semaphore, #tpu.memory_space<semaphore_mem>> -> memref<1x!tpu.dma_semaphore, #tpu.memory_space<semaphore_mem>>
      %dma_wait3A_412 = tpu.memref_squeeze %dma_wait3A_411 : memref<1x!tpu.dma_semaphore, #tpu.memory_space<semaphore_mem>> -> memref<!tpu.dma_semaphore, #tpu.memory_space<semaphore_mem>>
      tpu.wait_indirect_dma semaphore(%dma_wait3A_412 : memref<!tpu.dma_semaphore, #tpu.memory_space<semaphore_mem>>) src(%dma_wait3A_404 : memref<128x32xf32, #tpu.memory_space<vmem>>) dst(%dma_wait3A_410 : memref<10240x32xf32, #tpu.memory_space<vmem_shared>>)
      %add3A_413 = arith.constant 4 : i32
      %add3A_414 = arith.addi %add3A_273, %add3A_413 : i32
      %add3A_415 = arith.constant 0 : i32
      %add3A_416 = arith.addi %add3A_414, %add3A_415 : i32
      %dma_start3A_417 = arith.constant 0 : i32
      %dma_start3A_418 = arith.constant 0 : i32
      %dma_start3A_419 = arith.constant 0 : i32
      %dma_start3A_420 = arith.constant 0 : i32
      %dma_start3A_421 = tpu.memref_slice %arg8[%dma_start3A_417, %dma_start3A_419, %dma_start3A_420] : memref<4x128x32xf32, #tpu.memory_space<vmem>> -> memref<1x128x32xf32, #tpu.memory_space<vmem>>
      %dma_start3A_422 = tpu.memref_squeeze %dma_start3A_421 : memref<1x128x32xf32, #tpu.memory_space<vmem>> -> memref<128x32xf32, #tpu.memory_space<vmem>>
      %dma_start3A_423 = arith.constant 0 : i32
      %dma_start3A_424 = tpu.memref_slice %arg9[%add3A_416, %dma_start3A_423] : memref<80x128xi32, #tpu.memory_space<vmem>> -> memref<1x128xi32, #tpu.memory_space<vmem>>
      %dma_start3A_425 = tpu.memref_squeeze %dma_start3A_424 : memref<1x128xi32, #tpu.memory_space<vmem>> -> memref<128xi32, #tpu.memory_space<vmem>>
      %dma_start3A_426 = arith.constant 0 : i32
      %dma_start3A_427 = arith.constant 0 : i32
      %dma_start3A_428 = tpu.memref_slice %arg6[%dma_start3A_426, %dma_start3A_427] : memref<10240x32xf32, #tpu.memory_space<vmem_shared>> -> memref<10240x32xf32, #tpu.memory_space<vmem_shared>>
      %dma_start3A_429 = tpu.memref_slice %arg11[%dma_start3A_418] : memref<4x!tpu.dma_semaphore, #tpu.memory_space<semaphore_mem>> -> memref<1x!tpu.dma_semaphore, #tpu.memory_space<semaphore_mem>>
      %dma_start3A_430 = tpu.memref_squeeze %dma_start3A_429 : memref<1x!tpu.dma_semaphore, #tpu.memory_space<semaphore_mem>> -> memref<!tpu.dma_semaphore, #tpu.memory_space<semaphore_mem>>
      tpu.enqueue_indirect_dma source(%dma_start3A_428 : memref<10240x32xf32, #tpu.memory_space<vmem_shared>>) target(%dma_start3A_422 : memref<128x32xf32, #tpu.memory_space<vmem>>) offsets(%dma_start3A_425 : memref<128xi32, #tpu.memory_space<vmem>>) semaphore(%dma_start3A_430 : memref<!tpu.dma_semaphore, #tpu.memory_space<semaphore_mem>>)
      %dma_wait3A_431 = arith.constant 1 : i32
      %dma_wait3A_432 = arith.constant 0 : i32
      %dma_wait3A_433 = arith.constant 1 : i32
      %dma_wait3A_434 = arith.constant 0 : i32
      %dma_wait3A_435 = arith.constant 0 : i32
      %dma_wait3A_436 = tpu.memref_slice %arg8[%dma_wait3A_431, %dma_wait3A_434, %dma_wait3A_435] : memref<4x128x32xf32, #tpu.memory_space<vmem>> -> memref<1x128x32xf32, #tpu.memory_space<vmem>>
      %dma_wait3A_437 = tpu.memref_squeeze %dma_wait3A_436 : memref<1x128x32xf32, #tpu.memory_space<vmem>> -> memref<128x32xf32, #tpu.memory_space<vmem>>
      %dma_wait3A_438 = arith.constant 0 : i32
      %dma_wait3A_439 = tpu.memref_slice %arg10[%dma_wait3A_432, %dma_wait3A_438] : memref<80x128xi32, #tpu.memory_space<vmem>> -> memref<1x128xi32, #tpu.memory_space<vmem>>
      %dma_wait3A_440 = tpu.memref_squeeze %dma_wait3A_439 : memref<1x128xi32, #tpu.memory_space<vmem>> -> memref<128xi32, #tpu.memory_space<vmem>>
      %dma_wait3A_441 = arith.constant 0 : i32
      %dma_wait3A_442 = arith.constant 0 : i32
      %dma_wait3A_443 = tpu.memref_slice %arg7[%dma_wait3A_441, %dma_wait3A_442] : memref<10240x32xf32, #tpu.memory_space<vmem_shared>> -> memref<10240x32xf32, #tpu.memory_space<vmem_shared>>
      %dma_wait3A_444 = tpu.memref_slice %arg12[%dma_wait3A_433] : memref<4x!tpu.dma_semaphore, #tpu.memory_space<semaphore_mem>> -> memref<1x!tpu.dma_semaphore, #tpu.memory_space<semaphore_mem>>
      %dma_wait3A_445 = tpu.memref_squeeze %dma_wait3A_444 : memref<1x!tpu.dma_semaphore, #tpu.memory_space<semaphore_mem>> -> memref<!tpu.dma_semaphore, #tpu.memory_space<semaphore_mem>>
      tpu.wait_indirect_dma semaphore(%dma_wait3A_445 : memref<!tpu.dma_semaphore, #tpu.memory_space<semaphore_mem>>) src(%dma_wait3A_437 : memref<128x32xf32, #tpu.memory_space<vmem>>) dst(%dma_wait3A_443 : memref<10240x32xf32, #tpu.memory_space<vmem_shared>>)
      %add3A_446 = arith.constant 4 : i32
      %add3A_447 = arith.addi %add3A_273, %add3A_446 : i32
      %add3A_448 = arith.constant 1 : i32
      %add3A_449 = arith.addi %add3A_447, %add3A_448 : i32
      %dma_start3A_450 = arith.constant 1 : i32
      %dma_start3A_451 = arith.constant 1 : i32
      %dma_start3A_452 = arith.constant 0 : i32
      %dma_start3A_453 = arith.constant 0 : i32
      %dma_start3A_454 = tpu.memref_slice %arg8[%dma_start3A_450, %dma_start3A_452, %dma_start3A_453] : memref<4x128x32xf32, #tpu.memory_space<vmem>> -> memref<1x128x32xf32, #tpu.memory_space<vmem>>
      %dma_start3A_455 = tpu.memref_squeeze %dma_start3A_454 : memref<1x128x32xf32, #tpu.memory_space<vmem>> -> memref<128x32xf32, #tpu.memory_space<vmem>>
      %dma_start3A_456 = arith.constant 0 : i32
      %dma_start3A_457 = tpu.memref_slice %arg9[%add3A_449, %dma_start3A_456] : memref<80x128xi32, #tpu.memory_space<vmem>> -> memref<1x128xi32, #tpu.memory_space<vmem>>
      %dma_start3A_458 = tpu.memref_squeeze %dma_start3A_457 : memref<1x128xi32, #tpu.memory_space<vmem>> -> memref<128xi32, #tpu.memory_space<vmem>>
      %dma_start3A_459 = arith.constant 0 : i32
      %dma_start3A_460 = arith.constant 0 : i32
      %dma_start3A_461 = tpu.memref_slice %arg6[%dma_start3A_459, %dma_start3A_460] : memref<10240x32xf32, #tpu.memory_space<vmem_shared>> -> memref<10240x32xf32, #tpu.memory_space<vmem_shared>>
      %dma_start3A_462 = tpu.memref_slice %arg11[%dma_start3A_451] : memref<4x!tpu.dma_semaphore, #tpu.memory_space<semaphore_mem>> -> memref<1x!tpu.dma_semaphore, #tpu.memory_space<semaphore_mem>>
      %dma_start3A_463 = tpu.memref_squeeze %dma_start3A_462 : memref<1x!tpu.dma_semaphore, #tpu.memory_space<semaphore_mem>> -> memref<!tpu.dma_semaphore, #tpu.memory_space<semaphore_mem>>
      tpu.enqueue_indirect_dma source(%dma_start3A_461 : memref<10240x32xf32, #tpu.memory_space<vmem_shared>>) target(%dma_start3A_455 : memref<128x32xf32, #tpu.memory_space<vmem>>) offsets(%dma_start3A_458 : memref<128xi32, #tpu.memory_space<vmem>>) semaphore(%dma_start3A_463 : memref<!tpu.dma_semaphore, #tpu.memory_space<semaphore_mem>>)
      %dma_wait3A_464 = arith.constant 2 : i32
      %dma_wait3A_465 = arith.constant 0 : i32
      %dma_wait3A_466 = arith.constant 2 : i32
      %dma_wait3A_467 = arith.constant 0 : i32
      %dma_wait3A_468 = arith.constant 0 : i32
      %dma_wait3A_469 = tpu.memref_slice %arg8[%dma_wait3A_464, %dma_wait3A_467, %dma_wait3A_468] : memref<4x128x32xf32, #tpu.memory_space<vmem>> -> memref<1x128x32xf32, #tpu.memory_space<vmem>>
      %dma_wait3A_470 = tpu.memref_squeeze %dma_wait3A_469 : memref<1x128x32xf32, #tpu.memory_space<vmem>> -> memref<128x32xf32, #tpu.memory_space<vmem>>
      %dma_wait3A_471 = arith.constant 0 : i32
      %dma_wait3A_472 = tpu.memref_slice %arg10[%dma_wait3A_465, %dma_wait3A_471] : memref<80x128xi32, #tpu.memory_space<vmem>> -> memref<1x128xi32, #tpu.memory_space<vmem>>
      %dma_wait3A_473 = tpu.memref_squeeze %dma_wait3A_472 : memref<1x128xi32, #tpu.memory_space<vmem>> -> memref<128xi32, #tpu.memory_space<vmem>>
      %dma_wait3A_474 = arith.constant 0 : i32
      %dma_wait3A_475 = arith.constant 0 : i32
      %dma_wait3A_476 = tpu.memref_slice %arg7[%dma_wait3A_474, %dma_wait3A_475] : memref<10240x32xf32, #tpu.memory_space<vmem_shared>> -> memref<10240x32xf32, #tpu.memory_space<vmem_shared>>
      %dma_wait3A_477 = tpu.memref_slice %arg12[%dma_wait3A_466] : memref<4x!tpu.dma_semaphore, #tpu.memory_space<semaphore_mem>> -> memref<1x!tpu.dma_semaphore, #tpu.memory_space<semaphore_mem>>
      %dma_wait3A_478 = tpu.memref_squeeze %dma_wait3A_477 : memref<1x!tpu.dma_semaphore, #tpu.memory_space<semaphore_mem>> -> memref<!tpu.dma_semaphore, #tpu.memory_space<semaphore_mem>>
      tpu.wait_indirect_dma semaphore(%dma_wait3A_478 : memref<!tpu.dma_semaphore, #tpu.memory_space<semaphore_mem>>) src(%dma_wait3A_470 : memref<128x32xf32, #tpu.memory_space<vmem>>) dst(%dma_wait3A_476 : memref<10240x32xf32, #tpu.memory_space<vmem_shared>>)
      %add3A_479 = arith.constant 4 : i32
      %add3A_480 = arith.addi %add3A_273, %add3A_479 : i32
      %add3A_481 = arith.constant 2 : i32
      %add3A_482 = arith.addi %add3A_480, %add3A_481 : i32
      %dma_start3A_483 = arith.constant 2 : i32
      %dma_start3A_484 = arith.constant 2 : i32
      %dma_start3A_485 = arith.constant 0 : i32
      %dma_start3A_486 = arith.constant 0 : i32
      %dma_start3A_487 = tpu.memref_slice %arg8[%dma_start3A_483, %dma_start3A_485, %dma_start3A_486] : memref<4x128x32xf32, #tpu.memory_space<vmem>> -> memref<1x128x32xf32, #tpu.memory_space<vmem>>
      %dma_start3A_488 = tpu.memref_squeeze %dma_start3A_487 : memref<1x128x32xf32, #tpu.memory_space<vmem>> -> memref<128x32xf32, #tpu.memory_space<vmem>>
      %dma_start3A_489 = arith.constant 0 : i32
      %dma_start3A_490 = tpu.memref_slice %arg9[%add3A_482, %dma_start3A_489] : memref<80x128xi32, #tpu.memory_space<vmem>> -> memref<1x128xi32, #tpu.memory_space<vmem>>
      %dma_start3A_491 = tpu.memref_squeeze %dma_start3A_490 : memref<1x128xi32, #tpu.memory_space<vmem>> -> memref<128xi32, #tpu.memory_space<vmem>>
      %dma_start3A_492 = arith.constant 0 : i32
      %dma_start3A_493 = arith.constant 0 : i32
      %dma_start3A_494 = tpu.memref_slice %arg6[%dma_start3A_492, %dma_start3A_493] : memref<10240x32xf32, #tpu.memory_space<vmem_shared>> -> memref<10240x32xf32, #tpu.memory_space<vmem_shared>>
      %dma_start3A_495 = tpu.memref_slice %arg11[%dma_start3A_484] : memref<4x!tpu.dma_semaphore, #tpu.memory_space<semaphore_mem>> -> memref<1x!tpu.dma_semaphore, #tpu.memory_space<semaphore_mem>>
      %dma_start3A_496 = tpu.memref_squeeze %dma_start3A_495 : memref<1x!tpu.dma_semaphore, #tpu.memory_space<semaphore_mem>> -> memref<!tpu.dma_semaphore, #tpu.memory_space<semaphore_mem>>
      tpu.enqueue_indirect_dma source(%dma_start3A_494 : memref<10240x32xf32, #tpu.memory_space<vmem_shared>>) target(%dma_start3A_488 : memref<128x32xf32, #tpu.memory_space<vmem>>) offsets(%dma_start3A_491 : memref<128xi32, #tpu.memory_space<vmem>>) semaphore(%dma_start3A_496 : memref<!tpu.dma_semaphore, #tpu.memory_space<semaphore_mem>>)
      %dma_wait3A_497 = arith.constant 3 : i32
      %dma_wait3A_498 = arith.constant 0 : i32
      %dma_wait3A_499 = arith.constant 3 : i32
      %dma_wait3A_500 = arith.constant 0 : i32
      %dma_wait3A_501 = arith.constant 0 : i32
      %dma_wait3A_502 = tpu.memref_slice %arg8[%dma_wait3A_497, %dma_wait3A_500, %dma_wait3A_501] : memref<4x128x32xf32, #tpu.memory_space<vmem>> -> memref<1x128x32xf32, #tpu.memory_space<vmem>>
      %dma_wait3A_503 = tpu.memref_squeeze %dma_wait3A_502 : memref<1x128x32xf32, #tpu.memory_space<vmem>> -> memref<128x32xf32, #tpu.memory_space<vmem>>
      %dma_wait3A_504 = arith.constant 0 : i32
      %dma_wait3A_505 = tpu.memref_slice %arg10[%dma_wait3A_498, %dma_wait3A_504] : memref<80x128xi32, #tpu.memory_space<vmem>> -> memref<1x128xi32, #tpu.memory_space<vmem>>
      %dma_wait3A_506 = tpu.memref_squeeze %dma_wait3A_505 : memref<1x128xi32, #tpu.memory_space<vmem>> -> memref<128xi32, #tpu.memory_space<vmem>>
      %dma_wait3A_507 = arith.constant 0 : i32
      %dma_wait3A_508 = arith.constant 0 : i32
      %dma_wait3A_509 = tpu.memref_slice %arg7[%dma_wait3A_507, %dma_wait3A_508] : memref<10240x32xf32, #tpu.memory_space<vmem_shared>> -> memref<10240x32xf32, #tpu.memory_space<vmem_shared>>
      %dma_wait3A_510 = tpu.memref_slice %arg12[%dma_wait3A_499] : memref<4x!tpu.dma_semaphore, #tpu.memory_space<semaphore_mem>> -> memref<1x!tpu.dma_semaphore, #tpu.memory_space<semaphore_mem>>
      %dma_wait3A_511 = tpu.memref_squeeze %dma_wait3A_510 : memref<1x!tpu.dma_semaphore, #tpu.memory_space<semaphore_mem>> -> memref<!tpu.dma_semaphore, #tpu.memory_space<semaphore_mem>>
      tpu.wait_indirect_dma semaphore(%dma_wait3A_511 : memref<!tpu.dma_semaphore, #tpu.memory_space<semaphore_mem>>) src(%dma_wait3A_503 : memref<128x32xf32, #tpu.memory_space<vmem>>) dst(%dma_wait3A_509 : memref<10240x32xf32, #tpu.memory_space<vmem_shared>>)
      %add3A_512 = arith.constant 4 : i32
      %add3A_513 = arith.addi %add3A_273, %add3A_512 : i32
      %add3A_514 = arith.constant 3 : i32
      %add3A_515 = arith.addi %add3A_513, %add3A_514 : i32
      %dma_start3A_516 = arith.constant 3 : i32
      %dma_start3A_517 = arith.constant 3 : i32
      %dma_start3A_518 = arith.constant 0 : i32
      %dma_start3A_519 = arith.constant 0 : i32
      %dma_start3A_520 = tpu.memref_slice %arg8[%dma_start3A_516, %dma_start3A_518, %dma_start3A_519] : memref<4x128x32xf32, #tpu.memory_space<vmem>> -> memref<1x128x32xf32, #tpu.memory_space<vmem>>
      %dma_start3A_521 = tpu.memref_squeeze %dma_start3A_520 : memref<1x128x32xf32, #tpu.memory_space<vmem>> -> memref<128x32xf32, #tpu.memory_space<vmem>>
      %dma_start3A_522 = arith.constant 0 : i32
      %dma_start3A_523 = tpu.memref_slice %arg9[%add3A_515, %dma_start3A_522] : memref<80x128xi32, #tpu.memory_space<vmem>> -> memref<1x128xi32, #tpu.memory_space<vmem>>
      %dma_start3A_524 = tpu.memref_squeeze %dma_start3A_523 : memref<1x128xi32, #tpu.memory_space<vmem>> -> memref<128xi32, #tpu.memory_space<vmem>>
      %dma_start3A_525 = arith.constant 0 : i32
      %dma_start3A_526 = arith.constant 0 : i32
      %dma_start3A_527 = tpu.memref_slice %arg6[%dma_start3A_525, %dma_start3A_526] : memref<10240x32xf32, #tpu.memory_space<vmem_shared>> -> memref<10240x32xf32, #tpu.memory_space<vmem_shared>>
      %dma_start3A_528 = tpu.memref_slice %arg11[%dma_start3A_517] : memref<4x!tpu.dma_semaphore, #tpu.memory_space<semaphore_mem>> -> memref<1x!tpu.dma_semaphore, #tpu.memory_space<semaphore_mem>>
      %dma_start3A_529 = tpu.memref_squeeze %dma_start3A_528 : memref<1x!tpu.dma_semaphore, #tpu.memory_space<semaphore_mem>> -> memref<!tpu.dma_semaphore, #tpu.memory_space<semaphore_mem>>
      tpu.enqueue_indirect_dma source(%dma_start3A_527 : memref<10240x32xf32, #tpu.memory_space<vmem_shared>>) target(%dma_start3A_521 : memref<128x32xf32, #tpu.memory_space<vmem>>) offsets(%dma_start3A_524 : memref<128xi32, #tpu.memory_space<vmem>>) semaphore(%dma_start3A_529 : memref<!tpu.dma_semaphore, #tpu.memory_space<semaphore_mem>>)
    }
    %scan3A_84 = arith.constant 19 : i32
    %dma_wait3A = arith.constant 0 : i32
    %dma_wait3A_85 = arith.constant 0 : i32
    %dma_wait3A_86 = arith.constant 0 : i32
    %dma_wait3A_87 = arith.constant 0 : i32
    %dma_wait3A_88 = arith.constant 0 : i32
    %dma_wait3A_89 = tpu.memref_slice %arg8[%dma_wait3A_85, %dma_wait3A_87, %dma_wait3A_88] : memref<4x128x32xf32, #tpu.memory_space<vmem>> -> memref<1x128x32xf32, #tpu.memory_space<vmem>>
    %dma_wait3A_90 = tpu.memref_squeeze %dma_wait3A_89 : memref<1x128x32xf32, #tpu.memory_space<vmem>> -> memref<128x32xf32, #tpu.memory_space<vmem>>
    %dma_wait3A_91 = arith.constant 0 : i32
    %dma_wait3A_92 = tpu.memref_slice %arg9[%dma_wait3A, %dma_wait3A_91] : memref<80x128xi32, #tpu.memory_space<vmem>> -> memref<1x128xi32, #tpu.memory_space<vmem>>
    %dma_wait3A_93 = tpu.memref_squeeze %dma_wait3A_92 : memref<1x128xi32, #tpu.memory_space<vmem>> -> memref<128xi32, #tpu.memory_space<vmem>>
    %dma_wait3A_94 = arith.constant 0 : i32
    %dma_wait3A_95 = arith.constant 0 : i32
    %dma_wait3A_96 = tpu.memref_slice %arg6[%dma_wait3A_94, %dma_wait3A_95] : memref<10240x32xf32, #tpu.memory_space<vmem_shared>> -> memref<10240x32xf32, #tpu.memory_space<vmem_shared>>
    %dma_wait3A_97 = tpu.memref_slice %arg11[%dma_wait3A_86] : memref<4x!tpu.dma_semaphore, #tpu.memory_space<semaphore_mem>> -> memref<1x!tpu.dma_semaphore, #tpu.memory_space<semaphore_mem>>
    %dma_wait3A_98 = tpu.memref_squeeze %dma_wait3A_97 : memref<1x!tpu.dma_semaphore, #tpu.memory_space<semaphore_mem>> -> memref<!tpu.dma_semaphore, #tpu.memory_space<semaphore_mem>>
    tpu.wait_indirect_dma semaphore(%dma_wait3A_98 : memref<!tpu.dma_semaphore, #tpu.memory_space<semaphore_mem>>) src(%dma_wait3A_96 : memref<10240x32xf32, #tpu.memory_space<vmem_shared>>) dst(%dma_wait3A_90 : memref<128x32xf32, #tpu.memory_space<vmem>>)
    %dma_start3A_99 = arith.constant 0 : i32
    %dma_start3A_100 = arith.constant 76 : i32
    %dma_start3A_101 = arith.constant 0 : i32
    %dma_start3A_102 = arith.constant 0 : i32
    %dma_start3A_103 = arith.constant 0 : i32
    %dma_start3A_104 = tpu.memref_slice %arg8[%dma_start3A_99, %dma_start3A_102, %dma_start3A_103] : memref<4x128x32xf32, #tpu.memory_space<vmem>> -> memref<1x128x32xf32, #tpu.memory_space<vmem>>
    %dma_start3A_105 = tpu.memref_squeeze %dma_start3A_104 : memref<1x128x32xf32, #tpu.memory_space<vmem>> -> memref<128x32xf32, #tpu.memory_space<vmem>>
    %dma_start3A_106 = arith.constant 0 : i32
    %dma_start3A_107 = tpu.memref_slice %arg10[%dma_start3A_100, %dma_start3A_106] : memref<80x128xi32, #tpu.memory_space<vmem>> -> memref<1x128xi32, #tpu.memory_space<vmem>>
    %dma_start3A_108 = tpu.memref_squeeze %dma_start3A_107 : memref<1x128xi32, #tpu.memory_space<vmem>> -> memref<128xi32, #tpu.memory_space<vmem>>
    %dma_start3A_109 = arith.constant 0 : i32
    %dma_start3A_110 = arith.constant 0 : i32
    %dma_start3A_111 = tpu.memref_slice %arg7[%dma_start3A_109, %dma_start3A_110] : memref<10240x32xf32, #tpu.memory_space<vmem_shared>> -> memref<10240x32xf32, #tpu.memory_space<vmem_shared>>
    %dma_start3A_112 = tpu.memref_slice %arg12[%dma_start3A_101] : memref<4x!tpu.dma_semaphore, #tpu.memory_space<semaphore_mem>> -> memref<1x!tpu.dma_semaphore, #tpu.memory_space<semaphore_mem>>
    %dma_start3A_113 = tpu.memref_squeeze %dma_start3A_112 : memref<1x!tpu.dma_semaphore, #tpu.memory_space<semaphore_mem>> -> memref<!tpu.dma_semaphore, #tpu.memory_space<semaphore_mem>>
    tpu.enqueue_indirect_dma source(%dma_start3A_105 : memref<128x32xf32, #tpu.memory_space<vmem>>) target(%dma_start3A_111 : memref<10240x32xf32, #tpu.memory_space<vmem_shared>>) offsets(%dma_start3A_108 : memref<128xi32, #tpu.memory_space<vmem>>) semaphore(%dma_start3A_113 : memref<!tpu.dma_semaphore, #tpu.memory_space<semaphore_mem>>) {add = true}
    %dma_wait3A_114 = arith.constant 0 : i32
    %dma_wait3A_115 = arith.constant 1 : i32
    %dma_wait3A_116 = arith.constant 1 : i32
    %dma_wait3A_117 = arith.constant 0 : i32
    %dma_wait3A_118 = arith.constant 0 : i32
    %dma_wait3A_119 = tpu.memref_slice %arg8[%dma_wait3A_115, %dma_wait3A_117, %dma_wait3A_118] : memref<4x128x32xf32, #tpu.memory_space<vmem>> -> memref<1x128x32xf32, #tpu.memory_space<vmem>>
    %dma_wait3A_120 = tpu.memref_squeeze %dma_wait3A_119 : memref<1x128x32xf32, #tpu.memory_space<vmem>> -> memref<128x32xf32, #tpu.memory_space<vmem>>
    %dma_wait3A_121 = arith.constant 0 : i32
    %dma_wait3A_122 = tpu.memref_slice %arg9[%dma_wait3A_114, %dma_wait3A_121] : memref<80x128xi32, #tpu.memory_space<vmem>> -> memref<1x128xi32, #tpu.memory_space<vmem>>
    %dma_wait3A_123 = tpu.memref_squeeze %dma_wait3A_122 : memref<1x128xi32, #tpu.memory_space<vmem>> -> memref<128xi32, #tpu.memory_space<vmem>>
    %dma_wait3A_124 = arith.constant 0 : i32
    %dma_wait3A_125 = arith.constant 0 : i32
    %dma_wait3A_126 = tpu.memref_slice %arg6[%dma_wait3A_124, %dma_wait3A_125] : memref<10240x32xf32, #tpu.memory_space<vmem_shared>> -> memref<10240x32xf32, #tpu.memory_space<vmem_shared>>
    %dma_wait3A_127 = tpu.memref_slice %arg11[%dma_wait3A_116] : memref<4x!tpu.dma_semaphore, #tpu.memory_space<semaphore_mem>> -> memref<1x!tpu.dma_semaphore, #tpu.memory_space<semaphore_mem>>
    %dma_wait3A_128 = tpu.memref_squeeze %dma_wait3A_127 : memref<1x!tpu.dma_semaphore, #tpu.memory_space<semaphore_mem>> -> memref<!tpu.dma_semaphore, #tpu.memory_space<semaphore_mem>>
    tpu.wait_indirect_dma semaphore(%dma_wait3A_128 : memref<!tpu.dma_semaphore, #tpu.memory_space<semaphore_mem>>) src(%dma_wait3A_126 : memref<10240x32xf32, #tpu.memory_space<vmem_shared>>) dst(%dma_wait3A_120 : memref<128x32xf32, #tpu.memory_space<vmem>>)
    %dma_start3A_129 = arith.constant 1 : i32
    %dma_start3A_130 = arith.constant 77 : i32
    %dma_start3A_131 = arith.constant 1 : i32
    %dma_start3A_132 = arith.constant 0 : i32
    %dma_start3A_133 = arith.constant 0 : i32
    %dma_start3A_134 = tpu.memref_slice %arg8[%dma_start3A_129, %dma_start3A_132, %dma_start3A_133] : memref<4x128x32xf32, #tpu.memory_space<vmem>> -> memref<1x128x32xf32, #tpu.memory_space<vmem>>
    %dma_start3A_135 = tpu.memref_squeeze %dma_start3A_134 : memref<1x128x32xf32, #tpu.memory_space<vmem>> -> memref<128x32xf32, #tpu.memory_space<vmem>>
    %dma_start3A_136 = arith.constant 0 : i32
    %dma_start3A_137 = tpu.memref_slice %arg10[%dma_start3A_130, %dma_start3A_136] : memref<80x128xi32, #tpu.memory_space<vmem>> -> memref<1x128xi32, #tpu.memory_space<vmem>>
    %dma_start3A_138 = tpu.memref_squeeze %dma_start3A_137 : memref<1x128xi32, #tpu.memory_space<vmem>> -> memref<128xi32, #tpu.memory_space<vmem>>
    %dma_start3A_139 = arith.constant 0 : i32
    %dma_start3A_140 = arith.constant 0 : i32
    %dma_start3A_141 = tpu.memref_slice %arg7[%dma_start3A_139, %dma_start3A_140] : memref<10240x32xf32, #tpu.memory_space<vmem_shared>> -> memref<10240x32xf32, #tpu.memory_space<vmem_shared>>
    %dma_start3A_142 = tpu.memref_slice %arg12[%dma_start3A_131] : memref<4x!tpu.dma_semaphore, #tpu.memory_space<semaphore_mem>> -> memref<1x!tpu.dma_semaphore, #tpu.memory_space<semaphore_mem>>
    %dma_start3A_143 = tpu.memref_squeeze %dma_start3A_142 : memref<1x!tpu.dma_semaphore, #tpu.memory_space<semaphore_mem>> -> memref<!tpu.dma_semaphore, #tpu.memory_space<semaphore_mem>>
    tpu.enqueue_indirect_dma source(%dma_start3A_135 : memref<128x32xf32, #tpu.memory_space<vmem>>) target(%dma_start3A_141 : memref<10240x32xf32, #tpu.memory_space<vmem_shared>>) offsets(%dma_start3A_138 : memref<128xi32, #tpu.memory_space<vmem>>) semaphore(%dma_start3A_143 : memref<!tpu.dma_semaphore, #tpu.memory_space<semaphore_mem>>) {add = true}
    %dma_wait3A_144 = arith.constant 0 : i32
    %dma_wait3A_145 = arith.constant 2 : i32
    %dma_wait3A_146 = arith.constant 2 : i32
    %dma_wait3A_147 = arith.constant 0 : i32
    %dma_wait3A_148 = arith.constant 0 : i32
    %dma_wait3A_149 = tpu.memref_slice %arg8[%dma_wait3A_145, %dma_wait3A_147, %dma_wait3A_148] : memref<4x128x32xf32, #tpu.memory_space<vmem>> -> memref<1x128x32xf32, #tpu.memory_space<vmem>>
    %dma_wait3A_150 = tpu.memref_squeeze %dma_wait3A_149 : memref<1x128x32xf32, #tpu.memory_space<vmem>> -> memref<128x32xf32, #tpu.memory_space<vmem>>
    %dma_wait3A_151 = arith.constant 0 : i32
    %dma_wait3A_152 = tpu.memref_slice %arg9[%dma_wait3A_144, %dma_wait3A_151] : memref<80x128xi32, #tpu.memory_space<vmem>> -> memref<1x128xi32, #tpu.memory_space<vmem>>
    %dma_wait3A_153 = tpu.memref_squeeze %dma_wait3A_152 : memref<1x128xi32, #tpu.memory_space<vmem>> -> memref<128xi32, #tpu.memory_space<vmem>>
    %dma_wait3A_154 = arith.constant 0 : i32
    %dma_wait3A_155 = arith.constant 0 : i32
    %dma_wait3A_156 = tpu.memref_slice %arg6[%dma_wait3A_154, %dma_wait3A_155] : memref<10240x32xf32, #tpu.memory_space<vmem_shared>> -> memref<10240x32xf32, #tpu.memory_space<vmem_shared>>
    %dma_wait3A_157 = tpu.memref_slice %arg11[%dma_wait3A_146] : memref<4x!tpu.dma_semaphore, #tpu.memory_space<semaphore_mem>> -> memref<1x!tpu.dma_semaphore, #tpu.memory_space<semaphore_mem>>
    %dma_wait3A_158 = tpu.memref_squeeze %dma_wait3A_157 : memref<1x!tpu.dma_semaphore, #tpu.memory_space<semaphore_mem>> -> memref<!tpu.dma_semaphore, #tpu.memory_space<semaphore_mem>>
    tpu.wait_indirect_dma semaphore(%dma_wait3A_158 : memref<!tpu.dma_semaphore, #tpu.memory_space<semaphore_mem>>) src(%dma_wait3A_156 : memref<10240x32xf32, #tpu.memory_space<vmem_shared>>) dst(%dma_wait3A_150 : memref<128x32xf32, #tpu.memory_space<vmem>>)
    %dma_start3A_159 = arith.constant 2 : i32
    %dma_start3A_160 = arith.constant 78 : i32
    %dma_start3A_161 = arith.constant 2 : i32
    %dma_start3A_162 = arith.constant 0 : i32
    %dma_start3A_163 = arith.constant 0 : i32
    %dma_start3A_164 = tpu.memref_slice %arg8[%dma_start3A_159, %dma_start3A_162, %dma_start3A_163] : memref<4x128x32xf32, #tpu.memory_space<vmem>> -> memref<1x128x32xf32, #tpu.memory_space<vmem>>
    %dma_start3A_165 = tpu.memref_squeeze %dma_start3A_164 : memref<1x128x32xf32, #tpu.memory_space<vmem>> -> memref<128x32xf32, #tpu.memory_space<vmem>>
    %dma_start3A_166 = arith.constant 0 : i32
    %dma_start3A_167 = tpu.memref_slice %arg10[%dma_start3A_160, %dma_start3A_166] : memref<80x128xi32, #tpu.memory_space<vmem>> -> memref<1x128xi32, #tpu.memory_space<vmem>>
    %dma_start3A_168 = tpu.memref_squeeze %dma_start3A_167 : memref<1x128xi32, #tpu.memory_space<vmem>> -> memref<128xi32, #tpu.memory_space<vmem>>
    %dma_start3A_169 = arith.constant 0 : i32
    %dma_start3A_170 = arith.constant 0 : i32
    %dma_start3A_171 = tpu.memref_slice %arg7[%dma_start3A_169, %dma_start3A_170] : memref<10240x32xf32, #tpu.memory_space<vmem_shared>> -> memref<10240x32xf32, #tpu.memory_space<vmem_shared>>
    %dma_start3A_172 = tpu.memref_slice %arg12[%dma_start3A_161] : memref<4x!tpu.dma_semaphore, #tpu.memory_space<semaphore_mem>> -> memref<1x!tpu.dma_semaphore, #tpu.memory_space<semaphore_mem>>
    %dma_start3A_173 = tpu.memref_squeeze %dma_start3A_172 : memref<1x!tpu.dma_semaphore, #tpu.memory_space<semaphore_mem>> -> memref<!tpu.dma_semaphore, #tpu.memory_space<semaphore_mem>>
    tpu.enqueue_indirect_dma source(%dma_start3A_165 : memref<128x32xf32, #tpu.memory_space<vmem>>) target(%dma_start3A_171 : memref<10240x32xf32, #tpu.memory_space<vmem_shared>>) offsets(%dma_start3A_168 : memref<128xi32, #tpu.memory_space<vmem>>) semaphore(%dma_start3A_173 : memref<!tpu.dma_semaphore, #tpu.memory_space<semaphore_mem>>) {add = true}
    %dma_wait3A_174 = arith.constant 0 : i32
    %dma_wait3A_175 = arith.constant 3 : i32
    %dma_wait3A_176 = arith.constant 3 : i32
    %dma_wait3A_177 = arith.constant 0 : i32
    %dma_wait3A_178 = arith.constant 0 : i32
    %dma_wait3A_179 = tpu.memref_slice %arg8[%dma_wait3A_175, %dma_wait3A_177, %dma_wait3A_178] : memref<4x128x32xf32, #tpu.memory_space<vmem>> -> memref<1x128x32xf32, #tpu.memory_space<vmem>>
    %dma_wait3A_180 = tpu.memref_squeeze %dma_wait3A_179 : memref<1x128x32xf32, #tpu.memory_space<vmem>> -> memref<128x32xf32, #tpu.memory_space<vmem>>
    %dma_wait3A_181 = arith.constant 0 : i32
    %dma_wait3A_182 = tpu.memref_slice %arg9[%dma_wait3A_174, %dma_wait3A_181] : memref<80x128xi32, #tpu.memory_space<vmem>> -> memref<1x128xi32, #tpu.memory_space<vmem>>
    %dma_wait3A_183 = tpu.memref_squeeze %dma_wait3A_182 : memref<1x128xi32, #tpu.memory_space<vmem>> -> memref<128xi32, #tpu.memory_space<vmem>>
    %dma_wait3A_184 = arith.constant 0 : i32
    %dma_wait3A_185 = arith.constant 0 : i32
    %dma_wait3A_186 = tpu.memref_slice %arg6[%dma_wait3A_184, %dma_wait3A_185] : memref<10240x32xf32, #tpu.memory_space<vmem_shared>> -> memref<10240x32xf32, #tpu.memory_space<vmem_shared>>
    %dma_wait3A_187 = tpu.memref_slice %arg11[%dma_wait3A_176] : memref<4x!tpu.dma_semaphore, #tpu.memory_space<semaphore_mem>> -> memref<1x!tpu.dma_semaphore, #tpu.memory_space<semaphore_mem>>
    %dma_wait3A_188 = tpu.memref_squeeze %dma_wait3A_187 : memref<1x!tpu.dma_semaphore, #tpu.memory_space<semaphore_mem>> -> memref<!tpu.dma_semaphore, #tpu.memory_space<semaphore_mem>>
    tpu.wait_indirect_dma semaphore(%dma_wait3A_188 : memref<!tpu.dma_semaphore, #tpu.memory_space<semaphore_mem>>) src(%dma_wait3A_186 : memref<10240x32xf32, #tpu.memory_space<vmem_shared>>) dst(%dma_wait3A_180 : memref<128x32xf32, #tpu.memory_space<vmem>>)
    %dma_start3A_189 = arith.constant 3 : i32
    %dma_start3A_190 = arith.constant 79 : i32
    %dma_start3A_191 = arith.constant 3 : i32
    %dma_start3A_192 = arith.constant 0 : i32
    %dma_start3A_193 = arith.constant 0 : i32
    %dma_start3A_194 = tpu.memref_slice %arg8[%dma_start3A_189, %dma_start3A_192, %dma_start3A_193] : memref<4x128x32xf32, #tpu.memory_space<vmem>> -> memref<1x128x32xf32, #tpu.memory_space<vmem>>
    %dma_start3A_195 = tpu.memref_squeeze %dma_start3A_194 : memref<1x128x32xf32, #tpu.memory_space<vmem>> -> memref<128x32xf32, #tpu.memory_space<vmem>>
    %dma_start3A_196 = arith.constant 0 : i32
    %dma_start3A_197 = tpu.memref_slice %arg10[%dma_start3A_190, %dma_start3A_196] : memref<80x128xi32, #tpu.memory_space<vmem>> -> memref<1x128xi32, #tpu.memory_space<vmem>>
    %dma_start3A_198 = tpu.memref_squeeze %dma_start3A_197 : memref<1x128xi32, #tpu.memory_space<vmem>> -> memref<128xi32, #tpu.memory_space<vmem>>
    %dma_start3A_199 = arith.constant 0 : i32
    %dma_start3A_200 = arith.constant 0 : i32
    %dma_start3A_201 = tpu.memref_slice %arg7[%dma_start3A_199, %dma_start3A_200] : memref<10240x32xf32, #tpu.memory_space<vmem_shared>> -> memref<10240x32xf32, #tpu.memory_space<vmem_shared>>
    %dma_start3A_202 = tpu.memref_slice %arg12[%dma_start3A_191] : memref<4x!tpu.dma_semaphore, #tpu.memory_space<semaphore_mem>> -> memref<1x!tpu.dma_semaphore, #tpu.memory_space<semaphore_mem>>
    %dma_start3A_203 = tpu.memref_squeeze %dma_start3A_202 : memref<1x!tpu.dma_semaphore, #tpu.memory_space<semaphore_mem>> -> memref<!tpu.dma_semaphore, #tpu.memory_space<semaphore_mem>>
    tpu.enqueue_indirect_dma source(%dma_start3A_195 : memref<128x32xf32, #tpu.memory_space<vmem>>) target(%dma_start3A_201 : memref<10240x32xf32, #tpu.memory_space<vmem_shared>>) offsets(%dma_start3A_198 : memref<128xi32, #tpu.memory_space<vmem>>) semaphore(%dma_start3A_203 : memref<!tpu.dma_semaphore, #tpu.memory_space<semaphore_mem>>) {add = true}
    %dma_wait3A_204 = arith.constant 0 : i32
    %dma_wait3A_205 = arith.constant 0 : i32
    %dma_wait3A_206 = arith.constant 0 : i32
    %dma_wait3A_207 = arith.constant 0 : i32
    %dma_wait3A_208 = arith.constant 0 : i32
    %dma_wait3A_209 = tpu.memref_slice %arg8[%dma_wait3A_204, %dma_wait3A_207, %dma_wait3A_208] : memref<4x128x32xf32, #tpu.memory_space<vmem>> -> memref<1x128x32xf32, #tpu.memory_space<vmem>>
    %dma_wait3A_210 = tpu.memref_squeeze %dma_wait3A_209 : memref<1x128x32xf32, #tpu.memory_space<vmem>> -> memref<128x32xf32, #tpu.memory_space<vmem>>
    %dma_wait3A_211 = arith.constant 0 : i32
    %dma_wait3A_212 = tpu.memref_slice %arg10[%dma_wait3A_205, %dma_wait3A_211] : memref<80x128xi32, #tpu.memory_space<vmem>> -> memref<1x128xi32, #tpu.memory_space<vmem>>
    %dma_wait3A_213 = tpu.memref_squeeze %dma_wait3A_212 : memref<1x128xi32, #tpu.memory_space<vmem>> -> memref<128xi32, #tpu.memory_space<vmem>>
    %dma_wait3A_214 = arith.constant 0 : i32
    %dma_wait3A_215 = arith.constant 0 : i32
    %dma_wait3A_216 = tpu.memref_slice %arg7[%dma_wait3A_214, %dma_wait3A_215] : memref<10240x32xf32, #tpu.memory_space<vmem_shared>> -> memref<10240x32xf32, #tpu.memory_space<vmem_shared>>
    %dma_wait3A_217 = tpu.memref_slice %arg12[%dma_wait3A_206] : memref<4x!tpu.dma_semaphore, #tpu.memory_space<semaphore_mem>> -> memref<1x!tpu.dma_semaphore, #tpu.memory_space<semaphore_mem>>
    %dma_wait3A_218 = tpu.memref_squeeze %dma_wait3A_217 : memref<1x!tpu.dma_semaphore, #tpu.memory_space<semaphore_mem>> -> memref<!tpu.dma_semaphore, #tpu.memory_space<semaphore_mem>>
    tpu.wait_indirect_dma semaphore(%dma_wait3A_218 : memref<!tpu.dma_semaphore, #tpu.memory_space<semaphore_mem>>) src(%dma_wait3A_210 : memref<128x32xf32, #tpu.memory_space<vmem>>) dst(%dma_wait3A_216 : memref<10240x32xf32, #tpu.memory_space<vmem_shared>>)
    %dma_wait3A_219 = arith.constant 1 : i32
    %dma_wait3A_220 = arith.constant 0 : i32
    %dma_wait3A_221 = arith.constant 1 : i32
    %dma_wait3A_222 = arith.constant 0 : i32
    %dma_wait3A_223 = arith.constant 0 : i32
    %dma_wait3A_224 = tpu.memref_slice %arg8[%dma_wait3A_219, %dma_wait3A_222, %dma_wait3A_223] : memref<4x128x32xf32, #tpu.memory_space<vmem>> -> memref<1x128x32xf32, #tpu.memory_space<vmem>>
    %dma_wait3A_225 = tpu.memref_squeeze %dma_wait3A_224 : memref<1x128x32xf32, #tpu.memory_space<vmem>> -> memref<128x32xf32, #tpu.memory_space<vmem>>
    %dma_wait3A_226 = arith.constant 0 : i32
    %dma_wait3A_227 = tpu.memref_slice %arg10[%dma_wait3A_220, %dma_wait3A_226] : memref<80x128xi32, #tpu.memory_space<vmem>> -> memref<1x128xi32, #tpu.memory_space<vmem>>
    %dma_wait3A_228 = tpu.memref_squeeze %dma_wait3A_227 : memref<1x128xi32, #tpu.memory_space<vmem>> -> memref<128xi32, #tpu.memory_space<vmem>>
    %dma_wait3A_229 = arith.constant 0 : i32
    %dma_wait3A_230 = arith.constant 0 : i32
    %dma_wait3A_231 = tpu.memref_slice %arg7[%dma_wait3A_229, %dma_wait3A_230] : memref<10240x32xf32, #tpu.memory_space<vmem_shared>> -> memref<10240x32xf32, #tpu.memory_space<vmem_shared>>
    %dma_wait3A_232 = tpu.memref_slice %arg12[%dma_wait3A_221] : memref<4x!tpu.dma_semaphore, #tpu.memory_space<semaphore_mem>> -> memref<1x!tpu.dma_semaphore, #tpu.memory_space<semaphore_mem>>
    %dma_wait3A_233 = tpu.memref_squeeze %dma_wait3A_232 : memref<1x!tpu.dma_semaphore, #tpu.memory_space<semaphore_mem>> -> memref<!tpu.dma_semaphore, #tpu.memory_space<semaphore_mem>>
    tpu.wait_indirect_dma semaphore(%dma_wait3A_233 : memref<!tpu.dma_semaphore, #tpu.memory_space<semaphore_mem>>) src(%dma_wait3A_225 : memref<128x32xf32, #tpu.memory_space<vmem>>) dst(%dma_wait3A_231 : memref<10240x32xf32, #tpu.memory_space<vmem_shared>>)
    %dma_wait3A_234 = arith.constant 2 : i32
    %dma_wait3A_235 = arith.constant 0 : i32
    %dma_wait3A_236 = arith.constant 2 : i32
    %dma_wait3A_237 = arith.constant 0 : i32
    %dma_wait3A_238 = arith.constant 0 : i32
    %dma_wait3A_239 = tpu.memref_slice %arg8[%dma_wait3A_234, %dma_wait3A_237, %dma_wait3A_238] : memref<4x128x32xf32, #tpu.memory_space<vmem>> -> memref<1x128x32xf32, #tpu.memory_space<vmem>>
    %dma_wait3A_240 = tpu.memref_squeeze %dma_wait3A_239 : memref<1x128x32xf32, #tpu.memory_space<vmem>> -> memref<128x32xf32, #tpu.memory_space<vmem>>
    %dma_wait3A_241 = arith.constant 0 : i32
    %dma_wait3A_242 = tpu.memref_slice %arg10[%dma_wait3A_235, %dma_wait3A_241] : memref<80x128xi32, #tpu.memory_space<vmem>> -> memref<1x128xi32, #tpu.memory_space<vmem>>
    %dma_wait3A_243 = tpu.memref_squeeze %dma_wait3A_242 : memref<1x128xi32, #tpu.memory_space<vmem>> -> memref<128xi32, #tpu.memory_space<vmem>>
    %dma_wait3A_244 = arith.constant 0 : i32
    %dma_wait3A_245 = arith.constant 0 : i32
    %dma_wait3A_246 = tpu.memref_slice %arg7[%dma_wait3A_244, %dma_wait3A_245] : memref<10240x32xf32, #tpu.memory_space<vmem_shared>> -> memref<10240x32xf32, #tpu.memory_space<vmem_shared>>
    %dma_wait3A_247 = tpu.memref_slice %arg12[%dma_wait3A_236] : memref<4x!tpu.dma_semaphore, #tpu.memory_space<semaphore_mem>> -> memref<1x!tpu.dma_semaphore, #tpu.memory_space<semaphore_mem>>
    %dma_wait3A_248 = tpu.memref_squeeze %dma_wait3A_247 : memref<1x!tpu.dma_semaphore, #tpu.memory_space<semaphore_mem>> -> memref<!tpu.dma_semaphore, #tpu.memory_space<semaphore_mem>>
    tpu.wait_indirect_dma semaphore(%dma_wait3A_248 : memref<!tpu.dma_semaphore, #tpu.memory_space<semaphore_mem>>) src(%dma_wait3A_240 : memref<128x32xf32, #tpu.memory_space<vmem>>) dst(%dma_wait3A_246 : memref<10240x32xf32, #tpu.memory_space<vmem_shared>>)
    %dma_wait3A_249 = arith.constant 3 : i32
    %dma_wait3A_250 = arith.constant 0 : i32
    %dma_wait3A_251 = arith.constant 3 : i32
    %dma_wait3A_252 = arith.constant 0 : i32
    %dma_wait3A_253 = arith.constant 0 : i32
    %dma_wait3A_254 = tpu.memref_slice %arg8[%dma_wait3A_249, %dma_wait3A_252, %dma_wait3A_253] : memref<4x128x32xf32, #tpu.memory_space<vmem>> -> memref<1x128x32xf32, #tpu.memory_space<vmem>>
    %dma_wait3A_255 = tpu.memref_squeeze %dma_wait3A_254 : memref<1x128x32xf32, #tpu.memory_space<vmem>> -> memref<128x32xf32, #tpu.memory_space<vmem>>
    %dma_wait3A_256 = arith.constant 0 : i32
    %dma_wait3A_257 = tpu.memref_slice %arg10[%dma_wait3A_250, %dma_wait3A_256] : memref<80x128xi32, #tpu.memory_space<vmem>> -> memref<1x128xi32, #tpu.memory_space<vmem>>
    %dma_wait3A_258 = tpu.memref_squeeze %dma_wait3A_257 : memref<1x128xi32, #tpu.memory_space<vmem>> -> memref<128xi32, #tpu.memory_space<vmem>>
    %dma_wait3A_259 = arith.constant 0 : i32
    %dma_wait3A_260 = arith.constant 0 : i32
    %dma_wait3A_261 = tpu.memref_slice %arg7[%dma_wait3A_259, %dma_wait3A_260] : memref<10240x32xf32, #tpu.memory_space<vmem_shared>> -> memref<10240x32xf32, #tpu.memory_space<vmem_shared>>
    %dma_wait3A_262 = tpu.memref_slice %arg12[%dma_wait3A_251] : memref<4x!tpu.dma_semaphore, #tpu.memory_space<semaphore_mem>> -> memref<1x!tpu.dma_semaphore, #tpu.memory_space<semaphore_mem>>
    %dma_wait3A_263 = tpu.memref_squeeze %dma_wait3A_262 : memref<1x!tpu.dma_semaphore, #tpu.memory_space<semaphore_mem>> -> memref<!tpu.dma_semaphore, #tpu.memory_space<semaphore_mem>>
    tpu.wait_indirect_dma semaphore(%dma_wait3A_263 : memref<!tpu.dma_semaphore, #tpu.memory_space<semaphore_mem>>) src(%dma_wait3A_255 : memref<128x32xf32, #tpu.memory_space<vmem>>) dst(%dma_wait3A_261 : memref<10240x32xf32, #tpu.memory_space<vmem_shared>>)
    %barrier3A_264 = arith.constant 0 : index
    tpu.barrier barrier_id(%barrier3A_264)
    %mul3A_265 = arith.constant 640 : i32
    %mul3A_266 = arith.muli %arg1, %mul3A_265 : i32
    %mul3A_267 = arith.constant 640 : i32
    %mul3A_268 = arith.muli %arg1, %mul3A_267 : i32
    "tpu.region"() ({
      %run_scoped3A = tpu.sem_alloc : memref<!tpu.dma_semaphore, #tpu.memory_space<semaphore_mem>>
      %dma_start3A_269 = arith.constant 0 : i32
      %dma_start3A_270 = tpu.memref_slice %arg5[%arg0, %mul3A_268, %dma_start3A_269] : memref<2x10240x32xf32, #tpu.memory_space<hbm>> -> memref<1x640x32xf32, #tpu.memory_space<hbm>>
      %dma_start3A_271 = tpu.memref_squeeze %dma_start3A_270 : memref<1x640x32xf32, #tpu.memory_space<hbm>> -> memref<640x32xf32, #tpu.memory_space<hbm>>
      %dma_start3A_272 = arith.constant 0 : i32
      %dma_start3A_273 = tpu.memref_slice %arg7[%mul3A_266, %dma_start3A_272] : memref<10240x32xf32, #tpu.memory_space<vmem_shared>> -> memref<640x32xf32, #tpu.memory_space<vmem_shared>>
      tpu.enqueue_dma source(%dma_start3A_273 : memref<640x32xf32, #tpu.memory_space<vmem_shared>>) target(%dma_start3A_271 : memref<640x32xf32, #tpu.memory_space<hbm>>) target_semaphore(%run_scoped3A : memref<!tpu.dma_semaphore, #tpu.memory_space<semaphore_mem>>)
      %dma_wait3A_274 = arith.constant 0 : i32
      %dma_wait3A_275 = tpu.memref_slice %arg5[%arg0, %mul3A_268, %dma_wait3A_274] : memref<2x10240x32xf32, #tpu.memory_space<hbm>> -> memref<1x640x32xf32, #tpu.memory_space<hbm>>
      %dma_wait3A_276 = tpu.memref_squeeze %dma_wait3A_275 : memref<1x640x32xf32, #tpu.memory_space<hbm>> -> memref<640x32xf32, #tpu.memory_space<hbm>>
      %dma_wait3A_277 = arith.constant 0 : i32
      %dma_wait3A_278 = tpu.memref_slice %arg7[%mul3A_266, %dma_wait3A_277] : memref<10240x32xf32, #tpu.memory_space<vmem_shared>> -> memref<640x32xf32, #tpu.memory_space<vmem_shared>>
      tpu.wait_dma2 semaphore(%run_scoped3A : memref<!tpu.dma_semaphore, #tpu.memory_space<semaphore_mem>>) src(%dma_wait3A_278 : memref<640x32xf32, #tpu.memory_space<vmem_shared>>) dst(%dma_wait3A_276 : memref<640x32xf32, #tpu.memory_space<hbm>>)
      tpu.yield
    }) : () -> ()
    return
  }
}

#map = affine_map<(d0, d1) -> (0, 0)>
#map1 = affine_map<(d0, d1) -> (0, 0, 0)>
module attributes {stable_mosaic.version = 14 : i64} {
  func.func @sc_deg(%arg0: i32, %arg1: i32, %arg2: memref<2560x128xi32, #tpu.memory_space<hbm>>, %arg3: memref<2x10240x16xf32, #tpu.memory_space<hbm>>, %arg4: memref<10240x16xf32, #tpu.memory_space<vmem_shared>>, %arg5: memref<128x16xf32, #tpu.memory_space<vmem>>, %arg6: memref<80x128xi32, #tpu.memory_space<vmem>>, %arg7: memref<!tpu.dma_semaphore, #tpu.memory_space<semaphore_mem>>) attributes {dimension_semantics = [#tpu.dimension_semantics<core_parallel>, #tpu.dimension_semantics<subcore_parallel>], iteration_bounds = array<i64: 2, 16>, scalar_prefetch = 0 : i64, scratch_operands = 4 : i64, tpu.core_type = #tpu.core_type<sc_vector_subcore>, window_params = [{transform_indices = #map}, {transform_indices = #map1}]} {
    %mul3A = arith.constant 16 : i32
    %mul3A_0 = arith.muli %arg0, %mul3A : i32
    %add3A = arith.addi %mul3A_0, %arg1 : i32
    %broadcast_in_dim3A = arith.constant 0.000000e+00 : f32
    %broadcast_in_dim3A_1 = vector.broadcast %broadcast_in_dim3A : f32 to vector<16xf32>
    %scan3A = arith.constant 0 : i32
    %scan3A_2 = arith.constant 128 : i32
    %scan3A_3 = arith.addi %scan3A, %scan3A_2 : i32
    %scan3A_4 = arith.constant 1 : i32
    scf.for %scan3A_30 = %scan3A to %scan3A_3 step %scan3A_4  : i32 {
      %mul3A_31 = arith.constant 1 : i32
      %mul3A_32 = arith.muli %scan3A_30, %mul3A_31 : i32
      %add3A_33 = arith.constant 0 : i32
      %add3A_34 = arith.addi %add3A_33, %mul3A_32 : i32
      %scan3A_35 = arith.constant 0 : i32
      %mul3A_36 = arith.constant 1 : i32
      %mul3A_37 = arith.muli %scan3A_35, %mul3A_36 : i32
      %add3A_38 = arith.constant 0 : i32
      %add3A_39 = arith.addi %add3A_38, %mul3A_37 : i32
      %mul3A_40 = arith.constant 16 : i32
      %mul3A_41 = arith.muli %add3A_39, %mul3A_40 : i32
      %swap3A = arith.index_cast %add3A_34 : i32 to index
      %swap3A_42 = arith.index_cast %mul3A_41 : i32 to index
      %swap3A_43 = tpu.vector_load %arg5[%swap3A, %swap3A_42] {strides = array<i32>} : memref<128x16xf32, #tpu.memory_space<vmem>>, vector<1x16xf32>,
      %swap3A_44 = vector.shape_cast %swap3A_43 : vector<1x16xf32> to vector<16xf32>
      %swap3A_45 = vector.shape_cast %broadcast_in_dim3A_1 : vector<16xf32> to vector<1x16xf32>
      tpu.vector_store %arg5[%swap3A, %swap3A_42], %swap3A_45 {strides = array<i32>} : memref<128x16xf32, #tpu.memory_space<vmem>>, vector<1x16xf32>,
      %scan3A_46 = arith.constant 1 : i32
    }
    %scan3A_5 = arith.constant 128 : i32
    %scan3A_6 = arith.constant 0 : i32
    %scan3A_7 = arith.constant 5 : i32
    %scan3A_8 = arith.addi %scan3A_6, %scan3A_7 : i32
    %scan3A_9 = arith.constant 1 : i32
    scf.for %scan3A_30 = %scan3A_6 to %scan3A_8 step %scan3A_9  : i32 {
      %mul3A_31 = arith.constant 1 : i32
      %mul3A_32 = arith.muli %scan3A_30, %mul3A_31 : i32
      %add3A_33 = arith.constant 0 : i32
      %add3A_34 = arith.addi %add3A_33, %mul3A_32 : i32
      %mul3A_35 = arith.constant 640 : i32
      %mul3A_36 = arith.muli %arg1, %mul3A_35 : i32
      %mul3A_37 = arith.constant 128 : i32
      %mul3A_38 = arith.muli %add3A_34, %mul3A_37 : i32
      %add3A_39 = arith.addi %mul3A_36, %mul3A_38 : i32
      "tpu.region"() ({
        %run_scoped3A = tpu.sem_alloc : memref<!tpu.dma_semaphore, #tpu.memory_space<semaphore_mem>>
        %dma_start3A = arith.constant 0 : i32
        %dma_start3A_40 = tpu.memref_slice %arg4[%add3A_39, %dma_start3A] : memref<10240x16xf32, #tpu.memory_space<vmem_shared>> -> memref<128x16xf32, #tpu.memory_space<vmem_shared>>
        %dma_start3A_41 = arith.constant 0 : i32
        %dma_start3A_42 = tpu.memref_slice %arg4[%add3A_39, %dma_start3A_41] : memref<10240x16xf32, #tpu.memory_space<vmem_shared>> -> memref<128x16xf32, #tpu.memory_space<vmem_shared>>
        tpu.enqueue_dma source(%arg5 : memref<128x16xf32, #tpu.memory_space<vmem>>) target(%dma_start3A_42 : memref<128x16xf32, #tpu.memory_space<vmem_shared>>) target_semaphore(%run_scoped3A : memref<!tpu.dma_semaphore, #tpu.memory_space<semaphore_mem>>)
        %dma_wait3A = arith.constant 0 : i32
        %dma_wait3A_43 = tpu.memref_slice %arg4[%add3A_39, %dma_wait3A] : memref<10240x16xf32, #tpu.memory_space<vmem_shared>> -> memref<128x16xf32, #tpu.memory_space<vmem_shared>>
        %dma_wait3A_44 = arith.constant 0 : i32
        %dma_wait3A_45 = tpu.memref_slice %arg4[%add3A_39, %dma_wait3A_44] : memref<10240x16xf32, #tpu.memory_space<vmem_shared>> -> memref<128x16xf32, #tpu.memory_space<vmem_shared>>
        tpu.wait_dma2 semaphore(%run_scoped3A : memref<!tpu.dma_semaphore, #tpu.memory_space<semaphore_mem>>) src(%arg5 : memref<128x16xf32, #tpu.memory_space<vmem>>) dst(%dma_wait3A_45 : memref<128x16xf32, #tpu.memory_space<vmem_shared>>)
        tpu.yield
      }) : () -> ()
    }
    %scan3A_10 = arith.constant 5 : i32
    %broadcast_in_dim3A_11 = arith.constant 1.000000e+00 : f32
    %broadcast_in_dim3A_12 = vector.broadcast %broadcast_in_dim3A_11 : f32 to vector<16xf32>
    %scan3A_13 = arith.constant 0 : i32
    %scan3A_14 = arith.constant 128 : i32
    %scan3A_15 = arith.addi %scan3A_13, %scan3A_14 : i32
    %scan3A_16 = arith.constant 1 : i32
    scf.for %scan3A_30 = %scan3A_13 to %scan3A_15 step %scan3A_16  : i32 {
      %mul3A_31 = arith.constant 1 : i32
      %mul3A_32 = arith.muli %scan3A_30, %mul3A_31 : i32
      %add3A_33 = arith.constant 0 : i32
      %add3A_34 = arith.addi %add3A_33, %mul3A_32 : i32
      %scan3A_35 = arith.constant 0 : i32
      %mul3A_36 = arith.constant 1 : i32
      %mul3A_37 = arith.muli %scan3A_35, %mul3A_36 : i32
      %add3A_38 = arith.constant 0 : i32
      %add3A_39 = arith.addi %add3A_38, %mul3A_37 : i32
      %mul3A_40 = arith.constant 16 : i32
      %mul3A_41 = arith.muli %add3A_39, %mul3A_40 : i32
      %swap3A = arith.index_cast %add3A_34 : i32 to index
      %swap3A_42 = arith.index_cast %mul3A_41 : i32 to index
      %swap3A_43 = tpu.vector_load %arg5[%swap3A, %swap3A_42] {strides = array<i32>} : memref<128x16xf32, #tpu.memory_space<vmem>>, vector<1x16xf32>,
      %swap3A_44 = vector.shape_cast %swap3A_43 : vector<1x16xf32> to vector<16xf32>
      %swap3A_45 = vector.shape_cast %broadcast_in_dim3A_12 : vector<16xf32> to vector<1x16xf32>
      tpu.vector_store %arg5[%swap3A, %swap3A_42], %swap3A_45 {strides = array<i32>} : memref<128x16xf32, #tpu.memory_space<vmem>>, vector<1x16xf32>,
      %scan3A_46 = arith.constant 1 : i32
    }
    %scan3A_17 = arith.constant 128 : i32
    %mul3A_18 = arith.constant 80 : i32
    %mul3A_19 = arith.muli %add3A, %mul3A_18 : i32
    "tpu.region"() ({
      %run_scoped3A = tpu.sem_alloc : memref<!tpu.dma_semaphore, #tpu.memory_space<semaphore_mem>>
      %dma_start3A = arith.constant 0 : i32
      %dma_start3A_30 = tpu.memref_slice %arg2[%mul3A_19, %dma_start3A] : memref<2560x128xi32, #tpu.memory_space<hbm>> -> memref<80x128xi32, #tpu.memory_space<hbm>>
      %dma_start3A_31 = arith.constant 0 : i32
      %dma_start3A_32 = tpu.memref_slice %arg2[%mul3A_19, %dma_start3A_31] : memref<2560x128xi32, #tpu.memory_space<hbm>> -> memref<80x128xi32, #tpu.memory_space<hbm>>
      tpu.enqueue_dma source(%dma_start3A_32 : memref<80x128xi32, #tpu.memory_space<hbm>>) target(%arg6 : memref<80x128xi32, #tpu.memory_space<vmem>>) target_semaphore(%run_scoped3A : memref<!tpu.dma_semaphore, #tpu.memory_space<semaphore_mem>>)
      %dma_wait3A = arith.constant 0 : i32
      %dma_wait3A_33 = tpu.memref_slice %arg2[%mul3A_19, %dma_wait3A] : memref<2560x128xi32, #tpu.memory_space<hbm>> -> memref<80x128xi32, #tpu.memory_space<hbm>>
      %dma_wait3A_34 = arith.constant 0 : i32
      %dma_wait3A_35 = tpu.memref_slice %arg2[%mul3A_19, %dma_wait3A_34] : memref<2560x128xi32, #tpu.memory_space<hbm>> -> memref<80x128xi32, #tpu.memory_space<hbm>>
      tpu.wait_dma2 semaphore(%run_scoped3A : memref<!tpu.dma_semaphore, #tpu.memory_space<semaphore_mem>>) src(%dma_wait3A_35 : memref<80x128xi32, #tpu.memory_space<hbm>>) dst(%arg6 : memref<80x128xi32, #tpu.memory_space<vmem>>)
      tpu.yield
    }) : () -> ()
    %barrier3A = arith.constant 0 : index
    tpu.barrier barrier_id(%barrier3A)
    %scan3A_20 = arith.constant 0 : i32
    %scan3A_21 = arith.constant 10 : i32
    %scan3A_22 = arith.addi %scan3A_20, %scan3A_21 : i32
    %scan3A_23 = arith.constant 1 : i32
    scf.for %scan3A_30 = %scan3A_20 to %scan3A_22 step %scan3A_23  : i32 {
      %mul3A_31 = arith.constant 8 : i32
      %mul3A_32 = arith.muli %scan3A_30, %mul3A_31 : i32
      %add3A_33 = arith.constant 0 : i32
      %add3A_34 = arith.addi %add3A_33, %mul3A_32 : i32
      %add3A_35 = arith.constant 0 : i32
      %add3A_36 = arith.addi %add3A_34, %add3A_35 : i32
      %dma_start3A = arith.constant 0 : i32
      %dma_start3A_37 = tpu.memref_slice %arg6[%add3A_36, %dma_start3A] : memref<80x128xi32, #tpu.memory_space<vmem>> -> memref<1x128xi32, #tpu.memory_space<vmem>>
      %dma_start3A_38 = tpu.memref_squeeze %dma_start3A_37 : memref<1x128xi32, #tpu.memory_space<vmem>> -> memref<128xi32, #tpu.memory_space<vmem>>
      %dma_start3A_39 = arith.constant 0 : i32
      %dma_start3A_40 = arith.constant 0 : i32
      %dma_start3A_41 = tpu.memref_slice %arg4[%dma_start3A_39, %dma_start3A_40] : memref<10240x16xf32, #tpu.memory_space<vmem_shared>> -> memref<10240x16xf32, #tpu.memory_space<vmem_shared>>
      tpu.enqueue_indirect_dma source(%arg5 : memref<128x16xf32, #tpu.memory_space<vmem>>) target(%dma_start3A_41 : memref<10240x16xf32, #tpu.memory_space<vmem_shared>>) offsets(%dma_start3A_38 : memref<128xi32, #tpu.memory_space<vmem>>) semaphore(%arg7 : memref<!tpu.dma_semaphore, #tpu.memory_space<semaphore_mem>>) {add = true}
      %add3A_42 = arith.constant 1 : i32
      %add3A_43 = arith.addi %add3A_34, %add3A_42 : i32
      %dma_start3A_44 = arith.constant 0 : i32
      %dma_start3A_45 = tpu.memref_slice %arg6[%add3A_43, %dma_start3A_44] : memref<80x128xi32, #tpu.memory_space<vmem>> -> memref<1x128xi32, #tpu.memory_space<vmem>>
      %dma_start3A_46 = tpu.memref_squeeze %dma_start3A_45 : memref<1x128xi32, #tpu.memory_space<vmem>> -> memref<128xi32, #tpu.memory_space<vmem>>
      %dma_start3A_47 = arith.constant 0 : i32
      %dma_start3A_48 = arith.constant 0 : i32
      %dma_start3A_49 = tpu.memref_slice %arg4[%dma_start3A_47, %dma_start3A_48] : memref<10240x16xf32, #tpu.memory_space<vmem_shared>> -> memref<10240x16xf32, #tpu.memory_space<vmem_shared>>
      tpu.enqueue_indirect_dma source(%arg5 : memref<128x16xf32, #tpu.memory_space<vmem>>) target(%dma_start3A_49 : memref<10240x16xf32, #tpu.memory_space<vmem_shared>>) offsets(%dma_start3A_46 : memref<128xi32, #tpu.memory_space<vmem>>) semaphore(%arg7 : memref<!tpu.dma_semaphore, #tpu.memory_space<semaphore_mem>>) {add = true}
      %add3A_50 = arith.constant 2 : i32
      %add3A_51 = arith.addi %add3A_34, %add3A_50 : i32
      %dma_start3A_52 = arith.constant 0 : i32
      %dma_start3A_53 = tpu.memref_slice %arg6[%add3A_51, %dma_start3A_52] : memref<80x128xi32, #tpu.memory_space<vmem>> -> memref<1x128xi32, #tpu.memory_space<vmem>>
      %dma_start3A_54 = tpu.memref_squeeze %dma_start3A_53 : memref<1x128xi32, #tpu.memory_space<vmem>> -> memref<128xi32, #tpu.memory_space<vmem>>
      %dma_start3A_55 = arith.constant 0 : i32
      %dma_start3A_56 = arith.constant 0 : i32
      %dma_start3A_57 = tpu.memref_slice %arg4[%dma_start3A_55, %dma_start3A_56] : memref<10240x16xf32, #tpu.memory_space<vmem_shared>> -> memref<10240x16xf32, #tpu.memory_space<vmem_shared>>
      tpu.enqueue_indirect_dma source(%arg5 : memref<128x16xf32, #tpu.memory_space<vmem>>) target(%dma_start3A_57 : memref<10240x16xf32, #tpu.memory_space<vmem_shared>>) offsets(%dma_start3A_54 : memref<128xi32, #tpu.memory_space<vmem>>) semaphore(%arg7 : memref<!tpu.dma_semaphore, #tpu.memory_space<semaphore_mem>>) {add = true}
      %add3A_58 = arith.constant 3 : i32
      %add3A_59 = arith.addi %add3A_34, %add3A_58 : i32
      %dma_start3A_60 = arith.constant 0 : i32
      %dma_start3A_61 = tpu.memref_slice %arg6[%add3A_59, %dma_start3A_60] : memref<80x128xi32, #tpu.memory_space<vmem>> -> memref<1x128xi32, #tpu.memory_space<vmem>>
      %dma_start3A_62 = tpu.memref_squeeze %dma_start3A_61 : memref<1x128xi32, #tpu.memory_space<vmem>> -> memref<128xi32, #tpu.memory_space<vmem>>
      %dma_start3A_63 = arith.constant 0 : i32
      %dma_start3A_64 = arith.constant 0 : i32
      %dma_start3A_65 = tpu.memref_slice %arg4[%dma_start3A_63, %dma_start3A_64] : memref<10240x16xf32, #tpu.memory_space<vmem_shared>> -> memref<10240x16xf32, #tpu.memory_space<vmem_shared>>
      tpu.enqueue_indirect_dma source(%arg5 : memref<128x16xf32, #tpu.memory_space<vmem>>) target(%dma_start3A_65 : memref<10240x16xf32, #tpu.memory_space<vmem_shared>>) offsets(%dma_start3A_62 : memref<128xi32, #tpu.memory_space<vmem>>) semaphore(%arg7 : memref<!tpu.dma_semaphore, #tpu.memory_space<semaphore_mem>>) {add = true}
      %add3A_66 = arith.constant 4 : i32
      %add3A_67 = arith.addi %add3A_34, %add3A_66 : i32
      %dma_start3A_68 = arith.constant 0 : i32
      %dma_start3A_69 = tpu.memref_slice %arg6[%add3A_67, %dma_start3A_68] : memref<80x128xi32, #tpu.memory_space<vmem>> -> memref<1x128xi32, #tpu.memory_space<vmem>>
      %dma_start3A_70 = tpu.memref_squeeze %dma_start3A_69 : memref<1x128xi32, #tpu.memory_space<vmem>> -> memref<128xi32, #tpu.memory_space<vmem>>
      %dma_start3A_71 = arith.constant 0 : i32
      %dma_start3A_72 = arith.constant 0 : i32
      %dma_start3A_73 = tpu.memref_slice %arg4[%dma_start3A_71, %dma_start3A_72] : memref<10240x16xf32, #tpu.memory_space<vmem_shared>> -> memref<10240x16xf32, #tpu.memory_space<vmem_shared>>
      tpu.enqueue_indirect_dma source(%arg5 : memref<128x16xf32, #tpu.memory_space<vmem>>) target(%dma_start3A_73 : memref<10240x16xf32, #tpu.memory_space<vmem_shared>>) offsets(%dma_start3A_70 : memref<128xi32, #tpu.memory_space<vmem>>) semaphore(%arg7 : memref<!tpu.dma_semaphore, #tpu.memory_space<semaphore_mem>>) {add = true}
      %add3A_74 = arith.constant 5 : i32
      %add3A_75 = arith.addi %add3A_34, %add3A_74 : i32
      %dma_start3A_76 = arith.constant 0 : i32
      %dma_start3A_77 = tpu.memref_slice %arg6[%add3A_75, %dma_start3A_76] : memref<80x128xi32, #tpu.memory_space<vmem>> -> memref<1x128xi32, #tpu.memory_space<vmem>>
      %dma_start3A_78 = tpu.memref_squeeze %dma_start3A_77 : memref<1x128xi32, #tpu.memory_space<vmem>> -> memref<128xi32, #tpu.memory_space<vmem>>
      %dma_start3A_79 = arith.constant 0 : i32
      %dma_start3A_80 = arith.constant 0 : i32
      %dma_start3A_81 = tpu.memref_slice %arg4[%dma_start3A_79, %dma_start3A_80] : memref<10240x16xf32, #tpu.memory_space<vmem_shared>> -> memref<10240x16xf32, #tpu.memory_space<vmem_shared>>
      tpu.enqueue_indirect_dma source(%arg5 : memref<128x16xf32, #tpu.memory_space<vmem>>) target(%dma_start3A_81 : memref<10240x16xf32, #tpu.memory_space<vmem_shared>>) offsets(%dma_start3A_78 : memref<128xi32, #tpu.memory_space<vmem>>) semaphore(%arg7 : memref<!tpu.dma_semaphore, #tpu.memory_space<semaphore_mem>>) {add = true}
      %add3A_82 = arith.constant 6 : i32
      %add3A_83 = arith.addi %add3A_34, %add3A_82 : i32
      %dma_start3A_84 = arith.constant 0 : i32
      %dma_start3A_85 = tpu.memref_slice %arg6[%add3A_83, %dma_start3A_84] : memref<80x128xi32, #tpu.memory_space<vmem>> -> memref<1x128xi32, #tpu.memory_space<vmem>>
      %dma_start3A_86 = tpu.memref_squeeze %dma_start3A_85 : memref<1x128xi32, #tpu.memory_space<vmem>> -> memref<128xi32, #tpu.memory_space<vmem>>
      %dma_start3A_87 = arith.constant 0 : i32
      %dma_start3A_88 = arith.constant 0 : i32
      %dma_start3A_89 = tpu.memref_slice %arg4[%dma_start3A_87, %dma_start3A_88] : memref<10240x16xf32, #tpu.memory_space<vmem_shared>> -> memref<10240x16xf32, #tpu.memory_space<vmem_shared>>
      tpu.enqueue_indirect_dma source(%arg5 : memref<128x16xf32, #tpu.memory_space<vmem>>) target(%dma_start3A_89 : memref<10240x16xf32, #tpu.memory_space<vmem_shared>>) offsets(%dma_start3A_86 : memref<128xi32, #tpu.memory_space<vmem>>) semaphore(%arg7 : memref<!tpu.dma_semaphore, #tpu.memory_space<semaphore_mem>>) {add = true}
      %add3A_90 = arith.constant 7 : i32
      %add3A_91 = arith.addi %add3A_34, %add3A_90 : i32
      %dma_start3A_92 = arith.constant 0 : i32
      %dma_start3A_93 = tpu.memref_slice %arg6[%add3A_91, %dma_start3A_92] : memref<80x128xi32, #tpu.memory_space<vmem>> -> memref<1x128xi32, #tpu.memory_space<vmem>>
      %dma_start3A_94 = tpu.memref_squeeze %dma_start3A_93 : memref<1x128xi32, #tpu.memory_space<vmem>> -> memref<128xi32, #tpu.memory_space<vmem>>
      %dma_start3A_95 = arith.constant 0 : i32
      %dma_start3A_96 = arith.constant 0 : i32
      %dma_start3A_97 = tpu.memref_slice %arg4[%dma_start3A_95, %dma_start3A_96] : memref<10240x16xf32, #tpu.memory_space<vmem_shared>> -> memref<10240x16xf32, #tpu.memory_space<vmem_shared>>
      tpu.enqueue_indirect_dma source(%arg5 : memref<128x16xf32, #tpu.memory_space<vmem>>) target(%dma_start3A_97 : memref<10240x16xf32, #tpu.memory_space<vmem_shared>>) offsets(%dma_start3A_94 : memref<128xi32, #tpu.memory_space<vmem>>) semaphore(%arg7 : memref<!tpu.dma_semaphore, #tpu.memory_space<semaphore_mem>>) {add = true}
      %dma_wait3A = arith.constant 0 : i32
      %dma_wait3A_98 = arith.constant 0 : i32
      %dma_wait3A_99 = tpu.memref_slice %arg6[%dma_wait3A, %dma_wait3A_98] : memref<80x128xi32, #tpu.memory_space<vmem>> -> memref<1x128xi32, #tpu.memory_space<vmem>>
      %dma_wait3A_100 = tpu.memref_squeeze %dma_wait3A_99 : memref<1x128xi32, #tpu.memory_space<vmem>> -> memref<128xi32, #tpu.memory_space<vmem>>
      %dma_wait3A_101 = arith.constant 0 : i32
      %dma_wait3A_102 = arith.constant 0 : i32
      %dma_wait3A_103 = tpu.memref_slice %arg4[%dma_wait3A_101, %dma_wait3A_102] : memref<10240x16xf32, #tpu.memory_space<vmem_shared>> -> memref<10240x16xf32, #tpu.memory_space<vmem_shared>>
      tpu.wait_indirect_dma semaphore(%arg7 : memref<!tpu.dma_semaphore, #tpu.memory_space<semaphore_mem>>) src(%arg5 : memref<128x16xf32, #tpu.memory_space<vmem>>) dst(%dma_wait3A_103 : memref<10240x16xf32, #tpu.memory_space<vmem_shared>>)
      %dma_wait3A_104 = arith.constant 0 : i32
      %dma_wait3A_105 = arith.constant 0 : i32
      %dma_wait3A_106 = tpu.memref_slice %arg6[%dma_wait3A_104, %dma_wait3A_105] : memref<80x128xi32, #tpu.memory_space<vmem>> -> memref<1x128xi32, #tpu.memory_space<vmem>>
      %dma_wait3A_107 = tpu.memref_squeeze %dma_wait3A_106 : memref<1x128xi32, #tpu.memory_space<vmem>> -> memref<128xi32, #tpu.memory_space<vmem>>
      %dma_wait3A_108 = arith.constant 0 : i32
      %dma_wait3A_109 = arith.constant 0 : i32
      %dma_wait3A_110 = tpu.memref_slice %arg4[%dma_wait3A_108, %dma_wait3A_109] : memref<10240x16xf32, #tpu.memory_space<vmem_shared>> -> memref<10240x16xf32, #tpu.memory_space<vmem_shared>>
      tpu.wait_indirect_dma semaphore(%arg7 : memref<!tpu.dma_semaphore, #tpu.memory_space<semaphore_mem>>) src(%arg5 : memref<128x16xf32, #tpu.memory_space<vmem>>) dst(%dma_wait3A_110 : memref<10240x16xf32, #tpu.memory_space<vmem_shared>>)
      %dma_wait3A_111 = arith.constant 0 : i32
      %dma_wait3A_112 = arith.constant 0 : i32
      %dma_wait3A_113 = tpu.memref_slice %arg6[%dma_wait3A_111, %dma_wait3A_112] : memref<80x128xi32, #tpu.memory_space<vmem>> -> memref<1x128xi32, #tpu.memory_space<vmem>>
      %dma_wait3A_114 = tpu.memref_squeeze %dma_wait3A_113 : memref<1x128xi32, #tpu.memory_space<vmem>> -> memref<128xi32, #tpu.memory_space<vmem>>
      %dma_wait3A_115 = arith.constant 0 : i32
      %dma_wait3A_116 = arith.constant 0 : i32
      %dma_wait3A_117 = tpu.memref_slice %arg4[%dma_wait3A_115, %dma_wait3A_116] : memref<10240x16xf32, #tpu.memory_space<vmem_shared>> -> memref<10240x16xf32, #tpu.memory_space<vmem_shared>>
      tpu.wait_indirect_dma semaphore(%arg7 : memref<!tpu.dma_semaphore, #tpu.memory_space<semaphore_mem>>) src(%arg5 : memref<128x16xf32, #tpu.memory_space<vmem>>) dst(%dma_wait3A_117 : memref<10240x16xf32, #tpu.memory_space<vmem_shared>>)
      %dma_wait3A_118 = arith.constant 0 : i32
      %dma_wait3A_119 = arith.constant 0 : i32
      %dma_wait3A_120 = tpu.memref_slice %arg6[%dma_wait3A_118, %dma_wait3A_119] : memref<80x128xi32, #tpu.memory_space<vmem>> -> memref<1x128xi32, #tpu.memory_space<vmem>>
      %dma_wait3A_121 = tpu.memref_squeeze %dma_wait3A_120 : memref<1x128xi32, #tpu.memory_space<vmem>> -> memref<128xi32, #tpu.memory_space<vmem>>
      %dma_wait3A_122 = arith.constant 0 : i32
      %dma_wait3A_123 = arith.constant 0 : i32
      %dma_wait3A_124 = tpu.memref_slice %arg4[%dma_wait3A_122, %dma_wait3A_123] : memref<10240x16xf32, #tpu.memory_space<vmem_shared>> -> memref<10240x16xf32, #tpu.memory_space<vmem_shared>>
      tpu.wait_indirect_dma semaphore(%arg7 : memref<!tpu.dma_semaphore, #tpu.memory_space<semaphore_mem>>) src(%arg5 : memref<128x16xf32, #tpu.memory_space<vmem>>) dst(%dma_wait3A_124 : memref<10240x16xf32, #tpu.memory_space<vmem_shared>>)
      %dma_wait3A_125 = arith.constant 0 : i32
      %dma_wait3A_126 = arith.constant 0 : i32
      %dma_wait3A_127 = tpu.memref_slice %arg6[%dma_wait3A_125, %dma_wait3A_126] : memref<80x128xi32, #tpu.memory_space<vmem>> -> memref<1x128xi32, #tpu.memory_space<vmem>>
      %dma_wait3A_128 = tpu.memref_squeeze %dma_wait3A_127 : memref<1x128xi32, #tpu.memory_space<vmem>> -> memref<128xi32, #tpu.memory_space<vmem>>
      %dma_wait3A_129 = arith.constant 0 : i32
      %dma_wait3A_130 = arith.constant 0 : i32
      %dma_wait3A_131 = tpu.memref_slice %arg4[%dma_wait3A_129, %dma_wait3A_130] : memref<10240x16xf32, #tpu.memory_space<vmem_shared>> -> memref<10240x16xf32, #tpu.memory_space<vmem_shared>>
      tpu.wait_indirect_dma semaphore(%arg7 : memref<!tpu.dma_semaphore, #tpu.memory_space<semaphore_mem>>) src(%arg5 : memref<128x16xf32, #tpu.memory_space<vmem>>) dst(%dma_wait3A_131 : memref<10240x16xf32, #tpu.memory_space<vmem_shared>>)
      %dma_wait3A_132 = arith.constant 0 : i32
      %dma_wait3A_133 = arith.constant 0 : i32
      %dma_wait3A_134 = tpu.memref_slice %arg6[%dma_wait3A_132, %dma_wait3A_133] : memref<80x128xi32, #tpu.memory_space<vmem>> -> memref<1x128xi32, #tpu.memory_space<vmem>>
      %dma_wait3A_135 = tpu.memref_squeeze %dma_wait3A_134 : memref<1x128xi32, #tpu.memory_space<vmem>> -> memref<128xi32, #tpu.memory_space<vmem>>
      %dma_wait3A_136 = arith.constant 0 : i32
      %dma_wait3A_137 = arith.constant 0 : i32
      %dma_wait3A_138 = tpu.memref_slice %arg4[%dma_wait3A_136, %dma_wait3A_137] : memref<10240x16xf32, #tpu.memory_space<vmem_shared>> -> memref<10240x16xf32, #tpu.memory_space<vmem_shared>>
      tpu.wait_indirect_dma semaphore(%arg7 : memref<!tpu.dma_semaphore, #tpu.memory_space<semaphore_mem>>) src(%arg5 : memref<128x16xf32, #tpu.memory_space<vmem>>) dst(%dma_wait3A_138 : memref<10240x16xf32, #tpu.memory_space<vmem_shared>>)
      %dma_wait3A_139 = arith.constant 0 : i32
      %dma_wait3A_140 = arith.constant 0 : i32
      %dma_wait3A_141 = tpu.memref_slice %arg6[%dma_wait3A_139, %dma_wait3A_140] : memref<80x128xi32, #tpu.memory_space<vmem>> -> memref<1x128xi32, #tpu.memory_space<vmem>>
      %dma_wait3A_142 = tpu.memref_squeeze %dma_wait3A_141 : memref<1x128xi32, #tpu.memory_space<vmem>> -> memref<128xi32, #tpu.memory_space<vmem>>
      %dma_wait3A_143 = arith.constant 0 : i32
      %dma_wait3A_144 = arith.constant 0 : i32
      %dma_wait3A_145 = tpu.memref_slice %arg4[%dma_wait3A_143, %dma_wait3A_144] : memref<10240x16xf32, #tpu.memory_space<vmem_shared>> -> memref<10240x16xf32, #tpu.memory_space<vmem_shared>>
      tpu.wait_indirect_dma semaphore(%arg7 : memref<!tpu.dma_semaphore, #tpu.memory_space<semaphore_mem>>) src(%arg5 : memref<128x16xf32, #tpu.memory_space<vmem>>) dst(%dma_wait3A_145 : memref<10240x16xf32, #tpu.memory_space<vmem_shared>>)
      %dma_wait3A_146 = arith.constant 0 : i32
      %dma_wait3A_147 = arith.constant 0 : i32
      %dma_wait3A_148 = tpu.memref_slice %arg6[%dma_wait3A_146, %dma_wait3A_147] : memref<80x128xi32, #tpu.memory_space<vmem>> -> memref<1x128xi32, #tpu.memory_space<vmem>>
      %dma_wait3A_149 = tpu.memref_squeeze %dma_wait3A_148 : memref<1x128xi32, #tpu.memory_space<vmem>> -> memref<128xi32, #tpu.memory_space<vmem>>
      %dma_wait3A_150 = arith.constant 0 : i32
      %dma_wait3A_151 = arith.constant 0 : i32
      %dma_wait3A_152 = tpu.memref_slice %arg4[%dma_wait3A_150, %dma_wait3A_151] : memref<10240x16xf32, #tpu.memory_space<vmem_shared>> -> memref<10240x16xf32, #tpu.memory_space<vmem_shared>>
      tpu.wait_indirect_dma semaphore(%arg7 : memref<!tpu.dma_semaphore, #tpu.memory_space<semaphore_mem>>) src(%arg5 : memref<128x16xf32, #tpu.memory_space<vmem>>) dst(%dma_wait3A_152 : memref<10240x16xf32, #tpu.memory_space<vmem_shared>>)
    }
    %scan3A_24 = arith.constant 10 : i32
    %barrier3A_25 = arith.constant 0 : index
    tpu.barrier barrier_id(%barrier3A_25)
    %mul3A_26 = arith.constant 640 : i32
    %mul3A_27 = arith.muli %arg1, %mul3A_26 : i32
    %mul3A_28 = arith.constant 640 : i32
    %mul3A_29 = arith.muli %arg1, %mul3A_28 : i32
    "tpu.region"() ({
      %run_scoped3A = tpu.sem_alloc : memref<!tpu.dma_semaphore, #tpu.memory_space<semaphore_mem>>
      %dma_start3A = arith.constant 0 : i32
      %dma_start3A_30 = tpu.memref_slice %arg3[%arg0, %mul3A_29, %dma_start3A] : memref<2x10240x16xf32, #tpu.memory_space<hbm>> -> memref<1x640x16xf32, #tpu.memory_space<hbm>>
      %dma_start3A_31 = tpu.memref_squeeze %dma_start3A_30 : memref<1x640x16xf32, #tpu.memory_space<hbm>> -> memref<640x16xf32, #tpu.memory_space<hbm>>
      %dma_start3A_32 = arith.constant 0 : i32
      %dma_start3A_33 = tpu.memref_slice %arg4[%mul3A_27, %dma_start3A_32] : memref<10240x16xf32, #tpu.memory_space<vmem_shared>> -> memref<640x16xf32, #tpu.memory_space<vmem_shared>>
      tpu.enqueue_dma source(%dma_start3A_33 : memref<640x16xf32, #tpu.memory_space<vmem_shared>>) target(%dma_start3A_31 : memref<640x16xf32, #tpu.memory_space<hbm>>) target_semaphore(%run_scoped3A : memref<!tpu.dma_semaphore, #tpu.memory_space<semaphore_mem>>)
      %dma_wait3A = arith.constant 0 : i32
      %dma_wait3A_34 = tpu.memref_slice %arg3[%arg0, %mul3A_29, %dma_wait3A] : memref<2x10240x16xf32, #tpu.memory_space<hbm>> -> memref<1x640x16xf32, #tpu.memory_space<hbm>>
      %dma_wait3A_35 = tpu.memref_squeeze %dma_wait3A_34 : memref<1x640x16xf32, #tpu.memory_space<hbm>> -> memref<640x16xf32, #tpu.memory_space<hbm>>
      %dma_wait3A_36 = arith.constant 0 : i32
      %dma_wait3A_37 = tpu.memref_slice %arg4[%mul3A_27, %dma_wait3A_36] : memref<10240x16xf32, #tpu.memory_space<vmem_shared>> -> memref<640x16xf32, #tpu.memory_space<vmem_shared>>
      tpu.wait_dma2 semaphore(%run_scoped3A : memref<!tpu.dma_semaphore, #tpu.memory_space<semaphore_mem>>) src(%dma_wait3A_37 : memref<640x16xf32, #tpu.memory_space<vmem_shared>>) dst(%dma_wait3A_35 : memref<640x16xf32, #tpu.memory_space<hbm>>)
      tpu.yield
    }) : () -> ()
    return
  }
}

#map = affine_map<(d0, d1) -> (0, 0)>
#map1 = affine_map<(d0, d1) -> (0, 0, 0)>
module attributes {stable_mosaic.version = 14 : i64} {
  func.func @sc_papply(%arg0: i32, %arg1: i32, %arg2: memref<10240x16xf32, #tpu.memory_space<hbm>>, %arg3: memref<2560x128xi32, #tpu.memory_space<hbm>>, %arg4: memref<2560x128xi32, #tpu.memory_space<hbm>>, %arg5: memref<2x10240x16xf32, #tpu.memory_space<hbm>>, %arg6: memref<10240x16xf32, #tpu.memory_space<vmem_shared>>, %arg7: memref<10240x16xf32, #tpu.memory_space<vmem_shared>>, %arg8: memref<4x128x16xf32, #tpu.memory_space<vmem>>, %arg9: memref<80x128xi32, #tpu.memory_space<vmem>>, %arg10: memref<80x128xi32, #tpu.memory_space<vmem>>, %arg11: memref<4x!tpu.dma_semaphore, #tpu.memory_space<semaphore_mem>>, %arg12: memref<4x!tpu.dma_semaphore, #tpu.memory_space<semaphore_mem>>) attributes {dimension_semantics = [#tpu.dimension_semantics<core_parallel>, #tpu.dimension_semantics<subcore_parallel>], iteration_bounds = array<i64: 2, 16>, scalar_prefetch = 0 : i64, scratch_operands = 7 : i64, tpu.core_type = #tpu.core_type<sc_vector_subcore>, window_params = [{transform_indices = #map}, {transform_indices = #map}, {transform_indices = #map}, {transform_indices = #map1}]} {
    %mul3A = arith.constant 16 : i32
    %mul3A_0 = arith.muli %arg0, %mul3A : i32
    %add3A = arith.addi %mul3A_0, %arg1 : i32
    %broadcast_in_dim3A = arith.constant 0.000000e+00 : f32
    %broadcast_in_dim3A_1 = vector.broadcast %broadcast_in_dim3A : f32 to vector<16xf32>
    %scan3A = arith.constant 0 : i32
    %scan3A_2 = arith.constant 0 : i32
    %scan3A_3 = arith.constant 128 : i32
    %scan3A_4 = arith.addi %scan3A_2, %scan3A_3 : i32
    %scan3A_5 = arith.constant 1 : i32
    scf.for %scan3A_269 = %scan3A_2 to %scan3A_4 step %scan3A_5  : i32 {
      %mul3A_270 = arith.constant 1 : i32
      %mul3A_271 = arith.muli %scan3A_269, %mul3A_270 : i32
      %add3A_272 = arith.constant 0 : i32
      %add3A_273 = arith.addi %add3A_272, %mul3A_271 : i32
      %scan3A_274 = arith.constant 0 : i32
      %mul3A_275 = arith.constant 1 : i32
      %mul3A_276 = arith.muli %scan3A_274, %mul3A_275 : i32
      %add3A_277 = arith.constant 0 : i32
      %add3A_278 = arith.addi %add3A_277, %mul3A_276 : i32
      %mul3A_279 = arith.constant 16 : i32
      %mul3A_280 = arith.muli %add3A_278, %mul3A_279 : i32
      %swap3A = arith.constant 0 : i32
      %swap3A_281 = arith.constant 0 : i32
      %swap3A_282 = tpu.memref_slice %arg8[%scan3A, %swap3A, %swap3A_281] : memref<4x128x16xf32, #tpu.memory_space<vmem>> -> memref<1x128x16xf32, #tpu.memory_space<vmem>>
      %swap3A_283 = tpu.memref_squeeze %swap3A_282 : memref<1x128x16xf32, #tpu.memory_space<vmem>> -> memref<128x16xf32, #tpu.memory_space<vmem>>
      %swap3A_284 = arith.index_cast %add3A_273 : i32 to index
      %swap3A_285 = arith.index_cast %mul3A_280 : i32 to index
      %swap3A_286 = tpu.vector_load %swap3A_283[%swap3A_284, %swap3A_285] {strides = array<i32>} : memref<128x16xf32, #tpu.memory_space<vmem>>, vector<1x16xf32>,
      %swap3A_287 = vector.shape_cast %swap3A_286 : vector<1x16xf32> to vector<16xf32>
      %swap3A_288 = vector.shape_cast %broadcast_in_dim3A_1 : vector<16xf32> to vector<1x16xf32>
      tpu.vector_store %swap3A_283[%swap3A_284, %swap3A_285], %swap3A_288 {strides = array<i32>} : memref<128x16xf32, #tpu.memory_space<vmem>>, vector<1x16xf32>,
      %scan3A_289 = arith.constant 1 : i32
    }
    %scan3A_6 = arith.constant 128 : i32
    %scan3A_7 = arith.constant 0 : i32
    %scan3A_8 = arith.constant 0 : i32
    %scan3A_9 = arith.constant 5 : i32
    %scan3A_10 = arith.addi %scan3A_8, %scan3A_9 : i32
    %scan3A_11 = arith.constant 1 : i32
    scf.for %scan3A_269 = %scan3A_8 to %scan3A_10 step %scan3A_11  : i32 {
      %mul3A_270 = arith.constant 1 : i32
      %mul3A_271 = arith.muli %scan3A_269, %mul3A_270 : i32
      %add3A_272 = arith.constant 0 : i32
      %add3A_273 = arith.addi %add3A_272, %mul3A_271 : i32
      %mul3A_274 = arith.constant 640 : i32
      %mul3A_275 = arith.muli %arg1, %mul3A_274 : i32
      %mul3A_276 = arith.constant 128 : i32
      %mul3A_277 = arith.muli %add3A_273, %mul3A_276 : i32
      %add3A_278 = arith.addi %mul3A_275, %mul3A_277 : i32
      "tpu.region"() ({
        %run_scoped3A = tpu.sem_alloc : memref<!tpu.dma_semaphore, #tpu.memory_space<semaphore_mem>>
        %dma_start3A_279 = arith.constant 0 : i32
        %dma_start3A_280 = arith.constant 0 : i32
        %dma_start3A_281 = tpu.memref_slice %arg8[%scan3A_7, %dma_start3A_279, %dma_start3A_280] : memref<4x128x16xf32, #tpu.memory_space<vmem>> -> memref<1x128x16xf32, #tpu.memory_space<vmem>>
        %dma_start3A_282 = tpu.memref_squeeze %dma_start3A_281 : memref<1x128x16xf32, #tpu.memory_space<vmem>> -> memref<128x16xf32, #tpu.memory_space<vmem>>
        %dma_start3A_283 = arith.constant 0 : i32
        %dma_start3A_284 = tpu.memref_slice %arg7[%add3A_278, %dma_start3A_283] : memref<10240x16xf32, #tpu.memory_space<vmem_shared>> -> memref<128x16xf32, #tpu.memory_space<vmem_shared>>
        %dma_start3A_285 = arith.constant 0 : i32
        %dma_start3A_286 = tpu.memref_slice %arg7[%add3A_278, %dma_start3A_285] : memref<10240x16xf32, #tpu.memory_space<vmem_shared>> -> memref<128x16xf32, #tpu.memory_space<vmem_shared>>
        %dma_start3A_287 = arith.constant 0 : i32
        %dma_start3A_288 = arith.constant 0 : i32
        %dma_start3A_289 = tpu.memref_slice %arg8[%scan3A_7, %dma_start3A_287, %dma_start3A_288] : memref<4x128x16xf32, #tpu.memory_space<vmem>> -> memref<1x128x16xf32, #tpu.memory_space<vmem>>
        %dma_start3A_290 = tpu.memref_squeeze %dma_start3A_289 : memref<1x128x16xf32, #tpu.memory_space<vmem>> -> memref<128x16xf32, #tpu.memory_space<vmem>>
        tpu.enqueue_dma source(%dma_start3A_290 : memref<128x16xf32, #tpu.memory_space<vmem>>) target(%dma_start3A_286 : memref<128x16xf32, #tpu.memory_space<vmem_shared>>) target_semaphore(%run_scoped3A : memref<!tpu.dma_semaphore, #tpu.memory_space<semaphore_mem>>)
        %dma_wait3A_291 = arith.constant 0 : i32
        %dma_wait3A_292 = arith.constant 0 : i32
        %dma_wait3A_293 = tpu.memref_slice %arg8[%scan3A_7, %dma_wait3A_291, %dma_wait3A_292] : memref<4x128x16xf32, #tpu.memory_space<vmem>> -> memref<1x128x16xf32, #tpu.memory_space<vmem>>
        %dma_wait3A_294 = tpu.memref_squeeze %dma_wait3A_293 : memref<1x128x16xf32, #tpu.memory_space<vmem>> -> memref<128x16xf32, #tpu.memory_space<vmem>>
        %dma_wait3A_295 = arith.constant 0 : i32
        %dma_wait3A_296 = tpu.memref_slice %arg7[%add3A_278, %dma_wait3A_295] : memref<10240x16xf32, #tpu.memory_space<vmem_shared>> -> memref<128x16xf32, #tpu.memory_space<vmem_shared>>
        %dma_wait3A_297 = arith.constant 0 : i32
        %dma_wait3A_298 = tpu.memref_slice %arg7[%add3A_278, %dma_wait3A_297] : memref<10240x16xf32, #tpu.memory_space<vmem_shared>> -> memref<128x16xf32, #tpu.memory_space<vmem_shared>>
        %dma_wait3A_299 = arith.constant 0 : i32
        %dma_wait3A_300 = arith.constant 0 : i32
        %dma_wait3A_301 = tpu.memref_slice %arg8[%scan3A_7, %dma_wait3A_299, %dma_wait3A_300] : memref<4x128x16xf32, #tpu.memory_space<vmem>> -> memref<1x128x16xf32, #tpu.memory_space<vmem>>
        %dma_wait3A_302 = tpu.memref_squeeze %dma_wait3A_301 : memref<1x128x16xf32, #tpu.memory_space<vmem>> -> memref<128x16xf32, #tpu.memory_space<vmem>>
        tpu.wait_dma2 semaphore(%run_scoped3A : memref<!tpu.dma_semaphore, #tpu.memory_space<semaphore_mem>>) src(%dma_wait3A_302 : memref<128x16xf32, #tpu.memory_space<vmem>>) dst(%dma_wait3A_298 : memref<128x16xf32, #tpu.memory_space<vmem_shared>>)
        tpu.yield
      }) : () -> ()
    }
    %scan3A_12 = arith.constant 5 : i32
    %mul3A_13 = arith.constant 640 : i32
    %mul3A_14 = arith.muli %arg1, %mul3A_13 : i32
    %mul3A_15 = arith.constant 640 : i32
    %mul3A_16 = arith.muli %arg1, %mul3A_15 : i32
    "tpu.region"() ({
      %run_scoped3A = tpu.sem_alloc : memref<!tpu.dma_semaphore, #tpu.memory_space<semaphore_mem>>
      %dma_start3A_269 = arith.constant 0 : i32
      %dma_start3A_270 = tpu.memref_slice %arg6[%mul3A_16, %dma_start3A_269] : memref<10240x16xf32, #tpu.memory_space<vmem_shared>> -> memref<640x16xf32, #tpu.memory_space<vmem_shared>>
      %dma_start3A_271 = arith.constant 0 : i32
      %dma_start3A_272 = tpu.memref_slice %arg2[%mul3A_14, %dma_start3A_271] : memref<10240x16xf32, #tpu.memory_space<hbm>> -> memref<640x16xf32, #tpu.memory_space<hbm>>
      tpu.enqueue_dma source(%dma_start3A_272 : memref<640x16xf32, #tpu.memory_space<hbm>>) target(%dma_start3A_270 : memref<640x16xf32, #tpu.memory_space<vmem_shared>>) target_semaphore(%run_scoped3A : memref<!tpu.dma_semaphore, #tpu.memory_space<semaphore_mem>>)
      %dma_wait3A_273 = arith.constant 0 : i32
      %dma_wait3A_274 = tpu.memref_slice %arg6[%mul3A_16, %dma_wait3A_273] : memref<10240x16xf32, #tpu.memory_space<vmem_shared>> -> memref<640x16xf32, #tpu.memory_space<vmem_shared>>
      %dma_wait3A_275 = arith.constant 0 : i32
      %dma_wait3A_276 = tpu.memref_slice %arg2[%mul3A_14, %dma_wait3A_275] : memref<10240x16xf32, #tpu.memory_space<hbm>> -> memref<640x16xf32, #tpu.memory_space<hbm>>
      tpu.wait_dma2 semaphore(%run_scoped3A : memref<!tpu.dma_semaphore, #tpu.memory_space<semaphore_mem>>) src(%dma_wait3A_276 : memref<640x16xf32, #tpu.memory_space<hbm>>) dst(%dma_wait3A_274 : memref<640x16xf32, #tpu.memory_space<vmem_shared>>)
      tpu.yield
    }) : () -> ()
    %mul3A_17 = arith.constant 80 : i32
    %mul3A_18 = arith.muli %add3A, %mul3A_17 : i32
    "tpu.region"() ({
      %run_scoped3A = tpu.sem_alloc : memref<!tpu.dma_semaphore, #tpu.memory_space<semaphore_mem>>
      %dma_start3A_269 = arith.constant 0 : i32
      %dma_start3A_270 = tpu.memref_slice %arg3[%mul3A_18, %dma_start3A_269] : memref<2560x128xi32, #tpu.memory_space<hbm>> -> memref<80x128xi32, #tpu.memory_space<hbm>>
      %dma_start3A_271 = arith.constant 0 : i32
      %dma_start3A_272 = tpu.memref_slice %arg3[%mul3A_18, %dma_start3A_271] : memref<2560x128xi32, #tpu.memory_space<hbm>> -> memref<80x128xi32, #tpu.memory_space<hbm>>
      tpu.enqueue_dma source(%dma_start3A_272 : memref<80x128xi32, #tpu.memory_space<hbm>>) target(%arg9 : memref<80x128xi32, #tpu.memory_space<vmem>>) target_semaphore(%run_scoped3A : memref<!tpu.dma_semaphore, #tpu.memory_space<semaphore_mem>>)
      %dma_wait3A_273 = arith.constant 0 : i32
      %dma_wait3A_274 = tpu.memref_slice %arg3[%mul3A_18, %dma_wait3A_273] : memref<2560x128xi32, #tpu.memory_space<hbm>> -> memref<80x128xi32, #tpu.memory_space<hbm>>
      %dma_wait3A_275 = arith.constant 0 : i32
      %dma_wait3A_276 = tpu.memref_slice %arg3[%mul3A_18, %dma_wait3A_275] : memref<2560x128xi32, #tpu.memory_space<hbm>> -> memref<80x128xi32, #tpu.memory_space<hbm>>
      tpu.wait_dma2 semaphore(%run_scoped3A : memref<!tpu.dma_semaphore, #tpu.memory_space<semaphore_mem>>) src(%dma_wait3A_276 : memref<80x128xi32, #tpu.memory_space<hbm>>) dst(%arg9 : memref<80x128xi32, #tpu.memory_space<vmem>>)
      tpu.yield
    }) : () -> ()
    %mul3A_19 = arith.constant 80 : i32
    %mul3A_20 = arith.muli %add3A, %mul3A_19 : i32
    "tpu.region"() ({
      %run_scoped3A = tpu.sem_alloc : memref<!tpu.dma_semaphore, #tpu.memory_space<semaphore_mem>>
      %dma_start3A_269 = arith.constant 0 : i32
      %dma_start3A_270 = tpu.memref_slice %arg4[%mul3A_20, %dma_start3A_269] : memref<2560x128xi32, #tpu.memory_space<hbm>> -> memref<80x128xi32, #tpu.memory_space<hbm>>
      %dma_start3A_271 = arith.constant 0 : i32
      %dma_start3A_272 = tpu.memref_slice %arg4[%mul3A_20, %dma_start3A_271] : memref<2560x128xi32, #tpu.memory_space<hbm>> -> memref<80x128xi32, #tpu.memory_space<hbm>>
      tpu.enqueue_dma source(%dma_start3A_272 : memref<80x128xi32, #tpu.memory_space<hbm>>) target(%arg10 : memref<80x128xi32, #tpu.memory_space<vmem>>) target_semaphore(%run_scoped3A : memref<!tpu.dma_semaphore, #tpu.memory_space<semaphore_mem>>)
      %dma_wait3A_273 = arith.constant 0 : i32
      %dma_wait3A_274 = tpu.memref_slice %arg4[%mul3A_20, %dma_wait3A_273] : memref<2560x128xi32, #tpu.memory_space<hbm>> -> memref<80x128xi32, #tpu.memory_space<hbm>>
      %dma_wait3A_275 = arith.constant 0 : i32
      %dma_wait3A_276 = tpu.memref_slice %arg4[%mul3A_20, %dma_wait3A_275] : memref<2560x128xi32, #tpu.memory_space<hbm>> -> memref<80x128xi32, #tpu.memory_space<hbm>>
      tpu.wait_dma2 semaphore(%run_scoped3A : memref<!tpu.dma_semaphore, #tpu.memory_space<semaphore_mem>>) src(%dma_wait3A_276 : memref<80x128xi32, #tpu.memory_space<hbm>>) dst(%arg10 : memref<80x128xi32, #tpu.memory_space<vmem>>)
      tpu.yield
    }) : () -> ()
    %barrier3A = arith.constant 0 : index
    tpu.barrier barrier_id(%barrier3A)
    %dma_start3A = arith.constant 0 : i32
    %dma_start3A_21 = arith.constant 0 : i32
    %dma_start3A_22 = arith.constant 0 : i32
    %dma_start3A_23 = arith.constant 0 : i32
    %dma_start3A_24 = arith.constant 0 : i32
    %dma_start3A_25 = tpu.memref_slice %arg8[%dma_start3A_21, %dma_start3A_23, %dma_start3A_24] : memref<4x128x16xf32, #tpu.memory_space<vmem>> -> memref<1x128x16xf32, #tpu.memory_space<vmem>>
    %dma_start3A_26 = tpu.memref_squeeze %dma_start3A_25 : memref<1x128x16xf32, #tpu.memory_space<vmem>> -> memref<128x16xf32, #tpu.memory_space<vmem>>
    %dma_start3A_27 = arith.constant 0 : i32
    %dma_start3A_28 = tpu.memref_slice %arg9[%dma_start3A, %dma_start3A_27] : memref<80x128xi32, #tpu.memory_space<vmem>> -> memref<1x128xi32, #tpu.memory_space<vmem>>
    %dma_start3A_29 = tpu.memref_squeeze %dma_start3A_28 : memref<1x128xi32, #tpu.memory_space<vmem>> -> memref<128xi32, #tpu.memory_space<vmem>>
    %dma_start3A_30 = arith.constant 0 : i32
    %dma_start3A_31 = arith.constant 0 : i32
    %dma_start3A_32 = tpu.memref_slice %arg6[%dma_start3A_30, %dma_start3A_31] : memref<10240x16xf32, #tpu.memory_space<vmem_shared>> -> memref<10240x16xf32, #tpu.memory_space<vmem_shared>>
    %dma_start3A_33 = tpu.memref_slice %arg11[%dma_start3A_22] : memref<4x!tpu.dma_semaphore, #tpu.memory_space<semaphore_mem>> -> memref<1x!tpu.dma_semaphore, #tpu.memory_space<semaphore_mem>>
    %dma_start3A_34 = tpu.memref_squeeze %dma_start3A_33 : memref<1x!tpu.dma_semaphore, #tpu.memory_space<semaphore_mem>> -> memref<!tpu.dma_semaphore, #tpu.memory_space<semaphore_mem>>
    tpu.enqueue_indirect_dma source(%dma_start3A_32 : memref<10240x16xf32, #tpu.memory_space<vmem_shared>>) target(%dma_start3A_26 : memref<128x16xf32, #tpu.memory_space<vmem>>) offsets(%dma_start3A_29 : memref<128xi32, #tpu.memory_space<vmem>>) semaphore(%dma_start3A_34 : memref<!tpu.dma_semaphore, #tpu.memory_space<semaphore_mem>>)
    %dma_start3A_35 = arith.constant 1 : i32
    %dma_start3A_36 = arith.constant 1 : i32
    %dma_start3A_37 = arith.constant 1 : i32
    %dma_start3A_38 = arith.constant 0 : i32
    %dma_start3A_39 = arith.constant 0 : i32
    %dma_start3A_40 = tpu.memref_slice %arg8[%dma_start3A_36, %dma_start3A_38, %dma_start3A_39] : memref<4x128x16xf32, #tpu.memory_space<vmem>> -> memref<1x128x16xf32, #tpu.memory_space<vmem>>
    %dma_start3A_41 = tpu.memref_squeeze %dma_start3A_40 : memref<1x128x16xf32, #tpu.memory_space<vmem>> -> memref<128x16xf32, #tpu.memory_space<vmem>>
    %dma_start3A_42 = arith.constant 0 : i32
    %dma_start3A_43 = tpu.memref_slice %arg9[%dma_start3A_35, %dma_start3A_42] : memref<80x128xi32, #tpu.memory_space<vmem>> -> memref<1x128xi32, #tpu.memory_space<vmem>>
    %dma_start3A_44 = tpu.memref_squeeze %dma_start3A_43 : memref<1x128xi32, #tpu.memory_space<vmem>> -> memref<128xi32, #tpu.memory_space<vmem>>
    %dma_start3A_45 = arith.constant 0 : i32
    %dma_start3A_46 = arith.constant 0 : i32
    %dma_start3A_47 = tpu.memref_slice %arg6[%dma_start3A_45, %dma_start3A_46] : memref<10240x16xf32, #tpu.memory_space<vmem_shared>> -> memref<10240x16xf32, #tpu.memory_space<vmem_shared>>
    %dma_start3A_48 = tpu.memref_slice %arg11[%dma_start3A_37] : memref<4x!tpu.dma_semaphore, #tpu.memory_space<semaphore_mem>> -> memref<1x!tpu.dma_semaphore, #tpu.memory_space<semaphore_mem>>
    %dma_start3A_49 = tpu.memref_squeeze %dma_start3A_48 : memref<1x!tpu.dma_semaphore, #tpu.memory_space<semaphore_mem>> -> memref<!tpu.dma_semaphore, #tpu.memory_space<semaphore_mem>>
    tpu.enqueue_indirect_dma source(%dma_start3A_47 : memref<10240x16xf32, #tpu.memory_space<vmem_shared>>) target(%dma_start3A_41 : memref<128x16xf32, #tpu.memory_space<vmem>>) offsets(%dma_start3A_44 : memref<128xi32, #tpu.memory_space<vmem>>) semaphore(%dma_start3A_49 : memref<!tpu.dma_semaphore, #tpu.memory_space<semaphore_mem>>)
    %dma_start3A_50 = arith.constant 2 : i32
    %dma_start3A_51 = arith.constant 2 : i32
    %dma_start3A_52 = arith.constant 2 : i32
    %dma_start3A_53 = arith.constant 0 : i32
    %dma_start3A_54 = arith.constant 0 : i32
    %dma_start3A_55 = tpu.memref_slice %arg8[%dma_start3A_51, %dma_start3A_53, %dma_start3A_54] : memref<4x128x16xf32, #tpu.memory_space<vmem>> -> memref<1x128x16xf32, #tpu.memory_space<vmem>>
    %dma_start3A_56 = tpu.memref_squeeze %dma_start3A_55 : memref<1x128x16xf32, #tpu.memory_space<vmem>> -> memref<128x16xf32, #tpu.memory_space<vmem>>
    %dma_start3A_57 = arith.constant 0 : i32
    %dma_start3A_58 = tpu.memref_slice %arg9[%dma_start3A_50, %dma_start3A_57] : memref<80x128xi32, #tpu.memory_space<vmem>> -> memref<1x128xi32, #tpu.memory_space<vmem>>
    %dma_start3A_59 = tpu.memref_squeeze %dma_start3A_58 : memref<1x128xi32, #tpu.memory_space<vmem>> -> memref<128xi32, #tpu.memory_space<vmem>>
    %dma_start3A_60 = arith.constant 0 : i32
    %dma_start3A_61 = arith.constant 0 : i32
    %dma_start3A_62 = tpu.memref_slice %arg6[%dma_start3A_60, %dma_start3A_61] : memref<10240x16xf32, #tpu.memory_space<vmem_shared>> -> memref<10240x16xf32, #tpu.memory_space<vmem_shared>>
    %dma_start3A_63 = tpu.memref_slice %arg11[%dma_start3A_52] : memref<4x!tpu.dma_semaphore, #tpu.memory_space<semaphore_mem>> -> memref<1x!tpu.dma_semaphore, #tpu.memory_space<semaphore_mem>>
    %dma_start3A_64 = tpu.memref_squeeze %dma_start3A_63 : memref<1x!tpu.dma_semaphore, #tpu.memory_space<semaphore_mem>> -> memref<!tpu.dma_semaphore, #tpu.memory_space<semaphore_mem>>
    tpu.enqueue_indirect_dma source(%dma_start3A_62 : memref<10240x16xf32, #tpu.memory_space<vmem_shared>>) target(%dma_start3A_56 : memref<128x16xf32, #tpu.memory_space<vmem>>) offsets(%dma_start3A_59 : memref<128xi32, #tpu.memory_space<vmem>>) semaphore(%dma_start3A_64 : memref<!tpu.dma_semaphore, #tpu.memory_space<semaphore_mem>>)
    %dma_start3A_65 = arith.constant 3 : i32
    %dma_start3A_66 = arith.constant 3 : i32
    %dma_start3A_67 = arith.constant 3 : i32
    %dma_start3A_68 = arith.constant 0 : i32
    %dma_start3A_69 = arith.constant 0 : i32
    %dma_start3A_70 = tpu.memref_slice %arg8[%dma_start3A_66, %dma_start3A_68, %dma_start3A_69] : memref<4x128x16xf32, #tpu.memory_space<vmem>> -> memref<1x128x16xf32, #tpu.memory_space<vmem>>
    %dma_start3A_71 = tpu.memref_squeeze %dma_start3A_70 : memref<1x128x16xf32, #tpu.memory_space<vmem>> -> memref<128x16xf32, #tpu.memory_space<vmem>>
    %dma_start3A_72 = arith.constant 0 : i32
    %dma_start3A_73 = tpu.memref_slice %arg9[%dma_start3A_65, %dma_start3A_72] : memref<80x128xi32, #tpu.memory_space<vmem>> -> memref<1x128xi32, #tpu.memory_space<vmem>>
    %dma_start3A_74 = tpu.memref_squeeze %dma_start3A_73 : memref<1x128xi32, #tpu.memory_space<vmem>> -> memref<128xi32, #tpu.memory_space<vmem>>
    %dma_start3A_75 = arith.constant 0 : i32
    %dma_start3A_76 = arith.constant 0 : i32
    %dma_start3A_77 = tpu.memref_slice %arg6[%dma_start3A_75, %dma_start3A_76] : memref<10240x16xf32, #tpu.memory_space<vmem_shared>> -> memref<10240x16xf32, #tpu.memory_space<vmem_shared>>
    %dma_start3A_78 = tpu.memref_slice %arg11[%dma_start3A_67] : memref<4x!tpu.dma_semaphore, #tpu.memory_space<semaphore_mem>> -> memref<1x!tpu.dma_semaphore, #tpu.memory_space<semaphore_mem>>
    %dma_start3A_79 = tpu.memref_squeeze %dma_start3A_78 : memref<1x!tpu.dma_semaphore, #tpu.memory_space<semaphore_mem>> -> memref<!tpu.dma_semaphore, #tpu.memory_space<semaphore_mem>>
    tpu.enqueue_indirect_dma source(%dma_start3A_77 : memref<10240x16xf32, #tpu.memory_space<vmem_shared>>) target(%dma_start3A_71 : memref<128x16xf32, #tpu.memory_space<vmem>>) offsets(%dma_start3A_74 : memref<128xi32, #tpu.memory_space<vmem>>) semaphore(%dma_start3A_79 : memref<!tpu.dma_semaphore, #tpu.memory_space<semaphore_mem>>)
    %scan3A_80 = arith.constant 0 : i32
    %scan3A_81 = arith.constant 19 : i32
    %scan3A_82 = arith.addi %scan3A_80, %scan3A_81 : i32
    %scan3A_83 = arith.constant 1 : i32
    scf.for %scan3A_269 = %scan3A_80 to %scan3A_82 step %scan3A_83  : i32 {
      %mul3A_270 = arith.constant 4 : i32
      %mul3A_271 = arith.muli %scan3A_269, %mul3A_270 : i32
      %add3A_272 = arith.constant 0 : i32
      %add3A_273 = arith.addi %add3A_272, %mul3A_271 : i32
      %dma_wait3A_274 = arith.constant 0 : i32
      %dma_wait3A_275 = arith.constant 0 : i32
      %dma_wait3A_276 = arith.constant 0 : i32
      %dma_wait3A_277 = arith.constant 0 : i32
      %dma_wait3A_278 = arith.constant 0 : i32
      %dma_wait3A_279 = tpu.memref_slice %arg8[%dma_wait3A_275, %dma_wait3A_277, %dma_wait3A_278] : memref<4x128x16xf32, #tpu.memory_space<vmem>> -> memref<1x128x16xf32, #tpu.memory_space<vmem>>
      %dma_wait3A_280 = tpu.memref_squeeze %dma_wait3A_279 : memref<1x128x16xf32, #tpu.memory_space<vmem>> -> memref<128x16xf32, #tpu.memory_space<vmem>>
      %dma_wait3A_281 = arith.constant 0 : i32
      %dma_wait3A_282 = tpu.memref_slice %arg9[%dma_wait3A_274, %dma_wait3A_281] : memref<80x128xi32, #tpu.memory_space<vmem>> -> memref<1x128xi32, #tpu.memory_space<vmem>>
      %dma_wait3A_283 = tpu.memref_squeeze %dma_wait3A_282 : memref<1x128xi32, #tpu.memory_space<vmem>> -> memref<128xi32, #tpu.memory_space<vmem>>
      %dma_wait3A_284 = arith.constant 0 : i32
      %dma_wait3A_285 = arith.constant 0 : i32
      %dma_wait3A_286 = tpu.memref_slice %arg6[%dma_wait3A_284, %dma_wait3A_285] : memref<10240x16xf32, #tpu.memory_space<vmem_shared>> -> memref<10240x16xf32, #tpu.memory_space<vmem_shared>>
      %dma_wait3A_287 = tpu.memref_slice %arg11[%dma_wait3A_276] : memref<4x!tpu.dma_semaphore, #tpu.memory_space<semaphore_mem>> -> memref<1x!tpu.dma_semaphore, #tpu.memory_space<semaphore_mem>>
      %dma_wait3A_288 = tpu.memref_squeeze %dma_wait3A_287 : memref<1x!tpu.dma_semaphore, #tpu.memory_space<semaphore_mem>> -> memref<!tpu.dma_semaphore, #tpu.memory_space<semaphore_mem>>
      tpu.wait_indirect_dma semaphore(%dma_wait3A_288 : memref<!tpu.dma_semaphore, #tpu.memory_space<semaphore_mem>>) src(%dma_wait3A_286 : memref<10240x16xf32, #tpu.memory_space<vmem_shared>>) dst(%dma_wait3A_280 : memref<128x16xf32, #tpu.memory_space<vmem>>)
      %add3A_289 = arith.constant 0 : i32
      %add3A_290 = arith.addi %add3A_273, %add3A_289 : i32
      %dma_start3A_291 = arith.constant 0 : i32
      %dma_start3A_292 = arith.constant 0 : i32
      %dma_start3A_293 = arith.constant 0 : i32
      %dma_start3A_294 = arith.constant 0 : i32
      %dma_start3A_295 = tpu.memref_slice %arg8[%dma_start3A_291, %dma_start3A_293, %dma_start3A_294] : memref<4x128x16xf32, #tpu.memory_space<vmem>> -> memref<1x128x16xf32, #tpu.memory_space<vmem>>
      %dma_start3A_296 = tpu.memref_squeeze %dma_start3A_295 : memref<1x128x16xf32, #tpu.memory_space<vmem>> -> memref<128x16xf32, #tpu.memory_space<vmem>>
      %dma_start3A_297 = arith.constant 0 : i32
      %dma_start3A_298 = tpu.memref_slice %arg10[%add3A_290, %dma_start3A_297] : memref<80x128xi32, #tpu.memory_space<vmem>> -> memref<1x128xi32, #tpu.memory_space<vmem>>
      %dma_start3A_299 = tpu.memref_squeeze %dma_start3A_298 : memref<1x128xi32, #tpu.memory_space<vmem>> -> memref<128xi32, #tpu.memory_space<vmem>>
      %dma_start3A_300 = arith.constant 0 : i32
      %dma_start3A_301 = arith.constant 0 : i32
      %dma_start3A_302 = tpu.memref_slice %arg7[%dma_start3A_300, %dma_start3A_301] : memref<10240x16xf32, #tpu.memory_space<vmem_shared>> -> memref<10240x16xf32, #tpu.memory_space<vmem_shared>>
      %dma_start3A_303 = tpu.memref_slice %arg12[%dma_start3A_292] : memref<4x!tpu.dma_semaphore, #tpu.memory_space<semaphore_mem>> -> memref<1x!tpu.dma_semaphore, #tpu.memory_space<semaphore_mem>>
      %dma_start3A_304 = tpu.memref_squeeze %dma_start3A_303 : memref<1x!tpu.dma_semaphore, #tpu.memory_space<semaphore_mem>> -> memref<!tpu.dma_semaphore, #tpu.memory_space<semaphore_mem>>
      tpu.enqueue_indirect_dma source(%dma_start3A_296 : memref<128x16xf32, #tpu.memory_space<vmem>>) target(%dma_start3A_302 : memref<10240x16xf32, #tpu.memory_space<vmem_shared>>) offsets(%dma_start3A_299 : memref<128xi32, #tpu.memory_space<vmem>>) semaphore(%dma_start3A_304 : memref<!tpu.dma_semaphore, #tpu.memory_space<semaphore_mem>>) {add = true}
      %dma_wait3A_305 = arith.constant 0 : i32
      %dma_wait3A_306 = arith.constant 1 : i32
      %dma_wait3A_307 = arith.constant 1 : i32
      %dma_wait3A_308 = arith.constant 0 : i32
      %dma_wait3A_309 = arith.constant 0 : i32
      %dma_wait3A_310 = tpu.memref_slice %arg8[%dma_wait3A_306, %dma_wait3A_308, %dma_wait3A_309] : memref<4x128x16xf32, #tpu.memory_space<vmem>> -> memref<1x128x16xf32, #tpu.memory_space<vmem>>
      %dma_wait3A_311 = tpu.memref_squeeze %dma_wait3A_310 : memref<1x128x16xf32, #tpu.memory_space<vmem>> -> memref<128x16xf32, #tpu.memory_space<vmem>>
      %dma_wait3A_312 = arith.constant 0 : i32
      %dma_wait3A_313 = tpu.memref_slice %arg9[%dma_wait3A_305, %dma_wait3A_312] : memref<80x128xi32, #tpu.memory_space<vmem>> -> memref<1x128xi32, #tpu.memory_space<vmem>>
      %dma_wait3A_314 = tpu.memref_squeeze %dma_wait3A_313 : memref<1x128xi32, #tpu.memory_space<vmem>> -> memref<128xi32, #tpu.memory_space<vmem>>
      %dma_wait3A_315 = arith.constant 0 : i32
      %dma_wait3A_316 = arith.constant 0 : i32
      %dma_wait3A_317 = tpu.memref_slice %arg6[%dma_wait3A_315, %dma_wait3A_316] : memref<10240x16xf32, #tpu.memory_space<vmem_shared>> -> memref<10240x16xf32, #tpu.memory_space<vmem_shared>>
      %dma_wait3A_318 = tpu.memref_slice %arg11[%dma_wait3A_307] : memref<4x!tpu.dma_semaphore, #tpu.memory_space<semaphore_mem>> -> memref<1x!tpu.dma_semaphore, #tpu.memory_space<semaphore_mem>>
      %dma_wait3A_319 = tpu.memref_squeeze %dma_wait3A_318 : memref<1x!tpu.dma_semaphore, #tpu.memory_space<semaphore_mem>> -> memref<!tpu.dma_semaphore, #tpu.memory_space<semaphore_mem>>
      tpu.wait_indirect_dma semaphore(%dma_wait3A_319 : memref<!tpu.dma_semaphore, #tpu.memory_space<semaphore_mem>>) src(%dma_wait3A_317 : memref<10240x16xf32, #tpu.memory_space<vmem_shared>>) dst(%dma_wait3A_311 : memref<128x16xf32, #tpu.memory_space<vmem>>)
      %add3A_320 = arith.constant 1 : i32
      %add3A_321 = arith.addi %add3A_273, %add3A_320 : i32
      %dma_start3A_322 = arith.constant 1 : i32
      %dma_start3A_323 = arith.constant 1 : i32
      %dma_start3A_324 = arith.constant 0 : i32
      %dma_start3A_325 = arith.constant 0 : i32
      %dma_start3A_326 = tpu.memref_slice %arg8[%dma_start3A_322, %dma_start3A_324, %dma_start3A_325] : memref<4x128x16xf32, #tpu.memory_space<vmem>> -> memref<1x128x16xf32, #tpu.memory_space<vmem>>
      %dma_start3A_327 = tpu.memref_squeeze %dma_start3A_326 : memref<1x128x16xf32, #tpu.memory_space<vmem>> -> memref<128x16xf32, #tpu.memory_space<vmem>>
      %dma_start3A_328 = arith.constant 0 : i32
      %dma_start3A_329 = tpu.memref_slice %arg10[%add3A_321, %dma_start3A_328] : memref<80x128xi32, #tpu.memory_space<vmem>> -> memref<1x128xi32, #tpu.memory_space<vmem>>
      %dma_start3A_330 = tpu.memref_squeeze %dma_start3A_329 : memref<1x128xi32, #tpu.memory_space<vmem>> -> memref<128xi32, #tpu.memory_space<vmem>>
      %dma_start3A_331 = arith.constant 0 : i32
      %dma_start3A_332 = arith.constant 0 : i32
      %dma_start3A_333 = tpu.memref_slice %arg7[%dma_start3A_331, %dma_start3A_332] : memref<10240x16xf32, #tpu.memory_space<vmem_shared>> -> memref<10240x16xf32, #tpu.memory_space<vmem_shared>>
      %dma_start3A_334 = tpu.memref_slice %arg12[%dma_start3A_323] : memref<4x!tpu.dma_semaphore, #tpu.memory_space<semaphore_mem>> -> memref<1x!tpu.dma_semaphore, #tpu.memory_space<semaphore_mem>>
      %dma_start3A_335 = tpu.memref_squeeze %dma_start3A_334 : memref<1x!tpu.dma_semaphore, #tpu.memory_space<semaphore_mem>> -> memref<!tpu.dma_semaphore, #tpu.memory_space<semaphore_mem>>
      tpu.enqueue_indirect_dma source(%dma_start3A_327 : memref<128x16xf32, #tpu.memory_space<vmem>>) target(%dma_start3A_333 : memref<10240x16xf32, #tpu.memory_space<vmem_shared>>) offsets(%dma_start3A_330 : memref<128xi32, #tpu.memory_space<vmem>>) semaphore(%dma_start3A_335 : memref<!tpu.dma_semaphore, #tpu.memory_space<semaphore_mem>>) {add = true}
      %dma_wait3A_336 = arith.constant 0 : i32
      %dma_wait3A_337 = arith.constant 2 : i32
      %dma_wait3A_338 = arith.constant 2 : i32
      %dma_wait3A_339 = arith.constant 0 : i32
      %dma_wait3A_340 = arith.constant 0 : i32
      %dma_wait3A_341 = tpu.memref_slice %arg8[%dma_wait3A_337, %dma_wait3A_339, %dma_wait3A_340] : memref<4x128x16xf32, #tpu.memory_space<vmem>> -> memref<1x128x16xf32, #tpu.memory_space<vmem>>
      %dma_wait3A_342 = tpu.memref_squeeze %dma_wait3A_341 : memref<1x128x16xf32, #tpu.memory_space<vmem>> -> memref<128x16xf32, #tpu.memory_space<vmem>>
      %dma_wait3A_343 = arith.constant 0 : i32
      %dma_wait3A_344 = tpu.memref_slice %arg9[%dma_wait3A_336, %dma_wait3A_343] : memref<80x128xi32, #tpu.memory_space<vmem>> -> memref<1x128xi32, #tpu.memory_space<vmem>>
      %dma_wait3A_345 = tpu.memref_squeeze %dma_wait3A_344 : memref<1x128xi32, #tpu.memory_space<vmem>> -> memref<128xi32, #tpu.memory_space<vmem>>
      %dma_wait3A_346 = arith.constant 0 : i32
      %dma_wait3A_347 = arith.constant 0 : i32
      %dma_wait3A_348 = tpu.memref_slice %arg6[%dma_wait3A_346, %dma_wait3A_347] : memref<10240x16xf32, #tpu.memory_space<vmem_shared>> -> memref<10240x16xf32, #tpu.memory_space<vmem_shared>>
      %dma_wait3A_349 = tpu.memref_slice %arg11[%dma_wait3A_338] : memref<4x!tpu.dma_semaphore, #tpu.memory_space<semaphore_mem>> -> memref<1x!tpu.dma_semaphore, #tpu.memory_space<semaphore_mem>>
      %dma_wait3A_350 = tpu.memref_squeeze %dma_wait3A_349 : memref<1x!tpu.dma_semaphore, #tpu.memory_space<semaphore_mem>> -> memref<!tpu.dma_semaphore, #tpu.memory_space<semaphore_mem>>
      tpu.wait_indirect_dma semaphore(%dma_wait3A_350 : memref<!tpu.dma_semaphore, #tpu.memory_space<semaphore_mem>>) src(%dma_wait3A_348 : memref<10240x16xf32, #tpu.memory_space<vmem_shared>>) dst(%dma_wait3A_342 : memref<128x16xf32, #tpu.memory_space<vmem>>)
      %add3A_351 = arith.constant 2 : i32
      %add3A_352 = arith.addi %add3A_273, %add3A_351 : i32
      %dma_start3A_353 = arith.constant 2 : i32
      %dma_start3A_354 = arith.constant 2 : i32
      %dma_start3A_355 = arith.constant 0 : i32
      %dma_start3A_356 = arith.constant 0 : i32
      %dma_start3A_357 = tpu.memref_slice %arg8[%dma_start3A_353, %dma_start3A_355, %dma_start3A_356] : memref<4x128x16xf32, #tpu.memory_space<vmem>> -> memref<1x128x16xf32, #tpu.memory_space<vmem>>
      %dma_start3A_358 = tpu.memref_squeeze %dma_start3A_357 : memref<1x128x16xf32, #tpu.memory_space<vmem>> -> memref<128x16xf32, #tpu.memory_space<vmem>>
      %dma_start3A_359 = arith.constant 0 : i32
      %dma_start3A_360 = tpu.memref_slice %arg10[%add3A_352, %dma_start3A_359] : memref<80x128xi32, #tpu.memory_space<vmem>> -> memref<1x128xi32, #tpu.memory_space<vmem>>
      %dma_start3A_361 = tpu.memref_squeeze %dma_start3A_360 : memref<1x128xi32, #tpu.memory_space<vmem>> -> memref<128xi32, #tpu.memory_space<vmem>>
      %dma_start3A_362 = arith.constant 0 : i32
      %dma_start3A_363 = arith.constant 0 : i32
      %dma_start3A_364 = tpu.memref_slice %arg7[%dma_start3A_362, %dma_start3A_363] : memref<10240x16xf32, #tpu.memory_space<vmem_shared>> -> memref<10240x16xf32, #tpu.memory_space<vmem_shared>>
      %dma_start3A_365 = tpu.memref_slice %arg12[%dma_start3A_354] : memref<4x!tpu.dma_semaphore, #tpu.memory_space<semaphore_mem>> -> memref<1x!tpu.dma_semaphore, #tpu.memory_space<semaphore_mem>>
      %dma_start3A_366 = tpu.memref_squeeze %dma_start3A_365 : memref<1x!tpu.dma_semaphore, #tpu.memory_space<semaphore_mem>> -> memref<!tpu.dma_semaphore, #tpu.memory_space<semaphore_mem>>
      tpu.enqueue_indirect_dma source(%dma_start3A_358 : memref<128x16xf32, #tpu.memory_space<vmem>>) target(%dma_start3A_364 : memref<10240x16xf32, #tpu.memory_space<vmem_shared>>) offsets(%dma_start3A_361 : memref<128xi32, #tpu.memory_space<vmem>>) semaphore(%dma_start3A_366 : memref<!tpu.dma_semaphore, #tpu.memory_space<semaphore_mem>>) {add = true}
      %dma_wait3A_367 = arith.constant 0 : i32
      %dma_wait3A_368 = arith.constant 3 : i32
      %dma_wait3A_369 = arith.constant 3 : i32
      %dma_wait3A_370 = arith.constant 0 : i32
      %dma_wait3A_371 = arith.constant 0 : i32
      %dma_wait3A_372 = tpu.memref_slice %arg8[%dma_wait3A_368, %dma_wait3A_370, %dma_wait3A_371] : memref<4x128x16xf32, #tpu.memory_space<vmem>> -> memref<1x128x16xf32, #tpu.memory_space<vmem>>
      %dma_wait3A_373 = tpu.memref_squeeze %dma_wait3A_372 : memref<1x128x16xf32, #tpu.memory_space<vmem>> -> memref<128x16xf32, #tpu.memory_space<vmem>>
      %dma_wait3A_374 = arith.constant 0 : i32
      %dma_wait3A_375 = tpu.memref_slice %arg9[%dma_wait3A_367, %dma_wait3A_374] : memref<80x128xi32, #tpu.memory_space<vmem>> -> memref<1x128xi32, #tpu.memory_space<vmem>>
      %dma_wait3A_376 = tpu.memref_squeeze %dma_wait3A_375 : memref<1x128xi32, #tpu.memory_space<vmem>> -> memref<128xi32, #tpu.memory_space<vmem>>
      %dma_wait3A_377 = arith.constant 0 : i32
      %dma_wait3A_378 = arith.constant 0 : i32
      %dma_wait3A_379 = tpu.memref_slice %arg6[%dma_wait3A_377, %dma_wait3A_378] : memref<10240x16xf32, #tpu.memory_space<vmem_shared>> -> memref<10240x16xf32, #tpu.memory_space<vmem_shared>>
      %dma_wait3A_380 = tpu.memref_slice %arg11[%dma_wait3A_369] : memref<4x!tpu.dma_semaphore, #tpu.memory_space<semaphore_mem>> -> memref<1x!tpu.dma_semaphore, #tpu.memory_space<semaphore_mem>>
      %dma_wait3A_381 = tpu.memref_squeeze %dma_wait3A_380 : memref<1x!tpu.dma_semaphore, #tpu.memory_space<semaphore_mem>> -> memref<!tpu.dma_semaphore, #tpu.memory_space<semaphore_mem>>
      tpu.wait_indirect_dma semaphore(%dma_wait3A_381 : memref<!tpu.dma_semaphore, #tpu.memory_space<semaphore_mem>>) src(%dma_wait3A_379 : memref<10240x16xf32, #tpu.memory_space<vmem_shared>>) dst(%dma_wait3A_373 : memref<128x16xf32, #tpu.memory_space<vmem>>)
      %add3A_382 = arith.constant 3 : i32
      %add3A_383 = arith.addi %add3A_273, %add3A_382 : i32
      %dma_start3A_384 = arith.constant 3 : i32
      %dma_start3A_385 = arith.constant 3 : i32
      %dma_start3A_386 = arith.constant 0 : i32
      %dma_start3A_387 = arith.constant 0 : i32
      %dma_start3A_388 = tpu.memref_slice %arg8[%dma_start3A_384, %dma_start3A_386, %dma_start3A_387] : memref<4x128x16xf32, #tpu.memory_space<vmem>> -> memref<1x128x16xf32, #tpu.memory_space<vmem>>
      %dma_start3A_389 = tpu.memref_squeeze %dma_start3A_388 : memref<1x128x16xf32, #tpu.memory_space<vmem>> -> memref<128x16xf32, #tpu.memory_space<vmem>>
      %dma_start3A_390 = arith.constant 0 : i32
      %dma_start3A_391 = tpu.memref_slice %arg10[%add3A_383, %dma_start3A_390] : memref<80x128xi32, #tpu.memory_space<vmem>> -> memref<1x128xi32, #tpu.memory_space<vmem>>
      %dma_start3A_392 = tpu.memref_squeeze %dma_start3A_391 : memref<1x128xi32, #tpu.memory_space<vmem>> -> memref<128xi32, #tpu.memory_space<vmem>>
      %dma_start3A_393 = arith.constant 0 : i32
      %dma_start3A_394 = arith.constant 0 : i32
      %dma_start3A_395 = tpu.memref_slice %arg7[%dma_start3A_393, %dma_start3A_394] : memref<10240x16xf32, #tpu.memory_space<vmem_shared>> -> memref<10240x16xf32, #tpu.memory_space<vmem_shared>>
      %dma_start3A_396 = tpu.memref_slice %arg12[%dma_start3A_385] : memref<4x!tpu.dma_semaphore, #tpu.memory_space<semaphore_mem>> -> memref<1x!tpu.dma_semaphore, #tpu.memory_space<semaphore_mem>>
      %dma_start3A_397 = tpu.memref_squeeze %dma_start3A_396 : memref<1x!tpu.dma_semaphore, #tpu.memory_space<semaphore_mem>> -> memref<!tpu.dma_semaphore, #tpu.memory_space<semaphore_mem>>
      tpu.enqueue_indirect_dma source(%dma_start3A_389 : memref<128x16xf32, #tpu.memory_space<vmem>>) target(%dma_start3A_395 : memref<10240x16xf32, #tpu.memory_space<vmem_shared>>) offsets(%dma_start3A_392 : memref<128xi32, #tpu.memory_space<vmem>>) semaphore(%dma_start3A_397 : memref<!tpu.dma_semaphore, #tpu.memory_space<semaphore_mem>>) {add = true}
      %dma_wait3A_398 = arith.constant 0 : i32
      %dma_wait3A_399 = arith.constant 0 : i32
      %dma_wait3A_400 = arith.constant 0 : i32
      %dma_wait3A_401 = arith.constant 0 : i32
      %dma_wait3A_402 = arith.constant 0 : i32
      %dma_wait3A_403 = tpu.memref_slice %arg8[%dma_wait3A_398, %dma_wait3A_401, %dma_wait3A_402] : memref<4x128x16xf32, #tpu.memory_space<vmem>> -> memref<1x128x16xf32, #tpu.memory_space<vmem>>
      %dma_wait3A_404 = tpu.memref_squeeze %dma_wait3A_403 : memref<1x128x16xf32, #tpu.memory_space<vmem>> -> memref<128x16xf32, #tpu.memory_space<vmem>>
      %dma_wait3A_405 = arith.constant 0 : i32
      %dma_wait3A_406 = tpu.memref_slice %arg10[%dma_wait3A_399, %dma_wait3A_405] : memref<80x128xi32, #tpu.memory_space<vmem>> -> memref<1x128xi32, #tpu.memory_space<vmem>>
      %dma_wait3A_407 = tpu.memref_squeeze %dma_wait3A_406 : memref<1x128xi32, #tpu.memory_space<vmem>> -> memref<128xi32, #tpu.memory_space<vmem>>
      %dma_wait3A_408 = arith.constant 0 : i32
      %dma_wait3A_409 = arith.constant 0 : i32
      %dma_wait3A_410 = tpu.memref_slice %arg7[%dma_wait3A_408, %dma_wait3A_409] : memref<10240x16xf32, #tpu.memory_space<vmem_shared>> -> memref<10240x16xf32, #tpu.memory_space<vmem_shared>>
      %dma_wait3A_411 = tpu.memref_slice %arg12[%dma_wait3A_400] : memref<4x!tpu.dma_semaphore, #tpu.memory_space<semaphore_mem>> -> memref<1x!tpu.dma_semaphore, #tpu.memory_space<semaphore_mem>>
      %dma_wait3A_412 = tpu.memref_squeeze %dma_wait3A_411 : memref<1x!tpu.dma_semaphore, #tpu.memory_space<semaphore_mem>> -> memref<!tpu.dma_semaphore, #tpu.memory_space<semaphore_mem>>
      tpu.wait_indirect_dma semaphore(%dma_wait3A_412 : memref<!tpu.dma_semaphore, #tpu.memory_space<semaphore_mem>>) src(%dma_wait3A_404 : memref<128x16xf32, #tpu.memory_space<vmem>>) dst(%dma_wait3A_410 : memref<10240x16xf32, #tpu.memory_space<vmem_shared>>)
      %add3A_413 = arith.constant 4 : i32
      %add3A_414 = arith.addi %add3A_273, %add3A_413 : i32
      %add3A_415 = arith.constant 0 : i32
      %add3A_416 = arith.addi %add3A_414, %add3A_415 : i32
      %dma_start3A_417 = arith.constant 0 : i32
      %dma_start3A_418 = arith.constant 0 : i32
      %dma_start3A_419 = arith.constant 0 : i32
      %dma_start3A_420 = arith.constant 0 : i32
      %dma_start3A_421 = tpu.memref_slice %arg8[%dma_start3A_417, %dma_start3A_419, %dma_start3A_420] : memref<4x128x16xf32, #tpu.memory_space<vmem>> -> memref<1x128x16xf32, #tpu.memory_space<vmem>>
      %dma_start3A_422 = tpu.memref_squeeze %dma_start3A_421 : memref<1x128x16xf32, #tpu.memory_space<vmem>> -> memref<128x16xf32, #tpu.memory_space<vmem>>
      %dma_start3A_423 = arith.constant 0 : i32
      %dma_start3A_424 = tpu.memref_slice %arg9[%add3A_416, %dma_start3A_423] : memref<80x128xi32, #tpu.memory_space<vmem>> -> memref<1x128xi32, #tpu.memory_space<vmem>>
      %dma_start3A_425 = tpu.memref_squeeze %dma_start3A_424 : memref<1x128xi32, #tpu.memory_space<vmem>> -> memref<128xi32, #tpu.memory_space<vmem>>
      %dma_start3A_426 = arith.constant 0 : i32
      %dma_start3A_427 = arith.constant 0 : i32
      %dma_start3A_428 = tpu.memref_slice %arg6[%dma_start3A_426, %dma_start3A_427] : memref<10240x16xf32, #tpu.memory_space<vmem_shared>> -> memref<10240x16xf32, #tpu.memory_space<vmem_shared>>
      %dma_start3A_429 = tpu.memref_slice %arg11[%dma_start3A_418] : memref<4x!tpu.dma_semaphore, #tpu.memory_space<semaphore_mem>> -> memref<1x!tpu.dma_semaphore, #tpu.memory_space<semaphore_mem>>
      %dma_start3A_430 = tpu.memref_squeeze %dma_start3A_429 : memref<1x!tpu.dma_semaphore, #tpu.memory_space<semaphore_mem>> -> memref<!tpu.dma_semaphore, #tpu.memory_space<semaphore_mem>>
      tpu.enqueue_indirect_dma source(%dma_start3A_428 : memref<10240x16xf32, #tpu.memory_space<vmem_shared>>) target(%dma_start3A_422 : memref<128x16xf32, #tpu.memory_space<vmem>>) offsets(%dma_start3A_425 : memref<128xi32, #tpu.memory_space<vmem>>) semaphore(%dma_start3A_430 : memref<!tpu.dma_semaphore, #tpu.memory_space<semaphore_mem>>)
      %dma_wait3A_431 = arith.constant 1 : i32
      %dma_wait3A_432 = arith.constant 0 : i32
      %dma_wait3A_433 = arith.constant 1 : i32
      %dma_wait3A_434 = arith.constant 0 : i32
      %dma_wait3A_435 = arith.constant 0 : i32
      %dma_wait3A_436 = tpu.memref_slice %arg8[%dma_wait3A_431, %dma_wait3A_434, %dma_wait3A_435] : memref<4x128x16xf32, #tpu.memory_space<vmem>> -> memref<1x128x16xf32, #tpu.memory_space<vmem>>
      %dma_wait3A_437 = tpu.memref_squeeze %dma_wait3A_436 : memref<1x128x16xf32, #tpu.memory_space<vmem>> -> memref<128x16xf32, #tpu.memory_space<vmem>>
      %dma_wait3A_438 = arith.constant 0 : i32
      %dma_wait3A_439 = tpu.memref_slice %arg10[%dma_wait3A_432, %dma_wait3A_438] : memref<80x128xi32, #tpu.memory_space<vmem>> -> memref<1x128xi32, #tpu.memory_space<vmem>>
      %dma_wait3A_440 = tpu.memref_squeeze %dma_wait3A_439 : memref<1x128xi32, #tpu.memory_space<vmem>> -> memref<128xi32, #tpu.memory_space<vmem>>
      %dma_wait3A_441 = arith.constant 0 : i32
      %dma_wait3A_442 = arith.constant 0 : i32
      %dma_wait3A_443 = tpu.memref_slice %arg7[%dma_wait3A_441, %dma_wait3A_442] : memref<10240x16xf32, #tpu.memory_space<vmem_shared>> -> memref<10240x16xf32, #tpu.memory_space<vmem_shared>>
      %dma_wait3A_444 = tpu.memref_slice %arg12[%dma_wait3A_433] : memref<4x!tpu.dma_semaphore, #tpu.memory_space<semaphore_mem>> -> memref<1x!tpu.dma_semaphore, #tpu.memory_space<semaphore_mem>>
      %dma_wait3A_445 = tpu.memref_squeeze %dma_wait3A_444 : memref<1x!tpu.dma_semaphore, #tpu.memory_space<semaphore_mem>> -> memref<!tpu.dma_semaphore, #tpu.memory_space<semaphore_mem>>
      tpu.wait_indirect_dma semaphore(%dma_wait3A_445 : memref<!tpu.dma_semaphore, #tpu.memory_space<semaphore_mem>>) src(%dma_wait3A_437 : memref<128x16xf32, #tpu.memory_space<vmem>>) dst(%dma_wait3A_443 : memref<10240x16xf32, #tpu.memory_space<vmem_shared>>)
      %add3A_446 = arith.constant 4 : i32
      %add3A_447 = arith.addi %add3A_273, %add3A_446 : i32
      %add3A_448 = arith.constant 1 : i32
      %add3A_449 = arith.addi %add3A_447, %add3A_448 : i32
      %dma_start3A_450 = arith.constant 1 : i32
      %dma_start3A_451 = arith.constant 1 : i32
      %dma_start3A_452 = arith.constant 0 : i32
      %dma_start3A_453 = arith.constant 0 : i32
      %dma_start3A_454 = tpu.memref_slice %arg8[%dma_start3A_450, %dma_start3A_452, %dma_start3A_453] : memref<4x128x16xf32, #tpu.memory_space<vmem>> -> memref<1x128x16xf32, #tpu.memory_space<vmem>>
      %dma_start3A_455 = tpu.memref_squeeze %dma_start3A_454 : memref<1x128x16xf32, #tpu.memory_space<vmem>> -> memref<128x16xf32, #tpu.memory_space<vmem>>
      %dma_start3A_456 = arith.constant 0 : i32
      %dma_start3A_457 = tpu.memref_slice %arg9[%add3A_449, %dma_start3A_456] : memref<80x128xi32, #tpu.memory_space<vmem>> -> memref<1x128xi32, #tpu.memory_space<vmem>>
      %dma_start3A_458 = tpu.memref_squeeze %dma_start3A_457 : memref<1x128xi32, #tpu.memory_space<vmem>> -> memref<128xi32, #tpu.memory_space<vmem>>
      %dma_start3A_459 = arith.constant 0 : i32
      %dma_start3A_460 = arith.constant 0 : i32
      %dma_start3A_461 = tpu.memref_slice %arg6[%dma_start3A_459, %dma_start3A_460] : memref<10240x16xf32, #tpu.memory_space<vmem_shared>> -> memref<10240x16xf32, #tpu.memory_space<vmem_shared>>
      %dma_start3A_462 = tpu.memref_slice %arg11[%dma_start3A_451] : memref<4x!tpu.dma_semaphore, #tpu.memory_space<semaphore_mem>> -> memref<1x!tpu.dma_semaphore, #tpu.memory_space<semaphore_mem>>
      %dma_start3A_463 = tpu.memref_squeeze %dma_start3A_462 : memref<1x!tpu.dma_semaphore, #tpu.memory_space<semaphore_mem>> -> memref<!tpu.dma_semaphore, #tpu.memory_space<semaphore_mem>>
      tpu.enqueue_indirect_dma source(%dma_start3A_461 : memref<10240x16xf32, #tpu.memory_space<vmem_shared>>) target(%dma_start3A_455 : memref<128x16xf32, #tpu.memory_space<vmem>>) offsets(%dma_start3A_458 : memref<128xi32, #tpu.memory_space<vmem>>) semaphore(%dma_start3A_463 : memref<!tpu.dma_semaphore, #tpu.memory_space<semaphore_mem>>)
      %dma_wait3A_464 = arith.constant 2 : i32
      %dma_wait3A_465 = arith.constant 0 : i32
      %dma_wait3A_466 = arith.constant 2 : i32
      %dma_wait3A_467 = arith.constant 0 : i32
      %dma_wait3A_468 = arith.constant 0 : i32
      %dma_wait3A_469 = tpu.memref_slice %arg8[%dma_wait3A_464, %dma_wait3A_467, %dma_wait3A_468] : memref<4x128x16xf32, #tpu.memory_space<vmem>> -> memref<1x128x16xf32, #tpu.memory_space<vmem>>
      %dma_wait3A_470 = tpu.memref_squeeze %dma_wait3A_469 : memref<1x128x16xf32, #tpu.memory_space<vmem>> -> memref<128x16xf32, #tpu.memory_space<vmem>>
      %dma_wait3A_471 = arith.constant 0 : i32
      %dma_wait3A_472 = tpu.memref_slice %arg10[%dma_wait3A_465, %dma_wait3A_471] : memref<80x128xi32, #tpu.memory_space<vmem>> -> memref<1x128xi32, #tpu.memory_space<vmem>>
      %dma_wait3A_473 = tpu.memref_squeeze %dma_wait3A_472 : memref<1x128xi32, #tpu.memory_space<vmem>> -> memref<128xi32, #tpu.memory_space<vmem>>
      %dma_wait3A_474 = arith.constant 0 : i32
      %dma_wait3A_475 = arith.constant 0 : i32
      %dma_wait3A_476 = tpu.memref_slice %arg7[%dma_wait3A_474, %dma_wait3A_475] : memref<10240x16xf32, #tpu.memory_space<vmem_shared>> -> memref<10240x16xf32, #tpu.memory_space<vmem_shared>>
      %dma_wait3A_477 = tpu.memref_slice %arg12[%dma_wait3A_466] : memref<4x!tpu.dma_semaphore, #tpu.memory_space<semaphore_mem>> -> memref<1x!tpu.dma_semaphore, #tpu.memory_space<semaphore_mem>>
      %dma_wait3A_478 = tpu.memref_squeeze %dma_wait3A_477 : memref<1x!tpu.dma_semaphore, #tpu.memory_space<semaphore_mem>> -> memref<!tpu.dma_semaphore, #tpu.memory_space<semaphore_mem>>
      tpu.wait_indirect_dma semaphore(%dma_wait3A_478 : memref<!tpu.dma_semaphore, #tpu.memory_space<semaphore_mem>>) src(%dma_wait3A_470 : memref<128x16xf32, #tpu.memory_space<vmem>>) dst(%dma_wait3A_476 : memref<10240x16xf32, #tpu.memory_space<vmem_shared>>)
      %add3A_479 = arith.constant 4 : i32
      %add3A_480 = arith.addi %add3A_273, %add3A_479 : i32
      %add3A_481 = arith.constant 2 : i32
      %add3A_482 = arith.addi %add3A_480, %add3A_481 : i32
      %dma_start3A_483 = arith.constant 2 : i32
      %dma_start3A_484 = arith.constant 2 : i32
      %dma_start3A_485 = arith.constant 0 : i32
      %dma_start3A_486 = arith.constant 0 : i32
      %dma_start3A_487 = tpu.memref_slice %arg8[%dma_start3A_483, %dma_start3A_485, %dma_start3A_486] : memref<4x128x16xf32, #tpu.memory_space<vmem>> -> memref<1x128x16xf32, #tpu.memory_space<vmem>>
      %dma_start3A_488 = tpu.memref_squeeze %dma_start3A_487 : memref<1x128x16xf32, #tpu.memory_space<vmem>> -> memref<128x16xf32, #tpu.memory_space<vmem>>
      %dma_start3A_489 = arith.constant 0 : i32
      %dma_start3A_490 = tpu.memref_slice %arg9[%add3A_482, %dma_start3A_489] : memref<80x128xi32, #tpu.memory_space<vmem>> -> memref<1x128xi32, #tpu.memory_space<vmem>>
      %dma_start3A_491 = tpu.memref_squeeze %dma_start3A_490 : memref<1x128xi32, #tpu.memory_space<vmem>> -> memref<128xi32, #tpu.memory_space<vmem>>
      %dma_start3A_492 = arith.constant 0 : i32
      %dma_start3A_493 = arith.constant 0 : i32
      %dma_start3A_494 = tpu.memref_slice %arg6[%dma_start3A_492, %dma_start3A_493] : memref<10240x16xf32, #tpu.memory_space<vmem_shared>> -> memref<10240x16xf32, #tpu.memory_space<vmem_shared>>
      %dma_start3A_495 = tpu.memref_slice %arg11[%dma_start3A_484] : memref<4x!tpu.dma_semaphore, #tpu.memory_space<semaphore_mem>> -> memref<1x!tpu.dma_semaphore, #tpu.memory_space<semaphore_mem>>
      %dma_start3A_496 = tpu.memref_squeeze %dma_start3A_495 : memref<1x!tpu.dma_semaphore, #tpu.memory_space<semaphore_mem>> -> memref<!tpu.dma_semaphore, #tpu.memory_space<semaphore_mem>>
      tpu.enqueue_indirect_dma source(%dma_start3A_494 : memref<10240x16xf32, #tpu.memory_space<vmem_shared>>) target(%dma_start3A_488 : memref<128x16xf32, #tpu.memory_space<vmem>>) offsets(%dma_start3A_491 : memref<128xi32, #tpu.memory_space<vmem>>) semaphore(%dma_start3A_496 : memref<!tpu.dma_semaphore, #tpu.memory_space<semaphore_mem>>)
      %dma_wait3A_497 = arith.constant 3 : i32
      %dma_wait3A_498 = arith.constant 0 : i32
      %dma_wait3A_499 = arith.constant 3 : i32
      %dma_wait3A_500 = arith.constant 0 : i32
      %dma_wait3A_501 = arith.constant 0 : i32
      %dma_wait3A_502 = tpu.memref_slice %arg8[%dma_wait3A_497, %dma_wait3A_500, %dma_wait3A_501] : memref<4x128x16xf32, #tpu.memory_space<vmem>> -> memref<1x128x16xf32, #tpu.memory_space<vmem>>
      %dma_wait3A_503 = tpu.memref_squeeze %dma_wait3A_502 : memref<1x128x16xf32, #tpu.memory_space<vmem>> -> memref<128x16xf32, #tpu.memory_space<vmem>>
      %dma_wait3A_504 = arith.constant 0 : i32
      %dma_wait3A_505 = tpu.memref_slice %arg10[%dma_wait3A_498, %dma_wait3A_504] : memref<80x128xi32, #tpu.memory_space<vmem>> -> memref<1x128xi32, #tpu.memory_space<vmem>>
      %dma_wait3A_506 = tpu.memref_squeeze %dma_wait3A_505 : memref<1x128xi32, #tpu.memory_space<vmem>> -> memref<128xi32, #tpu.memory_space<vmem>>
      %dma_wait3A_507 = arith.constant 0 : i32
      %dma_wait3A_508 = arith.constant 0 : i32
      %dma_wait3A_509 = tpu.memref_slice %arg7[%dma_wait3A_507, %dma_wait3A_508] : memref<10240x16xf32, #tpu.memory_space<vmem_shared>> -> memref<10240x16xf32, #tpu.memory_space<vmem_shared>>
      %dma_wait3A_510 = tpu.memref_slice %arg12[%dma_wait3A_499] : memref<4x!tpu.dma_semaphore, #tpu.memory_space<semaphore_mem>> -> memref<1x!tpu.dma_semaphore, #tpu.memory_space<semaphore_mem>>
      %dma_wait3A_511 = tpu.memref_squeeze %dma_wait3A_510 : memref<1x!tpu.dma_semaphore, #tpu.memory_space<semaphore_mem>> -> memref<!tpu.dma_semaphore, #tpu.memory_space<semaphore_mem>>
      tpu.wait_indirect_dma semaphore(%dma_wait3A_511 : memref<!tpu.dma_semaphore, #tpu.memory_space<semaphore_mem>>) src(%dma_wait3A_503 : memref<128x16xf32, #tpu.memory_space<vmem>>) dst(%dma_wait3A_509 : memref<10240x16xf32, #tpu.memory_space<vmem_shared>>)
      %add3A_512 = arith.constant 4 : i32
      %add3A_513 = arith.addi %add3A_273, %add3A_512 : i32
      %add3A_514 = arith.constant 3 : i32
      %add3A_515 = arith.addi %add3A_513, %add3A_514 : i32
      %dma_start3A_516 = arith.constant 3 : i32
      %dma_start3A_517 = arith.constant 3 : i32
      %dma_start3A_518 = arith.constant 0 : i32
      %dma_start3A_519 = arith.constant 0 : i32
      %dma_start3A_520 = tpu.memref_slice %arg8[%dma_start3A_516, %dma_start3A_518, %dma_start3A_519] : memref<4x128x16xf32, #tpu.memory_space<vmem>> -> memref<1x128x16xf32, #tpu.memory_space<vmem>>
      %dma_start3A_521 = tpu.memref_squeeze %dma_start3A_520 : memref<1x128x16xf32, #tpu.memory_space<vmem>> -> memref<128x16xf32, #tpu.memory_space<vmem>>
      %dma_start3A_522 = arith.constant 0 : i32
      %dma_start3A_523 = tpu.memref_slice %arg9[%add3A_515, %dma_start3A_522] : memref<80x128xi32, #tpu.memory_space<vmem>> -> memref<1x128xi32, #tpu.memory_space<vmem>>
      %dma_start3A_524 = tpu.memref_squeeze %dma_start3A_523 : memref<1x128xi32, #tpu.memory_space<vmem>> -> memref<128xi32, #tpu.memory_space<vmem>>
      %dma_start3A_525 = arith.constant 0 : i32
      %dma_start3A_526 = arith.constant 0 : i32
      %dma_start3A_527 = tpu.memref_slice %arg6[%dma_start3A_525, %dma_start3A_526] : memref<10240x16xf32, #tpu.memory_space<vmem_shared>> -> memref<10240x16xf32, #tpu.memory_space<vmem_shared>>
      %dma_start3A_528 = tpu.memref_slice %arg11[%dma_start3A_517] : memref<4x!tpu.dma_semaphore, #tpu.memory_space<semaphore_mem>> -> memref<1x!tpu.dma_semaphore, #tpu.memory_space<semaphore_mem>>
      %dma_start3A_529 = tpu.memref_squeeze %dma_start3A_528 : memref<1x!tpu.dma_semaphore, #tpu.memory_space<semaphore_mem>> -> memref<!tpu.dma_semaphore, #tpu.memory_space<semaphore_mem>>
      tpu.enqueue_indirect_dma source(%dma_start3A_527 : memref<10240x16xf32, #tpu.memory_space<vmem_shared>>) target(%dma_start3A_521 : memref<128x16xf32, #tpu.memory_space<vmem>>) offsets(%dma_start3A_524 : memref<128xi32, #tpu.memory_space<vmem>>) semaphore(%dma_start3A_529 : memref<!tpu.dma_semaphore, #tpu.memory_space<semaphore_mem>>)
    }
    %scan3A_84 = arith.constant 19 : i32
    %dma_wait3A = arith.constant 0 : i32
    %dma_wait3A_85 = arith.constant 0 : i32
    %dma_wait3A_86 = arith.constant 0 : i32
    %dma_wait3A_87 = arith.constant 0 : i32
    %dma_wait3A_88 = arith.constant 0 : i32
    %dma_wait3A_89 = tpu.memref_slice %arg8[%dma_wait3A_85, %dma_wait3A_87, %dma_wait3A_88] : memref<4x128x16xf32, #tpu.memory_space<vmem>> -> memref<1x128x16xf32, #tpu.memory_space<vmem>>
    %dma_wait3A_90 = tpu.memref_squeeze %dma_wait3A_89 : memref<1x128x16xf32, #tpu.memory_space<vmem>> -> memref<128x16xf32, #tpu.memory_space<vmem>>
    %dma_wait3A_91 = arith.constant 0 : i32
    %dma_wait3A_92 = tpu.memref_slice %arg9[%dma_wait3A, %dma_wait3A_91] : memref<80x128xi32, #tpu.memory_space<vmem>> -> memref<1x128xi32, #tpu.memory_space<vmem>>
    %dma_wait3A_93 = tpu.memref_squeeze %dma_wait3A_92 : memref<1x128xi32, #tpu.memory_space<vmem>> -> memref<128xi32, #tpu.memory_space<vmem>>
    %dma_wait3A_94 = arith.constant 0 : i32
    %dma_wait3A_95 = arith.constant 0 : i32
    %dma_wait3A_96 = tpu.memref_slice %arg6[%dma_wait3A_94, %dma_wait3A_95] : memref<10240x16xf32, #tpu.memory_space<vmem_shared>> -> memref<10240x16xf32, #tpu.memory_space<vmem_shared>>
    %dma_wait3A_97 = tpu.memref_slice %arg11[%dma_wait3A_86] : memref<4x!tpu.dma_semaphore, #tpu.memory_space<semaphore_mem>> -> memref<1x!tpu.dma_semaphore, #tpu.memory_space<semaphore_mem>>
    %dma_wait3A_98 = tpu.memref_squeeze %dma_wait3A_97 : memref<1x!tpu.dma_semaphore, #tpu.memory_space<semaphore_mem>> -> memref<!tpu.dma_semaphore, #tpu.memory_space<semaphore_mem>>
    tpu.wait_indirect_dma semaphore(%dma_wait3A_98 : memref<!tpu.dma_semaphore, #tpu.memory_space<semaphore_mem>>) src(%dma_wait3A_96 : memref<10240x16xf32, #tpu.memory_space<vmem_shared>>) dst(%dma_wait3A_90 : memref<128x16xf32, #tpu.memory_space<vmem>>)
    %dma_start3A_99 = arith.constant 0 : i32
    %dma_start3A_100 = arith.constant 76 : i32
    %dma_start3A_101 = arith.constant 0 : i32
    %dma_start3A_102 = arith.constant 0 : i32
    %dma_start3A_103 = arith.constant 0 : i32
    %dma_start3A_104 = tpu.memref_slice %arg8[%dma_start3A_99, %dma_start3A_102, %dma_start3A_103] : memref<4x128x16xf32, #tpu.memory_space<vmem>> -> memref<1x128x16xf32, #tpu.memory_space<vmem>>
    %dma_start3A_105 = tpu.memref_squeeze %dma_start3A_104 : memref<1x128x16xf32, #tpu.memory_space<vmem>> -> memref<128x16xf32, #tpu.memory_space<vmem>>
    %dma_start3A_106 = arith.constant 0 : i32
    %dma_start3A_107 = tpu.memref_slice %arg10[%dma_start3A_100, %dma_start3A_106] : memref<80x128xi32, #tpu.memory_space<vmem>> -> memref<1x128xi32, #tpu.memory_space<vmem>>
    %dma_start3A_108 = tpu.memref_squeeze %dma_start3A_107 : memref<1x128xi32, #tpu.memory_space<vmem>> -> memref<128xi32, #tpu.memory_space<vmem>>
    %dma_start3A_109 = arith.constant 0 : i32
    %dma_start3A_110 = arith.constant 0 : i32
    %dma_start3A_111 = tpu.memref_slice %arg7[%dma_start3A_109, %dma_start3A_110] : memref<10240x16xf32, #tpu.memory_space<vmem_shared>> -> memref<10240x16xf32, #tpu.memory_space<vmem_shared>>
    %dma_start3A_112 = tpu.memref_slice %arg12[%dma_start3A_101] : memref<4x!tpu.dma_semaphore, #tpu.memory_space<semaphore_mem>> -> memref<1x!tpu.dma_semaphore, #tpu.memory_space<semaphore_mem>>
    %dma_start3A_113 = tpu.memref_squeeze %dma_start3A_112 : memref<1x!tpu.dma_semaphore, #tpu.memory_space<semaphore_mem>> -> memref<!tpu.dma_semaphore, #tpu.memory_space<semaphore_mem>>
    tpu.enqueue_indirect_dma source(%dma_start3A_105 : memref<128x16xf32, #tpu.memory_space<vmem>>) target(%dma_start3A_111 : memref<10240x16xf32, #tpu.memory_space<vmem_shared>>) offsets(%dma_start3A_108 : memref<128xi32, #tpu.memory_space<vmem>>) semaphore(%dma_start3A_113 : memref<!tpu.dma_semaphore, #tpu.memory_space<semaphore_mem>>) {add = true}
    %dma_wait3A_114 = arith.constant 0 : i32
    %dma_wait3A_115 = arith.constant 1 : i32
    %dma_wait3A_116 = arith.constant 1 : i32
    %dma_wait3A_117 = arith.constant 0 : i32
    %dma_wait3A_118 = arith.constant 0 : i32
    %dma_wait3A_119 = tpu.memref_slice %arg8[%dma_wait3A_115, %dma_wait3A_117, %dma_wait3A_118] : memref<4x128x16xf32, #tpu.memory_space<vmem>> -> memref<1x128x16xf32, #tpu.memory_space<vmem>>
    %dma_wait3A_120 = tpu.memref_squeeze %dma_wait3A_119 : memref<1x128x16xf32, #tpu.memory_space<vmem>> -> memref<128x16xf32, #tpu.memory_space<vmem>>
    %dma_wait3A_121 = arith.constant 0 : i32
    %dma_wait3A_122 = tpu.memref_slice %arg9[%dma_wait3A_114, %dma_wait3A_121] : memref<80x128xi32, #tpu.memory_space<vmem>> -> memref<1x128xi32, #tpu.memory_space<vmem>>
    %dma_wait3A_123 = tpu.memref_squeeze %dma_wait3A_122 : memref<1x128xi32, #tpu.memory_space<vmem>> -> memref<128xi32, #tpu.memory_space<vmem>>
    %dma_wait3A_124 = arith.constant 0 : i32
    %dma_wait3A_125 = arith.constant 0 : i32
    %dma_wait3A_126 = tpu.memref_slice %arg6[%dma_wait3A_124, %dma_wait3A_125] : memref<10240x16xf32, #tpu.memory_space<vmem_shared>> -> memref<10240x16xf32, #tpu.memory_space<vmem_shared>>
    %dma_wait3A_127 = tpu.memref_slice %arg11[%dma_wait3A_116] : memref<4x!tpu.dma_semaphore, #tpu.memory_space<semaphore_mem>> -> memref<1x!tpu.dma_semaphore, #tpu.memory_space<semaphore_mem>>
    %dma_wait3A_128 = tpu.memref_squeeze %dma_wait3A_127 : memref<1x!tpu.dma_semaphore, #tpu.memory_space<semaphore_mem>> -> memref<!tpu.dma_semaphore, #tpu.memory_space<semaphore_mem>>
    tpu.wait_indirect_dma semaphore(%dma_wait3A_128 : memref<!tpu.dma_semaphore, #tpu.memory_space<semaphore_mem>>) src(%dma_wait3A_126 : memref<10240x16xf32, #tpu.memory_space<vmem_shared>>) dst(%dma_wait3A_120 : memref<128x16xf32, #tpu.memory_space<vmem>>)
    %dma_start3A_129 = arith.constant 1 : i32
    %dma_start3A_130 = arith.constant 77 : i32
    %dma_start3A_131 = arith.constant 1 : i32
    %dma_start3A_132 = arith.constant 0 : i32
    %dma_start3A_133 = arith.constant 0 : i32
    %dma_start3A_134 = tpu.memref_slice %arg8[%dma_start3A_129, %dma_start3A_132, %dma_start3A_133] : memref<4x128x16xf32, #tpu.memory_space<vmem>> -> memref<1x128x16xf32, #tpu.memory_space<vmem>>
    %dma_start3A_135 = tpu.memref_squeeze %dma_start3A_134 : memref<1x128x16xf32, #tpu.memory_space<vmem>> -> memref<128x16xf32, #tpu.memory_space<vmem>>
    %dma_start3A_136 = arith.constant 0 : i32
    %dma_start3A_137 = tpu.memref_slice %arg10[%dma_start3A_130, %dma_start3A_136] : memref<80x128xi32, #tpu.memory_space<vmem>> -> memref<1x128xi32, #tpu.memory_space<vmem>>
    %dma_start3A_138 = tpu.memref_squeeze %dma_start3A_137 : memref<1x128xi32, #tpu.memory_space<vmem>> -> memref<128xi32, #tpu.memory_space<vmem>>
    %dma_start3A_139 = arith.constant 0 : i32
    %dma_start3A_140 = arith.constant 0 : i32
    %dma_start3A_141 = tpu.memref_slice %arg7[%dma_start3A_139, %dma_start3A_140] : memref<10240x16xf32, #tpu.memory_space<vmem_shared>> -> memref<10240x16xf32, #tpu.memory_space<vmem_shared>>
    %dma_start3A_142 = tpu.memref_slice %arg12[%dma_start3A_131] : memref<4x!tpu.dma_semaphore, #tpu.memory_space<semaphore_mem>> -> memref<1x!tpu.dma_semaphore, #tpu.memory_space<semaphore_mem>>
    %dma_start3A_143 = tpu.memref_squeeze %dma_start3A_142 : memref<1x!tpu.dma_semaphore, #tpu.memory_space<semaphore_mem>> -> memref<!tpu.dma_semaphore, #tpu.memory_space<semaphore_mem>>
    tpu.enqueue_indirect_dma source(%dma_start3A_135 : memref<128x16xf32, #tpu.memory_space<vmem>>) target(%dma_start3A_141 : memref<10240x16xf32, #tpu.memory_space<vmem_shared>>) offsets(%dma_start3A_138 : memref<128xi32, #tpu.memory_space<vmem>>) semaphore(%dma_start3A_143 : memref<!tpu.dma_semaphore, #tpu.memory_space<semaphore_mem>>) {add = true}
    %dma_wait3A_144 = arith.constant 0 : i32
    %dma_wait3A_145 = arith.constant 2 : i32
    %dma_wait3A_146 = arith.constant 2 : i32
    %dma_wait3A_147 = arith.constant 0 : i32
    %dma_wait3A_148 = arith.constant 0 : i32
    %dma_wait3A_149 = tpu.memref_slice %arg8[%dma_wait3A_145, %dma_wait3A_147, %dma_wait3A_148] : memref<4x128x16xf32, #tpu.memory_space<vmem>> -> memref<1x128x16xf32, #tpu.memory_space<vmem>>
    %dma_wait3A_150 = tpu.memref_squeeze %dma_wait3A_149 : memref<1x128x16xf32, #tpu.memory_space<vmem>> -> memref<128x16xf32, #tpu.memory_space<vmem>>
    %dma_wait3A_151 = arith.constant 0 : i32
    %dma_wait3A_152 = tpu.memref_slice %arg9[%dma_wait3A_144, %dma_wait3A_151] : memref<80x128xi32, #tpu.memory_space<vmem>> -> memref<1x128xi32, #tpu.memory_space<vmem>>
    %dma_wait3A_153 = tpu.memref_squeeze %dma_wait3A_152 : memref<1x128xi32, #tpu.memory_space<vmem>> -> memref<128xi32, #tpu.memory_space<vmem>>
    %dma_wait3A_154 = arith.constant 0 : i32
    %dma_wait3A_155 = arith.constant 0 : i32
    %dma_wait3A_156 = tpu.memref_slice %arg6[%dma_wait3A_154, %dma_wait3A_155] : memref<10240x16xf32, #tpu.memory_space<vmem_shared>> -> memref<10240x16xf32, #tpu.memory_space<vmem_shared>>
    %dma_wait3A_157 = tpu.memref_slice %arg11[%dma_wait3A_146] : memref<4x!tpu.dma_semaphore, #tpu.memory_space<semaphore_mem>> -> memref<1x!tpu.dma_semaphore, #tpu.memory_space<semaphore_mem>>
    %dma_wait3A_158 = tpu.memref_squeeze %dma_wait3A_157 : memref<1x!tpu.dma_semaphore, #tpu.memory_space<semaphore_mem>> -> memref<!tpu.dma_semaphore, #tpu.memory_space<semaphore_mem>>
    tpu.wait_indirect_dma semaphore(%dma_wait3A_158 : memref<!tpu.dma_semaphore, #tpu.memory_space<semaphore_mem>>) src(%dma_wait3A_156 : memref<10240x16xf32, #tpu.memory_space<vmem_shared>>) dst(%dma_wait3A_150 : memref<128x16xf32, #tpu.memory_space<vmem>>)
    %dma_start3A_159 = arith.constant 2 : i32
    %dma_start3A_160 = arith.constant 78 : i32
    %dma_start3A_161 = arith.constant 2 : i32
    %dma_start3A_162 = arith.constant 0 : i32
    %dma_start3A_163 = arith.constant 0 : i32
    %dma_start3A_164 = tpu.memref_slice %arg8[%dma_start3A_159, %dma_start3A_162, %dma_start3A_163] : memref<4x128x16xf32, #tpu.memory_space<vmem>> -> memref<1x128x16xf32, #tpu.memory_space<vmem>>
    %dma_start3A_165 = tpu.memref_squeeze %dma_start3A_164 : memref<1x128x16xf32, #tpu.memory_space<vmem>> -> memref<128x16xf32, #tpu.memory_space<vmem>>
    %dma_start3A_166 = arith.constant 0 : i32
    %dma_start3A_167 = tpu.memref_slice %arg10[%dma_start3A_160, %dma_start3A_166] : memref<80x128xi32, #tpu.memory_space<vmem>> -> memref<1x128xi32, #tpu.memory_space<vmem>>
    %dma_start3A_168 = tpu.memref_squeeze %dma_start3A_167 : memref<1x128xi32, #tpu.memory_space<vmem>> -> memref<128xi32, #tpu.memory_space<vmem>>
    %dma_start3A_169 = arith.constant 0 : i32
    %dma_start3A_170 = arith.constant 0 : i32
    %dma_start3A_171 = tpu.memref_slice %arg7[%dma_start3A_169, %dma_start3A_170] : memref<10240x16xf32, #tpu.memory_space<vmem_shared>> -> memref<10240x16xf32, #tpu.memory_space<vmem_shared>>
    %dma_start3A_172 = tpu.memref_slice %arg12[%dma_start3A_161] : memref<4x!tpu.dma_semaphore, #tpu.memory_space<semaphore_mem>> -> memref<1x!tpu.dma_semaphore, #tpu.memory_space<semaphore_mem>>
    %dma_start3A_173 = tpu.memref_squeeze %dma_start3A_172 : memref<1x!tpu.dma_semaphore, #tpu.memory_space<semaphore_mem>> -> memref<!tpu.dma_semaphore, #tpu.memory_space<semaphore_mem>>
    tpu.enqueue_indirect_dma source(%dma_start3A_165 : memref<128x16xf32, #tpu.memory_space<vmem>>) target(%dma_start3A_171 : memref<10240x16xf32, #tpu.memory_space<vmem_shared>>) offsets(%dma_start3A_168 : memref<128xi32, #tpu.memory_space<vmem>>) semaphore(%dma_start3A_173 : memref<!tpu.dma_semaphore, #tpu.memory_space<semaphore_mem>>) {add = true}
    %dma_wait3A_174 = arith.constant 0 : i32
    %dma_wait3A_175 = arith.constant 3 : i32
    %dma_wait3A_176 = arith.constant 3 : i32
    %dma_wait3A_177 = arith.constant 0 : i32
    %dma_wait3A_178 = arith.constant 0 : i32
    %dma_wait3A_179 = tpu.memref_slice %arg8[%dma_wait3A_175, %dma_wait3A_177, %dma_wait3A_178] : memref<4x128x16xf32, #tpu.memory_space<vmem>> -> memref<1x128x16xf32, #tpu.memory_space<vmem>>
    %dma_wait3A_180 = tpu.memref_squeeze %dma_wait3A_179 : memref<1x128x16xf32, #tpu.memory_space<vmem>> -> memref<128x16xf32, #tpu.memory_space<vmem>>
    %dma_wait3A_181 = arith.constant 0 : i32
    %dma_wait3A_182 = tpu.memref_slice %arg9[%dma_wait3A_174, %dma_wait3A_181] : memref<80x128xi32, #tpu.memory_space<vmem>> -> memref<1x128xi32, #tpu.memory_space<vmem>>
    %dma_wait3A_183 = tpu.memref_squeeze %dma_wait3A_182 : memref<1x128xi32, #tpu.memory_space<vmem>> -> memref<128xi32, #tpu.memory_space<vmem>>
    %dma_wait3A_184 = arith.constant 0 : i32
    %dma_wait3A_185 = arith.constant 0 : i32
    %dma_wait3A_186 = tpu.memref_slice %arg6[%dma_wait3A_184, %dma_wait3A_185] : memref<10240x16xf32, #tpu.memory_space<vmem_shared>> -> memref<10240x16xf32, #tpu.memory_space<vmem_shared>>
    %dma_wait3A_187 = tpu.memref_slice %arg11[%dma_wait3A_176] : memref<4x!tpu.dma_semaphore, #tpu.memory_space<semaphore_mem>> -> memref<1x!tpu.dma_semaphore, #tpu.memory_space<semaphore_mem>>
    %dma_wait3A_188 = tpu.memref_squeeze %dma_wait3A_187 : memref<1x!tpu.dma_semaphore, #tpu.memory_space<semaphore_mem>> -> memref<!tpu.dma_semaphore, #tpu.memory_space<semaphore_mem>>
    tpu.wait_indirect_dma semaphore(%dma_wait3A_188 : memref<!tpu.dma_semaphore, #tpu.memory_space<semaphore_mem>>) src(%dma_wait3A_186 : memref<10240x16xf32, #tpu.memory_space<vmem_shared>>) dst(%dma_wait3A_180 : memref<128x16xf32, #tpu.memory_space<vmem>>)
    %dma_start3A_189 = arith.constant 3 : i32
    %dma_start3A_190 = arith.constant 79 : i32
    %dma_start3A_191 = arith.constant 3 : i32
    %dma_start3A_192 = arith.constant 0 : i32
    %dma_start3A_193 = arith.constant 0 : i32
    %dma_start3A_194 = tpu.memref_slice %arg8[%dma_start3A_189, %dma_start3A_192, %dma_start3A_193] : memref<4x128x16xf32, #tpu.memory_space<vmem>> -> memref<1x128x16xf32, #tpu.memory_space<vmem>>
    %dma_start3A_195 = tpu.memref_squeeze %dma_start3A_194 : memref<1x128x16xf32, #tpu.memory_space<vmem>> -> memref<128x16xf32, #tpu.memory_space<vmem>>
    %dma_start3A_196 = arith.constant 0 : i32
    %dma_start3A_197 = tpu.memref_slice %arg10[%dma_start3A_190, %dma_start3A_196] : memref<80x128xi32, #tpu.memory_space<vmem>> -> memref<1x128xi32, #tpu.memory_space<vmem>>
    %dma_start3A_198 = tpu.memref_squeeze %dma_start3A_197 : memref<1x128xi32, #tpu.memory_space<vmem>> -> memref<128xi32, #tpu.memory_space<vmem>>
    %dma_start3A_199 = arith.constant 0 : i32
    %dma_start3A_200 = arith.constant 0 : i32
    %dma_start3A_201 = tpu.memref_slice %arg7[%dma_start3A_199, %dma_start3A_200] : memref<10240x16xf32, #tpu.memory_space<vmem_shared>> -> memref<10240x16xf32, #tpu.memory_space<vmem_shared>>
    %dma_start3A_202 = tpu.memref_slice %arg12[%dma_start3A_191] : memref<4x!tpu.dma_semaphore, #tpu.memory_space<semaphore_mem>> -> memref<1x!tpu.dma_semaphore, #tpu.memory_space<semaphore_mem>>
    %dma_start3A_203 = tpu.memref_squeeze %dma_start3A_202 : memref<1x!tpu.dma_semaphore, #tpu.memory_space<semaphore_mem>> -> memref<!tpu.dma_semaphore, #tpu.memory_space<semaphore_mem>>
    tpu.enqueue_indirect_dma source(%dma_start3A_195 : memref<128x16xf32, #tpu.memory_space<vmem>>) target(%dma_start3A_201 : memref<10240x16xf32, #tpu.memory_space<vmem_shared>>) offsets(%dma_start3A_198 : memref<128xi32, #tpu.memory_space<vmem>>) semaphore(%dma_start3A_203 : memref<!tpu.dma_semaphore, #tpu.memory_space<semaphore_mem>>) {add = true}
    %dma_wait3A_204 = arith.constant 0 : i32
    %dma_wait3A_205 = arith.constant 0 : i32
    %dma_wait3A_206 = arith.constant 0 : i32
    %dma_wait3A_207 = arith.constant 0 : i32
    %dma_wait3A_208 = arith.constant 0 : i32
    %dma_wait3A_209 = tpu.memref_slice %arg8[%dma_wait3A_204, %dma_wait3A_207, %dma_wait3A_208] : memref<4x128x16xf32, #tpu.memory_space<vmem>> -> memref<1x128x16xf32, #tpu.memory_space<vmem>>
    %dma_wait3A_210 = tpu.memref_squeeze %dma_wait3A_209 : memref<1x128x16xf32, #tpu.memory_space<vmem>> -> memref<128x16xf32, #tpu.memory_space<vmem>>
    %dma_wait3A_211 = arith.constant 0 : i32
    %dma_wait3A_212 = tpu.memref_slice %arg10[%dma_wait3A_205, %dma_wait3A_211] : memref<80x128xi32, #tpu.memory_space<vmem>> -> memref<1x128xi32, #tpu.memory_space<vmem>>
    %dma_wait3A_213 = tpu.memref_squeeze %dma_wait3A_212 : memref<1x128xi32, #tpu.memory_space<vmem>> -> memref<128xi32, #tpu.memory_space<vmem>>
    %dma_wait3A_214 = arith.constant 0 : i32
    %dma_wait3A_215 = arith.constant 0 : i32
    %dma_wait3A_216 = tpu.memref_slice %arg7[%dma_wait3A_214, %dma_wait3A_215] : memref<10240x16xf32, #tpu.memory_space<vmem_shared>> -> memref<10240x16xf32, #tpu.memory_space<vmem_shared>>
    %dma_wait3A_217 = tpu.memref_slice %arg12[%dma_wait3A_206] : memref<4x!tpu.dma_semaphore, #tpu.memory_space<semaphore_mem>> -> memref<1x!tpu.dma_semaphore, #tpu.memory_space<semaphore_mem>>
    %dma_wait3A_218 = tpu.memref_squeeze %dma_wait3A_217 : memref<1x!tpu.dma_semaphore, #tpu.memory_space<semaphore_mem>> -> memref<!tpu.dma_semaphore, #tpu.memory_space<semaphore_mem>>
    tpu.wait_indirect_dma semaphore(%dma_wait3A_218 : memref<!tpu.dma_semaphore, #tpu.memory_space<semaphore_mem>>) src(%dma_wait3A_210 : memref<128x16xf32, #tpu.memory_space<vmem>>) dst(%dma_wait3A_216 : memref<10240x16xf32, #tpu.memory_space<vmem_shared>>)
    %dma_wait3A_219 = arith.constant 1 : i32
    %dma_wait3A_220 = arith.constant 0 : i32
    %dma_wait3A_221 = arith.constant 1 : i32
    %dma_wait3A_222 = arith.constant 0 : i32
    %dma_wait3A_223 = arith.constant 0 : i32
    %dma_wait3A_224 = tpu.memref_slice %arg8[%dma_wait3A_219, %dma_wait3A_222, %dma_wait3A_223] : memref<4x128x16xf32, #tpu.memory_space<vmem>> -> memref<1x128x16xf32, #tpu.memory_space<vmem>>
    %dma_wait3A_225 = tpu.memref_squeeze %dma_wait3A_224 : memref<1x128x16xf32, #tpu.memory_space<vmem>> -> memref<128x16xf32, #tpu.memory_space<vmem>>
    %dma_wait3A_226 = arith.constant 0 : i32
    %dma_wait3A_227 = tpu.memref_slice %arg10[%dma_wait3A_220, %dma_wait3A_226] : memref<80x128xi32, #tpu.memory_space<vmem>> -> memref<1x128xi32, #tpu.memory_space<vmem>>
    %dma_wait3A_228 = tpu.memref_squeeze %dma_wait3A_227 : memref<1x128xi32, #tpu.memory_space<vmem>> -> memref<128xi32, #tpu.memory_space<vmem>>
    %dma_wait3A_229 = arith.constant 0 : i32
    %dma_wait3A_230 = arith.constant 0 : i32
    %dma_wait3A_231 = tpu.memref_slice %arg7[%dma_wait3A_229, %dma_wait3A_230] : memref<10240x16xf32, #tpu.memory_space<vmem_shared>> -> memref<10240x16xf32, #tpu.memory_space<vmem_shared>>
    %dma_wait3A_232 = tpu.memref_slice %arg12[%dma_wait3A_221] : memref<4x!tpu.dma_semaphore, #tpu.memory_space<semaphore_mem>> -> memref<1x!tpu.dma_semaphore, #tpu.memory_space<semaphore_mem>>
    %dma_wait3A_233 = tpu.memref_squeeze %dma_wait3A_232 : memref<1x!tpu.dma_semaphore, #tpu.memory_space<semaphore_mem>> -> memref<!tpu.dma_semaphore, #tpu.memory_space<semaphore_mem>>
    tpu.wait_indirect_dma semaphore(%dma_wait3A_233 : memref<!tpu.dma_semaphore, #tpu.memory_space<semaphore_mem>>) src(%dma_wait3A_225 : memref<128x16xf32, #tpu.memory_space<vmem>>) dst(%dma_wait3A_231 : memref<10240x16xf32, #tpu.memory_space<vmem_shared>>)
    %dma_wait3A_234 = arith.constant 2 : i32
    %dma_wait3A_235 = arith.constant 0 : i32
    %dma_wait3A_236 = arith.constant 2 : i32
    %dma_wait3A_237 = arith.constant 0 : i32
    %dma_wait3A_238 = arith.constant 0 : i32
    %dma_wait3A_239 = tpu.memref_slice %arg8[%dma_wait3A_234, %dma_wait3A_237, %dma_wait3A_238] : memref<4x128x16xf32, #tpu.memory_space<vmem>> -> memref<1x128x16xf32, #tpu.memory_space<vmem>>
    %dma_wait3A_240 = tpu.memref_squeeze %dma_wait3A_239 : memref<1x128x16xf32, #tpu.memory_space<vmem>> -> memref<128x16xf32, #tpu.memory_space<vmem>>
    %dma_wait3A_241 = arith.constant 0 : i32
    %dma_wait3A_242 = tpu.memref_slice %arg10[%dma_wait3A_235, %dma_wait3A_241] : memref<80x128xi32, #tpu.memory_space<vmem>> -> memref<1x128xi32, #tpu.memory_space<vmem>>
    %dma_wait3A_243 = tpu.memref_squeeze %dma_wait3A_242 : memref<1x128xi32, #tpu.memory_space<vmem>> -> memref<128xi32, #tpu.memory_space<vmem>>
    %dma_wait3A_244 = arith.constant 0 : i32
    %dma_wait3A_245 = arith.constant 0 : i32
    %dma_wait3A_246 = tpu.memref_slice %arg7[%dma_wait3A_244, %dma_wait3A_245] : memref<10240x16xf32, #tpu.memory_space<vmem_shared>> -> memref<10240x16xf32, #tpu.memory_space<vmem_shared>>
    %dma_wait3A_247 = tpu.memref_slice %arg12[%dma_wait3A_236] : memref<4x!tpu.dma_semaphore, #tpu.memory_space<semaphore_mem>> -> memref<1x!tpu.dma_semaphore, #tpu.memory_space<semaphore_mem>>
    %dma_wait3A_248 = tpu.memref_squeeze %dma_wait3A_247 : memref<1x!tpu.dma_semaphore, #tpu.memory_space<semaphore_mem>> -> memref<!tpu.dma_semaphore, #tpu.memory_space<semaphore_mem>>
    tpu.wait_indirect_dma semaphore(%dma_wait3A_248 : memref<!tpu.dma_semaphore, #tpu.memory_space<semaphore_mem>>) src(%dma_wait3A_240 : memref<128x16xf32, #tpu.memory_space<vmem>>) dst(%dma_wait3A_246 : memref<10240x16xf32, #tpu.memory_space<vmem_shared>>)
    %dma_wait3A_249 = arith.constant 3 : i32
    %dma_wait3A_250 = arith.constant 0 : i32
    %dma_wait3A_251 = arith.constant 3 : i32
    %dma_wait3A_252 = arith.constant 0 : i32
    %dma_wait3A_253 = arith.constant 0 : i32
    %dma_wait3A_254 = tpu.memref_slice %arg8[%dma_wait3A_249, %dma_wait3A_252, %dma_wait3A_253] : memref<4x128x16xf32, #tpu.memory_space<vmem>> -> memref<1x128x16xf32, #tpu.memory_space<vmem>>
    %dma_wait3A_255 = tpu.memref_squeeze %dma_wait3A_254 : memref<1x128x16xf32, #tpu.memory_space<vmem>> -> memref<128x16xf32, #tpu.memory_space<vmem>>
    %dma_wait3A_256 = arith.constant 0 : i32
    %dma_wait3A_257 = tpu.memref_slice %arg10[%dma_wait3A_250, %dma_wait3A_256] : memref<80x128xi32, #tpu.memory_space<vmem>> -> memref<1x128xi32, #tpu.memory_space<vmem>>
    %dma_wait3A_258 = tpu.memref_squeeze %dma_wait3A_257 : memref<1x128xi32, #tpu.memory_space<vmem>> -> memref<128xi32, #tpu.memory_space<vmem>>
    %dma_wait3A_259 = arith.constant 0 : i32
    %dma_wait3A_260 = arith.constant 0 : i32
    %dma_wait3A_261 = tpu.memref_slice %arg7[%dma_wait3A_259, %dma_wait3A_260] : memref<10240x16xf32, #tpu.memory_space<vmem_shared>> -> memref<10240x16xf32, #tpu.memory_space<vmem_shared>>
    %dma_wait3A_262 = tpu.memref_slice %arg12[%dma_wait3A_251] : memref<4x!tpu.dma_semaphore, #tpu.memory_space<semaphore_mem>> -> memref<1x!tpu.dma_semaphore, #tpu.memory_space<semaphore_mem>>
    %dma_wait3A_263 = tpu.memref_squeeze %dma_wait3A_262 : memref<1x!tpu.dma_semaphore, #tpu.memory_space<semaphore_mem>> -> memref<!tpu.dma_semaphore, #tpu.memory_space<semaphore_mem>>
    tpu.wait_indirect_dma semaphore(%dma_wait3A_263 : memref<!tpu.dma_semaphore, #tpu.memory_space<semaphore_mem>>) src(%dma_wait3A_255 : memref<128x16xf32, #tpu.memory_space<vmem>>) dst(%dma_wait3A_261 : memref<10240x16xf32, #tpu.memory_space<vmem_shared>>)
    %barrier3A_264 = arith.constant 0 : index
    tpu.barrier barrier_id(%barrier3A_264)
    %mul3A_265 = arith.constant 640 : i32
    %mul3A_266 = arith.muli %arg1, %mul3A_265 : i32
    %mul3A_267 = arith.constant 640 : i32
    %mul3A_268 = arith.muli %arg1, %mul3A_267 : i32
    "tpu.region"() ({
      %run_scoped3A = tpu.sem_alloc : memref<!tpu.dma_semaphore, #tpu.memory_space<semaphore_mem>>
      %dma_start3A_269 = arith.constant 0 : i32
      %dma_start3A_270 = tpu.memref_slice %arg5[%arg0, %mul3A_268, %dma_start3A_269] : memref<2x10240x16xf32, #tpu.memory_space<hbm>> -> memref<1x640x16xf32, #tpu.memory_space<hbm>>
      %dma_start3A_271 = tpu.memref_squeeze %dma_start3A_270 : memref<1x640x16xf32, #tpu.memory_space<hbm>> -> memref<640x16xf32, #tpu.memory_space<hbm>>
      %dma_start3A_272 = arith.constant 0 : i32
      %dma_start3A_273 = tpu.memref_slice %arg7[%mul3A_266, %dma_start3A_272] : memref<10240x16xf32, #tpu.memory_space<vmem_shared>> -> memref<640x16xf32, #tpu.memory_space<vmem_shared>>
      tpu.enqueue_dma source(%dma_start3A_273 : memref<640x16xf32, #tpu.memory_space<vmem_shared>>) target(%dma_start3A_271 : memref<640x16xf32, #tpu.memory_space<hbm>>) target_semaphore(%run_scoped3A : memref<!tpu.dma_semaphore, #tpu.memory_space<semaphore_mem>>)
      %dma_wait3A_274 = arith.constant 0 : i32
      %dma_wait3A_275 = tpu.memref_slice %arg5[%arg0, %mul3A_268, %dma_wait3A_274] : memref<2x10240x16xf32, #tpu.memory_space<hbm>> -> memref<1x640x16xf32, #tpu.memory_space<hbm>>
      %dma_wait3A_276 = tpu.memref_squeeze %dma_wait3A_275 : memref<1x640x16xf32, #tpu.memory_space<hbm>> -> memref<640x16xf32, #tpu.memory_space<hbm>>
      %dma_wait3A_277 = arith.constant 0 : i32
      %dma_wait3A_278 = tpu.memref_slice %arg7[%mul3A_266, %dma_wait3A_277] : memref<10240x16xf32, #tpu.memory_space<vmem_shared>> -> memref<640x16xf32, #tpu.memory_space<vmem_shared>>
      tpu.wait_dma2 semaphore(%run_scoped3A : memref<!tpu.dma_semaphore, #tpu.memory_space<semaphore_mem>>) src(%dma_wait3A_278 : memref<640x16xf32, #tpu.memory_space<vmem_shared>>) dst(%dma_wait3A_276 : memref<640x16xf32, #tpu.memory_space<hbm>>)
      tpu.yield
    }) : () -> ()
    return
  }
}

#map = affine_map<(d0, d1) -> (0, 0)>
#map1 = affine_map<(d0, d1) -> (0, 0, 0)>
module attributes {stable_mosaic.version = 14 : i64} {
  func.func @sc_papply(%arg0: i32, %arg1: i32, %arg2: memref<10240x16xf32, #tpu.memory_space<hbm>>, %arg3: memref<2560x128xi32, #tpu.memory_space<hbm>>, %arg4: memref<2560x128xi32, #tpu.memory_space<hbm>>, %arg5: memref<2x10240x16xf32, #tpu.memory_space<hbm>>, %arg6: memref<10240x16xf32, #tpu.memory_space<vmem_shared>>, %arg7: memref<10240x16xf32, #tpu.memory_space<vmem_shared>>, %arg8: memref<4x128x16xf32, #tpu.memory_space<vmem>>, %arg9: memref<80x128xi32, #tpu.memory_space<vmem>>, %arg10: memref<80x128xi32, #tpu.memory_space<vmem>>, %arg11: memref<4x!tpu.dma_semaphore, #tpu.memory_space<semaphore_mem>>, %arg12: memref<4x!tpu.dma_semaphore, #tpu.memory_space<semaphore_mem>>) attributes {dimension_semantics = [#tpu.dimension_semantics<core_parallel>, #tpu.dimension_semantics<subcore_parallel>], iteration_bounds = array<i64: 2, 16>, scalar_prefetch = 0 : i64, scratch_operands = 7 : i64, tpu.core_type = #tpu.core_type<sc_vector_subcore>, window_params = [{transform_indices = #map}, {transform_indices = #map}, {transform_indices = #map}, {transform_indices = #map1}]} {
    %mul3A = arith.constant 16 : i32
    %mul3A_0 = arith.muli %arg0, %mul3A : i32
    %add3A = arith.addi %mul3A_0, %arg1 : i32
    %broadcast_in_dim3A = arith.constant 0.000000e+00 : f32
    %broadcast_in_dim3A_1 = vector.broadcast %broadcast_in_dim3A : f32 to vector<16xf32>
    %scan3A = arith.constant 0 : i32
    %scan3A_2 = arith.constant 0 : i32
    %scan3A_3 = arith.constant 128 : i32
    %scan3A_4 = arith.addi %scan3A_2, %scan3A_3 : i32
    %scan3A_5 = arith.constant 1 : i32
    scf.for %scan3A_269 = %scan3A_2 to %scan3A_4 step %scan3A_5  : i32 {
      %mul3A_270 = arith.constant 1 : i32
      %mul3A_271 = arith.muli %scan3A_269, %mul3A_270 : i32
      %add3A_272 = arith.constant 0 : i32
      %add3A_273 = arith.addi %add3A_272, %mul3A_271 : i32
      %scan3A_274 = arith.constant 0 : i32
      %mul3A_275 = arith.constant 1 : i32
      %mul3A_276 = arith.muli %scan3A_274, %mul3A_275 : i32
      %add3A_277 = arith.constant 0 : i32
      %add3A_278 = arith.addi %add3A_277, %mul3A_276 : i32
      %mul3A_279 = arith.constant 16 : i32
      %mul3A_280 = arith.muli %add3A_278, %mul3A_279 : i32
      %swap3A = arith.constant 0 : i32
      %swap3A_281 = arith.constant 0 : i32
      %swap3A_282 = tpu.memref_slice %arg8[%scan3A, %swap3A, %swap3A_281] : memref<4x128x16xf32, #tpu.memory_space<vmem>> -> memref<1x128x16xf32, #tpu.memory_space<vmem>>
      %swap3A_283 = tpu.memref_squeeze %swap3A_282 : memref<1x128x16xf32, #tpu.memory_space<vmem>> -> memref<128x16xf32, #tpu.memory_space<vmem>>
      %swap3A_284 = arith.index_cast %add3A_273 : i32 to index
      %swap3A_285 = arith.index_cast %mul3A_280 : i32 to index
      %swap3A_286 = tpu.vector_load %swap3A_283[%swap3A_284, %swap3A_285] {strides = array<i32>} : memref<128x16xf32, #tpu.memory_space<vmem>>, vector<1x16xf32>,
      %swap3A_287 = vector.shape_cast %swap3A_286 : vector<1x16xf32> to vector<16xf32>
      %swap3A_288 = vector.shape_cast %broadcast_in_dim3A_1 : vector<16xf32> to vector<1x16xf32>
      tpu.vector_store %swap3A_283[%swap3A_284, %swap3A_285], %swap3A_288 {strides = array<i32>} : memref<128x16xf32, #tpu.memory_space<vmem>>, vector<1x16xf32>,
      %scan3A_289 = arith.constant 1 : i32
    }
    %scan3A_6 = arith.constant 128 : i32
    %scan3A_7 = arith.constant 0 : i32
    %scan3A_8 = arith.constant 0 : i32
    %scan3A_9 = arith.constant 5 : i32
    %scan3A_10 = arith.addi %scan3A_8, %scan3A_9 : i32
    %scan3A_11 = arith.constant 1 : i32
    scf.for %scan3A_269 = %scan3A_8 to %scan3A_10 step %scan3A_11  : i32 {
      %mul3A_270 = arith.constant 1 : i32
      %mul3A_271 = arith.muli %scan3A_269, %mul3A_270 : i32
      %add3A_272 = arith.constant 0 : i32
      %add3A_273 = arith.addi %add3A_272, %mul3A_271 : i32
      %mul3A_274 = arith.constant 640 : i32
      %mul3A_275 = arith.muli %arg1, %mul3A_274 : i32
      %mul3A_276 = arith.constant 128 : i32
      %mul3A_277 = arith.muli %add3A_273, %mul3A_276 : i32
      %add3A_278 = arith.addi %mul3A_275, %mul3A_277 : i32
      "tpu.region"() ({
        %run_scoped3A = tpu.sem_alloc : memref<!tpu.dma_semaphore, #tpu.memory_space<semaphore_mem>>
        %dma_start3A_279 = arith.constant 0 : i32
        %dma_start3A_280 = arith.constant 0 : i32
        %dma_start3A_281 = tpu.memref_slice %arg8[%scan3A_7, %dma_start3A_279, %dma_start3A_280] : memref<4x128x16xf32, #tpu.memory_space<vmem>> -> memref<1x128x16xf32, #tpu.memory_space<vmem>>
        %dma_start3A_282 = tpu.memref_squeeze %dma_start3A_281 : memref<1x128x16xf32, #tpu.memory_space<vmem>> -> memref<128x16xf32, #tpu.memory_space<vmem>>
        %dma_start3A_283 = arith.constant 0 : i32
        %dma_start3A_284 = tpu.memref_slice %arg7[%add3A_278, %dma_start3A_283] : memref<10240x16xf32, #tpu.memory_space<vmem_shared>> -> memref<128x16xf32, #tpu.memory_space<vmem_shared>>
        %dma_start3A_285 = arith.constant 0 : i32
        %dma_start3A_286 = tpu.memref_slice %arg7[%add3A_278, %dma_start3A_285] : memref<10240x16xf32, #tpu.memory_space<vmem_shared>> -> memref<128x16xf32, #tpu.memory_space<vmem_shared>>
        %dma_start3A_287 = arith.constant 0 : i32
        %dma_start3A_288 = arith.constant 0 : i32
        %dma_start3A_289 = tpu.memref_slice %arg8[%scan3A_7, %dma_start3A_287, %dma_start3A_288] : memref<4x128x16xf32, #tpu.memory_space<vmem>> -> memref<1x128x16xf32, #tpu.memory_space<vmem>>
        %dma_start3A_290 = tpu.memref_squeeze %dma_start3A_289 : memref<1x128x16xf32, #tpu.memory_space<vmem>> -> memref<128x16xf32, #tpu.memory_space<vmem>>
        tpu.enqueue_dma source(%dma_start3A_290 : memref<128x16xf32, #tpu.memory_space<vmem>>) target(%dma_start3A_286 : memref<128x16xf32, #tpu.memory_space<vmem_shared>>) target_semaphore(%run_scoped3A : memref<!tpu.dma_semaphore, #tpu.memory_space<semaphore_mem>>)
        %dma_wait3A_291 = arith.constant 0 : i32
        %dma_wait3A_292 = arith.constant 0 : i32
        %dma_wait3A_293 = tpu.memref_slice %arg8[%scan3A_7, %dma_wait3A_291, %dma_wait3A_292] : memref<4x128x16xf32, #tpu.memory_space<vmem>> -> memref<1x128x16xf32, #tpu.memory_space<vmem>>
        %dma_wait3A_294 = tpu.memref_squeeze %dma_wait3A_293 : memref<1x128x16xf32, #tpu.memory_space<vmem>> -> memref<128x16xf32, #tpu.memory_space<vmem>>
        %dma_wait3A_295 = arith.constant 0 : i32
        %dma_wait3A_296 = tpu.memref_slice %arg7[%add3A_278, %dma_wait3A_295] : memref<10240x16xf32, #tpu.memory_space<vmem_shared>> -> memref<128x16xf32, #tpu.memory_space<vmem_shared>>
        %dma_wait3A_297 = arith.constant 0 : i32
        %dma_wait3A_298 = tpu.memref_slice %arg7[%add3A_278, %dma_wait3A_297] : memref<10240x16xf32, #tpu.memory_space<vmem_shared>> -> memref<128x16xf32, #tpu.memory_space<vmem_shared>>
        %dma_wait3A_299 = arith.constant 0 : i32
        %dma_wait3A_300 = arith.constant 0 : i32
        %dma_wait3A_301 = tpu.memref_slice %arg8[%scan3A_7, %dma_wait3A_299, %dma_wait3A_300] : memref<4x128x16xf32, #tpu.memory_space<vmem>> -> memref<1x128x16xf32, #tpu.memory_space<vmem>>
        %dma_wait3A_302 = tpu.memref_squeeze %dma_wait3A_301 : memref<1x128x16xf32, #tpu.memory_space<vmem>> -> memref<128x16xf32, #tpu.memory_space<vmem>>
        tpu.wait_dma2 semaphore(%run_scoped3A : memref<!tpu.dma_semaphore, #tpu.memory_space<semaphore_mem>>) src(%dma_wait3A_302 : memref<128x16xf32, #tpu.memory_space<vmem>>) dst(%dma_wait3A_298 : memref<128x16xf32, #tpu.memory_space<vmem_shared>>)
        tpu.yield
      }) : () -> ()
    }
    %scan3A_12 = arith.constant 5 : i32
    %mul3A_13 = arith.constant 640 : i32
    %mul3A_14 = arith.muli %arg1, %mul3A_13 : i32
    %mul3A_15 = arith.constant 640 : i32
    %mul3A_16 = arith.muli %arg1, %mul3A_15 : i32
    "tpu.region"() ({
      %run_scoped3A = tpu.sem_alloc : memref<!tpu.dma_semaphore, #tpu.memory_space<semaphore_mem>>
      %dma_start3A_269 = arith.constant 0 : i32
      %dma_start3A_270 = tpu.memref_slice %arg6[%mul3A_16, %dma_start3A_269] : memref<10240x16xf32, #tpu.memory_space<vmem_shared>> -> memref<640x16xf32, #tpu.memory_space<vmem_shared>>
      %dma_start3A_271 = arith.constant 0 : i32
      %dma_start3A_272 = tpu.memref_slice %arg2[%mul3A_14, %dma_start3A_271] : memref<10240x16xf32, #tpu.memory_space<hbm>> -> memref<640x16xf32, #tpu.memory_space<hbm>>
      tpu.enqueue_dma source(%dma_start3A_272 : memref<640x16xf32, #tpu.memory_space<hbm>>) target(%dma_start3A_270 : memref<640x16xf32, #tpu.memory_space<vmem_shared>>) target_semaphore(%run_scoped3A : memref<!tpu.dma_semaphore, #tpu.memory_space<semaphore_mem>>)
      %dma_wait3A_273 = arith.constant 0 : i32
      %dma_wait3A_274 = tpu.memref_slice %arg6[%mul3A_16, %dma_wait3A_273] : memref<10240x16xf32, #tpu.memory_space<vmem_shared>> -> memref<640x16xf32, #tpu.memory_space<vmem_shared>>
      %dma_wait3A_275 = arith.constant 0 : i32
      %dma_wait3A_276 = tpu.memref_slice %arg2[%mul3A_14, %dma_wait3A_275] : memref<10240x16xf32, #tpu.memory_space<hbm>> -> memref<640x16xf32, #tpu.memory_space<hbm>>
      tpu.wait_dma2 semaphore(%run_scoped3A : memref<!tpu.dma_semaphore, #tpu.memory_space<semaphore_mem>>) src(%dma_wait3A_276 : memref<640x16xf32, #tpu.memory_space<hbm>>) dst(%dma_wait3A_274 : memref<640x16xf32, #tpu.memory_space<vmem_shared>>)
      tpu.yield
    }) : () -> ()
    %mul3A_17 = arith.constant 80 : i32
    %mul3A_18 = arith.muli %add3A, %mul3A_17 : i32
    "tpu.region"() ({
      %run_scoped3A = tpu.sem_alloc : memref<!tpu.dma_semaphore, #tpu.memory_space<semaphore_mem>>
      %dma_start3A_269 = arith.constant 0 : i32
      %dma_start3A_270 = tpu.memref_slice %arg3[%mul3A_18, %dma_start3A_269] : memref<2560x128xi32, #tpu.memory_space<hbm>> -> memref<80x128xi32, #tpu.memory_space<hbm>>
      %dma_start3A_271 = arith.constant 0 : i32
      %dma_start3A_272 = tpu.memref_slice %arg3[%mul3A_18, %dma_start3A_271] : memref<2560x128xi32, #tpu.memory_space<hbm>> -> memref<80x128xi32, #tpu.memory_space<hbm>>
      tpu.enqueue_dma source(%dma_start3A_272 : memref<80x128xi32, #tpu.memory_space<hbm>>) target(%arg9 : memref<80x128xi32, #tpu.memory_space<vmem>>) target_semaphore(%run_scoped3A : memref<!tpu.dma_semaphore, #tpu.memory_space<semaphore_mem>>)
      %dma_wait3A_273 = arith.constant 0 : i32
      %dma_wait3A_274 = tpu.memref_slice %arg3[%mul3A_18, %dma_wait3A_273] : memref<2560x128xi32, #tpu.memory_space<hbm>> -> memref<80x128xi32, #tpu.memory_space<hbm>>
      %dma_wait3A_275 = arith.constant 0 : i32
      %dma_wait3A_276 = tpu.memref_slice %arg3[%mul3A_18, %dma_wait3A_275] : memref<2560x128xi32, #tpu.memory_space<hbm>> -> memref<80x128xi32, #tpu.memory_space<hbm>>
      tpu.wait_dma2 semaphore(%run_scoped3A : memref<!tpu.dma_semaphore, #tpu.memory_space<semaphore_mem>>) src(%dma_wait3A_276 : memref<80x128xi32, #tpu.memory_space<hbm>>) dst(%arg9 : memref<80x128xi32, #tpu.memory_space<vmem>>)
      tpu.yield
    }) : () -> ()
    %mul3A_19 = arith.constant 80 : i32
    %mul3A_20 = arith.muli %add3A, %mul3A_19 : i32
    "tpu.region"() ({
      %run_scoped3A = tpu.sem_alloc : memref<!tpu.dma_semaphore, #tpu.memory_space<semaphore_mem>>
      %dma_start3A_269 = arith.constant 0 : i32
      %dma_start3A_270 = tpu.memref_slice %arg4[%mul3A_20, %dma_start3A_269] : memref<2560x128xi32, #tpu.memory_space<hbm>> -> memref<80x128xi32, #tpu.memory_space<hbm>>
      %dma_start3A_271 = arith.constant 0 : i32
      %dma_start3A_272 = tpu.memref_slice %arg4[%mul3A_20, %dma_start3A_271] : memref<2560x128xi32, #tpu.memory_space<hbm>> -> memref<80x128xi32, #tpu.memory_space<hbm>>
      tpu.enqueue_dma source(%dma_start3A_272 : memref<80x128xi32, #tpu.memory_space<hbm>>) target(%arg10 : memref<80x128xi32, #tpu.memory_space<vmem>>) target_semaphore(%run_scoped3A : memref<!tpu.dma_semaphore, #tpu.memory_space<semaphore_mem>>)
      %dma_wait3A_273 = arith.constant 0 : i32
      %dma_wait3A_274 = tpu.memref_slice %arg4[%mul3A_20, %dma_wait3A_273] : memref<2560x128xi32, #tpu.memory_space<hbm>> -> memref<80x128xi32, #tpu.memory_space<hbm>>
      %dma_wait3A_275 = arith.constant 0 : i32
      %dma_wait3A_276 = tpu.memref_slice %arg4[%mul3A_20, %dma_wait3A_275] : memref<2560x128xi32, #tpu.memory_space<hbm>> -> memref<80x128xi32, #tpu.memory_space<hbm>>
      tpu.wait_dma2 semaphore(%run_scoped3A : memref<!tpu.dma_semaphore, #tpu.memory_space<semaphore_mem>>) src(%dma_wait3A_276 : memref<80x128xi32, #tpu.memory_space<hbm>>) dst(%arg10 : memref<80x128xi32, #tpu.memory_space<vmem>>)
      tpu.yield
    }) : () -> ()
    %barrier3A = arith.constant 0 : index
    tpu.barrier barrier_id(%barrier3A)
    %dma_start3A = arith.constant 0 : i32
    %dma_start3A_21 = arith.constant 0 : i32
    %dma_start3A_22 = arith.constant 0 : i32
    %dma_start3A_23 = arith.constant 0 : i32
    %dma_start3A_24 = arith.constant 0 : i32
    %dma_start3A_25 = tpu.memref_slice %arg8[%dma_start3A_21, %dma_start3A_23, %dma_start3A_24] : memref<4x128x16xf32, #tpu.memory_space<vmem>> -> memref<1x128x16xf32, #tpu.memory_space<vmem>>
    %dma_start3A_26 = tpu.memref_squeeze %dma_start3A_25 : memref<1x128x16xf32, #tpu.memory_space<vmem>> -> memref<128x16xf32, #tpu.memory_space<vmem>>
    %dma_start3A_27 = arith.constant 0 : i32
    %dma_start3A_28 = tpu.memref_slice %arg9[%dma_start3A, %dma_start3A_27] : memref<80x128xi32, #tpu.memory_space<vmem>> -> memref<1x128xi32, #tpu.memory_space<vmem>>
    %dma_start3A_29 = tpu.memref_squeeze %dma_start3A_28 : memref<1x128xi32, #tpu.memory_space<vmem>> -> memref<128xi32, #tpu.memory_space<vmem>>
    %dma_start3A_30 = arith.constant 0 : i32
    %dma_start3A_31 = arith.constant 0 : i32
    %dma_start3A_32 = tpu.memref_slice %arg6[%dma_start3A_30, %dma_start3A_31] : memref<10240x16xf32, #tpu.memory_space<vmem_shared>> -> memref<10240x16xf32, #tpu.memory_space<vmem_shared>>
    %dma_start3A_33 = tpu.memref_slice %arg11[%dma_start3A_22] : memref<4x!tpu.dma_semaphore, #tpu.memory_space<semaphore_mem>> -> memref<1x!tpu.dma_semaphore, #tpu.memory_space<semaphore_mem>>
    %dma_start3A_34 = tpu.memref_squeeze %dma_start3A_33 : memref<1x!tpu.dma_semaphore, #tpu.memory_space<semaphore_mem>> -> memref<!tpu.dma_semaphore, #tpu.memory_space<semaphore_mem>>
    tpu.enqueue_indirect_dma source(%dma_start3A_32 : memref<10240x16xf32, #tpu.memory_space<vmem_shared>>) target(%dma_start3A_26 : memref<128x16xf32, #tpu.memory_space<vmem>>) offsets(%dma_start3A_29 : memref<128xi32, #tpu.memory_space<vmem>>) semaphore(%dma_start3A_34 : memref<!tpu.dma_semaphore, #tpu.memory_space<semaphore_mem>>)
    %dma_start3A_35 = arith.constant 1 : i32
    %dma_start3A_36 = arith.constant 1 : i32
    %dma_start3A_37 = arith.constant 1 : i32
    %dma_start3A_38 = arith.constant 0 : i32
    %dma_start3A_39 = arith.constant 0 : i32
    %dma_start3A_40 = tpu.memref_slice %arg8[%dma_start3A_36, %dma_start3A_38, %dma_start3A_39] : memref<4x128x16xf32, #tpu.memory_space<vmem>> -> memref<1x128x16xf32, #tpu.memory_space<vmem>>
    %dma_start3A_41 = tpu.memref_squeeze %dma_start3A_40 : memref<1x128x16xf32, #tpu.memory_space<vmem>> -> memref<128x16xf32, #tpu.memory_space<vmem>>
    %dma_start3A_42 = arith.constant 0 : i32
    %dma_start3A_43 = tpu.memref_slice %arg9[%dma_start3A_35, %dma_start3A_42] : memref<80x128xi32, #tpu.memory_space<vmem>> -> memref<1x128xi32, #tpu.memory_space<vmem>>
    %dma_start3A_44 = tpu.memref_squeeze %dma_start3A_43 : memref<1x128xi32, #tpu.memory_space<vmem>> -> memref<128xi32, #tpu.memory_space<vmem>>
    %dma_start3A_45 = arith.constant 0 : i32
    %dma_start3A_46 = arith.constant 0 : i32
    %dma_start3A_47 = tpu.memref_slice %arg6[%dma_start3A_45, %dma_start3A_46] : memref<10240x16xf32, #tpu.memory_space<vmem_shared>> -> memref<10240x16xf32, #tpu.memory_space<vmem_shared>>
    %dma_start3A_48 = tpu.memref_slice %arg11[%dma_start3A_37] : memref<4x!tpu.dma_semaphore, #tpu.memory_space<semaphore_mem>> -> memref<1x!tpu.dma_semaphore, #tpu.memory_space<semaphore_mem>>
    %dma_start3A_49 = tpu.memref_squeeze %dma_start3A_48 : memref<1x!tpu.dma_semaphore, #tpu.memory_space<semaphore_mem>> -> memref<!tpu.dma_semaphore, #tpu.memory_space<semaphore_mem>>
    tpu.enqueue_indirect_dma source(%dma_start3A_47 : memref<10240x16xf32, #tpu.memory_space<vmem_shared>>) target(%dma_start3A_41 : memref<128x16xf32, #tpu.memory_space<vmem>>) offsets(%dma_start3A_44 : memref<128xi32, #tpu.memory_space<vmem>>) semaphore(%dma_start3A_49 : memref<!tpu.dma_semaphore, #tpu.memory_space<semaphore_mem>>)
    %dma_start3A_50 = arith.constant 2 : i32
    %dma_start3A_51 = arith.constant 2 : i32
    %dma_start3A_52 = arith.constant 2 : i32
    %dma_start3A_53 = arith.constant 0 : i32
    %dma_start3A_54 = arith.constant 0 : i32
    %dma_start3A_55 = tpu.memref_slice %arg8[%dma_start3A_51, %dma_start3A_53, %dma_start3A_54] : memref<4x128x16xf32, #tpu.memory_space<vmem>> -> memref<1x128x16xf32, #tpu.memory_space<vmem>>
    %dma_start3A_56 = tpu.memref_squeeze %dma_start3A_55 : memref<1x128x16xf32, #tpu.memory_space<vmem>> -> memref<128x16xf32, #tpu.memory_space<vmem>>
    %dma_start3A_57 = arith.constant 0 : i32
    %dma_start3A_58 = tpu.memref_slice %arg9[%dma_start3A_50, %dma_start3A_57] : memref<80x128xi32, #tpu.memory_space<vmem>> -> memref<1x128xi32, #tpu.memory_space<vmem>>
    %dma_start3A_59 = tpu.memref_squeeze %dma_start3A_58 : memref<1x128xi32, #tpu.memory_space<vmem>> -> memref<128xi32, #tpu.memory_space<vmem>>
    %dma_start3A_60 = arith.constant 0 : i32
    %dma_start3A_61 = arith.constant 0 : i32
    %dma_start3A_62 = tpu.memref_slice %arg6[%dma_start3A_60, %dma_start3A_61] : memref<10240x16xf32, #tpu.memory_space<vmem_shared>> -> memref<10240x16xf32, #tpu.memory_space<vmem_shared>>
    %dma_start3A_63 = tpu.memref_slice %arg11[%dma_start3A_52] : memref<4x!tpu.dma_semaphore, #tpu.memory_space<semaphore_mem>> -> memref<1x!tpu.dma_semaphore, #tpu.memory_space<semaphore_mem>>
    %dma_start3A_64 = tpu.memref_squeeze %dma_start3A_63 : memref<1x!tpu.dma_semaphore, #tpu.memory_space<semaphore_mem>> -> memref<!tpu.dma_semaphore, #tpu.memory_space<semaphore_mem>>
    tpu.enqueue_indirect_dma source(%dma_start3A_62 : memref<10240x16xf32, #tpu.memory_space<vmem_shared>>) target(%dma_start3A_56 : memref<128x16xf32, #tpu.memory_space<vmem>>) offsets(%dma_start3A_59 : memref<128xi32, #tpu.memory_space<vmem>>) semaphore(%dma_start3A_64 : memref<!tpu.dma_semaphore, #tpu.memory_space<semaphore_mem>>)
    %dma_start3A_65 = arith.constant 3 : i32
    %dma_start3A_66 = arith.constant 3 : i32
    %dma_start3A_67 = arith.constant 3 : i32
    %dma_start3A_68 = arith.constant 0 : i32
    %dma_start3A_69 = arith.constant 0 : i32
    %dma_start3A_70 = tpu.memref_slice %arg8[%dma_start3A_66, %dma_start3A_68, %dma_start3A_69] : memref<4x128x16xf32, #tpu.memory_space<vmem>> -> memref<1x128x16xf32, #tpu.memory_space<vmem>>
    %dma_start3A_71 = tpu.memref_squeeze %dma_start3A_70 : memref<1x128x16xf32, #tpu.memory_space<vmem>> -> memref<128x16xf32, #tpu.memory_space<vmem>>
    %dma_start3A_72 = arith.constant 0 : i32
    %dma_start3A_73 = tpu.memref_slice %arg9[%dma_start3A_65, %dma_start3A_72] : memref<80x128xi32, #tpu.memory_space<vmem>> -> memref<1x128xi32, #tpu.memory_space<vmem>>
    %dma_start3A_74 = tpu.memref_squeeze %dma_start3A_73 : memref<1x128xi32, #tpu.memory_space<vmem>> -> memref<128xi32, #tpu.memory_space<vmem>>
    %dma_start3A_75 = arith.constant 0 : i32
    %dma_start3A_76 = arith.constant 0 : i32
    %dma_start3A_77 = tpu.memref_slice %arg6[%dma_start3A_75, %dma_start3A_76] : memref<10240x16xf32, #tpu.memory_space<vmem_shared>> -> memref<10240x16xf32, #tpu.memory_space<vmem_shared>>
    %dma_start3A_78 = tpu.memref_slice %arg11[%dma_start3A_67] : memref<4x!tpu.dma_semaphore, #tpu.memory_space<semaphore_mem>> -> memref<1x!tpu.dma_semaphore, #tpu.memory_space<semaphore_mem>>
    %dma_start3A_79 = tpu.memref_squeeze %dma_start3A_78 : memref<1x!tpu.dma_semaphore, #tpu.memory_space<semaphore_mem>> -> memref<!tpu.dma_semaphore, #tpu.memory_space<semaphore_mem>>
    tpu.enqueue_indirect_dma source(%dma_start3A_77 : memref<10240x16xf32, #tpu.memory_space<vmem_shared>>) target(%dma_start3A_71 : memref<128x16xf32, #tpu.memory_space<vmem>>) offsets(%dma_start3A_74 : memref<128xi32, #tpu.memory_space<vmem>>) semaphore(%dma_start3A_79 : memref<!tpu.dma_semaphore, #tpu.memory_space<semaphore_mem>>)
    %scan3A_80 = arith.constant 0 : i32
    %scan3A_81 = arith.constant 19 : i32
    %scan3A_82 = arith.addi %scan3A_80, %scan3A_81 : i32
    %scan3A_83 = arith.constant 1 : i32
    scf.for %scan3A_269 = %scan3A_80 to %scan3A_82 step %scan3A_83  : i32 {
      %mul3A_270 = arith.constant 4 : i32
      %mul3A_271 = arith.muli %scan3A_269, %mul3A_270 : i32
      %add3A_272 = arith.constant 0 : i32
      %add3A_273 = arith.addi %add3A_272, %mul3A_271 : i32
      %dma_wait3A_274 = arith.constant 0 : i32
      %dma_wait3A_275 = arith.constant 0 : i32
      %dma_wait3A_276 = arith.constant 0 : i32
      %dma_wait3A_277 = arith.constant 0 : i32
      %dma_wait3A_278 = arith.constant 0 : i32
      %dma_wait3A_279 = tpu.memref_slice %arg8[%dma_wait3A_275, %dma_wait3A_277, %dma_wait3A_278] : memref<4x128x16xf32, #tpu.memory_space<vmem>> -> memref<1x128x16xf32, #tpu.memory_space<vmem>>
      %dma_wait3A_280 = tpu.memref_squeeze %dma_wait3A_279 : memref<1x128x16xf32, #tpu.memory_space<vmem>> -> memref<128x16xf32, #tpu.memory_space<vmem>>
      %dma_wait3A_281 = arith.constant 0 : i32
      %dma_wait3A_282 = tpu.memref_slice %arg9[%dma_wait3A_274, %dma_wait3A_281] : memref<80x128xi32, #tpu.memory_space<vmem>> -> memref<1x128xi32, #tpu.memory_space<vmem>>
      %dma_wait3A_283 = tpu.memref_squeeze %dma_wait3A_282 : memref<1x128xi32, #tpu.memory_space<vmem>> -> memref<128xi32, #tpu.memory_space<vmem>>
      %dma_wait3A_284 = arith.constant 0 : i32
      %dma_wait3A_285 = arith.constant 0 : i32
      %dma_wait3A_286 = tpu.memref_slice %arg6[%dma_wait3A_284, %dma_wait3A_285] : memref<10240x16xf32, #tpu.memory_space<vmem_shared>> -> memref<10240x16xf32, #tpu.memory_space<vmem_shared>>
      %dma_wait3A_287 = tpu.memref_slice %arg11[%dma_wait3A_276] : memref<4x!tpu.dma_semaphore, #tpu.memory_space<semaphore_mem>> -> memref<1x!tpu.dma_semaphore, #tpu.memory_space<semaphore_mem>>
      %dma_wait3A_288 = tpu.memref_squeeze %dma_wait3A_287 : memref<1x!tpu.dma_semaphore, #tpu.memory_space<semaphore_mem>> -> memref<!tpu.dma_semaphore, #tpu.memory_space<semaphore_mem>>
      tpu.wait_indirect_dma semaphore(%dma_wait3A_288 : memref<!tpu.dma_semaphore, #tpu.memory_space<semaphore_mem>>) src(%dma_wait3A_286 : memref<10240x16xf32, #tpu.memory_space<vmem_shared>>) dst(%dma_wait3A_280 : memref<128x16xf32, #tpu.memory_space<vmem>>)
      %add3A_289 = arith.constant 0 : i32
      %add3A_290 = arith.addi %add3A_273, %add3A_289 : i32
      %dma_start3A_291 = arith.constant 0 : i32
      %dma_start3A_292 = arith.constant 0 : i32
      %dma_start3A_293 = arith.constant 0 : i32
      %dma_start3A_294 = arith.constant 0 : i32
      %dma_start3A_295 = tpu.memref_slice %arg8[%dma_start3A_291, %dma_start3A_293, %dma_start3A_294] : memref<4x128x16xf32, #tpu.memory_space<vmem>> -> memref<1x128x16xf32, #tpu.memory_space<vmem>>
      %dma_start3A_296 = tpu.memref_squeeze %dma_start3A_295 : memref<1x128x16xf32, #tpu.memory_space<vmem>> -> memref<128x16xf32, #tpu.memory_space<vmem>>
      %dma_start3A_297 = arith.constant 0 : i32
      %dma_start3A_298 = tpu.memref_slice %arg10[%add3A_290, %dma_start3A_297] : memref<80x128xi32, #tpu.memory_space<vmem>> -> memref<1x128xi32, #tpu.memory_space<vmem>>
      %dma_start3A_299 = tpu.memref_squeeze %dma_start3A_298 : memref<1x128xi32, #tpu.memory_space<vmem>> -> memref<128xi32, #tpu.memory_space<vmem>>
      %dma_start3A_300 = arith.constant 0 : i32
      %dma_start3A_301 = arith.constant 0 : i32
      %dma_start3A_302 = tpu.memref_slice %arg7[%dma_start3A_300, %dma_start3A_301] : memref<10240x16xf32, #tpu.memory_space<vmem_shared>> -> memref<10240x16xf32, #tpu.memory_space<vmem_shared>>
      %dma_start3A_303 = tpu.memref_slice %arg12[%dma_start3A_292] : memref<4x!tpu.dma_semaphore, #tpu.memory_space<semaphore_mem>> -> memref<1x!tpu.dma_semaphore, #tpu.memory_space<semaphore_mem>>
      %dma_start3A_304 = tpu.memref_squeeze %dma_start3A_303 : memref<1x!tpu.dma_semaphore, #tpu.memory_space<semaphore_mem>> -> memref<!tpu.dma_semaphore, #tpu.memory_space<semaphore_mem>>
      tpu.enqueue_indirect_dma source(%dma_start3A_296 : memref<128x16xf32, #tpu.memory_space<vmem>>) target(%dma_start3A_302 : memref<10240x16xf32, #tpu.memory_space<vmem_shared>>) offsets(%dma_start3A_299 : memref<128xi32, #tpu.memory_space<vmem>>) semaphore(%dma_start3A_304 : memref<!tpu.dma_semaphore, #tpu.memory_space<semaphore_mem>>) {add = true}
      %dma_wait3A_305 = arith.constant 0 : i32
      %dma_wait3A_306 = arith.constant 1 : i32
      %dma_wait3A_307 = arith.constant 1 : i32
      %dma_wait3A_308 = arith.constant 0 : i32
      %dma_wait3A_309 = arith.constant 0 : i32
      %dma_wait3A_310 = tpu.memref_slice %arg8[%dma_wait3A_306, %dma_wait3A_308, %dma_wait3A_309] : memref<4x128x16xf32, #tpu.memory_space<vmem>> -> memref<1x128x16xf32, #tpu.memory_space<vmem>>
      %dma_wait3A_311 = tpu.memref_squeeze %dma_wait3A_310 : memref<1x128x16xf32, #tpu.memory_space<vmem>> -> memref<128x16xf32, #tpu.memory_space<vmem>>
      %dma_wait3A_312 = arith.constant 0 : i32
      %dma_wait3A_313 = tpu.memref_slice %arg9[%dma_wait3A_305, %dma_wait3A_312] : memref<80x128xi32, #tpu.memory_space<vmem>> -> memref<1x128xi32, #tpu.memory_space<vmem>>
      %dma_wait3A_314 = tpu.memref_squeeze %dma_wait3A_313 : memref<1x128xi32, #tpu.memory_space<vmem>> -> memref<128xi32, #tpu.memory_space<vmem>>
      %dma_wait3A_315 = arith.constant 0 : i32
      %dma_wait3A_316 = arith.constant 0 : i32
      %dma_wait3A_317 = tpu.memref_slice %arg6[%dma_wait3A_315, %dma_wait3A_316] : memref<10240x16xf32, #tpu.memory_space<vmem_shared>> -> memref<10240x16xf32, #tpu.memory_space<vmem_shared>>
      %dma_wait3A_318 = tpu.memref_slice %arg11[%dma_wait3A_307] : memref<4x!tpu.dma_semaphore, #tpu.memory_space<semaphore_mem>> -> memref<1x!tpu.dma_semaphore, #tpu.memory_space<semaphore_mem>>
      %dma_wait3A_319 = tpu.memref_squeeze %dma_wait3A_318 : memref<1x!tpu.dma_semaphore, #tpu.memory_space<semaphore_mem>> -> memref<!tpu.dma_semaphore, #tpu.memory_space<semaphore_mem>>
      tpu.wait_indirect_dma semaphore(%dma_wait3A_319 : memref<!tpu.dma_semaphore, #tpu.memory_space<semaphore_mem>>) src(%dma_wait3A_317 : memref<10240x16xf32, #tpu.memory_space<vmem_shared>>) dst(%dma_wait3A_311 : memref<128x16xf32, #tpu.memory_space<vmem>>)
      %add3A_320 = arith.constant 1 : i32
      %add3A_321 = arith.addi %add3A_273, %add3A_320 : i32
      %dma_start3A_322 = arith.constant 1 : i32
      %dma_start3A_323 = arith.constant 1 : i32
      %dma_start3A_324 = arith.constant 0 : i32
      %dma_start3A_325 = arith.constant 0 : i32
      %dma_start3A_326 = tpu.memref_slice %arg8[%dma_start3A_322, %dma_start3A_324, %dma_start3A_325] : memref<4x128x16xf32, #tpu.memory_space<vmem>> -> memref<1x128x16xf32, #tpu.memory_space<vmem>>
      %dma_start3A_327 = tpu.memref_squeeze %dma_start3A_326 : memref<1x128x16xf32, #tpu.memory_space<vmem>> -> memref<128x16xf32, #tpu.memory_space<vmem>>
      %dma_start3A_328 = arith.constant 0 : i32
      %dma_start3A_329 = tpu.memref_slice %arg10[%add3A_321, %dma_start3A_328] : memref<80x128xi32, #tpu.memory_space<vmem>> -> memref<1x128xi32, #tpu.memory_space<vmem>>
      %dma_start3A_330 = tpu.memref_squeeze %dma_start3A_329 : memref<1x128xi32, #tpu.memory_space<vmem>> -> memref<128xi32, #tpu.memory_space<vmem>>
      %dma_start3A_331 = arith.constant 0 : i32
      %dma_start3A_332 = arith.constant 0 : i32
      %dma_start3A_333 = tpu.memref_slice %arg7[%dma_start3A_331, %dma_start3A_332] : memref<10240x16xf32, #tpu.memory_space<vmem_shared>> -> memref<10240x16xf32, #tpu.memory_space<vmem_shared>>
      %dma_start3A_334 = tpu.memref_slice %arg12[%dma_start3A_323] : memref<4x!tpu.dma_semaphore, #tpu.memory_space<semaphore_mem>> -> memref<1x!tpu.dma_semaphore, #tpu.memory_space<semaphore_mem>>
      %dma_start3A_335 = tpu.memref_squeeze %dma_start3A_334 : memref<1x!tpu.dma_semaphore, #tpu.memory_space<semaphore_mem>> -> memref<!tpu.dma_semaphore, #tpu.memory_space<semaphore_mem>>
      tpu.enqueue_indirect_dma source(%dma_start3A_327 : memref<128x16xf32, #tpu.memory_space<vmem>>) target(%dma_start3A_333 : memref<10240x16xf32, #tpu.memory_space<vmem_shared>>) offsets(%dma_start3A_330 : memref<128xi32, #tpu.memory_space<vmem>>) semaphore(%dma_start3A_335 : memref<!tpu.dma_semaphore, #tpu.memory_space<semaphore_mem>>) {add = true}
      %dma_wait3A_336 = arith.constant 0 : i32
      %dma_wait3A_337 = arith.constant 2 : i32
      %dma_wait3A_338 = arith.constant 2 : i32
      %dma_wait3A_339 = arith.constant 0 : i32
      %dma_wait3A_340 = arith.constant 0 : i32
      %dma_wait3A_341 = tpu.memref_slice %arg8[%dma_wait3A_337, %dma_wait3A_339, %dma_wait3A_340] : memref<4x128x16xf32, #tpu.memory_space<vmem>> -> memref<1x128x16xf32, #tpu.memory_space<vmem>>
      %dma_wait3A_342 = tpu.memref_squeeze %dma_wait3A_341 : memref<1x128x16xf32, #tpu.memory_space<vmem>> -> memref<128x16xf32, #tpu.memory_space<vmem>>
      %dma_wait3A_343 = arith.constant 0 : i32
      %dma_wait3A_344 = tpu.memref_slice %arg9[%dma_wait3A_336, %dma_wait3A_343] : memref<80x128xi32, #tpu.memory_space<vmem>> -> memref<1x128xi32, #tpu.memory_space<vmem>>
      %dma_wait3A_345 = tpu.memref_squeeze %dma_wait3A_344 : memref<1x128xi32, #tpu.memory_space<vmem>> -> memref<128xi32, #tpu.memory_space<vmem>>
      %dma_wait3A_346 = arith.constant 0 : i32
      %dma_wait3A_347 = arith.constant 0 : i32
      %dma_wait3A_348 = tpu.memref_slice %arg6[%dma_wait3A_346, %dma_wait3A_347] : memref<10240x16xf32, #tpu.memory_space<vmem_shared>> -> memref<10240x16xf32, #tpu.memory_space<vmem_shared>>
      %dma_wait3A_349 = tpu.memref_slice %arg11[%dma_wait3A_338] : memref<4x!tpu.dma_semaphore, #tpu.memory_space<semaphore_mem>> -> memref<1x!tpu.dma_semaphore, #tpu.memory_space<semaphore_mem>>
      %dma_wait3A_350 = tpu.memref_squeeze %dma_wait3A_349 : memref<1x!tpu.dma_semaphore, #tpu.memory_space<semaphore_mem>> -> memref<!tpu.dma_semaphore, #tpu.memory_space<semaphore_mem>>
      tpu.wait_indirect_dma semaphore(%dma_wait3A_350 : memref<!tpu.dma_semaphore, #tpu.memory_space<semaphore_mem>>) src(%dma_wait3A_348 : memref<10240x16xf32, #tpu.memory_space<vmem_shared>>) dst(%dma_wait3A_342 : memref<128x16xf32, #tpu.memory_space<vmem>>)
      %add3A_351 = arith.constant 2 : i32
      %add3A_352 = arith.addi %add3A_273, %add3A_351 : i32
      %dma_start3A_353 = arith.constant 2 : i32
      %dma_start3A_354 = arith.constant 2 : i32
      %dma_start3A_355 = arith.constant 0 : i32
      %dma_start3A_356 = arith.constant 0 : i32
      %dma_start3A_357 = tpu.memref_slice %arg8[%dma_start3A_353, %dma_start3A_355, %dma_start3A_356] : memref<4x128x16xf32, #tpu.memory_space<vmem>> -> memref<1x128x16xf32, #tpu.memory_space<vmem>>
      %dma_start3A_358 = tpu.memref_squeeze %dma_start3A_357 : memref<1x128x16xf32, #tpu.memory_space<vmem>> -> memref<128x16xf32, #tpu.memory_space<vmem>>
      %dma_start3A_359 = arith.constant 0 : i32
      %dma_start3A_360 = tpu.memref_slice %arg10[%add3A_352, %dma_start3A_359] : memref<80x128xi32, #tpu.memory_space<vmem>> -> memref<1x128xi32, #tpu.memory_space<vmem>>
      %dma_start3A_361 = tpu.memref_squeeze %dma_start3A_360 : memref<1x128xi32, #tpu.memory_space<vmem>> -> memref<128xi32, #tpu.memory_space<vmem>>
      %dma_start3A_362 = arith.constant 0 : i32
      %dma_start3A_363 = arith.constant 0 : i32
      %dma_start3A_364 = tpu.memref_slice %arg7[%dma_start3A_362, %dma_start3A_363] : memref<10240x16xf32, #tpu.memory_space<vmem_shared>> -> memref<10240x16xf32, #tpu.memory_space<vmem_shared>>
      %dma_start3A_365 = tpu.memref_slice %arg12[%dma_start3A_354] : memref<4x!tpu.dma_semaphore, #tpu.memory_space<semaphore_mem>> -> memref<1x!tpu.dma_semaphore, #tpu.memory_space<semaphore_mem>>
      %dma_start3A_366 = tpu.memref_squeeze %dma_start3A_365 : memref<1x!tpu.dma_semaphore, #tpu.memory_space<semaphore_mem>> -> memref<!tpu.dma_semaphore, #tpu.memory_space<semaphore_mem>>
      tpu.enqueue_indirect_dma source(%dma_start3A_358 : memref<128x16xf32, #tpu.memory_space<vmem>>) target(%dma_start3A_364 : memref<10240x16xf32, #tpu.memory_space<vmem_shared>>) offsets(%dma_start3A_361 : memref<128xi32, #tpu.memory_space<vmem>>) semaphore(%dma_start3A_366 : memref<!tpu.dma_semaphore, #tpu.memory_space<semaphore_mem>>) {add = true}
      %dma_wait3A_367 = arith.constant 0 : i32
      %dma_wait3A_368 = arith.constant 3 : i32
      %dma_wait3A_369 = arith.constant 3 : i32
      %dma_wait3A_370 = arith.constant 0 : i32
      %dma_wait3A_371 = arith.constant 0 : i32
      %dma_wait3A_372 = tpu.memref_slice %arg8[%dma_wait3A_368, %dma_wait3A_370, %dma_wait3A_371] : memref<4x128x16xf32, #tpu.memory_space<vmem>> -> memref<1x128x16xf32, #tpu.memory_space<vmem>>
      %dma_wait3A_373 = tpu.memref_squeeze %dma_wait3A_372 : memref<1x128x16xf32, #tpu.memory_space<vmem>> -> memref<128x16xf32, #tpu.memory_space<vmem>>
      %dma_wait3A_374 = arith.constant 0 : i32
      %dma_wait3A_375 = tpu.memref_slice %arg9[%dma_wait3A_367, %dma_wait3A_374] : memref<80x128xi32, #tpu.memory_space<vmem>> -> memref<1x128xi32, #tpu.memory_space<vmem>>
      %dma_wait3A_376 = tpu.memref_squeeze %dma_wait3A_375 : memref<1x128xi32, #tpu.memory_space<vmem>> -> memref<128xi32, #tpu.memory_space<vmem>>
      %dma_wait3A_377 = arith.constant 0 : i32
      %dma_wait3A_378 = arith.constant 0 : i32
      %dma_wait3A_379 = tpu.memref_slice %arg6[%dma_wait3A_377, %dma_wait3A_378] : memref<10240x16xf32, #tpu.memory_space<vmem_shared>> -> memref<10240x16xf32, #tpu.memory_space<vmem_shared>>
      %dma_wait3A_380 = tpu.memref_slice %arg11[%dma_wait3A_369] : memref<4x!tpu.dma_semaphore, #tpu.memory_space<semaphore_mem>> -> memref<1x!tpu.dma_semaphore, #tpu.memory_space<semaphore_mem>>
      %dma_wait3A_381 = tpu.memref_squeeze %dma_wait3A_380 : memref<1x!tpu.dma_semaphore, #tpu.memory_space<semaphore_mem>> -> memref<!tpu.dma_semaphore, #tpu.memory_space<semaphore_mem>>
      tpu.wait_indirect_dma semaphore(%dma_wait3A_381 : memref<!tpu.dma_semaphore, #tpu.memory_space<semaphore_mem>>) src(%dma_wait3A_379 : memref<10240x16xf32, #tpu.memory_space<vmem_shared>>) dst(%dma_wait3A_373 : memref<128x16xf32, #tpu.memory_space<vmem>>)
      %add3A_382 = arith.constant 3 : i32
      %add3A_383 = arith.addi %add3A_273, %add3A_382 : i32
      %dma_start3A_384 = arith.constant 3 : i32
      %dma_start3A_385 = arith.constant 3 : i32
      %dma_start3A_386 = arith.constant 0 : i32
      %dma_start3A_387 = arith.constant 0 : i32
      %dma_start3A_388 = tpu.memref_slice %arg8[%dma_start3A_384, %dma_start3A_386, %dma_start3A_387] : memref<4x128x16xf32, #tpu.memory_space<vmem>> -> memref<1x128x16xf32, #tpu.memory_space<vmem>>
      %dma_start3A_389 = tpu.memref_squeeze %dma_start3A_388 : memref<1x128x16xf32, #tpu.memory_space<vmem>> -> memref<128x16xf32, #tpu.memory_space<vmem>>
      %dma_start3A_390 = arith.constant 0 : i32
      %dma_start3A_391 = tpu.memref_slice %arg10[%add3A_383, %dma_start3A_390] : memref<80x128xi32, #tpu.memory_space<vmem>> -> memref<1x128xi32, #tpu.memory_space<vmem>>
      %dma_start3A_392 = tpu.memref_squeeze %dma_start3A_391 : memref<1x128xi32, #tpu.memory_space<vmem>> -> memref<128xi32, #tpu.memory_space<vmem>>
      %dma_start3A_393 = arith.constant 0 : i32
      %dma_start3A_394 = arith.constant 0 : i32
      %dma_start3A_395 = tpu.memref_slice %arg7[%dma_start3A_393, %dma_start3A_394] : memref<10240x16xf32, #tpu.memory_space<vmem_shared>> -> memref<10240x16xf32, #tpu.memory_space<vmem_shared>>
      %dma_start3A_396 = tpu.memref_slice %arg12[%dma_start3A_385] : memref<4x!tpu.dma_semaphore, #tpu.memory_space<semaphore_mem>> -> memref<1x!tpu.dma_semaphore, #tpu.memory_space<semaphore_mem>>
      %dma_start3A_397 = tpu.memref_squeeze %dma_start3A_396 : memref<1x!tpu.dma_semaphore, #tpu.memory_space<semaphore_mem>> -> memref<!tpu.dma_semaphore, #tpu.memory_space<semaphore_mem>>
      tpu.enqueue_indirect_dma source(%dma_start3A_389 : memref<128x16xf32, #tpu.memory_space<vmem>>) target(%dma_start3A_395 : memref<10240x16xf32, #tpu.memory_space<vmem_shared>>) offsets(%dma_start3A_392 : memref<128xi32, #tpu.memory_space<vmem>>) semaphore(%dma_start3A_397 : memref<!tpu.dma_semaphore, #tpu.memory_space<semaphore_mem>>) {add = true}
      %dma_wait3A_398 = arith.constant 0 : i32
      %dma_wait3A_399 = arith.constant 0 : i32
      %dma_wait3A_400 = arith.constant 0 : i32
      %dma_wait3A_401 = arith.constant 0 : i32
      %dma_wait3A_402 = arith.constant 0 : i32
      %dma_wait3A_403 = tpu.memref_slice %arg8[%dma_wait3A_398, %dma_wait3A_401, %dma_wait3A_402] : memref<4x128x16xf32, #tpu.memory_space<vmem>> -> memref<1x128x16xf32, #tpu.memory_space<vmem>>
      %dma_wait3A_404 = tpu.memref_squeeze %dma_wait3A_403 : memref<1x128x16xf32, #tpu.memory_space<vmem>> -> memref<128x16xf32, #tpu.memory_space<vmem>>
      %dma_wait3A_405 = arith.constant 0 : i32
      %dma_wait3A_406 = tpu.memref_slice %arg10[%dma_wait3A_399, %dma_wait3A_405] : memref<80x128xi32, #tpu.memory_space<vmem>> -> memref<1x128xi32, #tpu.memory_space<vmem>>
      %dma_wait3A_407 = tpu.memref_squeeze %dma_wait3A_406 : memref<1x128xi32, #tpu.memory_space<vmem>> -> memref<128xi32, #tpu.memory_space<vmem>>
      %dma_wait3A_408 = arith.constant 0 : i32
      %dma_wait3A_409 = arith.constant 0 : i32
      %dma_wait3A_410 = tpu.memref_slice %arg7[%dma_wait3A_408, %dma_wait3A_409] : memref<10240x16xf32, #tpu.memory_space<vmem_shared>> -> memref<10240x16xf32, #tpu.memory_space<vmem_shared>>
      %dma_wait3A_411 = tpu.memref_slice %arg12[%dma_wait3A_400] : memref<4x!tpu.dma_semaphore, #tpu.memory_space<semaphore_mem>> -> memref<1x!tpu.dma_semaphore, #tpu.memory_space<semaphore_mem>>
      %dma_wait3A_412 = tpu.memref_squeeze %dma_wait3A_411 : memref<1x!tpu.dma_semaphore, #tpu.memory_space<semaphore_mem>> -> memref<!tpu.dma_semaphore, #tpu.memory_space<semaphore_mem>>
      tpu.wait_indirect_dma semaphore(%dma_wait3A_412 : memref<!tpu.dma_semaphore, #tpu.memory_space<semaphore_mem>>) src(%dma_wait3A_404 : memref<128x16xf32, #tpu.memory_space<vmem>>) dst(%dma_wait3A_410 : memref<10240x16xf32, #tpu.memory_space<vmem_shared>>)
      %add3A_413 = arith.constant 4 : i32
      %add3A_414 = arith.addi %add3A_273, %add3A_413 : i32
      %add3A_415 = arith.constant 0 : i32
      %add3A_416 = arith.addi %add3A_414, %add3A_415 : i32
      %dma_start3A_417 = arith.constant 0 : i32
      %dma_start3A_418 = arith.constant 0 : i32
      %dma_start3A_419 = arith.constant 0 : i32
      %dma_start3A_420 = arith.constant 0 : i32
      %dma_start3A_421 = tpu.memref_slice %arg8[%dma_start3A_417, %dma_start3A_419, %dma_start3A_420] : memref<4x128x16xf32, #tpu.memory_space<vmem>> -> memref<1x128x16xf32, #tpu.memory_space<vmem>>
      %dma_start3A_422 = tpu.memref_squeeze %dma_start3A_421 : memref<1x128x16xf32, #tpu.memory_space<vmem>> -> memref<128x16xf32, #tpu.memory_space<vmem>>
      %dma_start3A_423 = arith.constant 0 : i32
      %dma_start3A_424 = tpu.memref_slice %arg9[%add3A_416, %dma_start3A_423] : memref<80x128xi32, #tpu.memory_space<vmem>> -> memref<1x128xi32, #tpu.memory_space<vmem>>
      %dma_start3A_425 = tpu.memref_squeeze %dma_start3A_424 : memref<1x128xi32, #tpu.memory_space<vmem>> -> memref<128xi32, #tpu.memory_space<vmem>>
      %dma_start3A_426 = arith.constant 0 : i32
      %dma_start3A_427 = arith.constant 0 : i32
      %dma_start3A_428 = tpu.memref_slice %arg6[%dma_start3A_426, %dma_start3A_427] : memref<10240x16xf32, #tpu.memory_space<vmem_shared>> -> memref<10240x16xf32, #tpu.memory_space<vmem_shared>>
      %dma_start3A_429 = tpu.memref_slice %arg11[%dma_start3A_418] : memref<4x!tpu.dma_semaphore, #tpu.memory_space<semaphore_mem>> -> memref<1x!tpu.dma_semaphore, #tpu.memory_space<semaphore_mem>>
      %dma_start3A_430 = tpu.memref_squeeze %dma_start3A_429 : memref<1x!tpu.dma_semaphore, #tpu.memory_space<semaphore_mem>> -> memref<!tpu.dma_semaphore, #tpu.memory_space<semaphore_mem>>
      tpu.enqueue_indirect_dma source(%dma_start3A_428 : memref<10240x16xf32, #tpu.memory_space<vmem_shared>>) target(%dma_start3A_422 : memref<128x16xf32, #tpu.memory_space<vmem>>) offsets(%dma_start3A_425 : memref<128xi32, #tpu.memory_space<vmem>>) semaphore(%dma_start3A_430 : memref<!tpu.dma_semaphore, #tpu.memory_space<semaphore_mem>>)
      %dma_wait3A_431 = arith.constant 1 : i32
      %dma_wait3A_432 = arith.constant 0 : i32
      %dma_wait3A_433 = arith.constant 1 : i32
      %dma_wait3A_434 = arith.constant 0 : i32
      %dma_wait3A_435 = arith.constant 0 : i32
      %dma_wait3A_436 = tpu.memref_slice %arg8[%dma_wait3A_431, %dma_wait3A_434, %dma_wait3A_435] : memref<4x128x16xf32, #tpu.memory_space<vmem>> -> memref<1x128x16xf32, #tpu.memory_space<vmem>>
      %dma_wait3A_437 = tpu.memref_squeeze %dma_wait3A_436 : memref<1x128x16xf32, #tpu.memory_space<vmem>> -> memref<128x16xf32, #tpu.memory_space<vmem>>
      %dma_wait3A_438 = arith.constant 0 : i32
      %dma_wait3A_439 = tpu.memref_slice %arg10[%dma_wait3A_432, %dma_wait3A_438] : memref<80x128xi32, #tpu.memory_space<vmem>> -> memref<1x128xi32, #tpu.memory_space<vmem>>
      %dma_wait3A_440 = tpu.memref_squeeze %dma_wait3A_439 : memref<1x128xi32, #tpu.memory_space<vmem>> -> memref<128xi32, #tpu.memory_space<vmem>>
      %dma_wait3A_441 = arith.constant 0 : i32
      %dma_wait3A_442 = arith.constant 0 : i32
      %dma_wait3A_443 = tpu.memref_slice %arg7[%dma_wait3A_441, %dma_wait3A_442] : memref<10240x16xf32, #tpu.memory_space<vmem_shared>> -> memref<10240x16xf32, #tpu.memory_space<vmem_shared>>
      %dma_wait3A_444 = tpu.memref_slice %arg12[%dma_wait3A_433] : memref<4x!tpu.dma_semaphore, #tpu.memory_space<semaphore_mem>> -> memref<1x!tpu.dma_semaphore, #tpu.memory_space<semaphore_mem>>
      %dma_wait3A_445 = tpu.memref_squeeze %dma_wait3A_444 : memref<1x!tpu.dma_semaphore, #tpu.memory_space<semaphore_mem>> -> memref<!tpu.dma_semaphore, #tpu.memory_space<semaphore_mem>>
      tpu.wait_indirect_dma semaphore(%dma_wait3A_445 : memref<!tpu.dma_semaphore, #tpu.memory_space<semaphore_mem>>) src(%dma_wait3A_437 : memref<128x16xf32, #tpu.memory_space<vmem>>) dst(%dma_wait3A_443 : memref<10240x16xf32, #tpu.memory_space<vmem_shared>>)
      %add3A_446 = arith.constant 4 : i32
      %add3A_447 = arith.addi %add3A_273, %add3A_446 : i32
      %add3A_448 = arith.constant 1 : i32
      %add3A_449 = arith.addi %add3A_447, %add3A_448 : i32
      %dma_start3A_450 = arith.constant 1 : i32
      %dma_start3A_451 = arith.constant 1 : i32
      %dma_start3A_452 = arith.constant 0 : i32
      %dma_start3A_453 = arith.constant 0 : i32
      %dma_start3A_454 = tpu.memref_slice %arg8[%dma_start3A_450, %dma_start3A_452, %dma_start3A_453] : memref<4x128x16xf32, #tpu.memory_space<vmem>> -> memref<1x128x16xf32, #tpu.memory_space<vmem>>
      %dma_start3A_455 = tpu.memref_squeeze %dma_start3A_454 : memref<1x128x16xf32, #tpu.memory_space<vmem>> -> memref<128x16xf32, #tpu.memory_space<vmem>>
      %dma_start3A_456 = arith.constant 0 : i32
      %dma_start3A_457 = tpu.memref_slice %arg9[%add3A_449, %dma_start3A_456] : memref<80x128xi32, #tpu.memory_space<vmem>> -> memref<1x128xi32, #tpu.memory_space<vmem>>
      %dma_start3A_458 = tpu.memref_squeeze %dma_start3A_457 : memref<1x128xi32, #tpu.memory_space<vmem>> -> memref<128xi32, #tpu.memory_space<vmem>>
      %dma_start3A_459 = arith.constant 0 : i32
      %dma_start3A_460 = arith.constant 0 : i32
      %dma_start3A_461 = tpu.memref_slice %arg6[%dma_start3A_459, %dma_start3A_460] : memref<10240x16xf32, #tpu.memory_space<vmem_shared>> -> memref<10240x16xf32, #tpu.memory_space<vmem_shared>>
      %dma_start3A_462 = tpu.memref_slice %arg11[%dma_start3A_451] : memref<4x!tpu.dma_semaphore, #tpu.memory_space<semaphore_mem>> -> memref<1x!tpu.dma_semaphore, #tpu.memory_space<semaphore_mem>>
      %dma_start3A_463 = tpu.memref_squeeze %dma_start3A_462 : memref<1x!tpu.dma_semaphore, #tpu.memory_space<semaphore_mem>> -> memref<!tpu.dma_semaphore, #tpu.memory_space<semaphore_mem>>
      tpu.enqueue_indirect_dma source(%dma_start3A_461 : memref<10240x16xf32, #tpu.memory_space<vmem_shared>>) target(%dma_start3A_455 : memref<128x16xf32, #tpu.memory_space<vmem>>) offsets(%dma_start3A_458 : memref<128xi32, #tpu.memory_space<vmem>>) semaphore(%dma_start3A_463 : memref<!tpu.dma_semaphore, #tpu.memory_space<semaphore_mem>>)
      %dma_wait3A_464 = arith.constant 2 : i32
      %dma_wait3A_465 = arith.constant 0 : i32
      %dma_wait3A_466 = arith.constant 2 : i32
      %dma_wait3A_467 = arith.constant 0 : i32
      %dma_wait3A_468 = arith.constant 0 : i32
      %dma_wait3A_469 = tpu.memref_slice %arg8[%dma_wait3A_464, %dma_wait3A_467, %dma_wait3A_468] : memref<4x128x16xf32, #tpu.memory_space<vmem>> -> memref<1x128x16xf32, #tpu.memory_space<vmem>>
      %dma_wait3A_470 = tpu.memref_squeeze %dma_wait3A_469 : memref<1x128x16xf32, #tpu.memory_space<vmem>> -> memref<128x16xf32, #tpu.memory_space<vmem>>
      %dma_wait3A_471 = arith.constant 0 : i32
      %dma_wait3A_472 = tpu.memref_slice %arg10[%dma_wait3A_465, %dma_wait3A_471] : memref<80x128xi32, #tpu.memory_space<vmem>> -> memref<1x128xi32, #tpu.memory_space<vmem>>
      %dma_wait3A_473 = tpu.memref_squeeze %dma_wait3A_472 : memref<1x128xi32, #tpu.memory_space<vmem>> -> memref<128xi32, #tpu.memory_space<vmem>>
      %dma_wait3A_474 = arith.constant 0 : i32
      %dma_wait3A_475 = arith.constant 0 : i32
      %dma_wait3A_476 = tpu.memref_slice %arg7[%dma_wait3A_474, %dma_wait3A_475] : memref<10240x16xf32, #tpu.memory_space<vmem_shared>> -> memref<10240x16xf32, #tpu.memory_space<vmem_shared>>
      %dma_wait3A_477 = tpu.memref_slice %arg12[%dma_wait3A_466] : memref<4x!tpu.dma_semaphore, #tpu.memory_space<semaphore_mem>> -> memref<1x!tpu.dma_semaphore, #tpu.memory_space<semaphore_mem>>
      %dma_wait3A_478 = tpu.memref_squeeze %dma_wait3A_477 : memref<1x!tpu.dma_semaphore, #tpu.memory_space<semaphore_mem>> -> memref<!tpu.dma_semaphore, #tpu.memory_space<semaphore_mem>>
      tpu.wait_indirect_dma semaphore(%dma_wait3A_478 : memref<!tpu.dma_semaphore, #tpu.memory_space<semaphore_mem>>) src(%dma_wait3A_470 : memref<128x16xf32, #tpu.memory_space<vmem>>) dst(%dma_wait3A_476 : memref<10240x16xf32, #tpu.memory_space<vmem_shared>>)
      %add3A_479 = arith.constant 4 : i32
      %add3A_480 = arith.addi %add3A_273, %add3A_479 : i32
      %add3A_481 = arith.constant 2 : i32
      %add3A_482 = arith.addi %add3A_480, %add3A_481 : i32
      %dma_start3A_483 = arith.constant 2 : i32
      %dma_start3A_484 = arith.constant 2 : i32
      %dma_start3A_485 = arith.constant 0 : i32
      %dma_start3A_486 = arith.constant 0 : i32
      %dma_start3A_487 = tpu.memref_slice %arg8[%dma_start3A_483, %dma_start3A_485, %dma_start3A_486] : memref<4x128x16xf32, #tpu.memory_space<vmem>> -> memref<1x128x16xf32, #tpu.memory_space<vmem>>
      %dma_start3A_488 = tpu.memref_squeeze %dma_start3A_487 : memref<1x128x16xf32, #tpu.memory_space<vmem>> -> memref<128x16xf32, #tpu.memory_space<vmem>>
      %dma_start3A_489 = arith.constant 0 : i32
      %dma_start3A_490 = tpu.memref_slice %arg9[%add3A_482, %dma_start3A_489] : memref<80x128xi32, #tpu.memory_space<vmem>> -> memref<1x128xi32, #tpu.memory_space<vmem>>
      %dma_start3A_491 = tpu.memref_squeeze %dma_start3A_490 : memref<1x128xi32, #tpu.memory_space<vmem>> -> memref<128xi32, #tpu.memory_space<vmem>>
      %dma_start3A_492 = arith.constant 0 : i32
      %dma_start3A_493 = arith.constant 0 : i32
      %dma_start3A_494 = tpu.memref_slice %arg6[%dma_start3A_492, %dma_start3A_493] : memref<10240x16xf32, #tpu.memory_space<vmem_shared>> -> memref<10240x16xf32, #tpu.memory_space<vmem_shared>>
      %dma_start3A_495 = tpu.memref_slice %arg11[%dma_start3A_484] : memref<4x!tpu.dma_semaphore, #tpu.memory_space<semaphore_mem>> -> memref<1x!tpu.dma_semaphore, #tpu.memory_space<semaphore_mem>>
      %dma_start3A_496 = tpu.memref_squeeze %dma_start3A_495 : memref<1x!tpu.dma_semaphore, #tpu.memory_space<semaphore_mem>> -> memref<!tpu.dma_semaphore, #tpu.memory_space<semaphore_mem>>
      tpu.enqueue_indirect_dma source(%dma_start3A_494 : memref<10240x16xf32, #tpu.memory_space<vmem_shared>>) target(%dma_start3A_488 : memref<128x16xf32, #tpu.memory_space<vmem>>) offsets(%dma_start3A_491 : memref<128xi32, #tpu.memory_space<vmem>>) semaphore(%dma_start3A_496 : memref<!tpu.dma_semaphore, #tpu.memory_space<semaphore_mem>>)
      %dma_wait3A_497 = arith.constant 3 : i32
      %dma_wait3A_498 = arith.constant 0 : i32
      %dma_wait3A_499 = arith.constant 3 : i32
      %dma_wait3A_500 = arith.constant 0 : i32
      %dma_wait3A_501 = arith.constant 0 : i32
      %dma_wait3A_502 = tpu.memref_slice %arg8[%dma_wait3A_497, %dma_wait3A_500, %dma_wait3A_501] : memref<4x128x16xf32, #tpu.memory_space<vmem>> -> memref<1x128x16xf32, #tpu.memory_space<vmem>>
      %dma_wait3A_503 = tpu.memref_squeeze %dma_wait3A_502 : memref<1x128x16xf32, #tpu.memory_space<vmem>> -> memref<128x16xf32, #tpu.memory_space<vmem>>
      %dma_wait3A_504 = arith.constant 0 : i32
      %dma_wait3A_505 = tpu.memref_slice %arg10[%dma_wait3A_498, %dma_wait3A_504] : memref<80x128xi32, #tpu.memory_space<vmem>> -> memref<1x128xi32, #tpu.memory_space<vmem>>
      %dma_wait3A_506 = tpu.memref_squeeze %dma_wait3A_505 : memref<1x128xi32, #tpu.memory_space<vmem>> -> memref<128xi32, #tpu.memory_space<vmem>>
      %dma_wait3A_507 = arith.constant 0 : i32
      %dma_wait3A_508 = arith.constant 0 : i32
      %dma_wait3A_509 = tpu.memref_slice %arg7[%dma_wait3A_507, %dma_wait3A_508] : memref<10240x16xf32, #tpu.memory_space<vmem_shared>> -> memref<10240x16xf32, #tpu.memory_space<vmem_shared>>
      %dma_wait3A_510 = tpu.memref_slice %arg12[%dma_wait3A_499] : memref<4x!tpu.dma_semaphore, #tpu.memory_space<semaphore_mem>> -> memref<1x!tpu.dma_semaphore, #tpu.memory_space<semaphore_mem>>
      %dma_wait3A_511 = tpu.memref_squeeze %dma_wait3A_510 : memref<1x!tpu.dma_semaphore, #tpu.memory_space<semaphore_mem>> -> memref<!tpu.dma_semaphore, #tpu.memory_space<semaphore_mem>>
      tpu.wait_indirect_dma semaphore(%dma_wait3A_511 : memref<!tpu.dma_semaphore, #tpu.memory_space<semaphore_mem>>) src(%dma_wait3A_503 : memref<128x16xf32, #tpu.memory_space<vmem>>) dst(%dma_wait3A_509 : memref<10240x16xf32, #tpu.memory_space<vmem_shared>>)
      %add3A_512 = arith.constant 4 : i32
      %add3A_513 = arith.addi %add3A_273, %add3A_512 : i32
      %add3A_514 = arith.constant 3 : i32
      %add3A_515 = arith.addi %add3A_513, %add3A_514 : i32
      %dma_start3A_516 = arith.constant 3 : i32
      %dma_start3A_517 = arith.constant 3 : i32
      %dma_start3A_518 = arith.constant 0 : i32
      %dma_start3A_519 = arith.constant 0 : i32
      %dma_start3A_520 = tpu.memref_slice %arg8[%dma_start3A_516, %dma_start3A_518, %dma_start3A_519] : memref<4x128x16xf32, #tpu.memory_space<vmem>> -> memref<1x128x16xf32, #tpu.memory_space<vmem>>
      %dma_start3A_521 = tpu.memref_squeeze %dma_start3A_520 : memref<1x128x16xf32, #tpu.memory_space<vmem>> -> memref<128x16xf32, #tpu.memory_space<vmem>>
      %dma_start3A_522 = arith.constant 0 : i32
      %dma_start3A_523 = tpu.memref_slice %arg9[%add3A_515, %dma_start3A_522] : memref<80x128xi32, #tpu.memory_space<vmem>> -> memref<1x128xi32, #tpu.memory_space<vmem>>
      %dma_start3A_524 = tpu.memref_squeeze %dma_start3A_523 : memref<1x128xi32, #tpu.memory_space<vmem>> -> memref<128xi32, #tpu.memory_space<vmem>>
      %dma_start3A_525 = arith.constant 0 : i32
      %dma_start3A_526 = arith.constant 0 : i32
      %dma_start3A_527 = tpu.memref_slice %arg6[%dma_start3A_525, %dma_start3A_526] : memref<10240x16xf32, #tpu.memory_space<vmem_shared>> -> memref<10240x16xf32, #tpu.memory_space<vmem_shared>>
      %dma_start3A_528 = tpu.memref_slice %arg11[%dma_start3A_517] : memref<4x!tpu.dma_semaphore, #tpu.memory_space<semaphore_mem>> -> memref<1x!tpu.dma_semaphore, #tpu.memory_space<semaphore_mem>>
      %dma_start3A_529 = tpu.memref_squeeze %dma_start3A_528 : memref<1x!tpu.dma_semaphore, #tpu.memory_space<semaphore_mem>> -> memref<!tpu.dma_semaphore, #tpu.memory_space<semaphore_mem>>
      tpu.enqueue_indirect_dma source(%dma_start3A_527 : memref<10240x16xf32, #tpu.memory_space<vmem_shared>>) target(%dma_start3A_521 : memref<128x16xf32, #tpu.memory_space<vmem>>) offsets(%dma_start3A_524 : memref<128xi32, #tpu.memory_space<vmem>>) semaphore(%dma_start3A_529 : memref<!tpu.dma_semaphore, #tpu.memory_space<semaphore_mem>>)
    }
    %scan3A_84 = arith.constant 19 : i32
    %dma_wait3A = arith.constant 0 : i32
    %dma_wait3A_85 = arith.constant 0 : i32
    %dma_wait3A_86 = arith.constant 0 : i32
    %dma_wait3A_87 = arith.constant 0 : i32
    %dma_wait3A_88 = arith.constant 0 : i32
    %dma_wait3A_89 = tpu.memref_slice %arg8[%dma_wait3A_85, %dma_wait3A_87, %dma_wait3A_88] : memref<4x128x16xf32, #tpu.memory_space<vmem>> -> memref<1x128x16xf32, #tpu.memory_space<vmem>>
    %dma_wait3A_90 = tpu.memref_squeeze %dma_wait3A_89 : memref<1x128x16xf32, #tpu.memory_space<vmem>> -> memref<128x16xf32, #tpu.memory_space<vmem>>
    %dma_wait3A_91 = arith.constant 0 : i32
    %dma_wait3A_92 = tpu.memref_slice %arg9[%dma_wait3A, %dma_wait3A_91] : memref<80x128xi32, #tpu.memory_space<vmem>> -> memref<1x128xi32, #tpu.memory_space<vmem>>
    %dma_wait3A_93 = tpu.memref_squeeze %dma_wait3A_92 : memref<1x128xi32, #tpu.memory_space<vmem>> -> memref<128xi32, #tpu.memory_space<vmem>>
    %dma_wait3A_94 = arith.constant 0 : i32
    %dma_wait3A_95 = arith.constant 0 : i32
    %dma_wait3A_96 = tpu.memref_slice %arg6[%dma_wait3A_94, %dma_wait3A_95] : memref<10240x16xf32, #tpu.memory_space<vmem_shared>> -> memref<10240x16xf32, #tpu.memory_space<vmem_shared>>
    %dma_wait3A_97 = tpu.memref_slice %arg11[%dma_wait3A_86] : memref<4x!tpu.dma_semaphore, #tpu.memory_space<semaphore_mem>> -> memref<1x!tpu.dma_semaphore, #tpu.memory_space<semaphore_mem>>
    %dma_wait3A_98 = tpu.memref_squeeze %dma_wait3A_97 : memref<1x!tpu.dma_semaphore, #tpu.memory_space<semaphore_mem>> -> memref<!tpu.dma_semaphore, #tpu.memory_space<semaphore_mem>>
    tpu.wait_indirect_dma semaphore(%dma_wait3A_98 : memref<!tpu.dma_semaphore, #tpu.memory_space<semaphore_mem>>) src(%dma_wait3A_96 : memref<10240x16xf32, #tpu.memory_space<vmem_shared>>) dst(%dma_wait3A_90 : memref<128x16xf32, #tpu.memory_space<vmem>>)
    %dma_start3A_99 = arith.constant 0 : i32
    %dma_start3A_100 = arith.constant 76 : i32
    %dma_start3A_101 = arith.constant 0 : i32
    %dma_start3A_102 = arith.constant 0 : i32
    %dma_start3A_103 = arith.constant 0 : i32
    %dma_start3A_104 = tpu.memref_slice %arg8[%dma_start3A_99, %dma_start3A_102, %dma_start3A_103] : memref<4x128x16xf32, #tpu.memory_space<vmem>> -> memref<1x128x16xf32, #tpu.memory_space<vmem>>
    %dma_start3A_105 = tpu.memref_squeeze %dma_start3A_104 : memref<1x128x16xf32, #tpu.memory_space<vmem>> -> memref<128x16xf32, #tpu.memory_space<vmem>>
    %dma_start3A_106 = arith.constant 0 : i32
    %dma_start3A_107 = tpu.memref_slice %arg10[%dma_start3A_100, %dma_start3A_106] : memref<80x128xi32, #tpu.memory_space<vmem>> -> memref<1x128xi32, #tpu.memory_space<vmem>>
    %dma_start3A_108 = tpu.memref_squeeze %dma_start3A_107 : memref<1x128xi32, #tpu.memory_space<vmem>> -> memref<128xi32, #tpu.memory_space<vmem>>
    %dma_start3A_109 = arith.constant 0 : i32
    %dma_start3A_110 = arith.constant 0 : i32
    %dma_start3A_111 = tpu.memref_slice %arg7[%dma_start3A_109, %dma_start3A_110] : memref<10240x16xf32, #tpu.memory_space<vmem_shared>> -> memref<10240x16xf32, #tpu.memory_space<vmem_shared>>
    %dma_start3A_112 = tpu.memref_slice %arg12[%dma_start3A_101] : memref<4x!tpu.dma_semaphore, #tpu.memory_space<semaphore_mem>> -> memref<1x!tpu.dma_semaphore, #tpu.memory_space<semaphore_mem>>
    %dma_start3A_113 = tpu.memref_squeeze %dma_start3A_112 : memref<1x!tpu.dma_semaphore, #tpu.memory_space<semaphore_mem>> -> memref<!tpu.dma_semaphore, #tpu.memory_space<semaphore_mem>>
    tpu.enqueue_indirect_dma source(%dma_start3A_105 : memref<128x16xf32, #tpu.memory_space<vmem>>) target(%dma_start3A_111 : memref<10240x16xf32, #tpu.memory_space<vmem_shared>>) offsets(%dma_start3A_108 : memref<128xi32, #tpu.memory_space<vmem>>) semaphore(%dma_start3A_113 : memref<!tpu.dma_semaphore, #tpu.memory_space<semaphore_mem>>) {add = true}
    %dma_wait3A_114 = arith.constant 0 : i32
    %dma_wait3A_115 = arith.constant 1 : i32
    %dma_wait3A_116 = arith.constant 1 : i32
    %dma_wait3A_117 = arith.constant 0 : i32
    %dma_wait3A_118 = arith.constant 0 : i32
    %dma_wait3A_119 = tpu.memref_slice %arg8[%dma_wait3A_115, %dma_wait3A_117, %dma_wait3A_118] : memref<4x128x16xf32, #tpu.memory_space<vmem>> -> memref<1x128x16xf32, #tpu.memory_space<vmem>>
    %dma_wait3A_120 = tpu.memref_squeeze %dma_wait3A_119 : memref<1x128x16xf32, #tpu.memory_space<vmem>> -> memref<128x16xf32, #tpu.memory_space<vmem>>
    %dma_wait3A_121 = arith.constant 0 : i32
    %dma_wait3A_122 = tpu.memref_slice %arg9[%dma_wait3A_114, %dma_wait3A_121] : memref<80x128xi32, #tpu.memory_space<vmem>> -> memref<1x128xi32, #tpu.memory_space<vmem>>
    %dma_wait3A_123 = tpu.memref_squeeze %dma_wait3A_122 : memref<1x128xi32, #tpu.memory_space<vmem>> -> memref<128xi32, #tpu.memory_space<vmem>>
    %dma_wait3A_124 = arith.constant 0 : i32
    %dma_wait3A_125 = arith.constant 0 : i32
    %dma_wait3A_126 = tpu.memref_slice %arg6[%dma_wait3A_124, %dma_wait3A_125] : memref<10240x16xf32, #tpu.memory_space<vmem_shared>> -> memref<10240x16xf32, #tpu.memory_space<vmem_shared>>
    %dma_wait3A_127 = tpu.memref_slice %arg11[%dma_wait3A_116] : memref<4x!tpu.dma_semaphore, #tpu.memory_space<semaphore_mem>> -> memref<1x!tpu.dma_semaphore, #tpu.memory_space<semaphore_mem>>
    %dma_wait3A_128 = tpu.memref_squeeze %dma_wait3A_127 : memref<1x!tpu.dma_semaphore, #tpu.memory_space<semaphore_mem>> -> memref<!tpu.dma_semaphore, #tpu.memory_space<semaphore_mem>>
    tpu.wait_indirect_dma semaphore(%dma_wait3A_128 : memref<!tpu.dma_semaphore, #tpu.memory_space<semaphore_mem>>) src(%dma_wait3A_126 : memref<10240x16xf32, #tpu.memory_space<vmem_shared>>) dst(%dma_wait3A_120 : memref<128x16xf32, #tpu.memory_space<vmem>>)
    %dma_start3A_129 = arith.constant 1 : i32
    %dma_start3A_130 = arith.constant 77 : i32
    %dma_start3A_131 = arith.constant 1 : i32
    %dma_start3A_132 = arith.constant 0 : i32
    %dma_start3A_133 = arith.constant 0 : i32
    %dma_start3A_134 = tpu.memref_slice %arg8[%dma_start3A_129, %dma_start3A_132, %dma_start3A_133] : memref<4x128x16xf32, #tpu.memory_space<vmem>> -> memref<1x128x16xf32, #tpu.memory_space<vmem>>
    %dma_start3A_135 = tpu.memref_squeeze %dma_start3A_134 : memref<1x128x16xf32, #tpu.memory_space<vmem>> -> memref<128x16xf32, #tpu.memory_space<vmem>>
    %dma_start3A_136 = arith.constant 0 : i32
    %dma_start3A_137 = tpu.memref_slice %arg10[%dma_start3A_130, %dma_start3A_136] : memref<80x128xi32, #tpu.memory_space<vmem>> -> memref<1x128xi32, #tpu.memory_space<vmem>>
    %dma_start3A_138 = tpu.memref_squeeze %dma_start3A_137 : memref<1x128xi32, #tpu.memory_space<vmem>> -> memref<128xi32, #tpu.memory_space<vmem>>
    %dma_start3A_139 = arith.constant 0 : i32
    %dma_start3A_140 = arith.constant 0 : i32
    %dma_start3A_141 = tpu.memref_slice %arg7[%dma_start3A_139, %dma_start3A_140] : memref<10240x16xf32, #tpu.memory_space<vmem_shared>> -> memref<10240x16xf32, #tpu.memory_space<vmem_shared>>
    %dma_start3A_142 = tpu.memref_slice %arg12[%dma_start3A_131] : memref<4x!tpu.dma_semaphore, #tpu.memory_space<semaphore_mem>> -> memref<1x!tpu.dma_semaphore, #tpu.memory_space<semaphore_mem>>
    %dma_start3A_143 = tpu.memref_squeeze %dma_start3A_142 : memref<1x!tpu.dma_semaphore, #tpu.memory_space<semaphore_mem>> -> memref<!tpu.dma_semaphore, #tpu.memory_space<semaphore_mem>>
    tpu.enqueue_indirect_dma source(%dma_start3A_135 : memref<128x16xf32, #tpu.memory_space<vmem>>) target(%dma_start3A_141 : memref<10240x16xf32, #tpu.memory_space<vmem_shared>>) offsets(%dma_start3A_138 : memref<128xi32, #tpu.memory_space<vmem>>) semaphore(%dma_start3A_143 : memref<!tpu.dma_semaphore, #tpu.memory_space<semaphore_mem>>) {add = true}
    %dma_wait3A_144 = arith.constant 0 : i32
    %dma_wait3A_145 = arith.constant 2 : i32
    %dma_wait3A_146 = arith.constant 2 : i32
    %dma_wait3A_147 = arith.constant 0 : i32
    %dma_wait3A_148 = arith.constant 0 : i32
    %dma_wait3A_149 = tpu.memref_slice %arg8[%dma_wait3A_145, %dma_wait3A_147, %dma_wait3A_148] : memref<4x128x16xf32, #tpu.memory_space<vmem>> -> memref<1x128x16xf32, #tpu.memory_space<vmem>>
    %dma_wait3A_150 = tpu.memref_squeeze %dma_wait3A_149 : memref<1x128x16xf32, #tpu.memory_space<vmem>> -> memref<128x16xf32, #tpu.memory_space<vmem>>
    %dma_wait3A_151 = arith.constant 0 : i32
    %dma_wait3A_152 = tpu.memref_slice %arg9[%dma_wait3A_144, %dma_wait3A_151] : memref<80x128xi32, #tpu.memory_space<vmem>> -> memref<1x128xi32, #tpu.memory_space<vmem>>
    %dma_wait3A_153 = tpu.memref_squeeze %dma_wait3A_152 : memref<1x128xi32, #tpu.memory_space<vmem>> -> memref<128xi32, #tpu.memory_space<vmem>>
    %dma_wait3A_154 = arith.constant 0 : i32
    %dma_wait3A_155 = arith.constant 0 : i32
    %dma_wait3A_156 = tpu.memref_slice %arg6[%dma_wait3A_154, %dma_wait3A_155] : memref<10240x16xf32, #tpu.memory_space<vmem_shared>> -> memref<10240x16xf32, #tpu.memory_space<vmem_shared>>
    %dma_wait3A_157 = tpu.memref_slice %arg11[%dma_wait3A_146] : memref<4x!tpu.dma_semaphore, #tpu.memory_space<semaphore_mem>> -> memref<1x!tpu.dma_semaphore, #tpu.memory_space<semaphore_mem>>
    %dma_wait3A_158 = tpu.memref_squeeze %dma_wait3A_157 : memref<1x!tpu.dma_semaphore, #tpu.memory_space<semaphore_mem>> -> memref<!tpu.dma_semaphore, #tpu.memory_space<semaphore_mem>>
    tpu.wait_indirect_dma semaphore(%dma_wait3A_158 : memref<!tpu.dma_semaphore, #tpu.memory_space<semaphore_mem>>) src(%dma_wait3A_156 : memref<10240x16xf32, #tpu.memory_space<vmem_shared>>) dst(%dma_wait3A_150 : memref<128x16xf32, #tpu.memory_space<vmem>>)
    %dma_start3A_159 = arith.constant 2 : i32
    %dma_start3A_160 = arith.constant 78 : i32
    %dma_start3A_161 = arith.constant 2 : i32
    %dma_start3A_162 = arith.constant 0 : i32
    %dma_start3A_163 = arith.constant 0 : i32
    %dma_start3A_164 = tpu.memref_slice %arg8[%dma_start3A_159, %dma_start3A_162, %dma_start3A_163] : memref<4x128x16xf32, #tpu.memory_space<vmem>> -> memref<1x128x16xf32, #tpu.memory_space<vmem>>
    %dma_start3A_165 = tpu.memref_squeeze %dma_start3A_164 : memref<1x128x16xf32, #tpu.memory_space<vmem>> -> memref<128x16xf32, #tpu.memory_space<vmem>>
    %dma_start3A_166 = arith.constant 0 : i32
    %dma_start3A_167 = tpu.memref_slice %arg10[%dma_start3A_160, %dma_start3A_166] : memref<80x128xi32, #tpu.memory_space<vmem>> -> memref<1x128xi32, #tpu.memory_space<vmem>>
    %dma_start3A_168 = tpu.memref_squeeze %dma_start3A_167 : memref<1x128xi32, #tpu.memory_space<vmem>> -> memref<128xi32, #tpu.memory_space<vmem>>
    %dma_start3A_169 = arith.constant 0 : i32
    %dma_start3A_170 = arith.constant 0 : i32
    %dma_start3A_171 = tpu.memref_slice %arg7[%dma_start3A_169, %dma_start3A_170] : memref<10240x16xf32, #tpu.memory_space<vmem_shared>> -> memref<10240x16xf32, #tpu.memory_space<vmem_shared>>
    %dma_start3A_172 = tpu.memref_slice %arg12[%dma_start3A_161] : memref<4x!tpu.dma_semaphore, #tpu.memory_space<semaphore_mem>> -> memref<1x!tpu.dma_semaphore, #tpu.memory_space<semaphore_mem>>
    %dma_start3A_173 = tpu.memref_squeeze %dma_start3A_172 : memref<1x!tpu.dma_semaphore, #tpu.memory_space<semaphore_mem>> -> memref<!tpu.dma_semaphore, #tpu.memory_space<semaphore_mem>>
    tpu.enqueue_indirect_dma source(%dma_start3A_165 : memref<128x16xf32, #tpu.memory_space<vmem>>) target(%dma_start3A_171 : memref<10240x16xf32, #tpu.memory_space<vmem_shared>>) offsets(%dma_start3A_168 : memref<128xi32, #tpu.memory_space<vmem>>) semaphore(%dma_start3A_173 : memref<!tpu.dma_semaphore, #tpu.memory_space<semaphore_mem>>) {add = true}
    %dma_wait3A_174 = arith.constant 0 : i32
    %dma_wait3A_175 = arith.constant 3 : i32
    %dma_wait3A_176 = arith.constant 3 : i32
    %dma_wait3A_177 = arith.constant 0 : i32
    %dma_wait3A_178 = arith.constant 0 : i32
    %dma_wait3A_179 = tpu.memref_slice %arg8[%dma_wait3A_175, %dma_wait3A_177, %dma_wait3A_178] : memref<4x128x16xf32, #tpu.memory_space<vmem>> -> memref<1x128x16xf32, #tpu.memory_space<vmem>>
    %dma_wait3A_180 = tpu.memref_squeeze %dma_wait3A_179 : memref<1x128x16xf32, #tpu.memory_space<vmem>> -> memref<128x16xf32, #tpu.memory_space<vmem>>
    %dma_wait3A_181 = arith.constant 0 : i32
    %dma_wait3A_182 = tpu.memref_slice %arg9[%dma_wait3A_174, %dma_wait3A_181] : memref<80x128xi32, #tpu.memory_space<vmem>> -> memref<1x128xi32, #tpu.memory_space<vmem>>
    %dma_wait3A_183 = tpu.memref_squeeze %dma_wait3A_182 : memref<1x128xi32, #tpu.memory_space<vmem>> -> memref<128xi32, #tpu.memory_space<vmem>>
    %dma_wait3A_184 = arith.constant 0 : i32
    %dma_wait3A_185 = arith.constant 0 : i32
    %dma_wait3A_186 = tpu.memref_slice %arg6[%dma_wait3A_184, %dma_wait3A_185] : memref<10240x16xf32, #tpu.memory_space<vmem_shared>> -> memref<10240x16xf32, #tpu.memory_space<vmem_shared>>
    %dma_wait3A_187 = tpu.memref_slice %arg11[%dma_wait3A_176] : memref<4x!tpu.dma_semaphore, #tpu.memory_space<semaphore_mem>> -> memref<1x!tpu.dma_semaphore, #tpu.memory_space<semaphore_mem>>
    %dma_wait3A_188 = tpu.memref_squeeze %dma_wait3A_187 : memref<1x!tpu.dma_semaphore, #tpu.memory_space<semaphore_mem>> -> memref<!tpu.dma_semaphore, #tpu.memory_space<semaphore_mem>>
    tpu.wait_indirect_dma semaphore(%dma_wait3A_188 : memref<!tpu.dma_semaphore, #tpu.memory_space<semaphore_mem>>) src(%dma_wait3A_186 : memref<10240x16xf32, #tpu.memory_space<vmem_shared>>) dst(%dma_wait3A_180 : memref<128x16xf32, #tpu.memory_space<vmem>>)
    %dma_start3A_189 = arith.constant 3 : i32
    %dma_start3A_190 = arith.constant 79 : i32
    %dma_start3A_191 = arith.constant 3 : i32
    %dma_start3A_192 = arith.constant 0 : i32
    %dma_start3A_193 = arith.constant 0 : i32
    %dma_start3A_194 = tpu.memref_slice %arg8[%dma_start3A_189, %dma_start3A_192, %dma_start3A_193] : memref<4x128x16xf32, #tpu.memory_space<vmem>> -> memref<1x128x16xf32, #tpu.memory_space<vmem>>
    %dma_start3A_195 = tpu.memref_squeeze %dma_start3A_194 : memref<1x128x16xf32, #tpu.memory_space<vmem>> -> memref<128x16xf32, #tpu.memory_space<vmem>>
    %dma_start3A_196 = arith.constant 0 : i32
    %dma_start3A_197 = tpu.memref_slice %arg10[%dma_start3A_190, %dma_start3A_196] : memref<80x128xi32, #tpu.memory_space<vmem>> -> memref<1x128xi32, #tpu.memory_space<vmem>>
    %dma_start3A_198 = tpu.memref_squeeze %dma_start3A_197 : memref<1x128xi32, #tpu.memory_space<vmem>> -> memref<128xi32, #tpu.memory_space<vmem>>
    %dma_start3A_199 = arith.constant 0 : i32
    %dma_start3A_200 = arith.constant 0 : i32
    %dma_start3A_201 = tpu.memref_slice %arg7[%dma_start3A_199, %dma_start3A_200] : memref<10240x16xf32, #tpu.memory_space<vmem_shared>> -> memref<10240x16xf32, #tpu.memory_space<vmem_shared>>
    %dma_start3A_202 = tpu.memref_slice %arg12[%dma_start3A_191] : memref<4x!tpu.dma_semaphore, #tpu.memory_space<semaphore_mem>> -> memref<1x!tpu.dma_semaphore, #tpu.memory_space<semaphore_mem>>
    %dma_start3A_203 = tpu.memref_squeeze %dma_start3A_202 : memref<1x!tpu.dma_semaphore, #tpu.memory_space<semaphore_mem>> -> memref<!tpu.dma_semaphore, #tpu.memory_space<semaphore_mem>>
    tpu.enqueue_indirect_dma source(%dma_start3A_195 : memref<128x16xf32, #tpu.memory_space<vmem>>) target(%dma_start3A_201 : memref<10240x16xf32, #tpu.memory_space<vmem_shared>>) offsets(%dma_start3A_198 : memref<128xi32, #tpu.memory_space<vmem>>) semaphore(%dma_start3A_203 : memref<!tpu.dma_semaphore, #tpu.memory_space<semaphore_mem>>) {add = true}
    %dma_wait3A_204 = arith.constant 0 : i32
    %dma_wait3A_205 = arith.constant 0 : i32
    %dma_wait3A_206 = arith.constant 0 : i32
    %dma_wait3A_207 = arith.constant 0 : i32
    %dma_wait3A_208 = arith.constant 0 : i32
    %dma_wait3A_209 = tpu.memref_slice %arg8[%dma_wait3A_204, %dma_wait3A_207, %dma_wait3A_208] : memref<4x128x16xf32, #tpu.memory_space<vmem>> -> memref<1x128x16xf32, #tpu.memory_space<vmem>>
    %dma_wait3A_210 = tpu.memref_squeeze %dma_wait3A_209 : memref<1x128x16xf32, #tpu.memory_space<vmem>> -> memref<128x16xf32, #tpu.memory_space<vmem>>
    %dma_wait3A_211 = arith.constant 0 : i32
    %dma_wait3A_212 = tpu.memref_slice %arg10[%dma_wait3A_205, %dma_wait3A_211] : memref<80x128xi32, #tpu.memory_space<vmem>> -> memref<1x128xi32, #tpu.memory_space<vmem>>
    %dma_wait3A_213 = tpu.memref_squeeze %dma_wait3A_212 : memref<1x128xi32, #tpu.memory_space<vmem>> -> memref<128xi32, #tpu.memory_space<vmem>>
    %dma_wait3A_214 = arith.constant 0 : i32
    %dma_wait3A_215 = arith.constant 0 : i32
    %dma_wait3A_216 = tpu.memref_slice %arg7[%dma_wait3A_214, %dma_wait3A_215] : memref<10240x16xf32, #tpu.memory_space<vmem_shared>> -> memref<10240x16xf32, #tpu.memory_space<vmem_shared>>
    %dma_wait3A_217 = tpu.memref_slice %arg12[%dma_wait3A_206] : memref<4x!tpu.dma_semaphore, #tpu.memory_space<semaphore_mem>> -> memref<1x!tpu.dma_semaphore, #tpu.memory_space<semaphore_mem>>
    %dma_wait3A_218 = tpu.memref_squeeze %dma_wait3A_217 : memref<1x!tpu.dma_semaphore, #tpu.memory_space<semaphore_mem>> -> memref<!tpu.dma_semaphore, #tpu.memory_space<semaphore_mem>>
    tpu.wait_indirect_dma semaphore(%dma_wait3A_218 : memref<!tpu.dma_semaphore, #tpu.memory_space<semaphore_mem>>) src(%dma_wait3A_210 : memref<128x16xf32, #tpu.memory_space<vmem>>) dst(%dma_wait3A_216 : memref<10240x16xf32, #tpu.memory_space<vmem_shared>>)
    %dma_wait3A_219 = arith.constant 1 : i32
    %dma_wait3A_220 = arith.constant 0 : i32
    %dma_wait3A_221 = arith.constant 1 : i32
    %dma_wait3A_222 = arith.constant 0 : i32
    %dma_wait3A_223 = arith.constant 0 : i32
    %dma_wait3A_224 = tpu.memref_slice %arg8[%dma_wait3A_219, %dma_wait3A_222, %dma_wait3A_223] : memref<4x128x16xf32, #tpu.memory_space<vmem>> -> memref<1x128x16xf32, #tpu.memory_space<vmem>>
    %dma_wait3A_225 = tpu.memref_squeeze %dma_wait3A_224 : memref<1x128x16xf32, #tpu.memory_space<vmem>> -> memref<128x16xf32, #tpu.memory_space<vmem>>
    %dma_wait3A_226 = arith.constant 0 : i32
    %dma_wait3A_227 = tpu.memref_slice %arg10[%dma_wait3A_220, %dma_wait3A_226] : memref<80x128xi32, #tpu.memory_space<vmem>> -> memref<1x128xi32, #tpu.memory_space<vmem>>
    %dma_wait3A_228 = tpu.memref_squeeze %dma_wait3A_227 : memref<1x128xi32, #tpu.memory_space<vmem>> -> memref<128xi32, #tpu.memory_space<vmem>>
    %dma_wait3A_229 = arith.constant 0 : i32
    %dma_wait3A_230 = arith.constant 0 : i32
    %dma_wait3A_231 = tpu.memref_slice %arg7[%dma_wait3A_229, %dma_wait3A_230] : memref<10240x16xf32, #tpu.memory_space<vmem_shared>> -> memref<10240x16xf32, #tpu.memory_space<vmem_shared>>
    %dma_wait3A_232 = tpu.memref_slice %arg12[%dma_wait3A_221] : memref<4x!tpu.dma_semaphore, #tpu.memory_space<semaphore_mem>> -> memref<1x!tpu.dma_semaphore, #tpu.memory_space<semaphore_mem>>
    %dma_wait3A_233 = tpu.memref_squeeze %dma_wait3A_232 : memref<1x!tpu.dma_semaphore, #tpu.memory_space<semaphore_mem>> -> memref<!tpu.dma_semaphore, #tpu.memory_space<semaphore_mem>>
    tpu.wait_indirect_dma semaphore(%dma_wait3A_233 : memref<!tpu.dma_semaphore, #tpu.memory_space<semaphore_mem>>) src(%dma_wait3A_225 : memref<128x16xf32, #tpu.memory_space<vmem>>) dst(%dma_wait3A_231 : memref<10240x16xf32, #tpu.memory_space<vmem_shared>>)
    %dma_wait3A_234 = arith.constant 2 : i32
    %dma_wait3A_235 = arith.constant 0 : i32
    %dma_wait3A_236 = arith.constant 2 : i32
    %dma_wait3A_237 = arith.constant 0 : i32
    %dma_wait3A_238 = arith.constant 0 : i32
    %dma_wait3A_239 = tpu.memref_slice %arg8[%dma_wait3A_234, %dma_wait3A_237, %dma_wait3A_238] : memref<4x128x16xf32, #tpu.memory_space<vmem>> -> memref<1x128x16xf32, #tpu.memory_space<vmem>>
    %dma_wait3A_240 = tpu.memref_squeeze %dma_wait3A_239 : memref<1x128x16xf32, #tpu.memory_space<vmem>> -> memref<128x16xf32, #tpu.memory_space<vmem>>
    %dma_wait3A_241 = arith.constant 0 : i32
    %dma_wait3A_242 = tpu.memref_slice %arg10[%dma_wait3A_235, %dma_wait3A_241] : memref<80x128xi32, #tpu.memory_space<vmem>> -> memref<1x128xi32, #tpu.memory_space<vmem>>
    %dma_wait3A_243 = tpu.memref_squeeze %dma_wait3A_242 : memref<1x128xi32, #tpu.memory_space<vmem>> -> memref<128xi32, #tpu.memory_space<vmem>>
    %dma_wait3A_244 = arith.constant 0 : i32
    %dma_wait3A_245 = arith.constant 0 : i32
    %dma_wait3A_246 = tpu.memref_slice %arg7[%dma_wait3A_244, %dma_wait3A_245] : memref<10240x16xf32, #tpu.memory_space<vmem_shared>> -> memref<10240x16xf32, #tpu.memory_space<vmem_shared>>
    %dma_wait3A_247 = tpu.memref_slice %arg12[%dma_wait3A_236] : memref<4x!tpu.dma_semaphore, #tpu.memory_space<semaphore_mem>> -> memref<1x!tpu.dma_semaphore, #tpu.memory_space<semaphore_mem>>
    %dma_wait3A_248 = tpu.memref_squeeze %dma_wait3A_247 : memref<1x!tpu.dma_semaphore, #tpu.memory_space<semaphore_mem>> -> memref<!tpu.dma_semaphore, #tpu.memory_space<semaphore_mem>>
    tpu.wait_indirect_dma semaphore(%dma_wait3A_248 : memref<!tpu.dma_semaphore, #tpu.memory_space<semaphore_mem>>) src(%dma_wait3A_240 : memref<128x16xf32, #tpu.memory_space<vmem>>) dst(%dma_wait3A_246 : memref<10240x16xf32, #tpu.memory_space<vmem_shared>>)
    %dma_wait3A_249 = arith.constant 3 : i32
    %dma_wait3A_250 = arith.constant 0 : i32
    %dma_wait3A_251 = arith.constant 3 : i32
    %dma_wait3A_252 = arith.constant 0 : i32
    %dma_wait3A_253 = arith.constant 0 : i32
    %dma_wait3A_254 = tpu.memref_slice %arg8[%dma_wait3A_249, %dma_wait3A_252, %dma_wait3A_253] : memref<4x128x16xf32, #tpu.memory_space<vmem>> -> memref<1x128x16xf32, #tpu.memory_space<vmem>>
    %dma_wait3A_255 = tpu.memref_squeeze %dma_wait3A_254 : memref<1x128x16xf32, #tpu.memory_space<vmem>> -> memref<128x16xf32, #tpu.memory_space<vmem>>
    %dma_wait3A_256 = arith.constant 0 : i32
    %dma_wait3A_257 = tpu.memref_slice %arg10[%dma_wait3A_250, %dma_wait3A_256] : memref<80x128xi32, #tpu.memory_space<vmem>> -> memref<1x128xi32, #tpu.memory_space<vmem>>
    %dma_wait3A_258 = tpu.memref_squeeze %dma_wait3A_257 : memref<1x128xi32, #tpu.memory_space<vmem>> -> memref<128xi32, #tpu.memory_space<vmem>>
    %dma_wait3A_259 = arith.constant 0 : i32
    %dma_wait3A_260 = arith.constant 0 : i32
    %dma_wait3A_261 = tpu.memref_slice %arg7[%dma_wait3A_259, %dma_wait3A_260] : memref<10240x16xf32, #tpu.memory_space<vmem_shared>> -> memref<10240x16xf32, #tpu.memory_space<vmem_shared>>
    %dma_wait3A_262 = tpu.memref_slice %arg12[%dma_wait3A_251] : memref<4x!tpu.dma_semaphore, #tpu.memory_space<semaphore_mem>> -> memref<1x!tpu.dma_semaphore, #tpu.memory_space<semaphore_mem>>
    %dma_wait3A_263 = tpu.memref_squeeze %dma_wait3A_262 : memref<1x!tpu.dma_semaphore, #tpu.memory_space<semaphore_mem>> -> memref<!tpu.dma_semaphore, #tpu.memory_space<semaphore_mem>>
    tpu.wait_indirect_dma semaphore(%dma_wait3A_263 : memref<!tpu.dma_semaphore, #tpu.memory_space<semaphore_mem>>) src(%dma_wait3A_255 : memref<128x16xf32, #tpu.memory_space<vmem>>) dst(%dma_wait3A_261 : memref<10240x16xf32, #tpu.memory_space<vmem_shared>>)
    %barrier3A_264 = arith.constant 0 : index
    tpu.barrier barrier_id(%barrier3A_264)
    %mul3A_265 = arith.constant 640 : i32
    %mul3A_266 = arith.muli %arg1, %mul3A_265 : i32
    %mul3A_267 = arith.constant 640 : i32
    %mul3A_268 = arith.muli %arg1, %mul3A_267 : i32
    "tpu.region"() ({
      %run_scoped3A = tpu.sem_alloc : memref<!tpu.dma_semaphore, #tpu.memory_space<semaphore_mem>>
      %dma_start3A_269 = arith.constant 0 : i32
      %dma_start3A_270 = tpu.memref_slice %arg5[%arg0, %mul3A_268, %dma_start3A_269] : memref<2x10240x16xf32, #tpu.memory_space<hbm>> -> memref<1x640x16xf32, #tpu.memory_space<hbm>>
      %dma_start3A_271 = tpu.memref_squeeze %dma_start3A_270 : memref<1x640x16xf32, #tpu.memory_space<hbm>> -> memref<640x16xf32, #tpu.memory_space<hbm>>
      %dma_start3A_272 = arith.constant 0 : i32
      %dma_start3A_273 = tpu.memref_slice %arg7[%mul3A_266, %dma_start3A_272] : memref<10240x16xf32, #tpu.memory_space<vmem_shared>> -> memref<640x16xf32, #tpu.memory_space<vmem_shared>>
      tpu.enqueue_dma source(%dma_start3A_273 : memref<640x16xf32, #tpu.memory_space<vmem_shared>>) target(%dma_start3A_271 : memref<640x16xf32, #tpu.memory_space<hbm>>) target_semaphore(%run_scoped3A : memref<!tpu.dma_semaphore, #tpu.memory_space<semaphore_mem>>)
      %dma_wait3A_274 = arith.constant 0 : i32
      %dma_wait3A_275 = tpu.memref_slice %arg5[%arg0, %mul3A_268, %dma_wait3A_274] : memref<2x10240x16xf32, #tpu.memory_space<hbm>> -> memref<1x640x16xf32, #tpu.memory_space<hbm>>
      %dma_wait3A_276 = tpu.memref_squeeze %dma_wait3A_275 : memref<1x640x16xf32, #tpu.memory_space<hbm>> -> memref<640x16xf32, #tpu.memory_space<hbm>>
      %dma_wait3A_277 = arith.constant 0 : i32
      %dma_wait3A_278 = tpu.memref_slice %arg7[%mul3A_266, %dma_wait3A_277] : memref<10240x16xf32, #tpu.memory_space<vmem_shared>> -> memref<640x16xf32, #tpu.memory_space<vmem_shared>>
      tpu.wait_dma2 semaphore(%run_scoped3A : memref<!tpu.dma_semaphore, #tpu.memory_space<semaphore_mem>>) src(%dma_wait3A_278 : memref<640x16xf32, #tpu.memory_space<vmem_shared>>) dst(%dma_wait3A_276 : memref<640x16xf32, #tpu.memory_space<hbm>>)
      tpu.yield
    }) : () -> ()
    return
  }
}

module attributes {stable_mosaic.version = 14 : i64} {
  func.func @_tc1_body(%arg0: i32, %arg1: memref<2x1280x16xf32, #tpu.memory_space<vmem>>, %arg2: memref<1280x128xf32, #tpu.memory_space<vmem>>, %arg3: memref<128x32xf32, #tpu.memory_space<vmem>>, %arg4: memref<1280x1xf32, #tpu.memory_space<vmem>>, %arg5: memref<1280x32xf32, #tpu.memory_space<vmem>>) attributes {dimension_semantics = [#tpu.dimension_semantics<arbitrary>], iteration_bounds = array<i64: 8>, scalar_prefetch = 0 : i64, scratch_operands = 0 : i64, tpu.core_type = #tpu.core_type<tc>, window_params = [{transform_indices = @transform_0, window_bounds = array<i64: 2, 1280, 16>}, {transform_indices = @transform_1, window_bounds = array<i64: 1280, 128>}, {pipeline_mode = #tpu.pipeline_mode<synchronous>, transform_indices = @transform_2, window_bounds = array<i64: 128, 32>}, {transform_indices = @transform_3, window_bounds = array<i64: 1280, 1>}, {transform_indices = @transform_4, window_bounds = array<i64: 1280, 32>}]} {
    %get3A = arith.constant 0 : index
    %get3A_0 = arith.constant 0 : index
    %get3A_1 = arith.constant 0 : index
    %get3A_2 = vector.load %arg1[%get3A, %get3A_0, %get3A_1] : memref<2x1280x16xf32, #tpu.memory_space<vmem>>, vector<1x1280x1xf32>
    %get3A_3 = vector.shape_cast %get3A_2 : vector<1x1280x1xf32> to vector<1280x1xf32>
    %get3A_4 = arith.constant 1 : index
    %get3A_5 = arith.constant 0 : index
    %get3A_6 = arith.constant 0 : index
    %get3A_7 = vector.load %arg1[%get3A_4, %get3A_5, %get3A_6] : memref<2x1280x16xf32, #tpu.memory_space<vmem>>, vector<1x1280x1xf32>
    %get3A_8 = vector.shape_cast %get3A_7 : vector<1x1280x1xf32> to vector<1280x1xf32>
    %add3A = arith.addf %get3A_3, %get3A_8 : vector<1280x1xf32>
    %add3A_9 = arith.constant 1.000000e+00 : f32
    %add3A_10 = vector.broadcast %add3A_9 : f32 to vector<1280x1xf32>
    %add3A_11 = arith.addf %add3A, %add3A_10 : vector<1280x1xf32>
    %rsqrt3A = math.rsqrt %add3A_11 : vector<1280x1xf32>
    %swap3A = arith.constant 0 : index
    %swap3A_12 = arith.constant 0 : index
    %swap3A_13 = vector.load %arg4[%swap3A, %swap3A_12] : memref<1280x1xf32, #tpu.memory_space<vmem>>, vector<1280x1xf32>
    tpu.vector_store %arg4[%swap3A, %swap3A_12], %rsqrt3A {strides = array<i32>} : memref<1280x1xf32, #tpu.memory_space<vmem>>, vector<1280x1xf32>,
    %get3A_14 = arith.constant 0 : index
    %get3A_15 = arith.constant 0 : index
    %get3A_16 = vector.load %arg2[%get3A_14, %get3A_15] : memref<1280x128xf32, #tpu.memory_space<vmem>>, vector<1280x128xf32>
    %get3A_17 = arith.constant 0 : index
    %get3A_18 = arith.constant 0 : index
    %get3A_19 = vector.load %arg3[%get3A_17, %get3A_18] : memref<128x32xf32, #tpu.memory_space<vmem>>, vector<128x32xf32>
    %dot_general3A = arith.constant dense<0.000000e+00> : vector<1280x32xf32>
    %dot_general3A_20 = tpu.matmul %get3A_16, %get3A_19, %dot_general3A {dimension_numbers = #tpu.dot_dimension_numbers<[1], [0], [0], [1], [0, 0, 1, 1], [], []>, transpose_lhs_hint = false} : vector<1280x128xf32>, vector<128x32xf32>, vector<1280x32xf32> -> vector<1280x32xf32>
    %mul3A = vector.broadcast %rsqrt3A : vector<1280x1xf32> to vector<1280x32xf32>
    %mul3A_21 = arith.mulf %mul3A, %dot_general3A_20 : vector<1280x32xf32>
    %swap3A_22 = arith.constant 0 : index
    %swap3A_23 = arith.constant 0 : index
    %swap3A_24 = vector.load %arg5[%swap3A_22, %swap3A_23] : memref<1280x32xf32, #tpu.memory_space<vmem>>, vector<1280x32xf32>
    tpu.vector_store %arg5[%swap3A_22, %swap3A_23], %mul3A_21 {strides = array<i32>} : memref<1280x32xf32, #tpu.memory_space<vmem>>, vector<1280x32xf32>,
    return
  }
  func.func @transform_0(%arg0: i32) -> (i32, i32, i32) {
    %c0_i32 = arith.constant 0 : i32
    %c0_i32_0 = arith.constant 0 : i32
    %c0_i32_1 = arith.constant 0 : i32
    return %c0_i32, %arg0, %c0_i32_0 : i32, i32, i32
  }
  func.func @transform_1(%arg0: i32) -> (i32, i32) {
    %c0_i32 = arith.constant 0 : i32
    %c0_i32_0 = arith.constant 0 : i32
    return %arg0, %c0_i32 : i32, i32
  }
  func.func @transform_2(%arg0: i32) -> (i32, i32) {
    %c0_i32 = arith.constant 0 : i32
    %c0_i32_0 = arith.constant 0 : i32
    %c0_i32_1 = arith.constant 0 : i32
    return %c0_i32, %c0_i32_0 : i32, i32
  }
  func.func @transform_3(%arg0: i32) -> (i32, i32) {
    %c0_i32 = arith.constant 0 : i32
    %c0_i32_0 = arith.constant 0 : i32
    return %arg0, %c0_i32 : i32, i32
  }
  func.func @transform_4(%arg0: i32) -> (i32, i32) {
    %c0_i32 = arith.constant 0 : i32
    %c0_i32_0 = arith.constant 0 : i32
    return %arg0, %c0_i32 : i32, i32
  }
}

module attributes {stable_mosaic.version = 14 : i64} {
  func.func @_tc_mid_body(%arg0: i32, %arg1: memref<2x1280x32xf32, #tpu.memory_space<vmem>>, %arg2: memref<1280x32xf32, #tpu.memory_space<vmem>>, %arg3: memref<1280x1xf32, #tpu.memory_space<vmem>>, %arg4: memref<32x32xf32, #tpu.memory_space<vmem>>, %arg5: memref<1x32xf32, #tpu.memory_space<vmem>>, %arg6: memref<1280x32xf32, #tpu.memory_space<vmem>>) attributes {dimension_semantics = [#tpu.dimension_semantics<arbitrary>], iteration_bounds = array<i64: 8>, scalar_prefetch = 0 : i64, scratch_operands = 0 : i64, tpu.core_type = #tpu.core_type<tc>, window_params = [{transform_indices = @transform_0, window_bounds = array<i64: 2, 1280, 32>}, {transform_indices = @transform_1, window_bounds = array<i64: 1280, 32>}, {transform_indices = @transform_2, window_bounds = array<i64: 1280, 1>}, {pipeline_mode = #tpu.pipeline_mode<synchronous>, transform_indices = @transform_3, window_bounds = array<i64: 32, 32>}, {pipeline_mode = #tpu.pipeline_mode<synchronous>, transform_indices = @transform_4, window_bounds = array<i64: 1, 32>}, {transform_indices = @transform_5, window_bounds = array<i64: 1280, 32>}]} {
    %get3A = arith.constant 0 : index
    %get3A_0 = arith.constant 0 : index
    %get3A_1 = vector.load %arg3[%get3A, %get3A_0] : memref<1280x1xf32, #tpu.memory_space<vmem>>, vector<1280x1xf32>
    %get3A_2 = arith.constant 0 : index
    %get3A_3 = arith.constant 0 : index
    %get3A_4 = arith.constant 0 : index
    %get3A_5 = vector.load %arg1[%get3A_2, %get3A_3, %get3A_4] : memref<2x1280x32xf32, #tpu.memory_space<vmem>>, vector<1x1280x32xf32>
    %get3A_6 = vector.shape_cast %get3A_5 : vector<1x1280x32xf32> to vector<1280x32xf32>
    %get3A_7 = arith.constant 1 : index
    %get3A_8 = arith.constant 0 : index
    %get3A_9 = arith.constant 0 : index
    %get3A_10 = vector.load %arg1[%get3A_7, %get3A_8, %get3A_9] : memref<2x1280x32xf32, #tpu.memory_space<vmem>>, vector<1x1280x32xf32>
    %get3A_11 = vector.shape_cast %get3A_10 : vector<1x1280x32xf32> to vector<1280x32xf32>
    %add3A = arith.addf %get3A_6, %get3A_11 : vector<1280x32xf32>
    %get3A_12 = arith.constant 0 : index
    %get3A_13 = arith.constant 0 : index
    %get3A_14 = vector.load %arg2[%get3A_12, %get3A_13] : memref<1280x32xf32, #tpu.memory_space<vmem>>, vector<1280x32xf32>
    %add3A_15 = arith.addf %add3A, %get3A_14 : vector<1280x32xf32>
    %mul3A = vector.broadcast %get3A_1 : vector<1280x1xf32> to vector<1280x32xf32>
    %mul3A_16 = arith.mulf %mul3A, %add3A_15 : vector<1280x32xf32>
    %get3A_17 = arith.constant 0 : index
    %get3A_18 = arith.constant 0 : index
    %get3A_19 = vector.load %arg5[%get3A_17, %get3A_18] : memref<1x32xf32, #tpu.memory_space<vmem>>, vector<1x32xf32>
    %add3A_20 = vector.broadcast %get3A_19 : vector<1x32xf32> to vector<1280x32xf32>
    %add3A_21 = arith.addf %mul3A_16, %add3A_20 : vector<1280x32xf32>
    %integer_pow3A = arith.mulf %add3A_21, %add3A_21 : vector<1280x32xf32>
    %integer_pow3A_22 = arith.mulf %add3A_21, %integer_pow3A : vector<1280x32xf32>
    %mul3A_23 = arith.constant 4.471500e-02 : f32
    %mul3A_24 = vector.broadcast %mul3A_23 : f32 to vector<1280x32xf32>
    %mul3A_25 = arith.mulf %mul3A_24, %integer_pow3A_22 : vector<1280x32xf32>
    %add3A_26 = arith.addf %add3A_21, %mul3A_25 : vector<1280x32xf32>
    %mul3A_27 = arith.constant 0.797884583 : f32
    %mul3A_28 = vector.broadcast %mul3A_27 : f32 to vector<1280x32xf32>
    %mul3A_29 = arith.mulf %mul3A_28, %add3A_26 : vector<1280x32xf32>
    %tanh3A = math.tanh %mul3A_29 : vector<1280x32xf32>
    %add3A_30 = arith.constant 1.000000e+00 : f32
    %add3A_31 = vector.broadcast %add3A_30 : f32 to vector<1280x32xf32>
    %add3A_32 = arith.addf %add3A_31, %tanh3A : vector<1280x32xf32>
    %mul3A_33 = arith.constant 5.000000e-01 : f32
    %mul3A_34 = vector.broadcast %mul3A_33 : f32 to vector<1280x32xf32>
    %mul3A_35 = arith.mulf %mul3A_34, %add3A_32 : vector<1280x32xf32>
    %mul3A_36 = arith.mulf %add3A_21, %mul3A_35 : vector<1280x32xf32>
    %get3A_37 = arith.constant 0 : index
    %get3A_38 = arith.constant 0 : index
    %get3A_39 = vector.load %arg4[%get3A_37, %get3A_38] : memref<32x32xf32, #tpu.memory_space<vmem>>, vector<32x32xf32>
    %dot_general3A = arith.constant dense<0.000000e+00> : vector<1280x32xf32>
    %dot_general3A_40 = tpu.matmul %mul3A_36, %get3A_39, %dot_general3A {dimension_numbers = #tpu.dot_dimension_numbers<[1], [0], [0], [1], [0, 0, 1, 1], [], []>, transpose_lhs_hint = false} : vector<1280x32xf32>, vector<32x32xf32>, vector<1280x32xf32> -> vector<1280x32xf32>
    %get3A_41 = arith.constant 0 : index
    %get3A_42 = arith.constant 0 : index
    %get3A_43 = vector.load %arg3[%get3A_41, %get3A_42] : memref<1280x1xf32, #tpu.memory_space<vmem>>, vector<1280x1xf32>
    %mul3A_44 = vector.broadcast %get3A_43 : vector<1280x1xf32> to vector<1280x32xf32>
    %mul3A_45 = arith.mulf %mul3A_44, %dot_general3A_40 : vector<1280x32xf32>
    %swap3A = arith.constant 0 : index
    %swap3A_46 = arith.constant 0 : index
    %swap3A_47 = vector.load %arg6[%swap3A, %swap3A_46] : memref<1280x32xf32, #tpu.memory_space<vmem>>, vector<1280x32xf32>
    tpu.vector_store %arg6[%swap3A, %swap3A_46], %mul3A_45 {strides = array<i32>} : memref<1280x32xf32, #tpu.memory_space<vmem>>, vector<1280x32xf32>,
    return
  }
  func.func @transform_0(%arg0: i32) -> (i32, i32, i32) {
    %c0_i32 = arith.constant 0 : i32
    %c0_i32_0 = arith.constant 0 : i32
    %c0_i32_1 = arith.constant 0 : i32
    return %c0_i32, %arg0, %c0_i32_0 : i32, i32, i32
  }
  func.func @transform_1(%arg0: i32) -> (i32, i32) {
    %c0_i32 = arith.constant 0 : i32
    %c0_i32_0 = arith.constant 0 : i32
    return %arg0, %c0_i32 : i32, i32
  }
  func.func @transform_2(%arg0: i32) -> (i32, i32) {
    %c0_i32 = arith.constant 0 : i32
    %c0_i32_0 = arith.constant 0 : i32
    return %arg0, %c0_i32 : i32, i32
  }
  func.func @transform_3(%arg0: i32) -> (i32, i32) {
    %c0_i32 = arith.constant 0 : i32
    %c0_i32_0 = arith.constant 0 : i32
    %c0_i32_1 = arith.constant 0 : i32
    return %c0_i32, %c0_i32_0 : i32, i32
  }
  func.func @transform_4(%arg0: i32) -> (i32, i32) {
    %c0_i32 = arith.constant 0 : i32
    %c0_i32_0 = arith.constant 0 : i32
    %c0_i32_1 = arith.constant 0 : i32
    return %c0_i32, %c0_i32_0 : i32, i32
  }
  func.func @transform_5(%arg0: i32) -> (i32, i32) {
    %c0_i32 = arith.constant 0 : i32
    %c0_i32_0 = arith.constant 0 : i32
    return %arg0, %c0_i32 : i32, i32
  }
}

module attributes {stable_mosaic.version = 14 : i64} {
  func.func @_tc_mid_body(%arg0: i32, %arg1: memref<2x1280x32xf32, #tpu.memory_space<vmem>>, %arg2: memref<1280x32xf32, #tpu.memory_space<vmem>>, %arg3: memref<1280x1xf32, #tpu.memory_space<vmem>>, %arg4: memref<32x16xf32, #tpu.memory_space<vmem>>, %arg5: memref<1x32xf32, #tpu.memory_space<vmem>>, %arg6: memref<1280x16xf32, #tpu.memory_space<vmem>>) attributes {dimension_semantics = [#tpu.dimension_semantics<arbitrary>], iteration_bounds = array<i64: 8>, scalar_prefetch = 0 : i64, scratch_operands = 0 : i64, tpu.core_type = #tpu.core_type<tc>, window_params = [{transform_indices = @transform_0, window_bounds = array<i64: 2, 1280, 32>}, {transform_indices = @transform_1, window_bounds = array<i64: 1280, 32>}, {transform_indices = @transform_2, window_bounds = array<i64: 1280, 1>}, {pipeline_mode = #tpu.pipeline_mode<synchronous>, transform_indices = @transform_3, window_bounds = array<i64: 32, 16>}, {pipeline_mode = #tpu.pipeline_mode<synchronous>, transform_indices = @transform_4, window_bounds = array<i64: 1, 32>}, {transform_indices = @transform_5, window_bounds = array<i64: 1280, 16>}]} {
    %get3A = arith.constant 0 : index
    %get3A_0 = arith.constant 0 : index
    %get3A_1 = vector.load %arg3[%get3A, %get3A_0] : memref<1280x1xf32, #tpu.memory_space<vmem>>, vector<1280x1xf32>
    %get3A_2 = arith.constant 0 : index
    %get3A_3 = arith.constant 0 : index
    %get3A_4 = arith.constant 0 : index
    %get3A_5 = vector.load %arg1[%get3A_2, %get3A_3, %get3A_4] : memref<2x1280x32xf32, #tpu.memory_space<vmem>>, vector<1x1280x32xf32>
    %get3A_6 = vector.shape_cast %get3A_5 : vector<1x1280x32xf32> to vector<1280x32xf32>
    %get3A_7 = arith.constant 1 : index
    %get3A_8 = arith.constant 0 : index
    %get3A_9 = arith.constant 0 : index
    %get3A_10 = vector.load %arg1[%get3A_7, %get3A_8, %get3A_9] : memref<2x1280x32xf32, #tpu.memory_space<vmem>>, vector<1x1280x32xf32>
    %get3A_11 = vector.shape_cast %get3A_10 : vector<1x1280x32xf32> to vector<1280x32xf32>
    %add3A = arith.addf %get3A_6, %get3A_11 : vector<1280x32xf32>
    %get3A_12 = arith.constant 0 : index
    %get3A_13 = arith.constant 0 : index
    %get3A_14 = vector.load %arg2[%get3A_12, %get3A_13] : memref<1280x32xf32, #tpu.memory_space<vmem>>, vector<1280x32xf32>
    %add3A_15 = arith.addf %add3A, %get3A_14 : vector<1280x32xf32>
    %mul3A = vector.broadcast %get3A_1 : vector<1280x1xf32> to vector<1280x32xf32>
    %mul3A_16 = arith.mulf %mul3A, %add3A_15 : vector<1280x32xf32>
    %get3A_17 = arith.constant 0 : index
    %get3A_18 = arith.constant 0 : index
    %get3A_19 = vector.load %arg5[%get3A_17, %get3A_18] : memref<1x32xf32, #tpu.memory_space<vmem>>, vector<1x32xf32>
    %add3A_20 = vector.broadcast %get3A_19 : vector<1x32xf32> to vector<1280x32xf32>
    %add3A_21 = arith.addf %mul3A_16, %add3A_20 : vector<1280x32xf32>
    %max3A = arith.constant 0.000000e+00 : f32
    %max3A_22 = vector.broadcast %max3A : f32 to vector<1280x32xf32>
    %max3A_23 = arith.maximumf %add3A_21, %max3A_22 : vector<1280x32xf32>
    %get3A_24 = arith.constant 0 : index
    %get3A_25 = arith.constant 0 : index
    %get3A_26 = vector.load %arg4[%get3A_24, %get3A_25] : memref<32x16xf32, #tpu.memory_space<vmem>>, vector<32x16xf32>
    %dot_general3A = arith.constant dense<0.000000e+00> : vector<1280x16xf32>
    %dot_general3A_27 = tpu.matmul %max3A_23, %get3A_26, %dot_general3A {dimension_numbers = #tpu.dot_dimension_numbers<[1], [0], [0], [1], [0, 0, 1, 1], [], []>, transpose_lhs_hint = false} : vector<1280x32xf32>, vector<32x16xf32>, vector<1280x16xf32> -> vector<1280x16xf32>
    %get3A_28 = arith.constant 0 : index
    %get3A_29 = arith.constant 0 : index
    %get3A_30 = vector.load %arg3[%get3A_28, %get3A_29] : memref<1280x1xf32, #tpu.memory_space<vmem>>, vector<1280x1xf32>
    %mul3A_31 = vector.broadcast %get3A_30 : vector<1280x1xf32> to vector<1280x16xf32>
    %mul3A_32 = arith.mulf %mul3A_31, %dot_general3A_27 : vector<1280x16xf32>
    %swap3A = arith.constant 0 : index
    %swap3A_33 = arith.constant 0 : index
    %swap3A_34 = vector.load %arg6[%swap3A, %swap3A_33] : memref<1280x16xf32, #tpu.memory_space<vmem>>, vector<1280x16xf32>
    tpu.vector_store %arg6[%swap3A, %swap3A_33], %mul3A_32 {strides = array<i32>} : memref<1280x16xf32, #tpu.memory_space<vmem>>, vector<1280x16xf32>,
    return
  }
  func.func @transform_0(%arg0: i32) -> (i32, i32, i32) {
    %c0_i32 = arith.constant 0 : i32
    %c0_i32_0 = arith.constant 0 : i32
    %c0_i32_1 = arith.constant 0 : i32
    return %c0_i32, %arg0, %c0_i32_0 : i32, i32, i32
  }
  func.func @transform_1(%arg0: i32) -> (i32, i32) {
    %c0_i32 = arith.constant 0 : i32
    %c0_i32_0 = arith.constant 0 : i32
    return %arg0, %c0_i32 : i32, i32
  }
  func.func @transform_2(%arg0: i32) -> (i32, i32) {
    %c0_i32 = arith.constant 0 : i32
    %c0_i32_0 = arith.constant 0 : i32
    return %arg0, %c0_i32 : i32, i32
  }
  func.func @transform_3(%arg0: i32) -> (i32, i32) {
    %c0_i32 = arith.constant 0 : i32
    %c0_i32_0 = arith.constant 0 : i32
    %c0_i32_1 = arith.constant 0 : i32
    return %c0_i32, %c0_i32_0 : i32, i32
  }
  func.func @transform_4(%arg0: i32) -> (i32, i32) {
    %c0_i32 = arith.constant 0 : i32
    %c0_i32_0 = arith.constant 0 : i32
    %c0_i32_1 = arith.constant 0 : i32
    return %c0_i32, %c0_i32_0 : i32, i32
  }
  func.func @transform_5(%arg0: i32) -> (i32, i32) {
    %c0_i32 = arith.constant 0 : i32
    %c0_i32_0 = arith.constant 0 : i32
    return %arg0, %c0_i32 : i32, i32
  }
}

module attributes {stable_mosaic.version = 14 : i64} {
  func.func @_tc_mid_body(%arg0: i32, %arg1: memref<2x1280x16xf32, #tpu.memory_space<vmem>>, %arg2: memref<1280x16xf32, #tpu.memory_space<vmem>>, %arg3: memref<1280x1xf32, #tpu.memory_space<vmem>>, %arg4: memref<16x16xf32, #tpu.memory_space<vmem>>, %arg5: memref<1x16xf32, #tpu.memory_space<vmem>>, %arg6: memref<1280x16xf32, #tpu.memory_space<vmem>>) attributes {dimension_semantics = [#tpu.dimension_semantics<arbitrary>], iteration_bounds = array<i64: 8>, scalar_prefetch = 0 : i64, scratch_operands = 0 : i64, tpu.core_type = #tpu.core_type<tc>, window_params = [{transform_indices = @transform_0, window_bounds = array<i64: 2, 1280, 16>}, {transform_indices = @transform_1, window_bounds = array<i64: 1280, 16>}, {transform_indices = @transform_2, window_bounds = array<i64: 1280, 1>}, {pipeline_mode = #tpu.pipeline_mode<synchronous>, transform_indices = @transform_3, window_bounds = array<i64: 16, 16>}, {pipeline_mode = #tpu.pipeline_mode<synchronous>, transform_indices = @transform_4, window_bounds = array<i64: 1, 16>}, {transform_indices = @transform_5, window_bounds = array<i64: 1280, 16>}]} {
    %get3A = arith.constant 0 : index
    %get3A_0 = arith.constant 0 : index
    %get3A_1 = vector.load %arg3[%get3A, %get3A_0] : memref<1280x1xf32, #tpu.memory_space<vmem>>, vector<1280x1xf32>
    %get3A_2 = arith.constant 0 : index
    %get3A_3 = arith.constant 0 : index
    %get3A_4 = arith.constant 0 : index
    %get3A_5 = vector.load %arg1[%get3A_2, %get3A_3, %get3A_4] : memref<2x1280x16xf32, #tpu.memory_space<vmem>>, vector<1x1280x16xf32>
    %get3A_6 = vector.shape_cast %get3A_5 : vector<1x1280x16xf32> to vector<1280x16xf32>
    %get3A_7 = arith.constant 1 : index
    %get3A_8 = arith.constant 0 : index
    %get3A_9 = arith.constant 0 : index
    %get3A_10 = vector.load %arg1[%get3A_7, %get3A_8, %get3A_9] : memref<2x1280x16xf32, #tpu.memory_space<vmem>>, vector<1x1280x16xf32>
    %get3A_11 = vector.shape_cast %get3A_10 : vector<1x1280x16xf32> to vector<1280x16xf32>
    %add3A = arith.addf %get3A_6, %get3A_11 : vector<1280x16xf32>
    %get3A_12 = arith.constant 0 : index
    %get3A_13 = arith.constant 0 : index
    %get3A_14 = vector.load %arg2[%get3A_12, %get3A_13] : memref<1280x16xf32, #tpu.memory_space<vmem>>, vector<1280x16xf32>
    %add3A_15 = arith.addf %add3A, %get3A_14 : vector<1280x16xf32>
    %mul3A = vector.broadcast %get3A_1 : vector<1280x1xf32> to vector<1280x16xf32>
    %mul3A_16 = arith.mulf %mul3A, %add3A_15 : vector<1280x16xf32>
    %get3A_17 = arith.constant 0 : index
    %get3A_18 = arith.constant 0 : index
    %get3A_19 = vector.load %arg5[%get3A_17, %get3A_18] : memref<1x16xf32, #tpu.memory_space<vmem>>, vector<1x16xf32>
    %add3A_20 = vector.broadcast %get3A_19 : vector<1x16xf32> to vector<1280x16xf32>
    %add3A_21 = arith.addf %mul3A_16, %add3A_20 : vector<1280x16xf32>
    %integer_pow3A = arith.mulf %add3A_21, %add3A_21 : vector<1280x16xf32>
    %integer_pow3A_22 = arith.mulf %add3A_21, %integer_pow3A : vector<1280x16xf32>
    %mul3A_23 = arith.constant 4.471500e-02 : f32
    %mul3A_24 = vector.broadcast %mul3A_23 : f32 to vector<1280x16xf32>
    %mul3A_25 = arith.mulf %mul3A_24, %integer_pow3A_22 : vector<1280x16xf32>
    %add3A_26 = arith.addf %add3A_21, %mul3A_25 : vector<1280x16xf32>
    %mul3A_27 = arith.constant 0.797884583 : f32
    %mul3A_28 = vector.broadcast %mul3A_27 : f32 to vector<1280x16xf32>
    %mul3A_29 = arith.mulf %mul3A_28, %add3A_26 : vector<1280x16xf32>
    %tanh3A = math.tanh %mul3A_29 : vector<1280x16xf32>
    %add3A_30 = arith.constant 1.000000e+00 : f32
    %add3A_31 = vector.broadcast %add3A_30 : f32 to vector<1280x16xf32>
    %add3A_32 = arith.addf %add3A_31, %tanh3A : vector<1280x16xf32>
    %mul3A_33 = arith.constant 5.000000e-01 : f32
    %mul3A_34 = vector.broadcast %mul3A_33 : f32 to vector<1280x16xf32>
    %mul3A_35 = arith.mulf %mul3A_34, %add3A_32 : vector<1280x16xf32>
    %mul3A_36 = arith.mulf %add3A_21, %mul3A_35 : vector<1280x16xf32>
    %get3A_37 = arith.constant 0 : index
    %get3A_38 = arith.constant 0 : index
    %get3A_39 = vector.load %arg4[%get3A_37, %get3A_38] : memref<16x16xf32, #tpu.memory_space<vmem>>, vector<16x16xf32>
    %dot_general3A = arith.constant dense<0.000000e+00> : vector<1280x16xf32>
    %dot_general3A_40 = tpu.matmul %mul3A_36, %get3A_39, %dot_general3A {dimension_numbers = #tpu.dot_dimension_numbers<[1], [0], [0], [1], [0, 0, 1, 1], [], []>, transpose_lhs_hint = false} : vector<1280x16xf32>, vector<16x16xf32>, vector<1280x16xf32> -> vector<1280x16xf32>
    %get3A_41 = arith.constant 0 : index
    %get3A_42 = arith.constant 0 : index
    %get3A_43 = vector.load %arg3[%get3A_41, %get3A_42] : memref<1280x1xf32, #tpu.memory_space<vmem>>, vector<1280x1xf32>
    %mul3A_44 = vector.broadcast %get3A_43 : vector<1280x1xf32> to vector<1280x16xf32>
    %mul3A_45 = arith.mulf %mul3A_44, %dot_general3A_40 : vector<1280x16xf32>
    %swap3A = arith.constant 0 : index
    %swap3A_46 = arith.constant 0 : index
    %swap3A_47 = vector.load %arg6[%swap3A, %swap3A_46] : memref<1280x16xf32, #tpu.memory_space<vmem>>, vector<1280x16xf32>
    tpu.vector_store %arg6[%swap3A, %swap3A_46], %mul3A_45 {strides = array<i32>} : memref<1280x16xf32, #tpu.memory_space<vmem>>, vector<1280x16xf32>,
    return
  }
  func.func @transform_0(%arg0: i32) -> (i32, i32, i32) {
    %c0_i32 = arith.constant 0 : i32
    %c0_i32_0 = arith.constant 0 : i32
    %c0_i32_1 = arith.constant 0 : i32
    return %c0_i32, %arg0, %c0_i32_0 : i32, i32, i32
  }
  func.func @transform_1(%arg0: i32) -> (i32, i32) {
    %c0_i32 = arith.constant 0 : i32
    %c0_i32_0 = arith.constant 0 : i32
    return %arg0, %c0_i32 : i32, i32
  }
  func.func @transform_2(%arg0: i32) -> (i32, i32) {
    %c0_i32 = arith.constant 0 : i32
    %c0_i32_0 = arith.constant 0 : i32
    return %arg0, %c0_i32 : i32, i32
  }
  func.func @transform_3(%arg0: i32) -> (i32, i32) {
    %c0_i32 = arith.constant 0 : i32
    %c0_i32_0 = arith.constant 0 : i32
    %c0_i32_1 = arith.constant 0 : i32
    return %c0_i32, %c0_i32_0 : i32, i32
  }
  func.func @transform_4(%arg0: i32) -> (i32, i32) {
    %c0_i32 = arith.constant 0 : i32
    %c0_i32_0 = arith.constant 0 : i32
    %c0_i32_1 = arith.constant 0 : i32
    return %c0_i32, %c0_i32_0 : i32, i32
  }
  func.func @transform_5(%arg0: i32) -> (i32, i32) {
    %c0_i32 = arith.constant 0 : i32
    %c0_i32_0 = arith.constant 0 : i32
    return %arg0, %c0_i32 : i32, i32
  }
}

module attributes {stable_mosaic.version = 14 : i64} {
  func.func @_tc_final_body(%arg0: i32, %arg1: memref<2x1280x16xf32, #tpu.memory_space<vmem>>, %arg2: memref<1280x16xf32, #tpu.memory_space<vmem>>, %arg3: memref<1280x1xf32, #tpu.memory_space<vmem>>, %arg4: memref<1x1xf32, #tpu.memory_space<vmem>>, %arg5: memref<1280x1xi32, #tpu.memory_space<vmem>>, %arg6: memref<1x16xf32, #tpu.memory_space<vmem>>, %arg7: memref<1x16xf32, #tpu.memory_space<vmem>>, %arg8: memref<1x16xf32, #tpu.memory_space<vmem>>) attributes {dimension_semantics = [#tpu.dimension_semantics<arbitrary>], iteration_bounds = array<i64: 8>, scalar_prefetch = 0 : i64, scratch_operands = 2 : i64, tpu.core_type = #tpu.core_type<tc>, window_params = [{transform_indices = @transform_0, window_bounds = array<i64: 2, 1280, 16>}, {transform_indices = @transform_1, window_bounds = array<i64: 1280, 16>}, {transform_indices = @transform_2, window_bounds = array<i64: 1280, 1>}, {pipeline_mode = #tpu.pipeline_mode<synchronous>, transform_indices = @transform_3, window_bounds = array<i64: 1, 1>}, {transform_indices = @transform_4, window_bounds = array<i64: 1280, 1>}, {pipeline_mode = #tpu.pipeline_mode<synchronous>, transform_indices = @transform_5, window_bounds = array<i64: 1, 16>}]} {
    %eq3A = arith.constant 0 : i32
    %eq3A_0 = arith.cmpi eq, %arg0, %eq3A : i32
    %convert_element_type3A = arith.extui %eq3A_0 : i1 to i32
    %cond3A = arith.constant 0 : i32
    %cond3A_1 = arith.cmpi ne, %convert_element_type3A, %cond3A : i32
    scf.if %cond3A_1 {
      %broadcast_in_dim3A_63 = arith.constant 0.000000e+00 : f32
      %broadcast_in_dim3A_64 = vector.broadcast %broadcast_in_dim3A_63 : f32 to vector<1x16xf32>
      %swap3A_65 = arith.constant 0 : index
      %swap3A_66 = arith.constant 0 : index
      %swap3A_67 = vector.load %arg7[%swap3A_65, %swap3A_66] : memref<1x16xf32, #tpu.memory_space<vmem>>, vector<1x16xf32>
      tpu.vector_store %arg7[%swap3A_65, %swap3A_66], %broadcast_in_dim3A_64 {strides = array<i32>} : memref<1x16xf32, #tpu.memory_space<vmem>>, vector<1x16xf32>,
      %broadcast_in_dim3A_68 = arith.constant 0.000000e+00 : f32
      %broadcast_in_dim3A_69 = vector.broadcast %broadcast_in_dim3A_68 : f32 to vector<1x16xf32>
      %swap3A_70 = arith.constant 0 : index
      %swap3A_71 = arith.constant 0 : index
      %swap3A_72 = vector.load %arg8[%swap3A_70, %swap3A_71] : memref<1x16xf32, #tpu.memory_space<vmem>>, vector<1x16xf32>
      tpu.vector_store %arg8[%swap3A_70, %swap3A_71], %broadcast_in_dim3A_69 {strides = array<i32>} : memref<1x16xf32, #tpu.memory_space<vmem>>, vector<1x16xf32>,
    } else {
    }
    %get3A = arith.constant 0 : index
    %get3A_2 = arith.constant 0 : index
    %get3A_3 = vector.load %arg3[%get3A, %get3A_2] : memref<1280x1xf32, #tpu.memory_space<vmem>>, vector<1280x1xf32>
    %get3A_4 = arith.constant 0 : index
    %get3A_5 = arith.constant 0 : index
    %get3A_6 = arith.constant 0 : index
    %get3A_7 = vector.load %arg1[%get3A_4, %get3A_5, %get3A_6] : memref<2x1280x16xf32, #tpu.memory_space<vmem>>, vector<1x1280x16xf32>
    %get3A_8 = vector.shape_cast %get3A_7 : vector<1x1280x16xf32> to vector<1280x16xf32>
    %get3A_9 = arith.constant 1 : index
    %get3A_10 = arith.constant 0 : index
    %get3A_11 = arith.constant 0 : index
    %get3A_12 = vector.load %arg1[%get3A_9, %get3A_10, %get3A_11] : memref<2x1280x16xf32, #tpu.memory_space<vmem>>, vector<1x1280x16xf32>
    %get3A_13 = vector.shape_cast %get3A_12 : vector<1x1280x16xf32> to vector<1280x16xf32>
    %add3A = arith.addf %get3A_8, %get3A_13 : vector<1280x16xf32>
    %get3A_14 = arith.constant 0 : index
    %get3A_15 = arith.constant 0 : index
    %get3A_16 = vector.load %arg2[%get3A_14, %get3A_15] : memref<1280x16xf32, #tpu.memory_space<vmem>>, vector<1280x16xf32>
    %add3A_17 = arith.addf %add3A, %get3A_16 : vector<1280x16xf32>
    %mul3A = vector.broadcast %get3A_3 : vector<1280x1xf32> to vector<1280x16xf32>
    %mul3A_18 = arith.mulf %mul3A, %add3A_17 : vector<1280x16xf32>
    %slice3A = vector.extract_strided_slice %mul3A_18 {offsets = [0, 0], sizes = [1280, 1], strides = [1, 1]} : vector<1280x16xf32> to vector<1280x1xf32>
    %get3A_19 = arith.constant 0 : index
    %get3A_20 = arith.constant 0 : index
    %get3A_21 = vector.load %arg4[%get3A_19, %get3A_20] : memref<1x1xf32, #tpu.memory_space<vmem>>, vector<1x1xf32>
    %add3A_22 = vector.broadcast %get3A_21 : vector<1x1xf32> to vector<1280x1xf32>
    %add3A_23 = arith.addf %slice3A, %add3A_22 : vector<1280x1xf32>
    %iota3A = tpu.iota {dimensions = array<i32: 1>} : vector<1280x16xi32>
    %get3A_24 = arith.constant 0 : index
    %get3A_25 = arith.constant 0 : index
    %get3A_26 = vector.load %arg5[%get3A_24, %get3A_25] : memref<1280x1xi32, #tpu.memory_space<vmem>>, vector<1280x1xi32>
    %eq3A_27 = vector.broadcast %get3A_26 : vector<1280x1xi32> to vector<1280x16xi32>
    %eq3A_28 = arith.cmpi eq, %iota3A, %eq3A_27 : vector<1280x16xi32>
    %get3A_29 = arith.constant 0 : index
    %get3A_30 = arith.constant 0 : index
    %get3A_31 = vector.load %arg7[%get3A_29, %get3A_30] : memref<1x16xf32, #tpu.memory_space<vmem>>, vector<1x16xf32>
    %get3A_32 = vector.shape_cast %get3A_31 : vector<1x16xf32> to vector<16xf32>
    %jit3A = arith.constant 0.000000e+00 : f32
    %broadcast_in_dim3A = vector.shape_cast %add3A_23 : vector<1280x1xf32> to vector<1280x1xf32>
    %broadcast_in_dim3A_33 = vector.broadcast %broadcast_in_dim3A : vector<1280x1xf32> to vector<1280x16xf32>
    %broadcast_in_dim3A_34 = vector.broadcast %jit3A : f32 to vector<1280x16xf32>
    %select_n3A = arith.select %eq3A_28, %broadcast_in_dim3A_33, %broadcast_in_dim3A_34 : vector<1280x16xi1>, vector<1280x16xf32>
    %reduce_sum3A = arith.constant dense<0.000000e+00> : vector<16xf32>
    %reduce_sum3A_35 = vector.multi_reduction <add>, %select_n3A, %reduce_sum3A [0] : vector<1280x16xf32> to vector<16xf32>
    %add3A_36 = arith.addf %get3A_32, %reduce_sum3A_35 : vector<16xf32>
    %swap3A = arith.constant 0 : index
    %swap3A_37 = arith.constant 0 : index
    %swap3A_38 = vector.load %arg7[%swap3A, %swap3A_37] : memref<1x16xf32, #tpu.memory_space<vmem>>, vector<1x16xf32>
    %swap3A_39 = vector.shape_cast %swap3A_38 : vector<1x16xf32> to vector<16xf32>
    %swap3A_40 = vector.shape_cast %add3A_36 : vector<16xf32> to vector<1x16xf32>
    tpu.vector_store %arg7[%swap3A, %swap3A_37], %swap3A_40 {strides = array<i32>} : memref<1x16xf32, #tpu.memory_space<vmem>>, vector<1x16xf32>,
    %get3A_41 = arith.constant 0 : index
    %get3A_42 = arith.constant 0 : index
    %get3A_43 = vector.load %arg8[%get3A_41, %get3A_42] : memref<1x16xf32, #tpu.memory_space<vmem>>, vector<1x16xf32>
    %get3A_44 = vector.shape_cast %get3A_43 : vector<1x16xf32> to vector<16xf32>
    %jit3A_45 = arith.constant 1.000000e+00 : f32
    %jit3A_46 = arith.constant 0.000000e+00 : f32
    %broadcast_in_dim3A_47 = vector.broadcast %jit3A_45 : f32 to vector<1280x16xf32>
    %broadcast_in_dim3A_48 = vector.broadcast %jit3A_46 : f32 to vector<1280x16xf32>
    %select_n3A_49 = arith.select %eq3A_28, %broadcast_in_dim3A_47, %broadcast_in_dim3A_48 : vector<1280x16xi1>, vector<1280x16xf32>
    %reduce_sum3A_50 = arith.constant dense<0.000000e+00> : vector<16xf32>
    %reduce_sum3A_51 = vector.multi_reduction <add>, %select_n3A_49, %reduce_sum3A_50 [0] : vector<1280x16xf32> to vector<16xf32>
    %add3A_52 = arith.addf %get3A_44, %reduce_sum3A_51 : vector<16xf32>
    %swap3A_53 = arith.constant 0 : index
    %swap3A_54 = arith.constant 0 : index
    %swap3A_55 = vector.load %arg8[%swap3A_53, %swap3A_54] : memref<1x16xf32, #tpu.memory_space<vmem>>, vector<1x16xf32>
    %swap3A_56 = vector.shape_cast %swap3A_55 : vector<1x16xf32> to vector<16xf32>
    %swap3A_57 = vector.shape_cast %add3A_52 : vector<16xf32> to vector<1x16xf32>
    tpu.vector_store %arg8[%swap3A_53, %swap3A_54], %swap3A_57 {strides = array<i32>} : memref<1x16xf32, #tpu.memory_space<vmem>>, vector<1x16xf32>,
    %eq3A_58 = arith.constant 7 : i32
    %eq3A_59 = arith.cmpi eq, %arg0, %eq3A_58 : i32
    %convert_element_type3A_60 = arith.extui %eq3A_59 : i1 to i32
    %cond3A_61 = arith.constant 0 : i32
    %cond3A_62 = arith.cmpi ne, %convert_element_type3A_60, %cond3A_61 : i32
    scf.if %cond3A_62 {
      %get3A_63 = arith.constant 0 : index
      %get3A_64 = arith.constant 0 : index
      %get3A_65 = vector.load %arg7[%get3A_63, %get3A_64] : memref<1x16xf32, #tpu.memory_space<vmem>>, vector<1x16xf32>
      %get3A_66 = vector.shape_cast %get3A_65 : vector<1x16xf32> to vector<16xf32>
      %get3A_67 = arith.constant 0 : index
      %get3A_68 = arith.constant 0 : index
      %get3A_69 = vector.load %arg8[%get3A_67, %get3A_68] : memref<1x16xf32, #tpu.memory_space<vmem>>, vector<1x16xf32>
      %get3A_70 = vector.shape_cast %get3A_69 : vector<1x16xf32> to vector<16xf32>
      %max3A = arith.constant 1.000000e+00 : f32
      %max3A_71 = vector.broadcast %max3A : f32 to vector<16xf32>
      %max3A_72 = arith.maximumf %get3A_70, %max3A_71 : vector<16xf32>
      %div3A = arith.divf %get3A_66, %max3A_72 : vector<16xf32>
      %swap3A_73 = arith.constant 0 : index
      %swap3A_74 = arith.constant 0 : index
      %swap3A_75 = vector.load %arg6[%swap3A_73, %swap3A_74] : memref<1x16xf32, #tpu.memory_space<vmem>>, vector<1x16xf32>
      %swap3A_76 = vector.shape_cast %swap3A_75 : vector<1x16xf32> to vector<16xf32>
      %swap3A_77 = vector.shape_cast %div3A : vector<16xf32> to vector<1x16xf32>
      tpu.vector_store %arg6[%swap3A_73, %swap3A_74], %swap3A_77 {strides = array<i32>} : memref<1x16xf32, #tpu.memory_space<vmem>>, vector<1x16xf32>,
    } else {
    }
    return
  }
  func.func @transform_0(%arg0: i32) -> (i32, i32, i32) {
    %c0_i32 = arith.constant 0 : i32
    %c0_i32_0 = arith.constant 0 : i32
    %c0_i32_1 = arith.constant 0 : i32
    return %c0_i32, %arg0, %c0_i32_0 : i32, i32, i32
  }
  func.func @transform_1(%arg0: i32) -> (i32, i32) {
    %c0_i32 = arith.constant 0 : i32
    %c0_i32_0 = arith.constant 0 : i32
    return %arg0, %c0_i32 : i32, i32
  }
  func.func @transform_2(%arg0: i32) -> (i32, i32) {
    %c0_i32 = arith.constant 0 : i32
    %c0_i32_0 = arith.constant 0 : i32
    return %arg0, %c0_i32 : i32, i32
  }
  func.func @transform_3(%arg0: i32) -> (i32, i32) {
    %c0_i32 = arith.constant 0 : i32
    %c0_i32_0 = arith.constant 0 : i32
    %c0_i32_1 = arith.constant 0 : i32
    return %c0_i32, %c0_i32_0 : i32, i32
  }
  func.func @transform_4(%arg0: i32) -> (i32, i32) {
    %c0_i32 = arith.constant 0 : i32
    %c0_i32_0 = arith.constant 0 : i32
    return %arg0, %c0_i32 : i32, i32
  }
  func.func @transform_5(%arg0: i32) -> (i32, i32) {
    %c0_i32 = arith.constant 0 : i32
    %c0_i32_0 = arith.constant 0 : i32
    %c0_i32_1 = arith.constant 0 : i32
    return %c0_i32, %c0_i32_0 : i32, i32
  }
}

</mosaic_0001>

<sc_bundles>
// kernel: kernel.12.cloned.1.call-start
scs
__scs_entry_jumppad:
0x0: {  	(pc) =	sbr.rel $0x88, $3  }
0x1: {  	(tag) =	ssettag $0x0;
	lr =	simm.s32 $0x1  }
0x2: {  	[smem:$0x3F96] =	sst lr;
	_ =	strace $0xD0000000  }
0x3: {  	_ = 	snop  }
0x4: {  	_ = 	snop  }
0x5: {  	_ = 	snop  }
0x6: {  	_ = 	snop  }
0x7: {  	_ = 	snop  }
__scs_overlays_trampoline_lowered:
0x8: {  	[smem:$0x3FA5] =	sst s0  }
0x9: {  	[smem:$0x3FA6] =	sst s1  }
0xa: {  	[smem:$0x3FA7] =	sst s2  }
0xb: {  	[smem:$0x3FA8] =	sst s3  }
0xc: {  	[smem:$0x3FA9] =	sst s4  }
0xd: {  	[smem:$0x3FAA] =	sst s5  }
0xe: {  	[smem:$0x3FAB] =	sst s6  }
0xf: {  	[smem:$0x3FAC] =	sst s7  }
0x10: {  	[smem:$0x3FAD] =	sst s8  }
0x11: {  	[smem:$0x3FAE] =	sst s9;
	s0 =	simm.s32 @!p0 $0x0  }
0x12: {  	s1 =	sld [smem:$0x3F94];
	s0 =	simm.s32 @p0 $0x1  }
0x13: {  	[smem:$0x3FAF] =	sst s0;
	s0 =	simm.s32 @!p1 $0x0  }
0x14: {  	s2 =	sld [smem:$0x3F93];
	s0 =	simm.s32 @p1 $0x1  }
0x15: {  	[smem:$0x3FB0] =	sst s0;
	s0 =	simm.s32 @!p2 $0x0  }
0x16: {  	s3 =	sld [smem:$0x3FDB];
	s0 =	simm.s32 @p2 $0x1  }
0x17: {  	s4 =	simm.s32 $0x1BF5;
	[smem:$0x3FB2] =	sst s0  }
0x18: {  	s0 =	sld [smem:$0x3F95];
	_ =	swait.ge [sflag:s4], $0x0  }
0x19: {  	s7 =	sld [smem:$0x3F96]  }
0x1a: {  	s8 =	sadd.s32 $0xFFFFE003, lr  }
0x1b: {  	s9 =	sadd.s32 $0xFFFFFEF7, lr;
	s5 =	simm.s32 $0xFFFFFFFF;
	p2 =	slt.u32 s8, $0xFFFFF086  }
0x1c: {  	p1 =	slt.u32 s9, $0xF7A;
	s5 =	simm.s32 @!p2 $0x0  }
0x1d: {  	s5 =	simm.s32 @p1 $0x1;
	p0 =	seq.s32 s7, s2  }
0x1e: {  	s7 =	smul.u32 @!p0 $0xF7A, s2;
	p2 =	seq.s32 @!p0 s5, $0x0  }
0x1f: {  	s9 =	smul.u32 $0xF7A, s1;
	s8 =	simm.s32 @!p0 $0x1BF5;
	p2 =	por !p2, p0  }
0x20: {  	[sflag:s8] =	ssyncset.s32 @!p0 $0xFFFFF086;
	s6 =	sadd.s32 @!p0 s3, s7;
	s7 =	simm.s32 @!p0 $0x108  }
0x21: {  	s3 =	sadd.s32 s3, s9;
	s6 =	sadd.s32 @!p0 $0x88, s6;
	s7 =	simm.s32 @p2 $0x1082  }
0x22: {  	[simem:s7], [sflag:s8] =	dma.local @!p0 [hbm:s6], $0xF7A  }
0x23: {  	s9 =	sor.u32 $0xD0000000, s2;
	s6 =	simm.s32 $0x108;
	_ =	swait.ge @!p0 [sflag:s8], $0x0  }
0x24: {  	s3 =	sadd.s32 $0x88, s3;
	s6 =	simm.s32 @!p1 $0x1082;
	[sflag:s4] =	ssyncset.s32 $0xFFFFF086  }
0x25: {  	[simem:s6], [sflag:s4] =	dma.local [hbm:s3], $0xF7A  }
0x26: {  	[smem:$0x3F96] =	sst s1;
	(tag) =	ssettag s2;
	_ =	strace s9  }
0x27: {  	s1 =	sld [smem:$0x3FA6]  }
0x28: {  	s2 =	sld [smem:$0x3FA7]  }
0x29: {  	s4 =	sld [smem:$0x3FA9]  }
0x2a: {  	p0 =	seq.s32 s5, $0x0;
	s5 =	sld [smem:$0x3FAA]  }
0x2b: {  	s6 =	sld [smem:$0x3FAB]  }
0x2c: {  	s7 =	sld [smem:$0x3FAC]  }
0x2d: {  	s3 =	simm.s32 $0x108;
	s8 =	sld [smem:$0x3FAD]  }
0x2e: {  	s3 =	simm.s32 @!p0 $0x1082;
	s9 =	sld [smem:$0x3FAE]  }
0x2f: {  	lr =	sadd.s32 s0, s3;
	s0 =	sld [smem:$0x3FA5]  }
0x30: {  	s3 =	sld [smem:$0x3FA8]  }
0x31: {  	[smem:$0x3FB1] =	sst s10  }
0x32: {  	s10 =	sld [smem:$0x3FAF];
	_ =	sdelay $0x3  }
0x33: {  	p0 =	seq.s32 s10, $0x1;
	s10 =	sld [smem:$0x3FB1];
	_ =	sdelay $0x3  }
0x34: {  	[smem:$0x3FB1] =	sst s10  }
0x35: {  	s10 =	sld [smem:$0x3FB0];
	_ =	sdelay $0x3  }
0x36: {  	p1 =	seq.s32 s10, $0x1;
	s10 =	sld [smem:$0x3FB1];
	_ =	sdelay $0x3  }
0x37: {  	[smem:$0x3FB1] =	sst s10  }
0x38: {  	s10 =	sld [smem:$0x3FB2]  }
0x39: {  	_ = 	snop;
	(pc) =	sbr.ind lr, $3  }
0x3a: {  	_ = 	snop  }
0x3b: {  	_ = 	snop  }
0x3c: {  	p2 =	seq.s32 s10, $0x1;
	s10 =	sld [smem:$0x3FB1]  }
0x3d: {  	_ =	shalt  }
0x3e: {  	_ =	shalt  }
0x3f: {  	_ =	shalt  }
0x40: {  	_ =	shalt  }
0x41: {  	_ =	shalt  }
0x42: {  	_ =	shalt  }
0x43: {  	_ =	shalt  }
0x44: {  	_ =	shalt  }
0x45: {  	_ =	shalt  }
0x46: {  	_ =	shalt  }
0x47: {  	_ =	shalt  }
0x48: {  	_ =	shalt  }
0x49: {  	_ =	shalt  }
0x4a: {  	_ =	shalt  }
0x4b: {  	_ =	shalt  }
0x4c: {  	_ =	shalt  }
0x4d: {  	_ =	shalt  }
0x4e: {  	_ =	shalt  }
0x4f: {  	_ =	shalt  }
0x50: {  	_ =	shalt  }
0x51: {  	_ =	shalt  }
0x52: {  	_ =	shalt  }
0x53: {  	_ =	shalt  }
0x54: {  	_ =	shalt  }
0x55: {  	_ =	shalt  }
0x56: {  	_ =	shalt  }
0x57: {  	_ =	shalt  }
0x58: {  	_ =	shalt  }
0x59: {  	_ =	shalt  }
0x5a: {  	_ =	shalt  }
0x5b: {  	_ =	shalt  }
0x5c: {  	_ =	shalt  }
0x5d: {  	_ =	shalt  }
0x5e: {  	_ =	shalt  }
0x5f: {  	_ =	shalt  }
0x60: {  	_ =	shalt  }
0x61: {  	_ =	shalt  }
0x62: {  	_ =	shalt  }
0x63: {  	_ =	shalt  }
0x64: {  	_ =	shalt  }
0x65: {  	_ =	shalt  }
0x66: {  	_ =	shalt  }
0x67: {  	_ =	shalt  }
0x68: {  	_ =	shalt  }
0x69: {  	_ =	shalt  }
0x6a: {  	_ =	shalt  }
0x6b: {  	_ =	shalt  }
0x6c: {  	_ =	shalt  }
0x6d: {  	_ =	shalt  }
0x6e: {  	_ =	shalt  }
0x6f: {  	_ =	shalt  }
0x70: {  	_ =	shalt  }
0x71: {  	_ =	shalt  }
0x72: {  	_ =	shalt  }
0x73: {  	_ =	shalt  }
0x74: {  	_ =	shalt  }
0x75: {  	_ =	shalt  }
0x76: {  	_ =	shalt  }
0x77: {  	_ =	shalt  }
0x78: {  	_ =	shalt  }
0x79: {  	_ =	shalt  }
0x7a: {  	_ =	shalt  }
0x7b: {  	_ =	shalt  }
0x7c: {  	_ =	shalt  }
0x7d: {  	_ =	shalt  }
0x7e: {  	_ =	shalt  }
0x7f: {  	_ =	shalt  }
0x80: {  	_ =	shalt  }
0x81: {  	_ =	shalt  }
0x82: {  	_ =	shalt  }
0x83: {  	_ =	shalt  }
0x84: {  	_ =	shalt  }
0x85: {  	_ =	shalt  }
0x86: {  	_ =	shalt  }
0x87: {  	_ =	shalt  }
.Lfunc_end0:
.L_simem_size_0:
called_computation_lowered:
.L_overlay_start_0:
0x88: {  	s2 =	sld [smem:$0x3FD9]  }
0x89: {  	s3 =	sld [smem:$0x3FFE];
	_ =	sdelay $0x1  }
0x8a: {  	s1 =	srdreg.scid  }
0x8b: {  	s0 =	sand.u32 $0x1, s1  }
0x8c: {  	s16 =	sshll.u32 s0, $0xA;
	s2 =	sadd.s32 s3, s2  }
0x8d: {  	s2 =	sadd.s32 s2, s16  }
0x8e: {  	[smem:$0x3FBD] =	sst s2  }
0x8f: {  	_ = 	snop  }
0x90: {  	(tm) =	ssettm $0x1  }
0x91: {  	s17 =	sld [smem:$0x3FFB];
	_ =	sdelay $0x3  }
0x92: {  	_ =	strace s17  }
0x93: {  	s2 =	sld [smem:$0x3FFC];
	_ =	sdelay $0x3  }
0x94: {  	_ =	strace s2  }
0x95: {  	s2 =	sld [smem:$0x3FFD];
	_ =	sdelay $0x3  }
0x96: {  	_ =	strace s2  }
0x97: {  	_ =	strace $0x8FFFFFFF  }
0x98: {  	s18 =	sld [smem:$0x3FDB];
	_ =	sdelay $0x1  }
0x99: {  	s19 =	simm.s32 $_scs_section_size  }
0x9a: {  	s4 =	simm.s32 $_size__tile_overlayer_lowered;
	s5 =	simm.s32 $_tile_overlayer_lowered  }
0x9b: {  	s22 =	simm.s32 $0x1BFF;
	s21 =	sshll.u32 s5, $0x1;
	s2 =	sadd.s32 s19, s18  }
0x9c: {  	s6 =	simm.s32 $0x0;
	s20 =	sshll.u32 s4, $0x1;
	s4 =	sadd.s32 s21, s2  }
0x9d: {  	[timem:s6], [sflag:s22] =	dma.local [hbm:s4], s20  }
0x9e: {  	_ =	swait.ge [sflag:s22], s20  }
0x9f: {  	s3 =	ssub.s32 $0x0, s20;
	[sflag:s22] =	ssyncset.done $0x0  }
0xa0: {  	[sflag:s22] =	ssyncadd.s32 s3;
	_ =	sdelay $0x1  }
0xa1: {  	s23 =	simm.s32 $0x1B8B  }
0xa2: {  	_ =	swait.ge [sflag:s23], $0x1  }
0xa3: {  	[sflag:s23] =	ssyncset.done $0x0  }
0xa4: {  	s25 =	simm.s32 $0x1B8E;
	s24 =	sld [smem:$0x3FFE];
	[sflag:s23] =	ssyncadd.s32 $0xFFFFFFFF  }
0xa5: {  	s26 =	simm.s32 $execute0_lowered;
	[smem:$0x3FD2] =	sst s25  }
0xa6: {  	s4 =	sshll.u32 s26, $0x1;
	_ =	strace $0x80000046;
	[dreg:$0x1] =	wrdreg $0xFFFFFFFF  }
0xa7: {  	s28 =	simm.s32 $_size_execute0_lowered;
	s2 =	sadd.s32 s2, s4;
	[dreg:$0x0] =	wrdreg $0x0  }
0xa8: {  	s4 =	sshll.u32 s28, $0x1;
	[dreg:$0x2] =	wrdreg s2  }
0xa9: {  	[dreg:$0x3] =	wrdreg s4  }
0xaa: {  	[dreg:$0x4] =	wrdreg $0xC0  }
0xab: {  	_ =	task [dreg:s6], $0x5FFFF  }
0xac: {  	[dreg:$0x1] =	wrdreg $0xFFFFFFFF  }
0xad: {  	[dreg:$0x0] =	wrdreg $0x60  }
0xae: {  	[dreg:$0x2] =	wrdreg s24  }
0xaf: {  	[dreg:$0x3] =	wrdreg $0x0  }
0xb0: {  	[dreg:$0x4] =	wrdreg $0x9  }
0xb1: {  	_ =	task.clear_ibuf [dreg:s6], $0x5FFFF;
	_ =	strace $0x90000046  }
0xb2: {  	s29 =	simm.s32 $0x9;
	_ =	strace $0x80000048  }
0xb3: {  	_ =	swait.ge [sflag:s29], $0x1  }
0xb4: {  	[sflag:s29] =	ssyncadd.s32 $0xFFFFFFFF  }
0xb5: {  	_ =	strace $0x90000048  }
0xb6: {  	_ =	sfence  }
0xb7: {  	s30 =	sld [smem:$0x0];
	_ =	sdelay $0x2  }
0xb8: {  	s31 =	sshll.u32 s1, $0xD;
	s1 =	sshrl.u32 s1, $0x2  }
0xb9: {  	s3 =	sand.u32 $0x4000, s31;
	s1 =	sadd.s32 s1, s30  }
0xba: {  	s0 =	sor.u32 s3, s0;
	s1 =	sshll.u32 s1, $0x11  }
0xbb: {  	s0 =	sor.u32 s1, s0  }
0xbc: {  	s0 =	sadd.s32 $0x8F2B, s0  }
0xbd: {  	[sflag:s0] =	ssyncadd.remote.s32 $0x1  }
0xbe: {  	_ =	sfence.sel $0xFFFF  }
0xbf: {  	[dreg:$0x0] =	wrdreg $0xFFFFFFFF;
	(pc) =	sbr.abs _section_cstart, $3  }
0xc0: {  	[dreg:$0x1] =	wrdreg $0xFFFFFFFF  }
0xc1: {  	_ =	task.clear_ibuf [dreg:s6], $0x2FFFF;
	_ =	strace $0x9FFFFFFF  }
0xc2: {  	(tm) =	ssettm $0x7FFFFFFF  }
0xc3: {  	_ =	shalt  }
tec
execute0_lowered:
.L_overlay_start_1:
0x0: {  	(tag) =	ssettag $0x1  }
0x1: {  	s5 =	rddreg [dreg:$0x0]  }
0x2: {  	s0 =	srdreg.scid;
	s2 =	rddreg [dreg:$0x1]  }
0x3: {  	s3 =	simm.s32 $0x0;
	s12 =	simm.s32 $0x2800;
	s13 =	simm.s32 $0x2  }
0x4: {  	s14 =	simm.s32 $0x6800;
	s15 =	simm.s32 $0x80;
	s4 =	sand.u32 $0x1, s0  }
0x5: {  	s16 =	simm.s32 $0x1;
	s0 =	stileid.u32;
	s7 =	smul.u32 $0x140000, s4  }
0x6: {  	[smem:$0x7FF] =	sst s3;
	s1 =	sshll.u32 s4, $0x4;
	s8 =	smul.u32 $0x14000, s0  }
0x7: {  	s9 =	smul.u32 $0x50000, s0;
	s4 =	ssub.s32 $0x2, s4;
	s17 =	sshll.u32 s0, $0x6  }
0x8: {  	s1 =	sor.u32 s0, s1;
	s31 =	sshrl.u32 s4, $0x1;
	s17 =	sor.u32 $0x1C02, s17  }
0x9: {  	s6 =	smul.u32 $0x500, s1;
	s1 =	rddreg [dreg:$0x2];
	_ =	strace $0x80000047  }
0xa: {  	s7 =	sadd.s32 s8, s7;
	s9 =	sshrl.u32 s9, $0x2;
	s8 =	ssub.s32 s4, s31  }
0xb: {  	s7 =	sshrl.u32 s7, $0x3;
	s4 =	sadd.s32 s9, s2;
	s6 =	sadd.s32 s6, s5  }
0xc: {  	s7 =	sadd.s32 s7, s5;
	s9 =	sadd.s32 $0x8000, s4;
	s10 =	sadd.s32 $0xC000, s4  }
0xd: {  	s11 =	sadd.s32 $0x10000, s4;
	s18 =	sshrl.u32 s4, $0x3;
	s5 =	sadd.s32 $0xCC00, s6  }
0xe: {  	v0 =	vimm.f32 $0.0e+00;
	v1 =	vimm.f32 $1.000000000e+00;
	s6 =	sadd.s32 $0x16C00, s7;
	s7 =	smax.u32 s8, $0x1;
	s8 =	sadd.s32 $0x4000, s4  }
.LBB2_1:
0xf: {  	s19 =	simm.s32 $0x200;
	s20 =	simm.s32 $0x0  }
.LBB2_2:
0x10: {  	p0 =	sne.s32 s19, $0xFE00;
	[tilespmem:s20+$0x2800] =	vst v0;
	s20 =	smov.u32 s19;
	s19 =	sadd.s32 $0x200, s19  }
.Ltmp0:
0x11: {  	(pc) =	sbr.rel @p0 .LBB2_2-.Ltmp0, $2  }
0x12: {  	_ =	sdelay $0x2  }
0x13: {  	s20 =	sshra.s32 s20, $0x2  }
0x14: {  	[tilespmem:s20+$0x2800] =	vst v0  }
0x15: {  	[spmem:s4] =	stream.linear.scatter [tilespmem:s12], [sflag:$0x2], $0x4000, $0x38;
	[tilespmem:$0x9000] =	vst v63  }
0x16: {  	_ =	swait.ge [sflag:s13], $0x4000  }
0x17: {  	[sflag:s13] =	ssyncset.done $0x0  }
0x18: {  	[sflag:s13] =	ssyncadd.s32 $0xFFFFC000  }
0x19: {  	[spmem:s8] =	stream.linear.scatter [tilespmem:s12], [sflag:$0x2], $0x4000, $0x38;
	[tilespmem:$0x9000] =	vst v63  }
0x1a: {  	_ =	swait.ge [sflag:s13], $0x4000  }
0x1b: {  	[sflag:s13] =	ssyncset.done $0x0  }
0x1c: {  	[sflag:s13] =	ssyncadd.s32 $0xFFFFC000  }
0x1d: {  	[spmem:s9] =	stream.linear.scatter [tilespmem:s12], [sflag:$0x2], $0x4000, $0x38;
	[tilespmem:$0x9000] =	vst v63  }
0x1e: {  	_ =	swait.ge [sflag:s13], $0x4000  }
0x1f: {  	[sflag:s13] =	ssyncset.done $0x0  }
0x20: {  	[sflag:s13] =	ssyncadd.s32 $0xFFFFC000  }
0x21: {  	[spmem:s10] =	stream.linear.scatter [tilespmem:s12], [sflag:$0x2], $0x4000, $0x38;
	[tilespmem:$0x9000] =	vst v63  }
0x22: {  	_ =	swait.ge [sflag:s13], $0x4000  }
0x23: {  	[sflag:s13] =	ssyncset.done $0x0  }
0x24: {  	[sflag:s13] =	ssyncadd.s32 $0xFFFFC000  }
0x25: {  	[spmem:s11] =	stream.linear.scatter [tilespmem:s12], [sflag:$0x2], $0x4000, $0x38;
	[tilespmem:$0x9000] =	vst v63  }
0x26: {  	_ =	swait.ge [sflag:s13], $0x4000  }
0x27: {  	[sflag:s13] =	ssyncset.done $0x0  }
0x28: {  	s19 =	simm.s32 $0x200;
	s20 =	simm.s32 $0x0;
	[sflag:s13] =	ssyncadd.s32 $0xFFFFC000  }
.LBB2_4:
0x29: {  	p0 =	sne.s32 s19, $0xFE00;
	[tilespmem:s20+$0x2800] =	vst v1;
	s20 =	smov.u32 s19;
	s19 =	sadd.s32 $0x200, s19  }
.Ltmp1:
0x2a: {  	(pc) =	sbr.rel @p0 .LBB2_4-.Ltmp1, $2  }
0x2b: {  	_ =	sdelay $0x2  }
0x2c: {  	s20 =	sshra.s32 s20, $0x2  }
0x2d: {  	[tilespmem:s20+$0x2800] =	vst v1;
	s19 =	simm.s32 $0x0  }
0x2e: {  	[tilespmem:s14], [sflag:$0x2] =	stream.linear.gather [hbm4b:s5+s19], $0x2800, $0x38;
	[tilespmem:$0x9000] =	vst v63  }
0x2f: {  	_ =	swait.ge [sflag:s13], $0x2800  }
0x30: {  	[sflag:s13] =	ssyncset.done $0x0  }
0x31: {  	[sflag:s13] =	ssyncadd.s32 $0xFFFFD800  }
0x32: {  	s23 =	simm.s32 $0x6800;
	[bflag:$0x0] =	sbarrier.arrive $0xFFFF  }
0x33: {  	[spmem:s2] =	stream.indirect.scatter.add.f32 [tilespmem:s12], [sflag:$0x1], $0x10, s23, s15, $0xb8;
	[tilespmem:$0x9000] =	vst v63  }
0x34: {  	s24 =	simm.s32 $0x6880  }
0x35: {  	[spmem:s2] =	stream.indirect.scatter.add.f32 [tilespmem:s12], [sflag:$0x1], $0x10, s24, s15, $0xb8;
	[tilespmem:$0x9000] =	vst v63  }
0x36: {  	s25 =	simm.s32 $0x6900  }
0x37: {  	[spmem:s2] =	stream.indirect.scatter.add.f32 [tilespmem:s12], [sflag:$0x1], $0x10, s25, s15, $0xb8;
	[tilespmem:$0x9000] =	vst v63  }
0x38: {  	s26 =	simm.s32 $0x6980  }
0x39: {  	[spmem:s2] =	stream.indirect.scatter.add.f32 [tilespmem:s12], [sflag:$0x1], $0x10, s26, s15, $0xb8;
	[tilespmem:$0x9000] =	vst v63  }
0x3a: {  	s28 =	simm.s32 $0x6A00  }
0x3b: {  	[spmem:s2] =	stream.indirect.scatter.add.f32 [tilespmem:s12], [sflag:$0x1], $0x10, s28, s15, $0xb8;
	[tilespmem:$0x9000] =	vst v63  }
0x3c: {  	s29 =	simm.s32 $0x6A80  }
0x3d: {  	[spmem:s2] =	stream.indirect.scatter.add.f32 [tilespmem:s12], [sflag:$0x1], $0x10, s29, s15, $0xb8;
	[tilespmem:$0x9000] =	vst v63  }
0x3e: {  	s30 =	simm.s32 $0x6B00  }
0x3f: {  	[spmem:s2] =	stream.indirect.scatter.add.f32 [tilespmem:s12], [sflag:$0x1], $0x10, s30, s15, $0xb8;
	[tilespmem:$0x9000] =	vst v63  }
0x40: {  	s31 =	simm.s32 $0x6B80  }
0x41: {  	[spmem:s2] =	stream.indirect.scatter.add.f32 [tilespmem:s12], [sflag:$0x1], $0x10, s31, s15, $0xb8;
	[tilespmem:$0x9000] =	vst v63  }
0x42: {  	_ =	swait.ge [sflag:s16], $0x800  }
0x43: {  	[sflag:s16] =	ssyncset.done $0x0  }
0x44: {  	[sflag:s16] =	ssyncadd.s32 $0xFFFFF800  }
0x45: {  	_ =	swait.ge [sflag:s16], $0x800  }
0x46: {  	[sflag:s16] =	ssyncset.done $0x0  }
0x47: {  	[sflag:s16] =	ssyncadd.s32 $0xFFFFF800  }
0x48: {  	_ =	swait.ge [sflag:s16], $0x800  }
0x49: {  	[sflag:s16] =	ssyncset.done $0x0  }
0x4a: {  	[sflag:s16] =	ssyncadd.s32 $0xFFFFF800  }
0x4b: {  	_ =	swait.ge [sflag:s16], $0x800  }
0x4c: {  	[sflag:s16] =	ssyncset.done $0x0  }
0x4d: {  	[sflag:s16] =	ssyncadd.s32 $0xFFFFF800  }
0x4e: {  	_ =	swait.ge [sflag:s16], $0x800  }
0x4f: {  	[sflag:s16] =	ssyncset.done $0x0  }
0x50: {  	[sflag:s16] =	ssyncadd.s32 $0xFFFFF800  }
0x51: {  	_ =	swait.ge [sflag:s16], $0x800  }
0x52: {  	[sflag:s16] =	ssyncset.done $0x0  }
0x53: {  	[sflag:s16] =	ssyncadd.s32 $0xFFFFF800  }
0x54: {  	_ =	swait.ge [sflag:s16], $0x800  }
0x55: {  	[sflag:s16] =	ssyncset.done $0x0  }
0x56: {  	[sflag:s16] =	ssyncadd.s32 $0xFFFFF800  }
0x57: {  	_ =	swait.ge [sflag:s16], $0x800  }
0x58: {  	s22 =	simm.s32 $0x2000;
	s21 =	simm.s32 $0x400;
	[sflag:s16] =	ssyncset.done $0x0  }
.LBB2_6:
0x59: {  	s23 =	sadd.s32 $0x6800, s21  }
0x5a: {  	[sflag:s16] =	ssyncadd.s32 $0xFFFFF800;
	s20 =	smov.u32 s22;
	s19 =	sadd.s32 $0x1000, s22  }
0x5b: {  	[spmem:s2] =	stream.indirect.scatter.add.f32 [tilespmem:s12], [sflag:$0x1], $0x10, s23, s15, $0xb8;
	[tilespmem:$0x9000] =	vst v63  }
0x5c: {  	p0 =	sne.s32 s22, $0x9000;
	s22 =	sadd.s32 $0x6880, s21  }
0x5d: {  	[spmem:s2] =	stream.indirect.scatter.add.f32 [tilespmem:s12], [sflag:$0x1], $0x10, s22, s15, $0xb8;
	[tilespmem:$0x9000] =	vst v63  }
0x5e: {  	s22 =	sadd.s32 $0x6900, s21  }
0x5f: {  	[spmem:s2] =	stream.indirect.scatter.add.f32 [tilespmem:s12], [sflag:$0x1], $0x10, s22, s15, $0xb8;
	[tilespmem:$0x9000] =	vst v63  }
0x60: {  	s22 =	sadd.s32 $0x6980, s21  }
0x61: {  	[spmem:s2] =	stream.indirect.scatter.add.f32 [tilespmem:s12], [sflag:$0x1], $0x10, s22, s15, $0xb8;
	[tilespmem:$0x9000] =	vst v63  }
0x62: {  	s22 =	sadd.s32 $0x6A00, s21  }
0x63: {  	[spmem:s2] =	stream.indirect.scatter.add.f32 [tilespmem:s12], [sflag:$0x1], $0x10, s22, s15, $0xb8;
	[tilespmem:$0x9000] =	vst v63  }
0x64: {  	s22 =	sadd.s32 $0x6A80, s21  }
0x65: {  	[spmem:s2] =	stream.indirect.scatter.add.f32 [tilespmem:s12], [sflag:$0x1], $0x10, s22, s15, $0xb8;
	[tilespmem:$0x9000] =	vst v63  }
0x66: {  	s22 =	sadd.s32 $0x6B00, s21  }
0x67: {  	[spmem:s2] =	stream.indirect.scatter.add.f32 [tilespmem:s12], [sflag:$0x1], $0x10, s22, s15, $0xb8;
	[tilespmem:$0x9000] =	vst v63  }
0x68: {  	s21 =	sadd.s32 $0x6B80, s21  }
0x69: {  	[spmem:s2] =	stream.indirect.scatter.add.f32 [tilespmem:s12], [sflag:$0x1], $0x10, s21, s15, $0xb8;
	[tilespmem:$0x9000] =	vst v63  }
0x6a: {  	_ =	swait.ge [sflag:s16], $0x800  }
0x6b: {  	[sflag:s16] =	ssyncset.done $0x0  }
0x6c: {  	[sflag:s16] =	ssyncadd.s32 $0xFFFFF800  }
0x6d: {  	_ =	swait.ge [sflag:s16], $0x800  }
0x6e: {  	[sflag:s16] =	ssyncset.done $0x0  }
0x6f: {  	[sflag:s16] =	ssyncadd.s32 $0xFFFFF800  }
0x70: {  	_ =	swait.ge [sflag:s16], $0x800  }
0x71: {  	[sflag:s16] =	ssyncset.done $0x0  }
0x72: {  	[sflag:s16] =	ssyncadd.s32 $0xFFFFF800  }
0x73: {  	_ =	swait.ge [sflag:s16], $0x800  }
0x74: {  	[sflag:s16] =	ssyncset.done $0x0  }
0x75: {  	[sflag:s16] =	ssyncadd.s32 $0xFFFFF800  }
0x76: {  	_ =	swait.ge [sflag:s16], $0x800  }
0x77: {  	[sflag:s16] =	ssyncset.done $0x0  }
0x78: {  	[sflag:s16] =	ssyncadd.s32 $0xFFFFF800  }
0x79: {  	_ =	swait.ge [sflag:s16], $0x800  }
0x7a: {  	[sflag:s16] =	ssyncset.done $0x0  }
0x7b: {  	[sflag:s16] =	ssyncadd.s32 $0xFFFFF800  }
.Ltmp2:
0x7c: {  	_ =	swait.ge [sflag:s16], $0x800;
	(pc) =	sbr.rel @p0 .LBB2_6-.Ltmp2, $4  }
0x7d: {  	[sflag:s16] =	ssyncset.done $0x0  }
0x7e: {  	[sflag:s16] =	ssyncadd.s32 $0xFFFFF800  }
0x7f: {  	_ =	swait.ge [sflag:s16], $0x800  }
0x80: {  	s22 =	smov.u32 s19;
	s21 =	sshra.s32 s20, $0x2;
	[sflag:s16] =	ssyncset.done $0x0  }
0x81: {  	s19 =	sadd.s32 $0x6800, s21;
	[sflag:s16] =	ssyncadd.s32 $0xFFFFF800  }
0x82: {  	[spmem:s2] =	stream.indirect.scatter.add.f32 [tilespmem:s12], [sflag:$0x1], $0x10, s19, s15, $0xb8;
	[tilespmem:$0x9000] =	vst v63  }
0x83: {  	s24 =	sadd.s32 $0x6880, s21  }
0x84: {  	[spmem:s2] =	stream.indirect.scatter.add.f32 [tilespmem:s12], [sflag:$0x1], $0x10, s24, s15, $0xb8;
	[tilespmem:$0x9000] =	vst v63  }
0x85: {  	s25 =	sadd.s32 $0x6900, s21  }
0x86: {  	[spmem:s2] =	stream.indirect.scatter.add.f32 [tilespmem:s12], [sflag:$0x1], $0x10, s25, s15, $0xb8;
	[tilespmem:$0x9000] =	vst v63  }
0x87: {  	s26 =	sadd.s32 $0x6980, s21  }
0x88: {  	[spmem:s2] =	stream.indirect.scatter.add.f32 [tilespmem:s12], [sflag:$0x1], $0x10, s26, s15, $0xb8;
	[tilespmem:$0x9000] =	vst v63  }
0x89: {  	s28 =	sadd.s32 $0x6A00, s21  }
0x8a: {  	[spmem:s2] =	stream.indirect.scatter.add.f32 [tilespmem:s12], [sflag:$0x1], $0x10, s28, s15, $0xb8;
	[tilespmem:$0x9000] =	vst v63  }
0x8b: {  	s29 =	sadd.s32 $0x6A80, s21  }
0x8c: {  	[spmem:s2] =	stream.indirect.scatter.add.f32 [tilespmem:s12], [sflag:$0x1], $0x10, s29, s15, $0xb8;
	[tilespmem:$0x9000] =	vst v63  }
0x8d: {  	s30 =	sadd.s32 $0x6B00, s21  }
0x8e: {  	[spmem:s2] =	stream.indirect.scatter.add.f32 [tilespmem:s12], [sflag:$0x1], $0x10, s30, s15, $0xb8;
	[tilespmem:$0x9000] =	vst v63  }
0x8f: {  	s31 =	sadd.s32 $0x6B80, s21  }
0x90: {  	[spmem:s2] =	stream.indirect.scatter.add.f32 [tilespmem:s12], [sflag:$0x1], $0x10, s31, s15, $0xb8;
	[tilespmem:$0x9000] =	vst v63  }
0x91: {  	_ =	swait.ge [sflag:s16], $0x800  }
0x92: {  	[sflag:s16] =	ssyncset.done $0x0  }
0x93: {  	[sflag:s16] =	ssyncadd.s32 $0xFFFFF800  }
0x94: {  	_ =	swait.ge [sflag:s16], $0x800  }
0x95: {  	[sflag:s16] =	ssyncset.done $0x0  }
0x96: {  	[sflag:s16] =	ssyncadd.s32 $0xFFFFF800  }
0x97: {  	_ =	swait.ge [sflag:s16], $0x800  }
0x98: {  	[sflag:s16] =	ssyncset.done $0x0  }
0x99: {  	[sflag:s16] =	ssyncadd.s32 $0xFFFFF800  }
0x9a: {  	_ =	swait.ge [sflag:s16], $0x800  }
0x9b: {  	[sflag:s16] =	ssyncset.done $0x0  }
0x9c: {  	[sflag:s16] =	ssyncadd.s32 $0xFFFFF800  }
0x9d: {  	_ =	swait.ge [sflag:s16], $0x800  }
0x9e: {  	[sflag:s16] =	ssyncset.done $0x0  }
0x9f: {  	[sflag:s16] =	ssyncadd.s32 $0xFFFFF800  }
0xa0: {  	_ =	swait.ge [sflag:s16], $0x800  }
0xa1: {  	[sflag:s16] =	ssyncset.done $0x0  }
0xa2: {  	[sflag:s16] =	ssyncadd.s32 $0xFFFFF800  }
0xa3: {  	_ =	swait.ge [sflag:s16], $0x800  }
0xa4: {  	[sflag:s16] =	ssyncset.done $0x0  }
0xa5: {  	[sflag:s16] =	ssyncadd.s32 $0xFFFFF800  }
0xa6: {  	_ =	swait.ge [sflag:s16], $0x800  }
0xa7: {  	s3 =	sadd.s32 $0x1, s3;
	[sflag:s16] =	ssyncset.done $0x0  }
0xa8: {  	p0 =	sne.s32 s3, s7;
	[sflag:s16] =	ssyncadd.s32 $0xFFFFF800  }
.Ltmp3:
0xa9: {  	[bflag:$0x0] =	sbarrier.arrive $0xFFFF;
	(pc) =	sbr.rel @p0 .LBB2_1-.Ltmp3, $4  }
0xaa: {  	[hbm:s6], [sflag:s17] =	dma.local [spmem:s18], $0x2800  }
0xab: {  	_ =	swait.ge [sflag:s13], $0x2800  }
0xac: {  	[sflag:s13] =	ssyncset.done $0x0  }
0xad: {  	[sflag:s13] =	ssyncadd.s32 $0xFFFFD800  }
0xae: {  	_ =	sfence.sel $0x180000  }
0xaf: {  	[bflag:$0x0] =	sbarrier.arrive $0xFFFF  }
0xb0: {  	p0 =	sne.s32 s0, $0x0;
	_ =	strace $0x90000047  }
0xb1: {  	s0 =	sadd.s32 @!p0 $0x100000, s1;
	[bflag:$0x2] =	sbarrier.arrive $0xFFFF  }
0xb2: {  	[sflag:s0] =	ssyncadd.tile.s32 @!p0 $0x1;
	_ =	shalt  }
.Lfunc_end2:
_tile_overlayer_lowered:
.L_overlay_start_2:
0xb3: {  	(tag) =	ssettag $0x2  }
0xb4: {  	s0 =	rddreg [dreg:$0x0];
	s2 =	stileid.u32  }
0xb5: {  	s1 =	rddreg [dreg:$0x1];
	p0 =	sne.s32 s2, $0x0  }
0xb6: {  	s3 =	rddreg [dreg:$0x2];
	[bflag:$0x3] =	sbarrier.arrive $0xFFFF;
	s2 =	simm.s32 @!p0 $0x1C02  }
0xb7: {  	[timem:s3], [sflag:s2] =	dma.local @!p0 [hbm:s0], s1  }
0xb8: {  	s0 =	simm.s32 @!p0 $0x2  }
0xb9: {  	_ =	swait.ge @!p0 [sflag:s0], s1  }
0xba: {  	s1 =	ssub.s32 @!p0 $0x0, s1;
	[sflag:s0] =	ssyncset.done @!p0 $0x0  }
0xbb: {  	[sflag:s0] =	ssyncadd.s32 @!p0 s1  }
0xbc: {  	[bflag:$0x3] =	sbarrier.arrive $0xFFFF  }
0xbd: {  	_ =	shalt  }

// kernel: kernel.15.cloned.1.call-start
scs
__scs_entry_jumppad:
0x0: {  	(pc) =	sbr.rel $0x88, $3  }
0x1: {  	(tag) =	ssettag $0x0;
	lr =	simm.s32 $0x1  }
0x2: {  	[smem:$0x3F96] =	sst lr;
	_ =	strace $0xD0000000  }
0x3: {  	_ = 	snop  }
0x4: {  	_ = 	snop  }
0x5: {  	_ = 	snop  }
0x6: {  	_ = 	snop  }
0x7: {  	_ = 	snop  }
__scs_overlays_trampoline_lowered:
0x8: {  	[smem:$0x3FA5] =	sst s0  }
0x9: {  	[smem:$0x3FA6] =	sst s1  }
0xa: {  	[smem:$0x3FA7] =	sst s2  }
0xb: {  	[smem:$0x3FA8] =	sst s3  }
0xc: {  	[smem:$0x3FA9] =	sst s4  }
0xd: {  	[smem:$0x3FAA] =	sst s5  }
0xe: {  	[smem:$0x3FAB] =	sst s6  }
0xf: {  	[smem:$0x3FAC] =	sst s7  }
0x10: {  	[smem:$0x3FAD] =	sst s8  }
0x11: {  	[smem:$0x3FAE] =	sst s9;
	s0 =	simm.s32 @!p0 $0x0  }
0x12: {  	s1 =	sld [smem:$0x3F94];
	s0 =	simm.s32 @p0 $0x1  }
0x13: {  	[smem:$0x3FAF] =	sst s0;
	s0 =	simm.s32 @!p1 $0x0  }
0x14: {  	s2 =	sld [smem:$0x3F93];
	s0 =	simm.s32 @p1 $0x1  }
0x15: {  	[smem:$0x3FB0] =	sst s0;
	s0 =	simm.s32 @!p2 $0x0  }
0x16: {  	s3 =	sld [smem:$0x3FDB];
	s0 =	simm.s32 @p2 $0x1  }
0x17: {  	s4 =	simm.s32 $0x1BF5;
	[smem:$0x3FB2] =	sst s0  }
0x18: {  	s0 =	sld [smem:$0x3F95];
	_ =	swait.ge [sflag:s4], $0x0  }
0x19: {  	s7 =	sld [smem:$0x3F96]  }
0x1a: {  	s8 =	sadd.s32 $0xFFFFE003, lr  }
0x1b: {  	s9 =	sadd.s32 $0xFFFFFEF7, lr;
	s5 =	simm.s32 $0xFFFFFFFF;
	p2 =	slt.u32 s8, $0xFFFFF086  }
0x1c: {  	p1 =	slt.u32 s9, $0xF7A;
	s5 =	simm.s32 @!p2 $0x0  }
0x1d: {  	s5 =	simm.s32 @p1 $0x1;
	p0 =	seq.s32 s7, s2  }
0x1e: {  	s7 =	smul.u32 @!p0 $0xF7A, s2;
	p2 =	seq.s32 @!p0 s5, $0x0  }
0x1f: {  	s9 =	smul.u32 $0xF7A, s1;
	s8 =	simm.s32 @!p0 $0x1BF5;
	p2 =	por !p2, p0  }
0x20: {  	[sflag:s8] =	ssyncset.s32 @!p0 $0xFFFFF086;
	s6 =	sadd.s32 @!p0 s3, s7;
	s7 =	simm.s32 @!p0 $0x108  }
0x21: {  	s3 =	sadd.s32 s3, s9;
	s6 =	sadd.s32 @!p0 $0x88, s6;
	s7 =	simm.s32 @p2 $0x1082  }
0x22: {  	[simem:s7], [sflag:s8] =	dma.local @!p0 [hbm:s6], $0xF7A  }
0x23: {  	s9 =	sor.u32 $0xD0000000, s2;
	s6 =	simm.s32 $0x108;
	_ =	swait.ge @!p0 [sflag:s8], $0x0  }
0x24: {  	s3 =	sadd.s32 $0x88, s3;
	s6 =	simm.s32 @!p1 $0x1082;
	[sflag:s4] =	ssyncset.s32 $0xFFFFF086  }
0x25: {  	[simem:s6], [sflag:s4] =	dma.local [hbm:s3], $0xF7A  }
0x26: {  	[smem:$0x3F96] =	sst s1;
	(tag) =	ssettag s2;
	_ =	strace s9  }
0x27: {  	s1 =	sld [smem:$0x3FA6]  }
0x28: {  	s2 =	sld [smem:$0x3FA7]  }
0x29: {  	s4 =	sld [smem:$0x3FA9]  }
0x2a: {  	p0 =	seq.s32 s5, $0x0;
	s5 =	sld [smem:$0x3FAA]  }
0x2b: {  	s6 =	sld [smem:$0x3FAB]  }
0x2c: {  	s7 =	sld [smem:$0x3FAC]  }
0x2d: {  	s3 =	simm.s32 $0x108;
	s8 =	sld [smem:$0x3FAD]  }
0x2e: {  	s3 =	simm.s32 @!p0 $0x1082;
	s9 =	sld [smem:$0x3FAE]  }
0x2f: {  	lr =	sadd.s32 s0, s3;
	s0 =	sld [smem:$0x3FA5]  }
0x30: {  	s3 =	sld [smem:$0x3FA8]  }
0x31: {  	[smem:$0x3FB1] =	sst s10  }
0x32: {  	s10 =	sld [smem:$0x3FAF];
	_ =	sdelay $0x3  }
0x33: {  	p0 =	seq.s32 s10, $0x1;
	s10 =	sld [smem:$0x3FB1];
	_ =	sdelay $0x3  }
0x34: {  	[smem:$0x3FB1] =	sst s10  }
0x35: {  	s10 =	sld [smem:$0x3FB0];
	_ =	sdelay $0x3  }
0x36: {  	p1 =	seq.s32 s10, $0x1;
	s10 =	sld [smem:$0x3FB1];
	_ =	sdelay $0x3  }
0x37: {  	[smem:$0x3FB1] =	sst s10  }
0x38: {  	s10 =	sld [smem:$0x3FB2]  }
0x39: {  	_ = 	snop;
	(pc) =	sbr.ind lr, $3  }
0x3a: {  	_ = 	snop  }
0x3b: {  	_ = 	snop  }
0x3c: {  	p2 =	seq.s32 s10, $0x1;
	s10 =	sld [smem:$0x3FB1]  }
0x3d: {  	_ =	shalt  }
0x3e: {  	_ =	shalt  }
0x3f: {  	_ =	shalt  }
0x40: {  	_ =	shalt  }
0x41: {  	_ =	shalt  }
0x42: {  	_ =	shalt  }
0x43: {  	_ =	shalt  }
0x44: {  	_ =	shalt  }
0x45: {  	_ =	shalt  }
0x46: {  	_ =	shalt  }
0x47: {  	_ =	shalt  }
0x48: {  	_ =	shalt  }
0x49: {  	_ =	shalt  }
0x4a: {  	_ =	shalt  }
0x4b: {  	_ =	shalt  }
0x4c: {  	_ =	shalt  }
0x4d: {  	_ =	shalt  }
0x4e: {  	_ =	shalt  }
0x4f: {  	_ =	shalt  }
0x50: {  	_ =	shalt  }
0x51: {  	_ =	shalt  }
0x52: {  	_ =	shalt  }
0x53: {  	_ =	shalt  }
0x54: {  	_ =	shalt  }
0x55: {  	_ =	shalt  }
0x56: {  	_ =	shalt  }
0x57: {  	_ =	shalt  }
0x58: {  	_ =	shalt  }
0x59: {  	_ =	shalt  }
0x5a: {  	_ =	shalt  }
0x5b: {  	_ =	shalt  }
0x5c: {  	_ =	shalt  }
0x5d: {  	_ =	shalt  }
0x5e: {  	_ =	shalt  }
0x5f: {  	_ =	shalt  }
0x60: {  	_ =	shalt  }
0x61: {  	_ =	shalt  }
0x62: {  	_ =	shalt  }
0x63: {  	_ =	shalt  }
0x64: {  	_ =	shalt  }
0x65: {  	_ =	shalt  }
0x66: {  	_ =	shalt  }
0x67: {  	_ =	shalt  }
0x68: {  	_ =	shalt  }
0x69: {  	_ =	shalt  }
0x6a: {  	_ =	shalt  }
0x6b: {  	_ =	shalt  }
0x6c: {  	_ =	shalt  }
0x6d: {  	_ =	shalt  }
0x6e: {  	_ =	shalt  }
0x6f: {  	_ =	shalt  }
0x70: {  	_ =	shalt  }
0x71: {  	_ =	shalt  }
0x72: {  	_ =	shalt  }
0x73: {  	_ =	shalt  }
0x74: {  	_ =	shalt  }
0x75: {  	_ =	shalt  }
0x76: {  	_ =	shalt  }
0x77: {  	_ =	shalt  }
0x78: {  	_ =	shalt  }
0x79: {  	_ =	shalt  }
0x7a: {  	_ =	shalt  }
0x7b: {  	_ =	shalt  }
0x7c: {  	_ =	shalt  }
0x7d: {  	_ =	shalt  }
0x7e: {  	_ =	shalt  }
0x7f: {  	_ =	shalt  }
0x80: {  	_ =	shalt  }
0x81: {  	_ =	shalt  }
0x82: {  	_ =	shalt  }
0x83: {  	_ =	shalt  }
0x84: {  	_ =	shalt  }
0x85: {  	_ =	shalt  }
0x86: {  	_ =	shalt  }
0x87: {  	_ =	shalt  }
.Lfunc_end0:
.L_simem_size_0:
called_computation.1_lowered:
.L_overlay_start_0:
0x88: {  	s2 =	sld [smem:$0x3FD9]  }
0x89: {  	s3 =	sld [smem:$0x3FFE];
	_ =	sdelay $0x1  }
0x8a: {  	s1 =	srdreg.scid  }
0x8b: {  	s0 =	sand.u32 $0x1, s1  }
0x8c: {  	s16 =	sshll.u32 s0, $0xA;
	s2 =	sadd.s32 s3, s2  }
0x8d: {  	s2 =	sadd.s32 s2, s16  }
0x8e: {  	[smem:$0x3FBD] =	sst s2  }
0x8f: {  	_ = 	snop  }
0x90: {  	(tm) =	ssettm $0x1  }
0x91: {  	s17 =	sld [smem:$0x3FFB];
	_ =	sdelay $0x3  }
0x92: {  	_ =	strace s17  }
0x93: {  	s2 =	sld [smem:$0x3FFC];
	_ =	sdelay $0x3  }
0x94: {  	_ =	strace s2  }
0x95: {  	s2 =	sld [smem:$0x3FFD];
	_ =	sdelay $0x3  }
0x96: {  	_ =	strace s2  }
0x97: {  	_ =	strace $0x8FFFFFFF  }
0x98: {  	s18 =	sld [smem:$0x3FDB];
	_ =	sdelay $0x1  }
0x99: {  	s19 =	simm.s32 $_scs_section_size  }
0x9a: {  	s4 =	simm.s32 $_size__tile_overlayer_lowered;
	s5 =	simm.s32 $_tile_overlayer_lowered  }
0x9b: {  	s22 =	simm.s32 $0x1BFF;
	s21 =	sshll.u32 s5, $0x1;
	s2 =	sadd.s32 s19, s18  }
0x9c: {  	s6 =	simm.s32 $0x0;
	s20 =	sshll.u32 s4, $0x1;
	s4 =	sadd.s32 s21, s2  }
0x9d: {  	[timem:s6], [sflag:s22] =	dma.local [hbm:s4], s20  }
0x9e: {  	_ =	swait.ge [sflag:s22], s20  }
0x9f: {  	s3 =	ssub.s32 $0x0, s20;
	[sflag:s22] =	ssyncset.done $0x0  }
0xa0: {  	[sflag:s22] =	ssyncadd.s32 s3;
	_ =	sdelay $0x1  }
0xa1: {  	s23 =	simm.s32 $0x1B8B  }
0xa2: {  	_ =	swait.ge [sflag:s23], $0x1  }
0xa3: {  	[sflag:s23] =	ssyncset.done $0x0  }
0xa4: {  	s25 =	simm.s32 $0x1B8E;
	s24 =	sld [smem:$0x3FFE];
	[sflag:s23] =	ssyncadd.s32 $0xFFFFFFFF  }
0xa5: {  	s26 =	simm.s32 $execute0_lowered;
	[smem:$0x3FD2] =	sst s25  }
0xa6: {  	s4 =	sshll.u32 s26, $0x1;
	_ =	strace $0x80000049;
	[dreg:$0x1] =	wrdreg $0xFFFFFFFF  }
0xa7: {  	s28 =	simm.s32 $_size_execute0_lowered;
	s2 =	sadd.s32 s2, s4;
	[dreg:$0x0] =	wrdreg $0x0  }
0xa8: {  	s4 =	sshll.u32 s28, $0x1;
	[dreg:$0x2] =	wrdreg s2  }
0xa9: {  	[dreg:$0x3] =	wrdreg s4  }
0xaa: {  	[dreg:$0x4] =	wrdreg $0xC0  }
0xab: {  	_ =	task [dreg:s6], $0x5FFFF  }
0xac: {  	[dreg:$0x1] =	wrdreg $0xFFFFFFFF  }
0xad: {  	[dreg:$0x0] =	wrdreg $0x60  }
0xae: {  	[dreg:$0x2] =	wrdreg s24  }
0xaf: {  	[dreg:$0x3] =	wrdreg $0x0  }
0xb0: {  	[dreg:$0x4] =	wrdreg $0x50000  }
0xb1: {  	[dreg:$0x5] =	wrdreg $0x9  }
0xb2: {  	_ =	task.clear_ibuf [dreg:s6], $0x6FFFF;
	_ =	strace $0x90000049  }
0xb3: {  	s29 =	simm.s32 $0x9;
	_ =	strace $0x8000004B  }
0xb4: {  	_ =	swait.ge [sflag:s29], $0x1  }
0xb5: {  	[sflag:s29] =	ssyncadd.s32 $0xFFFFFFFF  }
0xb6: {  	_ =	strace $0x9000004B  }
0xb7: {  	_ =	sfence  }
0xb8: {  	s30 =	sld [smem:$0x0];
	_ =	sdelay $0x2  }
0xb9: {  	s31 =	sshll.u32 s1, $0xD;
	s1 =	sshrl.u32 s1, $0x2  }
0xba: {  	s3 =	sand.u32 $0x4000, s31;
	s1 =	sadd.s32 s1, s30  }
0xbb: {  	s0 =	sor.u32 s3, s0;
	s1 =	sshll.u32 s1, $0x11  }
0xbc: {  	s0 =	sor.u32 s1, s0  }
0xbd: {  	s0 =	sadd.s32 $0x8F2B, s0  }
0xbe: {  	[sflag:s0] =	ssyncadd.remote.s32 $0x1  }
0xbf: {  	_ =	sfence.sel $0xFFFF  }
0xc0: {  	[dreg:$0x0] =	wrdreg $0xFFFFFFFF;
	(pc) =	sbr.abs _section_cstart, $3  }
0xc1: {  	[dreg:$0x1] =	wrdreg $0xFFFFFFFF  }
0xc2: {  	_ =	task.clear_ibuf [dreg:s6], $0x2FFFF;
	_ =	strace $0x9FFFFFFF  }
0xc3: {  	(tm) =	ssettm $0x7FFFFFFF  }
tec
execute0_lowered:
.L_overlay_start_1:
0x0: {  	(tag) =	ssettag $0x1  }
0x1: {  	s0 =	rddreg [dreg:$0x0]  }
0x2: {  	s2 =	rddreg [dreg:$0x1]  }
0x3: {  	s3 =	rddreg [dreg:$0x2]  }
0x4: {  	s17 =	stileid.u32;
	s1 =	srdreg.scid  }
0x5: {  	s4 =	simm.s32 $0x0;
	s15 =	simm.s32 $0xA000;
	s16 =	simm.s32 $0x9  }
0x6: {  	s19 =	simm.s32 $0x1A000;
	s29 =	simm.s32 $0x16000;
	s30 =	simm.s32 $0x1  }
0x7: {  	s31 =	simm.s32 $0x2;
	s28 =	simm.s32 $0x8;
	s6 =	smul.u32 $0x14000, s17  }
0x8: {  	s1 =	sand.u32 $0x1, s1;
	[smem:$0x7FF] =	sst s4;
	s9 =	smul.u32 $0x50000, s17  }
0x9: {  	s26 =	sshll.u32 s17, $0x6;
	s5 =	sshll.u32 s1, $0x4;
	s8 =	smul.u32 $0x140000, s1  }
0xa: {  	_ =	strace $0x8000004A;
	s1 =	ssub.s32 $0x2, s1;
	s7 =	sshrl.u32 s6, $0x3  }
0xb: {  	s5 =	sor.u32 s17, s5;
	s21 =	sshrl.u32 s1, $0x1;
	s22 =	sshrl.u32 s9, $0x2  }
0xc: {  	s18 =	sadd.s32 s6, s2;
	s25 =	sadd.s32 s6, s3;
	s17 =	sor.u32 $0x1C09, s26  }
0xd: {  	s26 =	simm.s32 $0x12000;
	s7 =	sadd.s32 s7, s0;
	s5 =	smul.u32 $0x500, s5  }
0xe: {  	s8 =	sadd.s32 s6, s8;
	s1 =	ssub.s32 s1, s21;
	s18 =	sshrl.u32 s18, $0x3  }
0xf: {  	s21 =	simm.s32 $0x80;
	s25 =	sshrl.u32 s25, $0x3;
	s20 =	sshrl.u32 s8, $0x3  }
0x10: {  	s7 =	sadd.s32 $0x16C00, s7;
	s10 =	sadd.s32 s5, s0;
	s0 =	sadd.s32 s20, s0  }
0x11: {  	s5 =	sadd.s32 s22, s3;
	[dreg:$0x4] =	wrdreg s7;
	s20 =	simm.s32 $0x5  }
0x12: {  	s22 =	simm.s32 $0x6;
	s23 =	sadd.s32 $0x2C00, s10;
	s24 =	sadd.s32 $0xCC00, s10  }
0x13: {  	s9 =	sadd.s32 $0x3EC00, s0;
	s10 =	smax.u32 s1, $0x1;
	s11 =	sadd.s32 $0x4000, s5  }
0x14: {  	s12 =	sadd.s32 $0x8000, s5;
	s13 =	sadd.s32 $0xC000, s5;
	s14 =	sadd.s32 $0x10000, s5  }
0x15: {  	s0 =	simm.s32 $0x3;
	s1 =	simm.s32 $0x4;
	[dreg:$0x5] =	wrdreg s23  }
0x16: {  	v0 =	vimm.f32 $0.0e+00;
	[dreg:$0x6] =	wrdreg s24;
	s23 =	simm.s32 $0xE000;
	s24 =	simm.s32 $0x7  }
.LBB2_1:
0x17: {  	s6 =	simm.s32 $0x200;
	s7 =	simm.s32 $0x0  }
.LBB2_2:
0x18: {  	p0 =	sne.s32 s6, $0xFE00;
	[tilespmem:s7+$0xA000] =	vst v0;
	s8 =	smov.u32 s6;
	s6 =	sadd.s32 $0x200, s6  }
.Ltmp0:
0x19: {  	[tilespmem:s7+$0xA010] =	vst v0;
	(pc) =	sbr.rel @p0 .LBB2_2-.Ltmp0, $2  }
0x1a: {  	_ =	sdelay $0x2  }
0x1b: {  	s7 =	sshra.s32 s8, $0x2  }
0x1c: {  	[tilespmem:s7+$0xA000] =	vst v0  }
0x1d: {  	[tilespmem:s7+$0xA010] =	vst v0  }
0x1e: {  	[spmem:s5] =	stream.linear.scatter [tilespmem:s15], [sflag:$0x9], $0x4000, $0x38;
	[tilespmem:$0x1F000] =	vst v63  }
0x1f: {  	_ =	swait.ge [sflag:s16], $0x4000  }
0x20: {  	[sflag:s16] =	ssyncset.done $0x0  }
0x21: {  	[sflag:s16] =	ssyncadd.s32 $0xFFFFC000  }
0x22: {  	[spmem:s11] =	stream.linear.scatter [tilespmem:s15], [sflag:$0x9], $0x4000, $0x38;
	[tilespmem:$0x1F000] =	vst v63  }
0x23: {  	_ =	swait.ge [sflag:s16], $0x4000  }
0x24: {  	[sflag:s16] =	ssyncset.done $0x0  }
0x25: {  	[sflag:s16] =	ssyncadd.s32 $0xFFFFC000  }
0x26: {  	[spmem:s12] =	stream.linear.scatter [tilespmem:s15], [sflag:$0x9], $0x4000, $0x38;
	[tilespmem:$0x1F000] =	vst v63  }
0x27: {  	_ =	swait.ge [sflag:s16], $0x4000  }
0x28: {  	[sflag:s16] =	ssyncset.done $0x0  }
0x29: {  	[sflag:s16] =	ssyncadd.s32 $0xFFFFC000  }
0x2a: {  	[spmem:s13] =	stream.linear.scatter [tilespmem:s15], [sflag:$0x9], $0x4000, $0x38;
	[tilespmem:$0x1F000] =	vst v63  }
0x2b: {  	_ =	swait.ge [sflag:s16], $0x4000  }
0x2c: {  	[sflag:s16] =	ssyncset.done $0x0  }
0x2d: {  	[sflag:s16] =	ssyncadd.s32 $0xFFFFC000  }
0x2e: {  	[spmem:s14] =	stream.linear.scatter [tilespmem:s15], [sflag:$0x9], $0x4000, $0x38;
	[tilespmem:$0x1F000] =	vst v63  }
0x2f: {  	_ =	swait.ge [sflag:s16], $0x4000  }
0x30: {  	[sflag:s16] =	ssyncset.done $0x0  }
0x31: {  	s6 =	rddreg [dreg:$0x4];
	[sflag:s16] =	ssyncadd.s32 $0xFFFFC000  }
0x32: {  	[spmem:s18], [sflag:s17] =	dma.local [hbm:s6], $0x2800  }
0x33: {  	_ =	swait.ge [sflag:s16], $0x2800  }
0x34: {  	[sflag:s16] =	ssyncset.done $0x0  }
0x35: {  	s6 =	simm.s32 $0x0;
	s8 =	rddreg [dreg:$0x5];
	[sflag:s16] =	ssyncadd.s32 $0xFFFFD800  }
0x36: {  	[tilespmem:s19], [sflag:$0x9] =	stream.linear.gather [hbm4b:s8+s6], $0x2800, $0x38;
	[tilespmem:$0x1F000] =	vst v63  }
0x37: {  	_ =	swait.ge [sflag:s16], $0x2800  }
0x38: {  	[sflag:s16] =	ssyncset.done $0x0  }
0x39: {  	s8 =	simm.s32 $0x1C800;
	s7 =	rddreg [dreg:$0x6];
	[sflag:s16] =	ssyncadd.s32 $0xFFFFD800  }
0x3a: {  	[tilespmem:s8], [sflag:$0x9] =	stream.linear.gather [hbm4b:s7+s6], $0x2800, $0x38;
	[tilespmem:$0x1F000] =	vst v63  }
0x3b: {  	_ =	swait.ge [sflag:s16], $0x2800  }
0x3c: {  	[sflag:s16] =	ssyncset.done $0x0  }
0x3d: {  	[sflag:s16] =	ssyncadd.s32 $0xFFFFD800  }
0x3e: {  	[bflag:$0x0] =	sbarrier.arrive $0xFFFF  }
0x3f: {  	[tilespmem:s15], [sflag:$0x1] =	stream.indirect.gather [spmem:s2], $0x20, s19, s21, $0xb8;
	[tilespmem:$0x1F000] =	vst v63  }
0x40: {  	s7 =	simm.s32 $0x1A080  }
0x41: {  	[tilespmem:s23], [sflag:$0x2] =	stream.indirect.gather [spmem:s2], $0x20, s7, s21, $0xb8;
	[tilespmem:$0x1F000] =	vst v63  }
0x42: {  	s8 =	simm.s32 $0x1A100  }
0x43: {  	[tilespmem:s26], [sflag:$0x3] =	stream.indirect.gather [spmem:s2], $0x20, s8, s21, $0xb8;
	[tilespmem:$0x1F000] =	vst v63  }
0x44: {  	s7 =	simm.s32 $0x1A180  }
0x45: {  	[tilespmem:s29], [sflag:$0x4] =	stream.indirect.gather [spmem:s2], $0x20, s7, s21, $0xb8;
	[tilespmem:$0x1F000] =	vst v63  }
0x46: {  	_ =	swait.ge [sflag:s30], $0x1000  }
0x47: {  	[sflag:s30] =	ssyncset.done $0x0  }
0x48: {  	s8 =	simm.s32 $0x1C800;
	[sflag:s30] =	ssyncadd.s32 $0xFFFFF000  }
0x49: {  	[spmem:s3] =	stream.indirect.scatter.add.f32 [tilespmem:s15], [sflag:$0x5], $0x20, s8, s21, $0xb8;
	[tilespmem:$0x1F000] =	vst v63  }
0x4a: {  	_ =	swait.ge [sflag:s31], $0x1000  }
0x4b: {  	[sflag:s31] =	ssyncset.done $0x0  }
0x4c: {  	s7 =	simm.s32 $0x1C880;
	[sflag:s31] =	ssyncadd.s32 $0xFFFFF000  }
0x4d: {  	[spmem:s3] =	stream.indirect.scatter.add.f32 [tilespmem:s23], [sflag:$0x6], $0x20, s7, s21, $0xb8;
	[tilespmem:$0x1F000] =	vst v63  }
0x4e: {  	_ =	swait.ge [sflag:s0], $0x1000  }
0x4f: {  	[sflag:s0] =	ssyncset.done $0x0  }
0x50: {  	s8 =	simm.s32 $0x1C900;
	[sflag:s0] =	ssyncadd.s32 $0xFFFFF000  }
0x51: {  	[spmem:s3] =	stream.indirect.scatter.add.f32 [tilespmem:s26], [sflag:$0x7], $0x20, s8, s21, $0xb8;
	[tilespmem:$0x1F000] =	vst v63  }
0x52: {  	_ =	swait.ge [sflag:s1], $0x1000  }
0x53: {  	[sflag:s1] =	ssyncset.done $0x0  }
0x54: {  	s7 =	simm.s32 $0x1C980;
	[sflag:s1] =	ssyncadd.s32 $0xFFFFF000  }
0x55: {  	[spmem:s3] =	stream.indirect.scatter.add.f32 [tilespmem:s29], [sflag:$0x8], $0x20, s7, s21, $0xb8;
	[tilespmem:$0x1F000] =	vst v63  }
0x56: {  	_ =	swait.ge [sflag:s20], $0x1000  }
0x57: {  	[sflag:s20] =	ssyncset.done $0x0  }
0x58: {  	s8 =	simm.s32 $0x1A200;
	[sflag:s20] =	ssyncadd.s32 $0xFFFFF000  }
0x59: {  	[tilespmem:s15], [sflag:$0x1] =	stream.indirect.gather [spmem:s2], $0x20, s8, s21, $0xb8;
	[tilespmem:$0x1F000] =	vst v63  }
0x5a: {  	_ =	swait.ge [sflag:s22], $0x1000  }
0x5b: {  	[sflag:s22] =	ssyncset.done $0x0  }
0x5c: {  	s7 =	simm.s32 $0x1A280;
	[sflag:s22] =	ssyncadd.s32 $0xFFFFF000  }
0x5d: {  	[tilespmem:s23], [sflag:$0x2] =	stream.indirect.gather [spmem:s2], $0x20, s7, s21, $0xb8;
	[tilespmem:$0x1F000] =	vst v63  }
0x5e: {  	_ =	swait.ge [sflag:s24], $0x1000  }
0x5f: {  	[sflag:s24] =	ssyncset.done $0x0  }
0x60: {  	s8 =	simm.s32 $0x1A300;
	[sflag:s24] =	ssyncadd.s32 $0xFFFFF000  }
0x61: {  	[tilespmem:s26], [sflag:$0x3] =	stream.indirect.gather [spmem:s2], $0x20, s8, s21, $0xb8;
	[tilespmem:$0x1F000] =	vst v63  }
0x62: {  	_ =	swait.ge [sflag:s28], $0x1000  }
0x63: {  	[sflag:s28] =	ssyncset.done $0x0  }
0x64: {  	s6 =	simm.s32 $0x800;
	s7 =	simm.s32 $0x1A380;
	[sflag:s28] =	ssyncadd.s32 $0xFFFFF000  }
.LBB2_4:
0x65: {  	[tilespmem:s29], [sflag:$0x4] =	stream.indirect.gather [spmem:s2], $0x20, s7, s21, $0xb8;
	[tilespmem:$0x1F000] =	vst v63  }
0x66: {  	s7 =	smov.u32 s6  }
0x67: {  	p0 =	sne.s32 s6, $0x9000;
	s6 =	sadd.s32 $0x800, s6;
	_ =	swait.ge [sflag:s30], $0x1000  }
0x68: {  	s7 =	sshra.s32 s7, $0x2;
	[sflag:s30] =	ssyncset.done $0x0  }
0x69: {  	s8 =	sadd.s32 $0x1C800, s7;
	[sflag:s30] =	ssyncadd.s32 $0xFFFFF000  }
0x6a: {  	[spmem:s3] =	stream.indirect.scatter.add.f32 [tilespmem:s15], [sflag:$0x5], $0x20, s8, s21, $0xb8;
	[tilespmem:$0x1F000] =	vst v63  }
0x6b: {  	_ =	swait.ge [sflag:s31], $0x1000  }
0x6c: {  	[sflag:s31] =	ssyncset.done $0x0  }
0x6d: {  	s8 =	sadd.s32 $0x1C880, s7;
	[sflag:s31] =	ssyncadd.s32 $0xFFFFF000  }
0x6e: {  	[spmem:s3] =	stream.indirect.scatter.add.f32 [tilespmem:s23], [sflag:$0x6], $0x20, s8, s21, $0xb8;
	[tilespmem:$0x1F000] =	vst v63  }
0x6f: {  	_ =	swait.ge [sflag:s0], $0x1000  }
0x70: {  	[sflag:s0] =	ssyncset.done $0x0  }
0x71: {  	s8 =	sadd.s32 $0x1C900, s7;
	[sflag:s0] =	ssyncadd.s32 $0xFFFFF000  }
0x72: {  	[spmem:s3] =	stream.indirect.scatter.add.f32 [tilespmem:s26], [sflag:$0x7], $0x20, s8, s21, $0xb8;
	[tilespmem:$0x1F000] =	vst v63  }
0x73: {  	_ =	swait.ge [sflag:s1], $0x1000  }
0x74: {  	[sflag:s1] =	ssyncset.done $0x0  }
0x75: {  	s8 =	sadd.s32 $0x1C980, s7;
	[sflag:s1] =	ssyncadd.s32 $0xFFFFF000  }
0x76: {  	[spmem:s3] =	stream.indirect.scatter.add.f32 [tilespmem:s29], [sflag:$0x8], $0x20, s8, s21, $0xb8;
	[tilespmem:$0x1F000] =	vst v63  }
0x77: {  	_ =	swait.ge [sflag:s20], $0x1000  }
0x78: {  	[sflag:s20] =	ssyncset.done $0x0  }
0x79: {  	s8 =	sadd.s32 $0x1A200, s7;
	[sflag:s20] =	ssyncadd.s32 $0xFFFFF000  }
0x7a: {  	[tilespmem:s15], [sflag:$0x1] =	stream.indirect.gather [spmem:s2], $0x20, s8, s21, $0xb8;
	[tilespmem:$0x1F000] =	vst v63  }
0x7b: {  	_ =	swait.ge [sflag:s22], $0x1000  }
0x7c: {  	[sflag:s22] =	ssyncset.done $0x0  }
0x7d: {  	s8 =	sadd.s32 $0x1A280, s7;
	[sflag:s22] =	ssyncadd.s32 $0xFFFFF000  }
0x7e: {  	[tilespmem:s23], [sflag:$0x2] =	stream.indirect.gather [spmem:s2], $0x20, s8, s21, $0xb8;
	[tilespmem:$0x1F000] =	vst v63  }
0x7f: {  	_ =	swait.ge [sflag:s24], $0x1000  }
0x80: {  	[sflag:s24] =	ssyncset.done $0x0  }
.Ltmp1:
0x81: {  	s8 =	sadd.s32 $0x1A300, s7;
	[sflag:s24] =	ssyncadd.s32 $0xFFFFF000;
	(pc) =	sbr.rel @p0 .LBB2_4-.Ltmp1, $4  }
0x82: {  	[tilespmem:s26], [sflag:$0x3] =	stream.indirect.gather [spmem:s2], $0x20, s8, s21, $0xb8;
	[tilespmem:$0x1F000] =	vst v63  }
0x83: {  	_ =	swait.ge [sflag:s28], $0x1000  }
0x84: {  	[sflag:s28] =	ssyncset.done $0x0  }
0x85: {  	s7 =	sadd.s32 $0x1A380, s7;
	[sflag:s28] =	ssyncadd.s32 $0xFFFFF000  }
0x86: {  	[tilespmem:s29], [sflag:$0x4] =	stream.indirect.gather [spmem:s2], $0x20, s7, s21, $0xb8;
	[tilespmem:$0x1F000] =	vst v63  }
0x87: {  	_ =	swait.ge [sflag:s30], $0x1000  }
0x88: {  	[sflag:s30] =	ssyncset.done $0x0  }
0x89: {  	s6 =	simm.s32 $0x1EE00;
	[sflag:s30] =	ssyncadd.s32 $0xFFFFF000  }
0x8a: {  	[spmem:s3] =	stream.indirect.scatter.add.f32 [tilespmem:s15], [sflag:$0x5], $0x20, s6, s21, $0xb8;
	[tilespmem:$0x1F000] =	vst v63  }
0x8b: {  	_ =	swait.ge [sflag:s31], $0x1000  }
0x8c: {  	[sflag:s31] =	ssyncset.done $0x0  }
0x8d: {  	s8 =	simm.s32 $0x1EE80;
	[sflag:s31] =	ssyncadd.s32 $0xFFFFF000  }
0x8e: {  	[spmem:s3] =	stream.indirect.scatter.add.f32 [tilespmem:s23], [sflag:$0x6], $0x20, s8, s21, $0xb8;
	[tilespmem:$0x1F000] =	vst v63  }
0x8f: {  	_ =	swait.ge [sflag:s0], $0x1000  }
0x90: {  	[sflag:s0] =	ssyncset.done $0x0  }
0x91: {  	s7 =	simm.s32 $0x1EF00;
	[sflag:s0] =	ssyncadd.s32 $0xFFFFF000  }
0x92: {  	[spmem:s3] =	stream.indirect.scatter.add.f32 [tilespmem:s26], [sflag:$0x7], $0x20, s7, s21, $0xb8;
	[tilespmem:$0x1F000] =	vst v63  }
0x93: {  	_ =	swait.ge [sflag:s1], $0x1000  }
0x94: {  	[sflag:s1] =	ssyncset.done $0x0  }
0x95: {  	s8 =	simm.s32 $0x1EF80;
	[sflag:s1] =	ssyncadd.s32 $0xFFFFF000  }
0x96: {  	[spmem:s3] =	stream.indirect.scatter.add.f32 [tilespmem:s29], [sflag:$0x8], $0x20, s8, s21, $0xb8;
	[tilespmem:$0x1F000] =	vst v63  }
0x97: {  	_ =	swait.ge [sflag:s20], $0x1000  }
0x98: {  	[sflag:s20] =	ssyncset.done $0x0  }
0x99: {  	[sflag:s20] =	ssyncadd.s32 $0xFFFFF000  }
0x9a: {  	_ =	swait.ge [sflag:s22], $0x1000  }
0x9b: {  	[sflag:s22] =	ssyncset.done $0x0  }
0x9c: {  	[sflag:s22] =	ssyncadd.s32 $0xFFFFF000  }
0x9d: {  	_ =	swait.ge [sflag:s24], $0x1000  }
0x9e: {  	[sflag:s24] =	ssyncset.done $0x0  }
0x9f: {  	[sflag:s24] =	ssyncadd.s32 $0xFFFFF000  }
0xa0: {  	_ =	swait.ge [sflag:s28], $0x1000  }
0xa1: {  	s4 =	sadd.s32 $0x1, s4;
	[sflag:s28] =	ssyncset.done $0x0  }
0xa2: {  	p0 =	sne.s32 s4, s10;
	[sflag:s28] =	ssyncadd.s32 $0xFFFFF000  }
.Ltmp2:
0xa3: {  	[bflag:$0x0] =	sbarrier.arrive $0xFFFF;
	(pc) =	sbr.rel @p0 .LBB2_1-.Ltmp2, $4  }
0xa4: {  	[hbm:s9], [sflag:s17] =	dma.local [spmem:s25], $0x2800  }
0xa5: {  	_ =	swait.ge [sflag:s16], $0x2800  }
0xa6: {  	[sflag:s16] =	ssyncset.done $0x0  }
0xa7: {  	[sflag:s16] =	ssyncadd.s32 $0xFFFFD800  }
0xa8: {  	_ =	sfence.sel $0x180000  }
0xa9: {  	[bflag:$0x0] =	sbarrier.arrive $0xFFFF  }
0xaa: {  	_ =	strace $0x9000004A  }
0xab: {  	s0 =	stileid.u32;
	[bflag:$0x2] =	sbarrier.arrive $0xFFFF  }
0xac: {  	p0 =	sne.s32 s0, $0x0;
	s0 =	rddreg [dreg:$0x3]  }
0xad: {  	s0 =	sadd.s32 @!p0 $0x100000, s0  }
0xae: {  	[sflag:s0] =	ssyncadd.tile.s32 @!p0 $0x1;
	_ =	shalt  }
.Lfunc_end2:
_tile_overlayer_lowered:
.L_overlay_start_2:
0xaf: {  	(tag) =	ssettag $0x2  }
0xb0: {  	s0 =	rddreg [dreg:$0x0];
	s2 =	stileid.u32  }
0xb1: {  	s1 =	rddreg [dreg:$0x1];
	p0 =	sne.s32 s2, $0x0  }
0xb2: {  	s3 =	rddreg [dreg:$0x2];
	[bflag:$0x3] =	sbarrier.arrive $0xFFFF;
	s2 =	simm.s32 @!p0 $0x1C09  }
0xb3: {  	[timem:s3], [sflag:s2] =	dma.local @!p0 [hbm:s0], s1  }
0xb4: {  	s0 =	simm.s32 @!p0 $0x9  }
0xb5: {  	_ =	swait.ge @!p0 [sflag:s0], s1  }
0xb6: {  	s1 =	ssub.s32 @!p0 $0x0, s1;
	[sflag:s0] =	ssyncset.done @!p0 $0x0  }
0xb7: {  	[sflag:s0] =	ssyncadd.s32 @!p0 s1  }
0xb8: {  	[bflag:$0x3] =	sbarrier.arrive $0xFFFF  }
0xb9: {  	_ =	shalt  }

// kernel: kernel.18.cloned.1.call-start
scs
__scs_entry_jumppad:
0x0: {  	(pc) =	sbr.rel $0x88, $3  }
0x1: {  	(tag) =	ssettag $0x0;
	lr =	simm.s32 $0x1  }
0x2: {  	[smem:$0x3F96] =	sst lr;
	_ =	strace $0xD0000000  }
0x3: {  	_ = 	snop  }
0x4: {  	_ = 	snop  }
0x5: {  	_ = 	snop  }
0x6: {  	_ = 	snop  }
0x7: {  	_ = 	snop  }
__scs_overlays_trampoline_lowered:
0x8: {  	[smem:$0x3FA5] =	sst s0  }
0x9: {  	[smem:$0x3FA6] =	sst s1  }
0xa: {  	[smem:$0x3FA7] =	sst s2  }
0xb: {  	[smem:$0x3FA8] =	sst s3  }
0xc: {  	[smem:$0x3FA9] =	sst s4  }
0xd: {  	[smem:$0x3FAA] =	sst s5  }
0xe: {  	[smem:$0x3FAB] =	sst s6  }
0xf: {  	[smem:$0x3FAC] =	sst s7  }
0x10: {  	[smem:$0x3FAD] =	sst s8  }
0x11: {  	[smem:$0x3FAE] =	sst s9;
	s0 =	simm.s32 @!p0 $0x0  }
0x12: {  	s1 =	sld [smem:$0x3F94];
	s0 =	simm.s32 @p0 $0x1  }
0x13: {  	[smem:$0x3FAF] =	sst s0;
	s0 =	simm.s32 @!p1 $0x0  }
0x14: {  	s2 =	sld [smem:$0x3F93];
	s0 =	simm.s32 @p1 $0x1  }
0x15: {  	[smem:$0x3FB0] =	sst s0;
	s0 =	simm.s32 @!p2 $0x0  }
0x16: {  	s3 =	sld [smem:$0x3FDB];
	s0 =	simm.s32 @p2 $0x1  }
0x17: {  	s4 =	simm.s32 $0x1BF5;
	[smem:$0x3FB2] =	sst s0  }
0x18: {  	s0 =	sld [smem:$0x3F95];
	_ =	swait.ge [sflag:s4], $0x0  }
0x19: {  	s7 =	sld [smem:$0x3F96]  }
0x1a: {  	s8 =	sadd.s32 $0xFFFFE003, lr  }
0x1b: {  	s9 =	sadd.s32 $0xFFFFFEF7, lr;
	s5 =	simm.s32 $0xFFFFFFFF;
	p2 =	slt.u32 s8, $0xFFFFF086  }
0x1c: {  	p1 =	slt.u32 s9, $0xF7A;
	s5 =	simm.s32 @!p2 $0x0  }
0x1d: {  	s5 =	simm.s32 @p1 $0x1;
	p0 =	seq.s32 s7, s2  }
0x1e: {  	s7 =	smul.u32 @!p0 $0xF7A, s2;
	p2 =	seq.s32 @!p0 s5, $0x0  }
0x1f: {  	s9 =	smul.u32 $0xF7A, s1;
	s8 =	simm.s32 @!p0 $0x1BF5;
	p2 =	por !p2, p0  }
0x20: {  	[sflag:s8] =	ssyncset.s32 @!p0 $0xFFFFF086;
	s6 =	sadd.s32 @!p0 s3, s7;
	s7 =	simm.s32 @!p0 $0x108  }
0x21: {  	s3 =	sadd.s32 s3, s9;
	s6 =	sadd.s32 @!p0 $0x88, s6;
	s7 =	simm.s32 @p2 $0x1082  }
0x22: {  	[simem:s7], [sflag:s8] =	dma.local @!p0 [hbm:s6], $0xF7A  }
0x23: {  	s9 =	sor.u32 $0xD0000000, s2;
	s6 =	simm.s32 $0x108;
	_ =	swait.ge @!p0 [sflag:s8], $0x0  }
0x24: {  	s3 =	sadd.s32 $0x88, s3;
	s6 =	simm.s32 @!p1 $0x1082;
	[sflag:s4] =	ssyncset.s32 $0xFFFFF086  }
0x25: {  	[simem:s6], [sflag:s4] =	dma.local [hbm:s3], $0xF7A  }
0x26: {  	[smem:$0x3F96] =	sst s1;
	(tag) =	ssettag s2;
	_ =	strace s9  }
0x27: {  	s1 =	sld [smem:$0x3FA6]  }
0x28: {  	s2 =	sld [smem:$0x3FA7]  }
0x29: {  	s4 =	sld [smem:$0x3FA9]  }
0x2a: {  	p0 =	seq.s32 s5, $0x0;
	s5 =	sld [smem:$0x3FAA]  }
0x2b: {  	s6 =	sld [smem:$0x3FAB]  }
0x2c: {  	s7 =	sld [smem:$0x3FAC]  }
0x2d: {  	s3 =	simm.s32 $0x108;
	s8 =	sld [smem:$0x3FAD]  }
0x2e: {  	s3 =	simm.s32 @!p0 $0x1082;
	s9 =	sld [smem:$0x3FAE]  }
0x2f: {  	lr =	sadd.s32 s0, s3;
	s0 =	sld [smem:$0x3FA5]  }
0x30: {  	s3 =	sld [smem:$0x3FA8]  }
0x31: {  	[smem:$0x3FB1] =	sst s10  }
0x32: {  	s10 =	sld [smem:$0x3FAF];
	_ =	sdelay $0x3  }
0x33: {  	p0 =	seq.s32 s10, $0x1;
	s10 =	sld [smem:$0x3FB1];
	_ =	sdelay $0x3  }
0x34: {  	[smem:$0x3FB1] =	sst s10  }
0x35: {  	s10 =	sld [smem:$0x3FB0];
	_ =	sdelay $0x3  }
0x36: {  	p1 =	seq.s32 s10, $0x1;
	s10 =	sld [smem:$0x3FB1];
	_ =	sdelay $0x3  }
0x37: {  	[smem:$0x3FB1] =	sst s10  }
0x38: {  	s10 =	sld [smem:$0x3FB2]  }
0x39: {  	_ = 	snop;
	(pc) =	sbr.ind lr, $3  }
0x3a: {  	_ = 	snop  }
0x3b: {  	_ = 	snop  }
0x3c: {  	p2 =	seq.s32 s10, $0x1;
	s10 =	sld [smem:$0x3FB1]  }
0x3d: {  	_ =	shalt  }
0x3e: {  	_ =	shalt  }
0x3f: {  	_ =	shalt  }
0x40: {  	_ =	shalt  }
0x41: {  	_ =	shalt  }
0x42: {  	_ =	shalt  }
0x43: {  	_ =	shalt  }
0x44: {  	_ =	shalt  }
0x45: {  	_ =	shalt  }
0x46: {  	_ =	shalt  }
0x47: {  	_ =	shalt  }
0x48: {  	_ =	shalt  }
0x49: {  	_ =	shalt  }
0x4a: {  	_ =	shalt  }
0x4b: {  	_ =	shalt  }
0x4c: {  	_ =	shalt  }
0x4d: {  	_ =	shalt  }
0x4e: {  	_ =	shalt  }
0x4f: {  	_ =	shalt  }
0x50: {  	_ =	shalt  }
0x51: {  	_ =	shalt  }
0x52: {  	_ =	shalt  }
0x53: {  	_ =	shalt  }
0x54: {  	_ =	shalt  }
0x55: {  	_ =	shalt  }
0x56: {  	_ =	shalt  }
0x57: {  	_ =	shalt  }
0x58: {  	_ =	shalt  }
0x59: {  	_ =	shalt  }
0x5a: {  	_ =	shalt  }
0x5b: {  	_ =	shalt  }
0x5c: {  	_ =	shalt  }
0x5d: {  	_ =	shalt  }
0x5e: {  	_ =	shalt  }
0x5f: {  	_ =	shalt  }
0x60: {  	_ =	shalt  }
0x61: {  	_ =	shalt  }
0x62: {  	_ =	shalt  }
0x63: {  	_ =	shalt  }
0x64: {  	_ =	shalt  }
0x65: {  	_ =	shalt  }
0x66: {  	_ =	shalt  }
0x67: {  	_ =	shalt  }
0x68: {  	_ =	shalt  }
0x69: {  	_ =	shalt  }
0x6a: {  	_ =	shalt  }
0x6b: {  	_ =	shalt  }
0x6c: {  	_ =	shalt  }
0x6d: {  	_ =	shalt  }
0x6e: {  	_ =	shalt  }
0x6f: {  	_ =	shalt  }
0x70: {  	_ =	shalt  }
0x71: {  	_ =	shalt  }
0x72: {  	_ =	shalt  }
0x73: {  	_ =	shalt  }
0x74: {  	_ =	shalt  }
0x75: {  	_ =	shalt  }
0x76: {  	_ =	shalt  }
0x77: {  	_ =	shalt  }
0x78: {  	_ =	shalt  }
0x79: {  	_ =	shalt  }
0x7a: {  	_ =	shalt  }
0x7b: {  	_ =	shalt  }
0x7c: {  	_ =	shalt  }
0x7d: {  	_ =	shalt  }
0x7e: {  	_ =	shalt  }
0x7f: {  	_ =	shalt  }
0x80: {  	_ =	shalt  }
0x81: {  	_ =	shalt  }
0x82: {  	_ =	shalt  }
0x83: {  	_ =	shalt  }
0x84: {  	_ =	shalt  }
0x85: {  	_ =	shalt  }
0x86: {  	_ =	shalt  }
0x87: {  	_ =	shalt  }
.Lfunc_end0:
.L_simem_size_0:
called_computation.2_lowered:
.L_overlay_start_0:
0x88: {  	s2 =	sld [smem:$0x3FD9]  }
0x89: {  	s3 =	sld [smem:$0x3FFE];
	_ =	sdelay $0x1  }
0x8a: {  	s1 =	srdreg.scid  }
0x8b: {  	s0 =	sand.u32 $0x1, s1  }
0x8c: {  	s16 =	sshll.u32 s0, $0xA;
	s2 =	sadd.s32 s3, s2  }
0x8d: {  	s2 =	sadd.s32 s2, s16  }
0x8e: {  	[smem:$0x3FBD] =	sst s2  }
0x8f: {  	_ = 	snop  }
0x90: {  	(tm) =	ssettm $0x1  }
0x91: {  	s17 =	sld [smem:$0x3FFB];
	_ =	sdelay $0x3  }
0x92: {  	_ =	strace s17  }
0x93: {  	s2 =	sld [smem:$0x3FFC];
	_ =	sdelay $0x3  }
0x94: {  	_ =	strace s2  }
0x95: {  	s2 =	sld [smem:$0x3FFD];
	_ =	sdelay $0x3  }
0x96: {  	_ =	strace s2  }
0x97: {  	_ =	strace $0x8FFFFFFF  }
0x98: {  	s18 =	sld [smem:$0x3FDB];
	_ =	sdelay $0x1  }
0x99: {  	s19 =	simm.s32 $_scs_section_size  }
0x9a: {  	s4 =	simm.s32 $_size__tile_overlayer_lowered;
	s5 =	simm.s32 $_tile_overlayer_lowered  }
0x9b: {  	s22 =	simm.s32 $0x1BFF;
	s21 =	sshll.u32 s5, $0x1;
	s2 =	sadd.s32 s19, s18  }
0x9c: {  	s6 =	simm.s32 $0x0;
	s20 =	sshll.u32 s4, $0x1;
	s4 =	sadd.s32 s21, s2  }
0x9d: {  	[timem:s6], [sflag:s22] =	dma.local [hbm:s4], s20  }
0x9e: {  	_ =	swait.ge [sflag:s22], s20  }
0x9f: {  	s3 =	ssub.s32 $0x0, s20;
	[sflag:s22] =	ssyncset.done $0x0  }
0xa0: {  	[sflag:s22] =	ssyncadd.s32 s3;
	_ =	sdelay $0x1  }
0xa1: {  	s23 =	simm.s32 $0x1B8B  }
0xa2: {  	_ =	swait.ge [sflag:s23], $0x1  }
0xa3: {  	[sflag:s23] =	ssyncset.done $0x0  }
0xa4: {  	s25 =	simm.s32 $0x1B8E;
	s24 =	sld [smem:$0x3FFE];
	[sflag:s23] =	ssyncadd.s32 $0xFFFFFFFF  }
0xa5: {  	s26 =	simm.s32 $execute0_lowered;
	[smem:$0x3FD2] =	sst s25  }
0xa6: {  	s4 =	sshll.u32 s26, $0x1;
	_ =	strace $0x8000004C;
	[dreg:$0x1] =	wrdreg $0xFFFFFFFF  }
0xa7: {  	s28 =	simm.s32 $_size_execute0_lowered;
	s2 =	sadd.s32 s2, s4;
	[dreg:$0x0] =	wrdreg $0x0  }
0xa8: {  	s4 =	sshll.u32 s28, $0x1;
	[dreg:$0x2] =	wrdreg s2  }
0xa9: {  	[dreg:$0x3] =	wrdreg s4  }
0xaa: {  	[dreg:$0x4] =	wrdreg $0xC0  }
0xab: {  	_ =	task [dreg:s6], $0x5FFFF  }
0xac: {  	[dreg:$0x1] =	wrdreg $0xFFFFFFFF  }
0xad: {  	[dreg:$0x0] =	wrdreg $0x60  }
0xae: {  	[dreg:$0x2] =	wrdreg s24  }
0xaf: {  	[dreg:$0x3] =	wrdreg $0x0  }
0xb0: {  	[dreg:$0x4] =	wrdreg $0x50000  }
0xb1: {  	[dreg:$0x5] =	wrdreg $0x9  }
0xb2: {  	_ =	task.clear_ibuf [dreg:s6], $0x6FFFF;
	_ =	strace $0x9000004C  }
0xb3: {  	s29 =	simm.s32 $0x9;
	_ =	strace $0x8000004E  }
0xb4: {  	_ =	swait.ge [sflag:s29], $0x1  }
0xb5: {  	[sflag:s29] =	ssyncadd.s32 $0xFFFFFFFF  }
0xb6: {  	_ =	strace $0x9000004E  }
0xb7: {  	_ =	sfence  }
0xb8: {  	s30 =	sld [smem:$0x0];
	_ =	sdelay $0x2  }
0xb9: {  	s31 =	sshll.u32 s1, $0xD;
	s1 =	sshrl.u32 s1, $0x2  }
0xba: {  	s3 =	sand.u32 $0x4000, s31;
	s1 =	sadd.s32 s1, s30  }
0xbb: {  	s0 =	sor.u32 s3, s0;
	s1 =	sshll.u32 s1, $0x11  }
0xbc: {  	s0 =	sor.u32 s1, s0  }
0xbd: {  	s0 =	sadd.s32 $0x8F2B, s0  }
0xbe: {  	[sflag:s0] =	ssyncadd.remote.s32 $0x1  }
0xbf: {  	_ =	sfence.sel $0xFFFF  }
0xc0: {  	[dreg:$0x0] =	wrdreg $0xFFFFFFFF;
	(pc) =	sbr.abs _section_cstart, $3  }
0xc1: {  	[dreg:$0x1] =	wrdreg $0xFFFFFFFF  }
0xc2: {  	_ =	task.clear_ibuf [dreg:s6], $0x2FFFF;
	_ =	strace $0x9FFFFFFF  }
0xc3: {  	(tm) =	ssettm $0x7FFFFFFF  }
tec
execute0_lowered:
.L_overlay_start_1:
0x0: {  	(tag) =	ssettag $0x1  }
0x1: {  	s0 =	rddreg [dreg:$0x0]  }
0x2: {  	s2 =	rddreg [dreg:$0x1]  }
0x3: {  	s3 =	rddreg [dreg:$0x2]  }
0x4: {  	s17 =	stileid.u32;
	s1 =	srdreg.scid  }
0x5: {  	s4 =	simm.s32 $0x0;
	s15 =	simm.s32 $0xA000;
	s16 =	simm.s32 $0x9  }
0x6: {  	s19 =	simm.s32 $0x1A000;
	s29 =	simm.s32 $0x16000;
	s30 =	simm.s32 $0x1  }
0x7: {  	s31 =	simm.s32 $0x2;
	s28 =	simm.s32 $0x8;
	s6 =	smul.u32 $0x14000, s17  }
0x8: {  	s1 =	sand.u32 $0x1, s1;
	[smem:$0x7FF] =	sst s4;
	s9 =	smul.u32 $0x50000, s17  }
0x9: {  	s26 =	sshll.u32 s17, $0x6;
	s5 =	sshll.u32 s1, $0x4;
	s8 =	smul.u32 $0x140000, s1  }
0xa: {  	_ =	strace $0x8000004D;
	s1 =	ssub.s32 $0x2, s1;
	s7 =	sshrl.u32 s6, $0x3  }
0xb: {  	s5 =	sor.u32 s17, s5;
	s21 =	sshrl.u32 s1, $0x1;
	s22 =	sshrl.u32 s9, $0x2  }
0xc: {  	s18 =	sadd.s32 s6, s2;
	s25 =	sadd.s32 s6, s3;
	s17 =	sor.u32 $0x1C09, s26  }
0xd: {  	s26 =	simm.s32 $0x12000;
	s7 =	sadd.s32 s7, s0;
	s5 =	smul.u32 $0x500, s5  }
0xe: {  	s8 =	sadd.s32 s6, s8;
	s1 =	ssub.s32 s1, s21;
	s18 =	sshrl.u32 s18, $0x3  }
0xf: {  	s21 =	simm.s32 $0x80;
	s25 =	sshrl.u32 s25, $0x3;
	s20 =	sshrl.u32 s8, $0x3  }
0x10: {  	s7 =	sadd.s32 $0x16C00, s7;
	s10 =	sadd.s32 s5, s0;
	s0 =	sadd.s32 s20, s0  }
0x11: {  	s5 =	sadd.s32 s22, s3;
	[dreg:$0x4] =	wrdreg s7;
	s20 =	simm.s32 $0x5  }
0x12: {  	s22 =	simm.s32 $0x6;
	s23 =	sadd.s32 $0x2C00, s10;
	s24 =	sadd.s32 $0xCC00, s10  }
0x13: {  	s9 =	sadd.s32 $0x3EC00, s0;
	s10 =	smax.u32 s1, $0x1;
	s11 =	sadd.s32 $0x4000, s5  }
0x14: {  	s12 =	sadd.s32 $0x8000, s5;
	s13 =	sadd.s32 $0xC000, s5;
	s14 =	sadd.s32 $0x10000, s5  }
0x15: {  	s0 =	simm.s32 $0x3;
	s1 =	simm.s32 $0x4;
	[dreg:$0x5] =	wrdreg s23  }
0x16: {  	v0 =	vimm.f32 $0.0e+00;
	[dreg:$0x6] =	wrdreg s24;
	s23 =	simm.s32 $0xE000;
	s24 =	simm.s32 $0x7  }
.LBB2_1:
0x17: {  	s6 =	simm.s32 $0x200;
	s7 =	simm.s32 $0x0  }
.LBB2_2:
0x18: {  	p0 =	sne.s32 s6, $0xFE00;
	[tilespmem:s7+$0xA000] =	vst v0;
	s8 =	smov.u32 s6;
	s6 =	sadd.s32 $0x200, s6  }
.Ltmp0:
0x19: {  	[tilespmem:s7+$0xA010] =	vst v0;
	(pc) =	sbr.rel @p0 .LBB2_2-.Ltmp0, $2  }
0x1a: {  	_ =	sdelay $0x2  }
0x1b: {  	s7 =	sshra.s32 s8, $0x2  }
0x1c: {  	[tilespmem:s7+$0xA000] =	vst v0  }
0x1d: {  	[tilespmem:s7+$0xA010] =	vst v0  }
0x1e: {  	[spmem:s5] =	stream.linear.scatter [tilespmem:s15], [sflag:$0x9], $0x4000, $0x38;
	[tilespmem:$0x1F000] =	vst v63  }
0x1f: {  	_ =	swait.ge [sflag:s16], $0x4000  }
0x20: {  	[sflag:s16] =	ssyncset.done $0x0  }
0x21: {  	[sflag:s16] =	ssyncadd.s32 $0xFFFFC000  }
0x22: {  	[spmem:s11] =	stream.linear.scatter [tilespmem:s15], [sflag:$0x9], $0x4000, $0x38;
	[tilespmem:$0x1F000] =	vst v63  }
0x23: {  	_ =	swait.ge [sflag:s16], $0x4000  }
0x24: {  	[sflag:s16] =	ssyncset.done $0x0  }
0x25: {  	[sflag:s16] =	ssyncadd.s32 $0xFFFFC000  }
0x26: {  	[spmem:s12] =	stream.linear.scatter [tilespmem:s15], [sflag:$0x9], $0x4000, $0x38;
	[tilespmem:$0x1F000] =	vst v63  }
0x27: {  	_ =	swait.ge [sflag:s16], $0x4000  }
0x28: {  	[sflag:s16] =	ssyncset.done $0x0  }
0x29: {  	[sflag:s16] =	ssyncadd.s32 $0xFFFFC000  }
0x2a: {  	[spmem:s13] =	stream.linear.scatter [tilespmem:s15], [sflag:$0x9], $0x4000, $0x38;
	[tilespmem:$0x1F000] =	vst v63  }
0x2b: {  	_ =	swait.ge [sflag:s16], $0x4000  }
0x2c: {  	[sflag:s16] =	ssyncset.done $0x0  }
0x2d: {  	[sflag:s16] =	ssyncadd.s32 $0xFFFFC000  }
0x2e: {  	[spmem:s14] =	stream.linear.scatter [tilespmem:s15], [sflag:$0x9], $0x4000, $0x38;
	[tilespmem:$0x1F000] =	vst v63  }
0x2f: {  	_ =	swait.ge [sflag:s16], $0x4000  }
0x30: {  	[sflag:s16] =	ssyncset.done $0x0  }
0x31: {  	s6 =	rddreg [dreg:$0x4];
	[sflag:s16] =	ssyncadd.s32 $0xFFFFC000  }
0x32: {  	[spmem:s18], [sflag:s17] =	dma.local [hbm:s6], $0x2800  }
0x33: {  	_ =	swait.ge [sflag:s16], $0x2800  }
0x34: {  	[sflag:s16] =	ssyncset.done $0x0  }
0x35: {  	s6 =	simm.s32 $0x0;
	s8 =	rddreg [dreg:$0x5];
	[sflag:s16] =	ssyncadd.s32 $0xFFFFD800  }
0x36: {  	[tilespmem:s19], [sflag:$0x9] =	stream.linear.gather [hbm4b:s8+s6], $0x2800, $0x38;
	[tilespmem:$0x1F000] =	vst v63  }
0x37: {  	_ =	swait.ge [sflag:s16], $0x2800  }
0x38: {  	[sflag:s16] =	ssyncset.done $0x0  }
0x39: {  	s8 =	simm.s32 $0x1C800;
	s7 =	rddreg [dreg:$0x6];
	[sflag:s16] =	ssyncadd.s32 $0xFFFFD800  }
0x3a: {  	[tilespmem:s8], [sflag:$0x9] =	stream.linear.gather [hbm4b:s7+s6], $0x2800, $0x38;
	[tilespmem:$0x1F000] =	vst v63  }
0x3b: {  	_ =	swait.ge [sflag:s16], $0x2800  }
0x3c: {  	[sflag:s16] =	ssyncset.done $0x0  }
0x3d: {  	[sflag:s16] =	ssyncadd.s32 $0xFFFFD800  }
0x3e: {  	[bflag:$0x0] =	sbarrier.arrive $0xFFFF  }
0x3f: {  	[tilespmem:s15], [sflag:$0x1] =	stream.indirect.gather [spmem:s2], $0x20, s19, s21, $0xb8;
	[tilespmem:$0x1F000] =	vst v63  }
0x40: {  	s7 =	simm.s32 $0x1A080  }
0x41: {  	[tilespmem:s23], [sflag:$0x2] =	stream.indirect.gather [spmem:s2], $0x20, s7, s21, $0xb8;
	[tilespmem:$0x1F000] =	vst v63  }
0x42: {  	s8 =	simm.s32 $0x1A100  }
0x43: {  	[tilespmem:s26], [sflag:$0x3] =	stream.indirect.gather [spmem:s2], $0x20, s8, s21, $0xb8;
	[tilespmem:$0x1F000] =	vst v63  }
0x44: {  	s7 =	simm.s32 $0x1A180  }
0x45: {  	[tilespmem:s29], [sflag:$0x4] =	stream.indirect.gather [spmem:s2], $0x20, s7, s21, $0xb8;
	[tilespmem:$0x1F000] =	vst v63  }
0x46: {  	_ =	swait.ge [sflag:s30], $0x1000  }
0x47: {  	[sflag:s30] =	ssyncset.done $0x0  }
0x48: {  	s8 =	simm.s32 $0x1C800;
	[sflag:s30] =	ssyncadd.s32 $0xFFFFF000  }
0x49: {  	[spmem:s3] =	stream.indirect.scatter.add.f32 [tilespmem:s15], [sflag:$0x5], $0x20, s8, s21, $0xb8;
	[tilespmem:$0x1F000] =	vst v63  }
0x4a: {  	_ =	swait.ge [sflag:s31], $0x1000  }
0x4b: {  	[sflag:s31] =	ssyncset.done $0x0  }
0x4c: {  	s7 =	simm.s32 $0x1C880;
	[sflag:s31] =	ssyncadd.s32 $0xFFFFF000  }
0x4d: {  	[spmem:s3] =	stream.indirect.scatter.add.f32 [tilespmem:s23], [sflag:$0x6], $0x20, s7, s21, $0xb8;
	[tilespmem:$0x1F000] =	vst v63  }
0x4e: {  	_ =	swait.ge [sflag:s0], $0x1000  }
0x4f: {  	[sflag:s0] =	ssyncset.done $0x0  }
0x50: {  	s8 =	simm.s32 $0x1C900;
	[sflag:s0] =	ssyncadd.s32 $0xFFFFF000  }
0x51: {  	[spmem:s3] =	stream.indirect.scatter.add.f32 [tilespmem:s26], [sflag:$0x7], $0x20, s8, s21, $0xb8;
	[tilespmem:$0x1F000] =	vst v63  }
0x52: {  	_ =	swait.ge [sflag:s1], $0x1000  }
0x53: {  	[sflag:s1] =	ssyncset.done $0x0  }
0x54: {  	s7 =	simm.s32 $0x1C980;
	[sflag:s1] =	ssyncadd.s32 $0xFFFFF000  }
0x55: {  	[spmem:s3] =	stream.indirect.scatter.add.f32 [tilespmem:s29], [sflag:$0x8], $0x20, s7, s21, $0xb8;
	[tilespmem:$0x1F000] =	vst v63  }
0x56: {  	_ =	swait.ge [sflag:s20], $0x1000  }
0x57: {  	[sflag:s20] =	ssyncset.done $0x0  }
0x58: {  	s8 =	simm.s32 $0x1A200;
	[sflag:s20] =	ssyncadd.s32 $0xFFFFF000  }
0x59: {  	[tilespmem:s15], [sflag:$0x1] =	stream.indirect.gather [spmem:s2], $0x20, s8, s21, $0xb8;
	[tilespmem:$0x1F000] =	vst v63  }
0x5a: {  	_ =	swait.ge [sflag:s22], $0x1000  }
0x5b: {  	[sflag:s22] =	ssyncset.done $0x0  }
0x5c: {  	s7 =	simm.s32 $0x1A280;
	[sflag:s22] =	ssyncadd.s32 $0xFFFFF000  }
0x5d: {  	[tilespmem:s23], [sflag:$0x2] =	stream.indirect.gather [spmem:s2], $0x20, s7, s21, $0xb8;
	[tilespmem:$0x1F000] =	vst v63  }
0x5e: {  	_ =	swait.ge [sflag:s24], $0x1000  }
0x5f: {  	[sflag:s24] =	ssyncset.done $0x0  }
0x60: {  	s8 =	simm.s32 $0x1A300;
	[sflag:s24] =	ssyncadd.s32 $0xFFFFF000  }
0x61: {  	[tilespmem:s26], [sflag:$0x3] =	stream.indirect.gather [spmem:s2], $0x20, s8, s21, $0xb8;
	[tilespmem:$0x1F000] =	vst v63  }
0x62: {  	_ =	swait.ge [sflag:s28], $0x1000  }
0x63: {  	[sflag:s28] =	ssyncset.done $0x0  }
0x64: {  	s6 =	simm.s32 $0x800;
	s7 =	simm.s32 $0x1A380;
	[sflag:s28] =	ssyncadd.s32 $0xFFFFF000  }
.LBB2_4:
0x65: {  	[tilespmem:s29], [sflag:$0x4] =	stream.indirect.gather [spmem:s2], $0x20, s7, s21, $0xb8;
	[tilespmem:$0x1F000] =	vst v63  }
0x66: {  	s7 =	smov.u32 s6  }
0x67: {  	p0 =	sne.s32 s6, $0x9000;
	s6 =	sadd.s32 $0x800, s6;
	_ =	swait.ge [sflag:s30], $0x1000  }
0x68: {  	s7 =	sshra.s32 s7, $0x2;
	[sflag:s30] =	ssyncset.done $0x0  }
0x69: {  	s8 =	sadd.s32 $0x1C800, s7;
	[sflag:s30] =	ssyncadd.s32 $0xFFFFF000  }
0x6a: {  	[spmem:s3] =	stream.indirect.scatter.add.f32 [tilespmem:s15], [sflag:$0x5], $0x20, s8, s21, $0xb8;
	[tilespmem:$0x1F000] =	vst v63  }
0x6b: {  	_ =	swait.ge [sflag:s31], $0x1000  }
0x6c: {  	[sflag:s31] =	ssyncset.done $0x0  }
0x6d: {  	s8 =	sadd.s32 $0x1C880, s7;
	[sflag:s31] =	ssyncadd.s32 $0xFFFFF000  }
0x6e: {  	[spmem:s3] =	stream.indirect.scatter.add.f32 [tilespmem:s23], [sflag:$0x6], $0x20, s8, s21, $0xb8;
	[tilespmem:$0x1F000] =	vst v63  }
0x6f: {  	_ =	swait.ge [sflag:s0], $0x1000  }
0x70: {  	[sflag:s0] =	ssyncset.done $0x0  }
0x71: {  	s8 =	sadd.s32 $0x1C900, s7;
	[sflag:s0] =	ssyncadd.s32 $0xFFFFF000  }
0x72: {  	[spmem:s3] =	stream.indirect.scatter.add.f32 [tilespmem:s26], [sflag:$0x7], $0x20, s8, s21, $0xb8;
	[tilespmem:$0x1F000] =	vst v63  }
0x73: {  	_ =	swait.ge [sflag:s1], $0x1000  }
0x74: {  	[sflag:s1] =	ssyncset.done $0x0  }
0x75: {  	s8 =	sadd.s32 $0x1C980, s7;
	[sflag:s1] =	ssyncadd.s32 $0xFFFFF000  }
0x76: {  	[spmem:s3] =	stream.indirect.scatter.add.f32 [tilespmem:s29], [sflag:$0x8], $0x20, s8, s21, $0xb8;
	[tilespmem:$0x1F000] =	vst v63  }
0x77: {  	_ =	swait.ge [sflag:s20], $0x1000  }
0x78: {  	[sflag:s20] =	ssyncset.done $0x0  }
0x79: {  	s8 =	sadd.s32 $0x1A200, s7;
	[sflag:s20] =	ssyncadd.s32 $0xFFFFF000  }
0x7a: {  	[tilespmem:s15], [sflag:$0x1] =	stream.indirect.gather [spmem:s2], $0x20, s8, s21, $0xb8;
	[tilespmem:$0x1F000] =	vst v63  }
0x7b: {  	_ =	swait.ge [sflag:s22], $0x1000  }
0x7c: {  	[sflag:s22] =	ssyncset.done $0x0  }
0x7d: {  	s8 =	sadd.s32 $0x1A280, s7;
	[sflag:s22] =	ssyncadd.s32 $0xFFFFF000  }
0x7e: {  	[tilespmem:s23], [sflag:$0x2] =	stream.indirect.gather [spmem:s2], $0x20, s8, s21, $0xb8;
	[tilespmem:$0x1F000] =	vst v63  }
0x7f: {  	_ =	swait.ge [sflag:s24], $0x1000  }
0x80: {  	[sflag:s24] =	ssyncset.done $0x0  }
.Ltmp1:
0x81: {  	s8 =	sadd.s32 $0x1A300, s7;
	[sflag:s24] =	ssyncadd.s32 $0xFFFFF000;
	(pc) =	sbr.rel @p0 .LBB2_4-.Ltmp1, $4  }
0x82: {  	[tilespmem:s26], [sflag:$0x3] =	stream.indirect.gather [spmem:s2], $0x20, s8, s21, $0xb8;
	[tilespmem:$0x1F000] =	vst v63  }
0x83: {  	_ =	swait.ge [sflag:s28], $0x1000  }
0x84: {  	[sflag:s28] =	ssyncset.done $0x0  }
0x85: {  	s7 =	sadd.s32 $0x1A380, s7;
	[sflag:s28] =	ssyncadd.s32 $0xFFFFF000  }
0x86: {  	[tilespmem:s29], [sflag:$0x4] =	stream.indirect.gather [spmem:s2], $0x20, s7, s21, $0xb8;
	[tilespmem:$0x1F000] =	vst v63  }
0x87: {  	_ =	swait.ge [sflag:s30], $0x1000  }
0x88: {  	[sflag:s30] =	ssyncset.done $0x0  }
0x89: {  	s6 =	simm.s32 $0x1EE00;
	[sflag:s30] =	ssyncadd.s32 $0xFFFFF000  }
0x8a: {  	[spmem:s3] =	stream.indirect.scatter.add.f32 [tilespmem:s15], [sflag:$0x5], $0x20, s6, s21, $0xb8;
	[tilespmem:$0x1F000] =	vst v63  }
0x8b: {  	_ =	swait.ge [sflag:s31], $0x1000  }
0x8c: {  	[sflag:s31] =	ssyncset.done $0x0  }
0x8d: {  	s8 =	simm.s32 $0x1EE80;
	[sflag:s31] =	ssyncadd.s32 $0xFFFFF000  }
0x8e: {  	[spmem:s3] =	stream.indirect.scatter.add.f32 [tilespmem:s23], [sflag:$0x6], $0x20, s8, s21, $0xb8;
	[tilespmem:$0x1F000] =	vst v63  }
0x8f: {  	_ =	swait.ge [sflag:s0], $0x1000  }
0x90: {  	[sflag:s0] =	ssyncset.done $0x0  }
0x91: {  	s7 =	simm.s32 $0x1EF00;
	[sflag:s0] =	ssyncadd.s32 $0xFFFFF000  }
0x92: {  	[spmem:s3] =	stream.indirect.scatter.add.f32 [tilespmem:s26], [sflag:$0x7], $0x20, s7, s21, $0xb8;
	[tilespmem:$0x1F000] =	vst v63  }
0x93: {  	_ =	swait.ge [sflag:s1], $0x1000  }
0x94: {  	[sflag:s1] =	ssyncset.done $0x0  }
0x95: {  	s8 =	simm.s32 $0x1EF80;
	[sflag:s1] =	ssyncadd.s32 $0xFFFFF000  }
0x96: {  	[spmem:s3] =	stream.indirect.scatter.add.f32 [tilespmem:s29], [sflag:$0x8], $0x20, s8, s21, $0xb8;
	[tilespmem:$0x1F000] =	vst v63  }
0x97: {  	_ =	swait.ge [sflag:s20], $0x1000  }
0x98: {  	[sflag:s20] =	ssyncset.done $0x0  }
0x99: {  	[sflag:s20] =	ssyncadd.s32 $0xFFFFF000  }
0x9a: {  	_ =	swait.ge [sflag:s22], $0x1000  }
0x9b: {  	[sflag:s22] =	ssyncset.done $0x0  }
0x9c: {  	[sflag:s22] =	ssyncadd.s32 $0xFFFFF000  }
0x9d: {  	_ =	swait.ge [sflag:s24], $0x1000  }
0x9e: {  	[sflag:s24] =	ssyncset.done $0x0  }
0x9f: {  	[sflag:s24] =	ssyncadd.s32 $0xFFFFF000  }
0xa0: {  	_ =	swait.ge [sflag:s28], $0x1000  }
0xa1: {  	s4 =	sadd.s32 $0x1, s4;
	[sflag:s28] =	ssyncset.done $0x0  }
0xa2: {  	p0 =	sne.s32 s4, s10;
	[sflag:s28] =	ssyncadd.s32 $0xFFFFF000  }
.Ltmp2:
0xa3: {  	[bflag:$0x0] =	sbarrier.arrive $0xFFFF;
	(pc) =	sbr.rel @p0 .LBB2_1-.Ltmp2, $4  }
0xa4: {  	[hbm:s9], [sflag:s17] =	dma.local [spmem:s25], $0x2800  }
0xa5: {  	_ =	swait.ge [sflag:s16], $0x2800  }
0xa6: {  	[sflag:s16] =	ssyncset.done $0x0  }
0xa7: {  	[sflag:s16] =	ssyncadd.s32 $0xFFFFD800  }
0xa8: {  	_ =	sfence.sel $0x180000  }
0xa9: {  	[bflag:$0x0] =	sbarrier.arrive $0xFFFF  }
0xaa: {  	_ =	strace $0x9000004D  }
0xab: {  	s0 =	stileid.u32;
	[bflag:$0x2] =	sbarrier.arrive $0xFFFF  }
0xac: {  	p0 =	sne.s32 s0, $0x0;
	s0 =	rddreg [dreg:$0x3]  }
0xad: {  	s0 =	sadd.s32 @!p0 $0x100000, s0  }
0xae: {  	[sflag:s0] =	ssyncadd.tile.s32 @!p0 $0x1;
	_ =	shalt  }
.Lfunc_end2:
_tile_overlayer_lowered:
.L_overlay_start_2:
0xaf: {  	(tag) =	ssettag $0x2  }
0xb0: {  	s0 =	rddreg [dreg:$0x0];
	s2 =	stileid.u32  }
0xb1: {  	s1 =	rddreg [dreg:$0x1];
	p0 =	sne.s32 s2, $0x0  }
0xb2: {  	s3 =	rddreg [dreg:$0x2];
	[bflag:$0x3] =	sbarrier.arrive $0xFFFF;
	s2 =	simm.s32 @!p0 $0x1C09  }
0xb3: {  	[timem:s3], [sflag:s2] =	dma.local @!p0 [hbm:s0], s1  }
0xb4: {  	s0 =	simm.s32 @!p0 $0x9  }
0xb5: {  	_ =	swait.ge @!p0 [sflag:s0], s1  }
0xb6: {  	s1 =	ssub.s32 @!p0 $0x0, s1;
	[sflag:s0] =	ssyncset.done @!p0 $0x0  }
0xb7: {  	[sflag:s0] =	ssyncadd.s32 @!p0 s1  }
0xb8: {  	[bflag:$0x3] =	sbarrier.arrive $0xFFFF  }
0xb9: {  	_ =	shalt  }

// kernel: kernel.21.cloned.1.call-start
scs
__scs_entry_jumppad:
0x0: {  	(pc) =	sbr.rel $0x88, $3  }
0x1: {  	(tag) =	ssettag $0x0;
	lr =	simm.s32 $0x1  }
0x2: {  	[smem:$0x3F96] =	sst lr;
	_ =	strace $0xD0000000  }
0x3: {  	_ = 	snop  }
0x4: {  	_ = 	snop  }
0x5: {  	_ = 	snop  }
0x6: {  	_ = 	snop  }
0x7: {  	_ = 	snop  }
__scs_overlays_trampoline_lowered:
0x8: {  	[smem:$0x3FA5] =	sst s0  }
0x9: {  	[smem:$0x3FA6] =	sst s1  }
0xa: {  	[smem:$0x3FA7] =	sst s2  }
0xb: {  	[smem:$0x3FA8] =	sst s3  }
0xc: {  	[smem:$0x3FA9] =	sst s4  }
0xd: {  	[smem:$0x3FAA] =	sst s5  }
0xe: {  	[smem:$0x3FAB] =	sst s6  }
0xf: {  	[smem:$0x3FAC] =	sst s7  }
0x10: {  	[smem:$0x3FAD] =	sst s8  }
0x11: {  	[smem:$0x3FAE] =	sst s9;
	s0 =	simm.s32 @!p0 $0x0  }
0x12: {  	s1 =	sld [smem:$0x3F94];
	s0 =	simm.s32 @p0 $0x1  }
0x13: {  	[smem:$0x3FAF] =	sst s0;
	s0 =	simm.s32 @!p1 $0x0  }
0x14: {  	s2 =	sld [smem:$0x3F93];
	s0 =	simm.s32 @p1 $0x1  }
0x15: {  	[smem:$0x3FB0] =	sst s0;
	s0 =	simm.s32 @!p2 $0x0  }
0x16: {  	s3 =	sld [smem:$0x3FDB];
	s0 =	simm.s32 @p2 $0x1  }
0x17: {  	s4 =	simm.s32 $0x1BF5;
	[smem:$0x3FB2] =	sst s0  }
0x18: {  	s0 =	sld [smem:$0x3F95];
	_ =	swait.ge [sflag:s4], $0x0  }
0x19: {  	s7 =	sld [smem:$0x3F96]  }
0x1a: {  	s8 =	sadd.s32 $0xFFFFE003, lr  }
0x1b: {  	s9 =	sadd.s32 $0xFFFFFEF7, lr;
	s5 =	simm.s32 $0xFFFFFFFF;
	p2 =	slt.u32 s8, $0xFFFFF086  }
0x1c: {  	p1 =	slt.u32 s9, $0xF7A;
	s5 =	simm.s32 @!p2 $0x0  }
0x1d: {  	s5 =	simm.s32 @p1 $0x1;
	p0 =	seq.s32 s7, s2  }
0x1e: {  	s7 =	smul.u32 @!p0 $0xF7A, s2;
	p2 =	seq.s32 @!p0 s5, $0x0  }
0x1f: {  	s9 =	smul.u32 $0xF7A, s1;
	s8 =	simm.s32 @!p0 $0x1BF5;
	p2 =	por !p2, p0  }
0x20: {  	[sflag:s8] =	ssyncset.s32 @!p0 $0xFFFFF086;
	s6 =	sadd.s32 @!p0 s3, s7;
	s7 =	simm.s32 @!p0 $0x108  }
0x21: {  	s3 =	sadd.s32 s3, s9;
	s6 =	sadd.s32 @!p0 $0x88, s6;
	s7 =	simm.s32 @p2 $0x1082  }
0x22: {  	[simem:s7], [sflag:s8] =	dma.local @!p0 [hbm:s6], $0xF7A  }
0x23: {  	s9 =	sor.u32 $0xD0000000, s2;
	s6 =	simm.s32 $0x108;
	_ =	swait.ge @!p0 [sflag:s8], $0x0  }
0x24: {  	s3 =	sadd.s32 $0x88, s3;
	s6 =	simm.s32 @!p1 $0x1082;
	[sflag:s4] =	ssyncset.s32 $0xFFFFF086  }
0x25: {  	[simem:s6], [sflag:s4] =	dma.local [hbm:s3], $0xF7A  }
0x26: {  	[smem:$0x3F96] =	sst s1;
	(tag) =	ssettag s2;
	_ =	strace s9  }
0x27: {  	s1 =	sld [smem:$0x3FA6]  }
0x28: {  	s2 =	sld [smem:$0x3FA7]  }
0x29: {  	s4 =	sld [smem:$0x3FA9]  }
0x2a: {  	p0 =	seq.s32 s5, $0x0;
	s5 =	sld [smem:$0x3FAA]  }
0x2b: {  	s6 =	sld [smem:$0x3FAB]  }
0x2c: {  	s7 =	sld [smem:$0x3FAC]  }
0x2d: {  	s3 =	simm.s32 $0x108;
	s8 =	sld [smem:$0x3FAD]  }
0x2e: {  	s3 =	simm.s32 @!p0 $0x1082;
	s9 =	sld [smem:$0x3FAE]  }
0x2f: {  	lr =	sadd.s32 s0, s3;
	s0 =	sld [smem:$0x3FA5]  }
0x30: {  	s3 =	sld [smem:$0x3FA8]  }
0x31: {  	[smem:$0x3FB1] =	sst s10  }
0x32: {  	s10 =	sld [smem:$0x3FAF];
	_ =	sdelay $0x3  }
0x33: {  	p0 =	seq.s32 s10, $0x1;
	s10 =	sld [smem:$0x3FB1];
	_ =	sdelay $0x3  }
0x34: {  	[smem:$0x3FB1] =	sst s10  }
0x35: {  	s10 =	sld [smem:$0x3FB0];
	_ =	sdelay $0x3  }
0x36: {  	p1 =	seq.s32 s10, $0x1;
	s10 =	sld [smem:$0x3FB1];
	_ =	sdelay $0x3  }
0x37: {  	[smem:$0x3FB1] =	sst s10  }
0x38: {  	s10 =	sld [smem:$0x3FB2]  }
0x39: {  	_ = 	snop;
	(pc) =	sbr.ind lr, $3  }
0x3a: {  	_ = 	snop  }
0x3b: {  	_ = 	snop  }
0x3c: {  	p2 =	seq.s32 s10, $0x1;
	s10 =	sld [smem:$0x3FB1]  }
0x3d: {  	_ =	shalt  }
0x3e: {  	_ =	shalt  }
0x3f: {  	_ =	shalt  }
0x40: {  	_ =	shalt  }
0x41: {  	_ =	shalt  }
0x42: {  	_ =	shalt  }
0x43: {  	_ =	shalt  }
0x44: {  	_ =	shalt  }
0x45: {  	_ =	shalt  }
0x46: {  	_ =	shalt  }
0x47: {  	_ =	shalt  }
0x48: {  	_ =	shalt  }
0x49: {  	_ =	shalt  }
0x4a: {  	_ =	shalt  }
0x4b: {  	_ =	shalt  }
0x4c: {  	_ =	shalt  }
0x4d: {  	_ =	shalt  }
0x4e: {  	_ =	shalt  }
0x4f: {  	_ =	shalt  }
0x50: {  	_ =	shalt  }
0x51: {  	_ =	shalt  }
0x52: {  	_ =	shalt  }
0x53: {  	_ =	shalt  }
0x54: {  	_ =	shalt  }
0x55: {  	_ =	shalt  }
0x56: {  	_ =	shalt  }
0x57: {  	_ =	shalt  }
0x58: {  	_ =	shalt  }
0x59: {  	_ =	shalt  }
0x5a: {  	_ =	shalt  }
0x5b: {  	_ =	shalt  }
0x5c: {  	_ =	shalt  }
0x5d: {  	_ =	shalt  }
0x5e: {  	_ =	shalt  }
0x5f: {  	_ =	shalt  }
0x60: {  	_ =	shalt  }
0x61: {  	_ =	shalt  }
0x62: {  	_ =	shalt  }
0x63: {  	_ =	shalt  }
0x64: {  	_ =	shalt  }
0x65: {  	_ =	shalt  }
0x66: {  	_ =	shalt  }
0x67: {  	_ =	shalt  }
0x68: {  	_ =	shalt  }
0x69: {  	_ =	shalt  }
0x6a: {  	_ =	shalt  }
0x6b: {  	_ =	shalt  }
0x6c: {  	_ =	shalt  }
0x6d: {  	_ =	shalt  }
0x6e: {  	_ =	shalt  }
0x6f: {  	_ =	shalt  }
0x70: {  	_ =	shalt  }
0x71: {  	_ =	shalt  }
0x72: {  	_ =	shalt  }
0x73: {  	_ =	shalt  }
0x74: {  	_ =	shalt  }
0x75: {  	_ =	shalt  }
0x76: {  	_ =	shalt  }
0x77: {  	_ =	shalt  }
0x78: {  	_ =	shalt  }
0x79: {  	_ =	shalt  }
0x7a: {  	_ =	shalt  }
0x7b: {  	_ =	shalt  }
0x7c: {  	_ =	shalt  }
0x7d: {  	_ =	shalt  }
0x7e: {  	_ =	shalt  }
0x7f: {  	_ =	shalt  }
0x80: {  	_ =	shalt  }
0x81: {  	_ =	shalt  }
0x82: {  	_ =	shalt  }
0x83: {  	_ =	shalt  }
0x84: {  	_ =	shalt  }
0x85: {  	_ =	shalt  }
0x86: {  	_ =	shalt  }
0x87: {  	_ =	shalt  }
.Lfunc_end0:
.L_simem_size_0:
called_computation.3_lowered:
.L_overlay_start_0:
0x88: {  	s2 =	sld [smem:$0x3FD9]  }
0x89: {  	s3 =	sld [smem:$0x3FFE];
	_ =	sdelay $0x1  }
0x8a: {  	s1 =	srdreg.scid  }
0x8b: {  	s0 =	sand.u32 $0x1, s1  }
0x8c: {  	s16 =	sshll.u32 s0, $0xA;
	s2 =	sadd.s32 s3, s2  }
0x8d: {  	s2 =	sadd.s32 s2, s16  }
0x8e: {  	[smem:$0x3FBD] =	sst s2  }
0x8f: {  	_ = 	snop  }
0x90: {  	(tm) =	ssettm $0x1  }
0x91: {  	s17 =	sld [smem:$0x3FFB];
	_ =	sdelay $0x3  }
0x92: {  	_ =	strace s17  }
0x93: {  	s2 =	sld [smem:$0x3FFC];
	_ =	sdelay $0x3  }
0x94: {  	_ =	strace s2  }
0x95: {  	s2 =	sld [smem:$0x3FFD];
	_ =	sdelay $0x3  }
0x96: {  	_ =	strace s2  }
0x97: {  	_ =	strace $0x8FFFFFFF  }
0x98: {  	s18 =	sld [smem:$0x3FDB];
	_ =	sdelay $0x1  }
0x99: {  	s19 =	simm.s32 $_scs_section_size  }
0x9a: {  	s4 =	simm.s32 $_size__tile_overlayer_lowered;
	s5 =	simm.s32 $_tile_overlayer_lowered  }
0x9b: {  	s22 =	simm.s32 $0x1BFF;
	s21 =	sshll.u32 s5, $0x1;
	s2 =	sadd.s32 s19, s18  }
0x9c: {  	s6 =	simm.s32 $0x0;
	s20 =	sshll.u32 s4, $0x1;
	s4 =	sadd.s32 s21, s2  }
0x9d: {  	[timem:s6], [sflag:s22] =	dma.local [hbm:s4], s20  }
0x9e: {  	_ =	swait.ge [sflag:s22], s20  }
0x9f: {  	s3 =	ssub.s32 $0x0, s20;
	[sflag:s22] =	ssyncset.done $0x0  }
0xa0: {  	[sflag:s22] =	ssyncadd.s32 s3;
	_ =	sdelay $0x1  }
0xa1: {  	s23 =	simm.s32 $0x1B8B  }
0xa2: {  	_ =	swait.ge [sflag:s23], $0x1  }
0xa3: {  	[sflag:s23] =	ssyncset.done $0x0  }
0xa4: {  	s25 =	simm.s32 $0x1B8E;
	s24 =	sld [smem:$0x3FFE];
	[sflag:s23] =	ssyncadd.s32 $0xFFFFFFFF  }
0xa5: {  	s26 =	simm.s32 $execute0_lowered;
	[smem:$0x3FD2] =	sst s25  }
0xa6: {  	s4 =	sshll.u32 s26, $0x1;
	_ =	strace $0x8000004F;
	[dreg:$0x1] =	wrdreg $0xFFFFFFFF  }
0xa7: {  	s28 =	simm.s32 $_size_execute0_lowered;
	s2 =	sadd.s32 s2, s4;
	[dreg:$0x0] =	wrdreg $0x0  }
0xa8: {  	s4 =	sshll.u32 s28, $0x1;
	[dreg:$0x2] =	wrdreg s2  }
0xa9: {  	[dreg:$0x3] =	wrdreg s4  }
0xaa: {  	[dreg:$0x4] =	wrdreg $0xC0  }
0xab: {  	_ =	task [dreg:s6], $0x5FFFF  }
0xac: {  	[dreg:$0x1] =	wrdreg $0xFFFFFFFF  }
0xad: {  	[dreg:$0x0] =	wrdreg $0x60  }
0xae: {  	[dreg:$0x2] =	wrdreg s24  }
0xaf: {  	[dreg:$0x3] =	wrdreg $0x0  }
0xb0: {  	[dreg:$0x4] =	wrdreg $0x28000  }
0xb1: {  	[dreg:$0x5] =	wrdreg $0x9  }
0xb2: {  	_ =	task.clear_ibuf [dreg:s6], $0x6FFFF;
	_ =	strace $0x9000004F  }
0xb3: {  	s29 =	simm.s32 $0x9;
	_ =	strace $0x80000051  }
0xb4: {  	_ =	swait.ge [sflag:s29], $0x1  }
0xb5: {  	[sflag:s29] =	ssyncadd.s32 $0xFFFFFFFF  }
0xb6: {  	_ =	strace $0x90000051  }
0xb7: {  	_ =	sfence  }
0xb8: {  	s30 =	sld [smem:$0x0];
	_ =	sdelay $0x2  }
0xb9: {  	s31 =	sshll.u32 s1, $0xD;
	s1 =	sshrl.u32 s1, $0x2  }
0xba: {  	s3 =	sand.u32 $0x4000, s31;
	s1 =	sadd.s32 s1, s30  }
0xbb: {  	s0 =	sor.u32 s3, s0;
	s1 =	sshll.u32 s1, $0x11  }
0xbc: {  	s0 =	sor.u32 s1, s0  }
0xbd: {  	s0 =	sadd.s32 $0x8F2B, s0  }
0xbe: {  	[sflag:s0] =	ssyncadd.remote.s32 $0x1  }
0xbf: {  	_ =	sfence.sel $0xFFFF  }
0xc0: {  	[dreg:$0x0] =	wrdreg $0xFFFFFFFF;
	(pc) =	sbr.abs _section_cstart, $3  }
0xc1: {  	[dreg:$0x1] =	wrdreg $0xFFFFFFFF  }
0xc2: {  	_ =	task.clear_ibuf [dreg:s6], $0x2FFFF;
	_ =	strace $0x9FFFFFFF  }
0xc3: {  	(tm) =	ssettm $0x7FFFFFFF  }
tec
execute0_lowered:
.L_overlay_start_1:
0x0: {  	(tag) =	ssettag $0x1  }
0x1: {  	s0 =	rddreg [dreg:$0x0]  }
0x2: {  	s2 =	rddreg [dreg:$0x1]  }
0x3: {  	s3 =	rddreg [dreg:$0x2]  }
0x4: {  	s17 =	stileid.u32;
	s1 =	srdreg.scid  }
0x5: {  	s4 =	simm.s32 $0x0;
	s15 =	simm.s32 $0x5000;
	s16 =	simm.s32 $0x9  }
0x6: {  	s19 =	simm.s32 $0x15000;
	s29 =	simm.s32 $0x11000;
	s30 =	simm.s32 $0x1  }
0x7: {  	s31 =	simm.s32 $0x2;
	s28 =	simm.s32 $0x8;
	s6 =	smul.u32 $0x14000, s17  }
0x8: {  	s1 =	sand.u32 $0x1, s1;
	[smem:$0x7FF] =	sst s4;
	s9 =	smul.u32 $0x50000, s17  }
0x9: {  	s26 =	sshll.u32 s17, $0x6;
	s5 =	sshll.u32 s1, $0x4;
	s8 =	smul.u32 $0x140000, s1  }
0xa: {  	_ =	strace $0x80000050;
	s1 =	ssub.s32 $0x2, s1;
	s7 =	sshrl.u32 s6, $0x3  }
0xb: {  	s5 =	sor.u32 s17, s5;
	s21 =	sshrl.u32 s1, $0x1;
	s22 =	sshrl.u32 s9, $0x2  }
0xc: {  	s18 =	sadd.s32 s6, s2;
	s25 =	sadd.s32 s6, s3;
	s17 =	sor.u32 $0x1C09, s26  }
0xd: {  	s26 =	simm.s32 $0xD000;
	s7 =	sadd.s32 s7, s0;
	s5 =	smul.u32 $0x500, s5  }
0xe: {  	s8 =	sadd.s32 s6, s8;
	s1 =	ssub.s32 s1, s21;
	s18 =	sshrl.u32 s18, $0x3  }
0xf: {  	s21 =	simm.s32 $0x80;
	s25 =	sshrl.u32 s25, $0x3;
	s20 =	sshrl.u32 s8, $0x3  }
0x10: {  	s7 =	sadd.s32 $0x16C00, s7;
	s10 =	sadd.s32 s5, s0;
	s0 =	sadd.s32 s20, s0  }
0x11: {  	s5 =	sadd.s32 s22, s3;
	[dreg:$0x4] =	wrdreg s7;
	s20 =	simm.s32 $0x5  }
0x12: {  	s22 =	simm.s32 $0x6;
	s23 =	sadd.s32 $0x2C00, s10;
	s24 =	sadd.s32 $0xCC00, s10  }
0x13: {  	s9 =	sadd.s32 $0x3EC00, s0;
	s10 =	smax.u32 s1, $0x1;
	s11 =	sadd.s32 $0x4000, s5  }
0x14: {  	s12 =	sadd.s32 $0x8000, s5;
	s13 =	sadd.s32 $0xC000, s5;
	s14 =	sadd.s32 $0x10000, s5  }
0x15: {  	s0 =	simm.s32 $0x3;
	s1 =	simm.s32 $0x4;
	[dreg:$0x5] =	wrdreg s23  }
0x16: {  	v0 =	vimm.f32 $0.0e+00;
	[dreg:$0x6] =	wrdreg s24;
	s23 =	simm.s32 $0x9000;
	s24 =	simm.s32 $0x7  }
.LBB2_1:
0x17: {  	s6 =	simm.s32 $0x200;
	s7 =	simm.s32 $0x0  }
.LBB2_2:
0x18: {  	p0 =	sne.s32 s6, $0xFE00;
	[tilespmem:s7+$0x5000] =	vst v0;
	s7 =	smov.u32 s6;
	s6 =	sadd.s32 $0x200, s6  }
.Ltmp0:
0x19: {  	(pc) =	sbr.rel @p0 .LBB2_2-.Ltmp0, $2  }
0x1a: {  	_ =	sdelay $0x2  }
0x1b: {  	s7 =	sshra.s32 s7, $0x2  }
0x1c: {  	[tilespmem:s7+$0x5000] =	vst v0  }
0x1d: {  	[spmem:s5] =	stream.linear.scatter [tilespmem:s15], [sflag:$0x9], $0x4000, $0x38;
	[tilespmem:$0x1A000] =	vst v63  }
0x1e: {  	_ =	swait.ge [sflag:s16], $0x4000  }
0x1f: {  	[sflag:s16] =	ssyncset.done $0x0  }
0x20: {  	[sflag:s16] =	ssyncadd.s32 $0xFFFFC000  }
0x21: {  	[spmem:s11] =	stream.linear.scatter [tilespmem:s15], [sflag:$0x9], $0x4000, $0x38;
	[tilespmem:$0x1A000] =	vst v63  }
0x22: {  	_ =	swait.ge [sflag:s16], $0x4000  }
0x23: {  	[sflag:s16] =	ssyncset.done $0x0  }
0x24: {  	[sflag:s16] =	ssyncadd.s32 $0xFFFFC000  }
0x25: {  	[spmem:s12] =	stream.linear.scatter [tilespmem:s15], [sflag:$0x9], $0x4000, $0x38;
	[tilespmem:$0x1A000] =	vst v63  }
0x26: {  	_ =	swait.ge [sflag:s16], $0x4000  }
0x27: {  	[sflag:s16] =	ssyncset.done $0x0  }
0x28: {  	[sflag:s16] =	ssyncadd.s32 $0xFFFFC000  }
0x29: {  	[spmem:s13] =	stream.linear.scatter [tilespmem:s15], [sflag:$0x9], $0x4000, $0x38;
	[tilespmem:$0x1A000] =	vst v63  }
0x2a: {  	_ =	swait.ge [sflag:s16], $0x4000  }
0x2b: {  	[sflag:s16] =	ssyncset.done $0x0  }
0x2c: {  	[sflag:s16] =	ssyncadd.s32 $0xFFFFC000  }
0x2d: {  	[spmem:s14] =	stream.linear.scatter [tilespmem:s15], [sflag:$0x9], $0x4000, $0x38;
	[tilespmem:$0x1A000] =	vst v63  }
0x2e: {  	_ =	swait.ge [sflag:s16], $0x4000  }
0x2f: {  	[sflag:s16] =	ssyncset.done $0x0  }
0x30: {  	s6 =	rddreg [dreg:$0x4];
	[sflag:s16] =	ssyncadd.s32 $0xFFFFC000  }
0x31: {  	[spmem:s18], [sflag:s17] =	dma.local [hbm:s6], $0x2800  }
0x32: {  	_ =	swait.ge [sflag:s16], $0x2800  }
0x33: {  	[sflag:s16] =	ssyncset.done $0x0  }
0x34: {  	s6 =	simm.s32 $0x0;
	s8 =	rddreg [dreg:$0x5];
	[sflag:s16] =	ssyncadd.s32 $0xFFFFD800  }
0x35: {  	[tilespmem:s19], [sflag:$0x9] =	stream.linear.gather [hbm4b:s8+s6], $0x2800, $0x38;
	[tilespmem:$0x1A000] =	vst v63  }
0x36: {  	_ =	swait.ge [sflag:s16], $0x2800  }
0x37: {  	[sflag:s16] =	ssyncset.done $0x0  }
0x38: {  	s8 =	simm.s32 $0x17800;
	s7 =	rddreg [dreg:$0x6];
	[sflag:s16] =	ssyncadd.s32 $0xFFFFD800  }
0x39: {  	[tilespmem:s8], [sflag:$0x9] =	stream.linear.gather [hbm4b:s7+s6], $0x2800, $0x38;
	[tilespmem:$0x1A000] =	vst v63  }
0x3a: {  	_ =	swait.ge [sflag:s16], $0x2800  }
0x3b: {  	[sflag:s16] =	ssyncset.done $0x0  }
0x3c: {  	[sflag:s16] =	ssyncadd.s32 $0xFFFFD800  }
0x3d: {  	[bflag:$0x0] =	sbarrier.arrive $0xFFFF  }
0x3e: {  	[tilespmem:s15], [sflag:$0x1] =	stream.indirect.gather [spmem:s2], $0x10, s19, s21, $0xb8;
	[tilespmem:$0x1A000] =	vst v63  }
0x3f: {  	s7 =	simm.s32 $0x15080  }
0x40: {  	[tilespmem:s23], [sflag:$0x2] =	stream.indirect.gather [spmem:s2], $0x10, s7, s21, $0xb8;
	[tilespmem:$0x1A000] =	vst v63  }
0x41: {  	s8 =	simm.s32 $0x15100  }
0x42: {  	[tilespmem:s26], [sflag:$0x3] =	stream.indirect.gather [spmem:s2], $0x10, s8, s21, $0xb8;
	[tilespmem:$0x1A000] =	vst v63  }
0x43: {  	s7 =	simm.s32 $0x15180  }
0x44: {  	[tilespmem:s29], [sflag:$0x4] =	stream.indirect.gather [spmem:s2], $0x10, s7, s21, $0xb8;
	[tilespmem:$0x1A000] =	vst v63  }
0x45: {  	_ =	swait.ge [sflag:s30], $0x800  }
0x46: {  	[sflag:s30] =	ssyncset.done $0x0  }
0x47: {  	s8 =	simm.s32 $0x17800;
	[sflag:s30] =	ssyncadd.s32 $0xFFFFF800  }
0x48: {  	[spmem:s3] =	stream.indirect.scatter.add.f32 [tilespmem:s15], [sflag:$0x5], $0x10, s8, s21, $0xb8;
	[tilespmem:$0x1A000] =	vst v63  }
0x49: {  	_ =	swait.ge [sflag:s31], $0x800  }
0x4a: {  	[sflag:s31] =	ssyncset.done $0x0  }
0x4b: {  	s7 =	simm.s32 $0x17880;
	[sflag:s31] =	ssyncadd.s32 $0xFFFFF800  }
0x4c: {  	[spmem:s3] =	stream.indirect.scatter.add.f32 [tilespmem:s23], [sflag:$0x6], $0x10, s7, s21, $0xb8;
	[tilespmem:$0x1A000] =	vst v63  }
0x4d: {  	_ =	swait.ge [sflag:s0], $0x800  }
0x4e: {  	[sflag:s0] =	ssyncset.done $0x0  }
0x4f: {  	s8 =	simm.s32 $0x17900;
	[sflag:s0] =	ssyncadd.s32 $0xFFFFF800  }
0x50: {  	[spmem:s3] =	stream.indirect.scatter.add.f32 [tilespmem:s26], [sflag:$0x7], $0x10, s8, s21, $0xb8;
	[tilespmem:$0x1A000] =	vst v63  }
0x51: {  	_ =	swait.ge [sflag:s1], $0x800  }
0x52: {  	[sflag:s1] =	ssyncset.done $0x0  }
0x53: {  	s7 =	simm.s32 $0x17980;
	[sflag:s1] =	ssyncadd.s32 $0xFFFFF800  }
0x54: {  	[spmem:s3] =	stream.indirect.scatter.add.f32 [tilespmem:s29], [sflag:$0x8], $0x10, s7, s21, $0xb8;
	[tilespmem:$0x1A000] =	vst v63  }
0x55: {  	_ =	swait.ge [sflag:s20], $0x800  }
0x56: {  	[sflag:s20] =	ssyncset.done $0x0  }
0x57: {  	s8 =	simm.s32 $0x15200;
	[sflag:s20] =	ssyncadd.s32 $0xFFFFF800  }
0x58: {  	[tilespmem:s15], [sflag:$0x1] =	stream.indirect.gather [spmem:s2], $0x10, s8, s21, $0xb8;
	[tilespmem:$0x1A000] =	vst v63  }
0x59: {  	_ =	swait.ge [sflag:s22], $0x800  }
0x5a: {  	[sflag:s22] =	ssyncset.done $0x0  }
0x5b: {  	s7 =	simm.s32 $0x15280;
	[sflag:s22] =	ssyncadd.s32 $0xFFFFF800  }
0x5c: {  	[tilespmem:s23], [sflag:$0x2] =	stream.indirect.gather [spmem:s2], $0x10, s7, s21, $0xb8;
	[tilespmem:$0x1A000] =	vst v63  }
0x5d: {  	_ =	swait.ge [sflag:s24], $0x800  }
0x5e: {  	[sflag:s24] =	ssyncset.done $0x0  }
0x5f: {  	s8 =	simm.s32 $0x15300;
	[sflag:s24] =	ssyncadd.s32 $0xFFFFF800  }
0x60: {  	[tilespmem:s26], [sflag:$0x3] =	stream.indirect.gather [spmem:s2], $0x10, s8, s21, $0xb8;
	[tilespmem:$0x1A000] =	vst v63  }
0x61: {  	_ =	swait.ge [sflag:s28], $0x800  }
0x62: {  	[sflag:s28] =	ssyncset.done $0x0  }
0x63: {  	s6 =	simm.s32 $0x800;
	s7 =	simm.s32 $0x15380;
	[sflag:s28] =	ssyncadd.s32 $0xFFFFF800  }
.LBB2_4:
0x64: {  	[tilespmem:s29], [sflag:$0x4] =	stream.indirect.gather [spmem:s2], $0x10, s7, s21, $0xb8;
	[tilespmem:$0x1A000] =	vst v63  }
0x65: {  	s7 =	smov.u32 s6  }
0x66: {  	p0 =	sne.s32 s6, $0x9000;
	s6 =	sadd.s32 $0x800, s6;
	_ =	swait.ge [sflag:s30], $0x800  }
0x67: {  	s7 =	sshra.s32 s7, $0x2;
	[sflag:s30] =	ssyncset.done $0x0  }
0x68: {  	s8 =	sadd.s32 $0x17800, s7;
	[sflag:s30] =	ssyncadd.s32 $0xFFFFF800  }
0x69: {  	[spmem:s3] =	stream.indirect.scatter.add.f32 [tilespmem:s15], [sflag:$0x5], $0x10, s8, s21, $0xb8;
	[tilespmem:$0x1A000] =	vst v63  }
0x6a: {  	_ =	swait.ge [sflag:s31], $0x800  }
0x6b: {  	[sflag:s31] =	ssyncset.done $0x0  }
0x6c: {  	s8 =	sadd.s32 $0x17880, s7;
	[sflag:s31] =	ssyncadd.s32 $0xFFFFF800  }
0x6d: {  	[spmem:s3] =	stream.indirect.scatter.add.f32 [tilespmem:s23], [sflag:$0x6], $0x10, s8, s21, $0xb8;
	[tilespmem:$0x1A000] =	vst v63  }
0x6e: {  	_ =	swait.ge [sflag:s0], $0x800  }
0x6f: {  	[sflag:s0] =	ssyncset.done $0x0  }
0x70: {  	s8 =	sadd.s32 $0x17900, s7;
	[sflag:s0] =	ssyncadd.s32 $0xFFFFF800  }
0x71: {  	[spmem:s3] =	stream.indirect.scatter.add.f32 [tilespmem:s26], [sflag:$0x7], $0x10, s8, s21, $0xb8;
	[tilespmem:$0x1A000] =	vst v63  }
0x72: {  	_ =	swait.ge [sflag:s1], $0x800  }
0x73: {  	[sflag:s1] =	ssyncset.done $0x0  }
0x74: {  	s8 =	sadd.s32 $0x17980, s7;
	[sflag:s1] =	ssyncadd.s32 $0xFFFFF800  }
0x75: {  	[spmem:s3] =	stream.indirect.scatter.add.f32 [tilespmem:s29], [sflag:$0x8], $0x10, s8, s21, $0xb8;
	[tilespmem:$0x1A000] =	vst v63  }
0x76: {  	_ =	swait.ge [sflag:s20], $0x800  }
0x77: {  	[sflag:s20] =	ssyncset.done $0x0  }
0x78: {  	s8 =	sadd.s32 $0x15200, s7;
	[sflag:s20] =	ssyncadd.s32 $0xFFFFF800  }
0x79: {  	[tilespmem:s15], [sflag:$0x1] =	stream.indirect.gather [spmem:s2], $0x10, s8, s21, $0xb8;
	[tilespmem:$0x1A000] =	vst v63  }
0x7a: {  	_ =	swait.ge [sflag:s22], $0x800  }
0x7b: {  	[sflag:s22] =	ssyncset.done $0x0  }
0x7c: {  	s8 =	sadd.s32 $0x15280, s7;
	[sflag:s22] =	ssyncadd.s32 $0xFFFFF800  }
0x7d: {  	[tilespmem:s23], [sflag:$0x2] =	stream.indirect.gather [spmem:s2], $0x10, s8, s21, $0xb8;
	[tilespmem:$0x1A000] =	vst v63  }
0x7e: {  	_ =	swait.ge [sflag:s24], $0x800  }
0x7f: {  	[sflag:s24] =	ssyncset.done $0x0  }
.Ltmp1:
0x80: {  	s8 =	sadd.s32 $0x15300, s7;
	[sflag:s24] =	ssyncadd.s32 $0xFFFFF800;
	(pc) =	sbr.rel @p0 .LBB2_4-.Ltmp1, $4  }
0x81: {  	[tilespmem:s26], [sflag:$0x3] =	stream.indirect.gather [spmem:s2], $0x10, s8, s21, $0xb8;
	[tilespmem:$0x1A000] =	vst v63  }
0x82: {  	_ =	swait.ge [sflag:s28], $0x800  }
0x83: {  	[sflag:s28] =	ssyncset.done $0x0  }
0x84: {  	s7 =	sadd.s32 $0x15380, s7;
	[sflag:s28] =	ssyncadd.s32 $0xFFFFF800  }
0x85: {  	[tilespmem:s29], [sflag:$0x4] =	stream.indirect.gather [spmem:s2], $0x10, s7, s21, $0xb8;
	[tilespmem:$0x1A000] =	vst v63  }
0x86: {  	_ =	swait.ge [sflag:s30], $0x800  }
0x87: {  	[sflag:s30] =	ssyncset.done $0x0  }
0x88: {  	s6 =	simm.s32 $0x19E00;
	[sflag:s30] =	ssyncadd.s32 $0xFFFFF800  }
0x89: {  	[spmem:s3] =	stream.indirect.scatter.add.f32 [tilespmem:s15], [sflag:$0x5], $0x10, s6, s21, $0xb8;
	[tilespmem:$0x1A000] =	vst v63  }
0x8a: {  	_ =	swait.ge [sflag:s31], $0x800  }
0x8b: {  	[sflag:s31] =	ssyncset.done $0x0  }
0x8c: {  	s8 =	simm.s32 $0x19E80;
	[sflag:s31] =	ssyncadd.s32 $0xFFFFF800  }
0x8d: {  	[spmem:s3] =	stream.indirect.scatter.add.f32 [tilespmem:s23], [sflag:$0x6], $0x10, s8, s21, $0xb8;
	[tilespmem:$0x1A000] =	vst v63  }
0x8e: {  	_ =	swait.ge [sflag:s0], $0x800  }
0x8f: {  	[sflag:s0] =	ssyncset.done $0x0  }
0x90: {  	s7 =	simm.s32 $0x19F00;
	[sflag:s0] =	ssyncadd.s32 $0xFFFFF800  }
0x91: {  	[spmem:s3] =	stream.indirect.scatter.add.f32 [tilespmem:s26], [sflag:$0x7], $0x10, s7, s21, $0xb8;
	[tilespmem:$0x1A000] =	vst v63  }
0x92: {  	_ =	swait.ge [sflag:s1], $0x800  }
0x93: {  	[sflag:s1] =	ssyncset.done $0x0  }
0x94: {  	s8 =	simm.s32 $0x19F80;
	[sflag:s1] =	ssyncadd.s32 $0xFFFFF800  }
0x95: {  	[spmem:s3] =	stream.indirect.scatter.add.f32 [tilespmem:s29], [sflag:$0x8], $0x10, s8, s21, $0xb8;
	[tilespmem:$0x1A000] =	vst v63  }
0x96: {  	_ =	swait.ge [sflag:s20], $0x800  }
0x97: {  	[sflag:s20] =	ssyncset.done $0x0  }
0x98: {  	[sflag:s20] =	ssyncadd.s32 $0xFFFFF800  }
0x99: {  	_ =	swait.ge [sflag:s22], $0x800  }
0x9a: {  	[sflag:s22] =	ssyncset.done $0x0  }
0x9b: {  	[sflag:s22] =	ssyncadd.s32 $0xFFFFF800  }
0x9c: {  	_ =	swait.ge [sflag:s24], $0x800  }
0x9d: {  	[sflag:s24] =	ssyncset.done $0x0  }
0x9e: {  	[sflag:s24] =	ssyncadd.s32 $0xFFFFF800  }
0x9f: {  	_ =	swait.ge [sflag:s28], $0x800  }
0xa0: {  	s4 =	sadd.s32 $0x1, s4;
	[sflag:s28] =	ssyncset.done $0x0  }
0xa1: {  	p0 =	sne.s32 s4, s10;
	[sflag:s28] =	ssyncadd.s32 $0xFFFFF800  }
.Ltmp2:
0xa2: {  	[bflag:$0x0] =	sbarrier.arrive $0xFFFF;
	(pc) =	sbr.rel @p0 .LBB2_1-.Ltmp2, $4  }
0xa3: {  	[hbm:s9], [sflag:s17] =	dma.local [spmem:s25], $0x2800  }
0xa4: {  	_ =	swait.ge [sflag:s16], $0x2800  }
0xa5: {  	[sflag:s16] =	ssyncset.done $0x0  }
0xa6: {  	[sflag:s16] =	ssyncadd.s32 $0xFFFFD800  }
0xa7: {  	_ =	sfence.sel $0x180000  }
0xa8: {  	[bflag:$0x0] =	sbarrier.arrive $0xFFFF  }
0xa9: {  	_ =	strace $0x90000050  }
0xaa: {  	s0 =	stileid.u32;
	[bflag:$0x2] =	sbarrier.arrive $0xFFFF  }
0xab: {  	p0 =	sne.s32 s0, $0x0;
	s0 =	rddreg [dreg:$0x3]  }
0xac: {  	s0 =	sadd.s32 @!p0 $0x100000, s0  }
0xad: {  	[sflag:s0] =	ssyncadd.tile.s32 @!p0 $0x1;
	_ =	shalt  }
.Lfunc_end2:
_tile_overlayer_lowered:
.L_overlay_start_2:
0xae: {  	(tag) =	ssettag $0x2  }
0xaf: {  	s0 =	rddreg [dreg:$0x0];
	s2 =	stileid.u32  }
0xb0: {  	s1 =	rddreg [dreg:$0x1];
	p0 =	sne.s32 s2, $0x0  }
0xb1: {  	s3 =	rddreg [dreg:$0x2];
	[bflag:$0x3] =	sbarrier.arrive $0xFFFF;
	s2 =	simm.s32 @!p0 $0x1C09  }
0xb2: {  	[timem:s3], [sflag:s2] =	dma.local @!p0 [hbm:s0], s1  }
0xb3: {  	s0 =	simm.s32 @!p0 $0x9  }
0xb4: {  	_ =	swait.ge @!p0 [sflag:s0], s1  }
0xb5: {  	s1 =	ssub.s32 @!p0 $0x0, s1;
	[sflag:s0] =	ssyncset.done @!p0 $0x0  }
0xb6: {  	[sflag:s0] =	ssyncadd.s32 @!p0 s1  }
0xb7: {  	[bflag:$0x3] =	sbarrier.arrive $0xFFFF  }
0xb8: {  	_ =	shalt  }

// kernel: kernel.24.cloned.1.call-start
scs
__scs_entry_jumppad:
0x0: {  	(pc) =	sbr.rel $0x88, $3  }
0x1: {  	(tag) =	ssettag $0x0;
	lr =	simm.s32 $0x1  }
0x2: {  	[smem:$0x3F96] =	sst lr;
	_ =	strace $0xD0000000  }
0x3: {  	_ = 	snop  }
0x4: {  	_ = 	snop  }
0x5: {  	_ = 	snop  }
0x6: {  	_ = 	snop  }
0x7: {  	_ = 	snop  }
__scs_overlays_trampoline_lowered:
0x8: {  	[smem:$0x3FA5] =	sst s0  }
0x9: {  	[smem:$0x3FA6] =	sst s1  }
0xa: {  	[smem:$0x3FA7] =	sst s2  }
0xb: {  	[smem:$0x3FA8] =	sst s3  }
0xc: {  	[smem:$0x3FA9] =	sst s4  }
0xd: {  	[smem:$0x3FAA] =	sst s5  }
0xe: {  	[smem:$0x3FAB] =	sst s6  }
0xf: {  	[smem:$0x3FAC] =	sst s7  }
0x10: {  	[smem:$0x3FAD] =	sst s8  }
0x11: {  	[smem:$0x3FAE] =	sst s9;
	s0 =	simm.s32 @!p0 $0x0  }
0x12: {  	s1 =	sld [smem:$0x3F94];
	s0 =	simm.s32 @p0 $0x1  }
0x13: {  	[smem:$0x3FAF] =	sst s0;
	s0 =	simm.s32 @!p1 $0x0  }
0x14: {  	s2 =	sld [smem:$0x3F93];
	s0 =	simm.s32 @p1 $0x1  }
0x15: {  	[smem:$0x3FB0] =	sst s0;
	s0 =	simm.s32 @!p2 $0x0  }
0x16: {  	s3 =	sld [smem:$0x3FDB];
	s0 =	simm.s32 @p2 $0x1  }
0x17: {  	s4 =	simm.s32 $0x1BF5;
	[smem:$0x3FB2] =	sst s0  }
0x18: {  	s0 =	sld [smem:$0x3F95];
	_ =	swait.ge [sflag:s4], $0x0  }
0x19: {  	s7 =	sld [smem:$0x3F96]  }
0x1a: {  	s8 =	sadd.s32 $0xFFFFE003, lr  }
0x1b: {  	s9 =	sadd.s32 $0xFFFFFEF7, lr;
	s5 =	simm.s32 $0xFFFFFFFF;
	p2 =	slt.u32 s8, $0xFFFFF086  }
0x1c: {  	p1 =	slt.u32 s9, $0xF7A;
	s5 =	simm.s32 @!p2 $0x0  }
0x1d: {  	s5 =	simm.s32 @p1 $0x1;
	p0 =	seq.s32 s7, s2  }
0x1e: {  	s7 =	smul.u32 @!p0 $0xF7A, s2;
	p2 =	seq.s32 @!p0 s5, $0x0  }
0x1f: {  	s9 =	smul.u32 $0xF7A, s1;
	s8 =	simm.s32 @!p0 $0x1BF5;
	p2 =	por !p2, p0  }
0x20: {  	[sflag:s8] =	ssyncset.s32 @!p0 $0xFFFFF086;
	s6 =	sadd.s32 @!p0 s3, s7;
	s7 =	simm.s32 @!p0 $0x108  }
0x21: {  	s3 =	sadd.s32 s3, s9;
	s6 =	sadd.s32 @!p0 $0x88, s6;
	s7 =	simm.s32 @p2 $0x1082  }
0x22: {  	[simem:s7], [sflag:s8] =	dma.local @!p0 [hbm:s6], $0xF7A  }
0x23: {  	s9 =	sor.u32 $0xD0000000, s2;
	s6 =	simm.s32 $0x108;
	_ =	swait.ge @!p0 [sflag:s8], $0x0  }
0x24: {  	s3 =	sadd.s32 $0x88, s3;
	s6 =	simm.s32 @!p1 $0x1082;
	[sflag:s4] =	ssyncset.s32 $0xFFFFF086  }
0x25: {  	[simem:s6], [sflag:s4] =	dma.local [hbm:s3], $0xF7A  }
0x26: {  	[smem:$0x3F96] =	sst s1;
	(tag) =	ssettag s2;
	_ =	strace s9  }
0x27: {  	s1 =	sld [smem:$0x3FA6]  }
0x28: {  	s2 =	sld [smem:$0x3FA7]  }
0x29: {  	s4 =	sld [smem:$0x3FA9]  }
0x2a: {  	p0 =	seq.s32 s5, $0x0;
	s5 =	sld [smem:$0x3FAA]  }
0x2b: {  	s6 =	sld [smem:$0x3FAB]  }
0x2c: {  	s7 =	sld [smem:$0x3FAC]  }
0x2d: {  	s3 =	simm.s32 $0x108;
	s8 =	sld [smem:$0x3FAD]  }
0x2e: {  	s3 =	simm.s32 @!p0 $0x1082;
	s9 =	sld [smem:$0x3FAE]  }
0x2f: {  	lr =	sadd.s32 s0, s3;
	s0 =	sld [smem:$0x3FA5]  }
0x30: {  	s3 =	sld [smem:$0x3FA8]  }
0x31: {  	[smem:$0x3FB1] =	sst s10  }
0x32: {  	s10 =	sld [smem:$0x3FAF];
	_ =	sdelay $0x3  }
0x33: {  	p0 =	seq.s32 s10, $0x1;
	s10 =	sld [smem:$0x3FB1];
	_ =	sdelay $0x3  }
0x34: {  	[smem:$0x3FB1] =	sst s10  }
0x35: {  	s10 =	sld [smem:$0x3FB0];
	_ =	sdelay $0x3  }
0x36: {  	p1 =	seq.s32 s10, $0x1;
	s10 =	sld [smem:$0x3FB1];
	_ =	sdelay $0x3  }
0x37: {  	[smem:$0x3FB1] =	sst s10  }
0x38: {  	s10 =	sld [smem:$0x3FB2]  }
0x39: {  	_ = 	snop;
	(pc) =	sbr.ind lr, $3  }
0x3a: {  	_ = 	snop  }
0x3b: {  	_ = 	snop  }
0x3c: {  	p2 =	seq.s32 s10, $0x1;
	s10 =	sld [smem:$0x3FB1]  }
0x3d: {  	_ =	shalt  }
0x3e: {  	_ =	shalt  }
0x3f: {  	_ =	shalt  }
0x40: {  	_ =	shalt  }
0x41: {  	_ =	shalt  }
0x42: {  	_ =	shalt  }
0x43: {  	_ =	shalt  }
0x44: {  	_ =	shalt  }
0x45: {  	_ =	shalt  }
0x46: {  	_ =	shalt  }
0x47: {  	_ =	shalt  }
0x48: {  	_ =	shalt  }
0x49: {  	_ =	shalt  }
0x4a: {  	_ =	shalt  }
0x4b: {  	_ =	shalt  }
0x4c: {  	_ =	shalt  }
0x4d: {  	_ =	shalt  }
0x4e: {  	_ =	shalt  }
0x4f: {  	_ =	shalt  }
0x50: {  	_ =	shalt  }
0x51: {  	_ =	shalt  }
0x52: {  	_ =	shalt  }
0x53: {  	_ =	shalt  }
0x54: {  	_ =	shalt  }
0x55: {  	_ =	shalt  }
0x56: {  	_ =	shalt  }
0x57: {  	_ =	shalt  }
0x58: {  	_ =	shalt  }
0x59: {  	_ =	shalt  }
0x5a: {  	_ =	shalt  }
0x5b: {  	_ =	shalt  }
0x5c: {  	_ =	shalt  }
0x5d: {  	_ =	shalt  }
0x5e: {  	_ =	shalt  }
0x5f: {  	_ =	shalt  }
0x60: {  	_ =	shalt  }
0x61: {  	_ =	shalt  }
0x62: {  	_ =	shalt  }
0x63: {  	_ =	shalt  }
0x64: {  	_ =	shalt  }
0x65: {  	_ =	shalt  }
0x66: {  	_ =	shalt  }
0x67: {  	_ =	shalt  }
0x68: {  	_ =	shalt  }
0x69: {  	_ =	shalt  }
0x6a: {  	_ =	shalt  }
0x6b: {  	_ =	shalt  }
0x6c: {  	_ =	shalt  }
0x6d: {  	_ =	shalt  }
0x6e: {  	_ =	shalt  }
0x6f: {  	_ =	shalt  }
0x70: {  	_ =	shalt  }
0x71: {  	_ =	shalt  }
0x72: {  	_ =	shalt  }
0x73: {  	_ =	shalt  }
0x74: {  	_ =	shalt  }
0x75: {  	_ =	shalt  }
0x76: {  	_ =	shalt  }
0x77: {  	_ =	shalt  }
0x78: {  	_ =	shalt  }
0x79: {  	_ =	shalt  }
0x7a: {  	_ =	shalt  }
0x7b: {  	_ =	shalt  }
0x7c: {  	_ =	shalt  }
0x7d: {  	_ =	shalt  }
0x7e: {  	_ =	shalt  }
0x7f: {  	_ =	shalt  }
0x80: {  	_ =	shalt  }
0x81: {  	_ =	shalt  }
0x82: {  	_ =	shalt  }
0x83: {  	_ =	shalt  }
0x84: {  	_ =	shalt  }
0x85: {  	_ =	shalt  }
0x86: {  	_ =	shalt  }
0x87: {  	_ =	shalt  }
.Lfunc_end0:
.L_simem_size_0:
called_computation.4_lowered:
.L_overlay_start_0:
0x88: {  	s2 =	sld [smem:$0x3FD9]  }
0x89: {  	s3 =	sld [smem:$0x3FFE];
	_ =	sdelay $0x1  }
0x8a: {  	s1 =	srdreg.scid  }
0x8b: {  	s0 =	sand.u32 $0x1, s1  }
0x8c: {  	s16 =	sshll.u32 s0, $0xA;
	s2 =	sadd.s32 s3, s2  }
0x8d: {  	s2 =	sadd.s32 s2, s16  }
0x8e: {  	[smem:$0x3FBD] =	sst s2  }
0x8f: {  	_ = 	snop  }
0x90: {  	(tm) =	ssettm $0x1  }
0x91: {  	s17 =	sld [smem:$0x3FFB];
	_ =	sdelay $0x3  }
0x92: {  	_ =	strace s17  }
0x93: {  	s2 =	sld [smem:$0x3FFC];
	_ =	sdelay $0x3  }
0x94: {  	_ =	strace s2  }
0x95: {  	s2 =	sld [smem:$0x3FFD];
	_ =	sdelay $0x3  }
0x96: {  	_ =	strace s2  }
0x97: {  	_ =	strace $0x8FFFFFFF  }
0x98: {  	s18 =	sld [smem:$0x3FDB];
	_ =	sdelay $0x1  }
0x99: {  	s19 =	simm.s32 $_scs_section_size  }
0x9a: {  	s4 =	simm.s32 $_size__tile_overlayer_lowered;
	s5 =	simm.s32 $_tile_overlayer_lowered  }
0x9b: {  	s22 =	simm.s32 $0x1BFF;
	s21 =	sshll.u32 s5, $0x1;
	s2 =	sadd.s32 s19, s18  }
0x9c: {  	s6 =	simm.s32 $0x0;
	s20 =	sshll.u32 s4, $0x1;
	s4 =	sadd.s32 s21, s2  }
0x9d: {  	[timem:s6], [sflag:s22] =	dma.local [hbm:s4], s20  }
0x9e: {  	_ =	swait.ge [sflag:s22], s20  }
0x9f: {  	s3 =	ssub.s32 $0x0, s20;
	[sflag:s22] =	ssyncset.done $0x0  }
0xa0: {  	[sflag:s22] =	ssyncadd.s32 s3;
	_ =	sdelay $0x1  }
0xa1: {  	s23 =	simm.s32 $0x1B8B  }
0xa2: {  	_ =	swait.ge [sflag:s23], $0x1  }
0xa3: {  	[sflag:s23] =	ssyncset.done $0x0  }
0xa4: {  	s25 =	simm.s32 $0x1B8E;
	s24 =	sld [smem:$0x3FFE];
	[sflag:s23] =	ssyncadd.s32 $0xFFFFFFFF  }
0xa5: {  	s26 =	simm.s32 $execute0_lowered;
	[smem:$0x3FD2] =	sst s25  }
0xa6: {  	s4 =	sshll.u32 s26, $0x1;
	_ =	strace $0x80000052;
	[dreg:$0x1] =	wrdreg $0xFFFFFFFF  }
0xa7: {  	s28 =	simm.s32 $_size_execute0_lowered;
	s2 =	sadd.s32 s2, s4;
	[dreg:$0x0] =	wrdreg $0x0  }
0xa8: {  	s4 =	sshll.u32 s28, $0x1;
	[dreg:$0x2] =	wrdreg s2  }
0xa9: {  	[dreg:$0x3] =	wrdreg s4  }
0xaa: {  	[dreg:$0x4] =	wrdreg $0xC0  }
0xab: {  	_ =	task [dreg:s6], $0x5FFFF  }
0xac: {  	[dreg:$0x1] =	wrdreg $0xFFFFFFFF  }
0xad: {  	[dreg:$0x0] =	wrdreg $0x60  }
0xae: {  	[dreg:$0x2] =	wrdreg s24  }
0xaf: {  	[dreg:$0x3] =	wrdreg $0x0  }
0xb0: {  	[dreg:$0x4] =	wrdreg $0x28000  }
0xb1: {  	[dreg:$0x5] =	wrdreg $0x9  }
0xb2: {  	_ =	task.clear_ibuf [dreg:s6], $0x6FFFF;
	_ =	strace $0x90000052  }
0xb3: {  	s29 =	simm.s32 $0x9;
	_ =	strace $0x80000054  }
0xb4: {  	_ =	swait.ge [sflag:s29], $0x1  }
0xb5: {  	[sflag:s29] =	ssyncadd.s32 $0xFFFFFFFF  }
0xb6: {  	_ =	strace $0x90000054  }
0xb7: {  	_ =	sfence  }
0xb8: {  	s30 =	sld [smem:$0x0];
	_ =	sdelay $0x2  }
0xb9: {  	s31 =	sshll.u32 s1, $0xD;
	s1 =	sshrl.u32 s1, $0x2  }
0xba: {  	s3 =	sand.u32 $0x4000, s31;
	s1 =	sadd.s32 s1, s30  }
0xbb: {  	s0 =	sor.u32 s3, s0;
	s1 =	sshll.u32 s1, $0x11  }
0xbc: {  	s0 =	sor.u32 s1, s0  }
0xbd: {  	s0 =	sadd.s32 $0x8F2B, s0  }
0xbe: {  	[sflag:s0] =	ssyncadd.remote.s32 $0x1  }
0xbf: {  	_ =	sfence.sel $0xFFFF  }
0xc0: {  	[dreg:$0x0] =	wrdreg $0xFFFFFFFF;
	(pc) =	sbr.abs _section_cstart, $3  }
0xc1: {  	[dreg:$0x1] =	wrdreg $0xFFFFFFFF  }
0xc2: {  	_ =	task.clear_ibuf [dreg:s6], $0x2FFFF;
	_ =	strace $0x9FFFFFFF  }
0xc3: {  	(tm) =	ssettm $0x7FFFFFFF  }
tec
execute0_lowered:
.L_overlay_start_1:
0x0: {  	(tag) =	ssettag $0x1  }
0x1: {  	s0 =	rddreg [dreg:$0x0]  }
0x2: {  	s2 =	rddreg [dreg:$0x1]  }
0x3: {  	s3 =	rddreg [dreg:$0x2]  }
0x4: {  	s17 =	stileid.u32;
	s1 =	srdreg.scid  }
0x5: {  	s4 =	simm.s32 $0x0;
	s15 =	simm.s32 $0x5000;
	s16 =	simm.s32 $0x9  }
0x6: {  	s19 =	simm.s32 $0x15000;
	s29 =	simm.s32 $0x11000;
	s30 =	simm.s32 $0x1  }
0x7: {  	s31 =	simm.s32 $0x2;
	s28 =	simm.s32 $0x8;
	s6 =	smul.u32 $0x14000, s17  }
0x8: {  	s1 =	sand.u32 $0x1, s1;
	[smem:$0x7FF] =	sst s4;
	s9 =	smul.u32 $0x50000, s17  }
0x9: {  	s26 =	sshll.u32 s17, $0x6;
	s5 =	sshll.u32 s1, $0x4;
	s8 =	smul.u32 $0x140000, s1  }
0xa: {  	_ =	strace $0x80000053;
	s1 =	ssub.s32 $0x2, s1;
	s7 =	sshrl.u32 s6, $0x3  }
0xb: {  	s5 =	sor.u32 s17, s5;
	s21 =	sshrl.u32 s1, $0x1;
	s22 =	sshrl.u32 s9, $0x2  }
0xc: {  	s18 =	sadd.s32 s6, s2;
	s25 =	sadd.s32 s6, s3;
	s17 =	sor.u32 $0x1C09, s26  }
0xd: {  	s26 =	simm.s32 $0xD000;
	s7 =	sadd.s32 s7, s0;
	s5 =	smul.u32 $0x500, s5  }
0xe: {  	s8 =	sadd.s32 s6, s8;
	s1 =	ssub.s32 s1, s21;
	s18 =	sshrl.u32 s18, $0x3  }
0xf: {  	s21 =	simm.s32 $0x80;
	s25 =	sshrl.u32 s25, $0x3;
	s20 =	sshrl.u32 s8, $0x3  }
0x10: {  	s7 =	sadd.s32 $0x16C00, s7;
	s10 =	sadd.s32 s5, s0;
	s0 =	sadd.s32 s20, s0  }
0x11: {  	s5 =	sadd.s32 s22, s3;
	[dreg:$0x4] =	wrdreg s7;
	s20 =	simm.s32 $0x5  }
0x12: {  	s22 =	simm.s32 $0x6;
	s23 =	sadd.s32 $0x2C00, s10;
	s24 =	sadd.s32 $0xCC00, s10  }
0x13: {  	s9 =	sadd.s32 $0x3EC00, s0;
	s10 =	smax.u32 s1, $0x1;
	s11 =	sadd.s32 $0x4000, s5  }
0x14: {  	s12 =	sadd.s32 $0x8000, s5;
	s13 =	sadd.s32 $0xC000, s5;
	s14 =	sadd.s32 $0x10000, s5  }
0x15: {  	s0 =	simm.s32 $0x3;
	s1 =	simm.s32 $0x4;
	[dreg:$0x5] =	wrdreg s23  }
0x16: {  	v0 =	vimm.f32 $0.0e+00;
	[dreg:$0x6] =	wrdreg s24;
	s23 =	simm.s32 $0x9000;
	s24 =	simm.s32 $0x7  }
.LBB2_1:
0x17: {  	s6 =	simm.s32 $0x200;
	s7 =	simm.s32 $0x0  }
.LBB2_2:
0x18: {  	p0 =	sne.s32 s6, $0xFE00;
	[tilespmem:s7+$0x5000] =	vst v0;
	s7 =	smov.u32 s6;
	s6 =	sadd.s32 $0x200, s6  }
.Ltmp0:
0x19: {  	(pc) =	sbr.rel @p0 .LBB2_2-.Ltmp0, $2  }
0x1a: {  	_ =	sdelay $0x2  }
0x1b: {  	s7 =	sshra.s32 s7, $0x2  }
0x1c: {  	[tilespmem:s7+$0x5000] =	vst v0  }
0x1d: {  	[spmem:s5] =	stream.linear.scatter [tilespmem:s15], [sflag:$0x9], $0x4000, $0x38;
	[tilespmem:$0x1A000] =	vst v63  }
0x1e: {  	_ =	swait.ge [sflag:s16], $0x4000  }
0x1f: {  	[sflag:s16] =	ssyncset.done $0x0  }
0x20: {  	[sflag:s16] =	ssyncadd.s32 $0xFFFFC000  }
0x21: {  	[spmem:s11] =	stream.linear.scatter [tilespmem:s15], [sflag:$0x9], $0x4000, $0x38;
	[tilespmem:$0x1A000] =	vst v63  }
0x22: {  	_ =	swait.ge [sflag:s16], $0x4000  }
0x23: {  	[sflag:s16] =	ssyncset.done $0x0  }
0x24: {  	[sflag:s16] =	ssyncadd.s32 $0xFFFFC000  }
0x25: {  	[spmem:s12] =	stream.linear.scatter [tilespmem:s15], [sflag:$0x9], $0x4000, $0x38;
	[tilespmem:$0x1A000] =	vst v63  }
0x26: {  	_ =	swait.ge [sflag:s16], $0x4000  }
0x27: {  	[sflag:s16] =	ssyncset.done $0x0  }
0x28: {  	[sflag:s16] =	ssyncadd.s32 $0xFFFFC000  }
0x29: {  	[spmem:s13] =	stream.linear.scatter [tilespmem:s15], [sflag:$0x9], $0x4000, $0x38;
	[tilespmem:$0x1A000] =	vst v63  }
0x2a: {  	_ =	swait.ge [sflag:s16], $0x4000  }
0x2b: {  	[sflag:s16] =	ssyncset.done $0x0  }
0x2c: {  	[sflag:s16] =	ssyncadd.s32 $0xFFFFC000  }
0x2d: {  	[spmem:s14] =	stream.linear.scatter [tilespmem:s15], [sflag:$0x9], $0x4000, $0x38;
	[tilespmem:$0x1A000] =	vst v63  }
0x2e: {  	_ =	swait.ge [sflag:s16], $0x4000  }
0x2f: {  	[sflag:s16] =	ssyncset.done $0x0  }
0x30: {  	s6 =	rddreg [dreg:$0x4];
	[sflag:s16] =	ssyncadd.s32 $0xFFFFC000  }
0x31: {  	[spmem:s18], [sflag:s17] =	dma.local [hbm:s6], $0x2800  }
0x32: {  	_ =	swait.ge [sflag:s16], $0x2800  }
0x33: {  	[sflag:s16] =	ssyncset.done $0x0  }
0x34: {  	s6 =	simm.s32 $0x0;
	s8 =	rddreg [dreg:$0x5];
	[sflag:s16] =	ssyncadd.s32 $0xFFFFD800  }
0x35: {  	[tilespmem:s19], [sflag:$0x9] =	stream.linear.gather [hbm4b:s8+s6], $0x2800, $0x38;
	[tilespmem:$0x1A000] =	vst v63  }
0x36: {  	_ =	swait.ge [sflag:s16], $0x2800  }
0x37: {  	[sflag:s16] =	ssyncset.done $0x0  }
0x38: {  	s8 =	simm.s32 $0x17800;
	s7 =	rddreg [dreg:$0x6];
	[sflag:s16] =	ssyncadd.s32 $0xFFFFD800  }
0x39: {  	[tilespmem:s8], [sflag:$0x9] =	stream.linear.gather [hbm4b:s7+s6], $0x2800, $0x38;
	[tilespmem:$0x1A000] =	vst v63  }
0x3a: {  	_ =	swait.ge [sflag:s16], $0x2800  }
0x3b: {  	[sflag:s16] =	ssyncset.done $0x0  }
0x3c: {  	[sflag:s16] =	ssyncadd.s32 $0xFFFFD800  }
0x3d: {  	[bflag:$0x0] =	sbarrier.arrive $0xFFFF  }
0x3e: {  	[tilespmem:s15], [sflag:$0x1] =	stream.indirect.gather [spmem:s2], $0x10, s19, s21, $0xb8;
	[tilespmem:$0x1A000] =	vst v63  }
0x3f: {  	s7 =	simm.s32 $0x15080  }
0x40: {  	[tilespmem:s23], [sflag:$0x2] =	stream.indirect.gather [spmem:s2], $0x10, s7, s21, $0xb8;
	[tilespmem:$0x1A000] =	vst v63  }
0x41: {  	s8 =	simm.s32 $0x15100  }
0x42: {  	[tilespmem:s26], [sflag:$0x3] =	stream.indirect.gather [spmem:s2], $0x10, s8, s21, $0xb8;
	[tilespmem:$0x1A000] =	vst v63  }
0x43: {  	s7 =	simm.s32 $0x15180  }
0x44: {  	[tilespmem:s29], [sflag:$0x4] =	stream.indirect.gather [spmem:s2], $0x10, s7, s21, $0xb8;
	[tilespmem:$0x1A000] =	vst v63  }
0x45: {  	_ =	swait.ge [sflag:s30], $0x800  }
0x46: {  	[sflag:s30] =	ssyncset.done $0x0  }
0x47: {  	s8 =	simm.s32 $0x17800;
	[sflag:s30] =	ssyncadd.s32 $0xFFFFF800  }
0x48: {  	[spmem:s3] =	stream.indirect.scatter.add.f32 [tilespmem:s15], [sflag:$0x5], $0x10, s8, s21, $0xb8;
	[tilespmem:$0x1A000] =	vst v63  }
0x49: {  	_ =	swait.ge [sflag:s31], $0x800  }
0x4a: {  	[sflag:s31] =	ssyncset.done $0x0  }
0x4b: {  	s7 =	simm.s32 $0x17880;
	[sflag:s31] =	ssyncadd.s32 $0xFFFFF800  }
0x4c: {  	[spmem:s3] =	stream.indirect.scatter.add.f32 [tilespmem:s23], [sflag:$0x6], $0x10, s7, s21, $0xb8;
	[tilespmem:$0x1A000] =	vst v63  }
0x4d: {  	_ =	swait.ge [sflag:s0], $0x800  }
0x4e: {  	[sflag:s0] =	ssyncset.done $0x0  }
0x4f: {  	s8 =	simm.s32 $0x17900;
	[sflag:s0] =	ssyncadd.s32 $0xFFFFF800  }
0x50: {  	[spmem:s3] =	stream.indirect.scatter.add.f32 [tilespmem:s26], [sflag:$0x7], $0x10, s8, s21, $0xb8;
	[tilespmem:$0x1A000] =	vst v63  }
0x51: {  	_ =	swait.ge [sflag:s1], $0x800  }
0x52: {  	[sflag:s1] =	ssyncset.done $0x0  }
0x53: {  	s7 =	simm.s32 $0x17980;
	[sflag:s1] =	ssyncadd.s32 $0xFFFFF800  }
0x54: {  	[spmem:s3] =	stream.indirect.scatter.add.f32 [tilespmem:s29], [sflag:$0x8], $0x10, s7, s21, $0xb8;
	[tilespmem:$0x1A000] =	vst v63  }
0x55: {  	_ =	swait.ge [sflag:s20], $0x800  }
0x56: {  	[sflag:s20] =	ssyncset.done $0x0  }
0x57: {  	s8 =	simm.s32 $0x15200;
	[sflag:s20] =	ssyncadd.s32 $0xFFFFF800  }
0x58: {  	[tilespmem:s15], [sflag:$0x1] =	stream.indirect.gather [spmem:s2], $0x10, s8, s21, $0xb8;
	[tilespmem:$0x1A000] =	vst v63  }
0x59: {  	_ =	swait.ge [sflag:s22], $0x800  }
0x5a: {  	[sflag:s22] =	ssyncset.done $0x0  }
0x5b: {  	s7 =	simm.s32 $0x15280;
	[sflag:s22] =	ssyncadd.s32 $0xFFFFF800  }
0x5c: {  	[tilespmem:s23], [sflag:$0x2] =	stream.indirect.gather [spmem:s2], $0x10, s7, s21, $0xb8;
	[tilespmem:$0x1A000] =	vst v63  }
0x5d: {  	_ =	swait.ge [sflag:s24], $0x800  }
0x5e: {  	[sflag:s24] =	ssyncset.done $0x0  }
0x5f: {  	s8 =	simm.s32 $0x15300;
	[sflag:s24] =	ssyncadd.s32 $0xFFFFF800  }
0x60: {  	[tilespmem:s26], [sflag:$0x3] =	stream.indirect.gather [spmem:s2], $0x10, s8, s21, $0xb8;
	[tilespmem:$0x1A000] =	vst v63  }
0x61: {  	_ =	swait.ge [sflag:s28], $0x800  }
0x62: {  	[sflag:s28] =	ssyncset.done $0x0  }
0x63: {  	s6 =	simm.s32 $0x800;
	s7 =	simm.s32 $0x15380;
	[sflag:s28] =	ssyncadd.s32 $0xFFFFF800  }
.LBB2_4:
0x64: {  	[tilespmem:s29], [sflag:$0x4] =	stream.indirect.gather [spmem:s2], $0x10, s7, s21, $0xb8;
	[tilespmem:$0x1A000] =	vst v63  }
0x65: {  	s7 =	smov.u32 s6  }
0x66: {  	p0 =	sne.s32 s6, $0x9000;
	s6 =	sadd.s32 $0x800, s6;
	_ =	swait.ge [sflag:s30], $0x800  }
0x67: {  	s7 =	sshra.s32 s7, $0x2;
	[sflag:s30] =	ssyncset.done $0x0  }
0x68: {  	s8 =	sadd.s32 $0x17800, s7;
	[sflag:s30] =	ssyncadd.s32 $0xFFFFF800  }
0x69: {  	[spmem:s3] =	stream.indirect.scatter.add.f32 [tilespmem:s15], [sflag:$0x5], $0x10, s8, s21, $0xb8;
	[tilespmem:$0x1A000] =	vst v63  }
0x6a: {  	_ =	swait.ge [sflag:s31], $0x800  }
0x6b: {  	[sflag:s31] =	ssyncset.done $0x0  }
0x6c: {  	s8 =	sadd.s32 $0x17880, s7;
	[sflag:s31] =	ssyncadd.s32 $0xFFFFF800  }
0x6d: {  	[spmem:s3] =	stream.indirect.scatter.add.f32 [tilespmem:s23], [sflag:$0x6], $0x10, s8, s21, $0xb8;
	[tilespmem:$0x1A000] =	vst v63  }
0x6e: {  	_ =	swait.ge [sflag:s0], $0x800  }
0x6f: {  	[sflag:s0] =	ssyncset.done $0x0  }
0x70: {  	s8 =	sadd.s32 $0x17900, s7;
	[sflag:s0] =	ssyncadd.s32 $0xFFFFF800  }
0x71: {  	[spmem:s3] =	stream.indirect.scatter.add.f32 [tilespmem:s26], [sflag:$0x7], $0x10, s8, s21, $0xb8;
	[tilespmem:$0x1A000] =	vst v63  }
0x72: {  	_ =	swait.ge [sflag:s1], $0x800  }
0x73: {  	[sflag:s1] =	ssyncset.done $0x0  }
0x74: {  	s8 =	sadd.s32 $0x17980, s7;
	[sflag:s1] =	ssyncadd.s32 $0xFFFFF800  }
0x75: {  	[spmem:s3] =	stream.indirect.scatter.add.f32 [tilespmem:s29], [sflag:$0x8], $0x10, s8, s21, $0xb8;
	[tilespmem:$0x1A000] =	vst v63  }
0x76: {  	_ =	swait.ge [sflag:s20], $0x800  }
0x77: {  	[sflag:s20] =	ssyncset.done $0x0  }
0x78: {  	s8 =	sadd.s32 $0x15200, s7;
	[sflag:s20] =	ssyncadd.s32 $0xFFFFF800  }
0x79: {  	[tilespmem:s15], [sflag:$0x1] =	stream.indirect.gather [spmem:s2], $0x10, s8, s21, $0xb8;
	[tilespmem:$0x1A000] =	vst v63  }
0x7a: {  	_ =	swait.ge [sflag:s22], $0x800  }
0x7b: {  	[sflag:s22] =	ssyncset.done $0x0  }
0x7c: {  	s8 =	sadd.s32 $0x15280, s7;
	[sflag:s22] =	ssyncadd.s32 $0xFFFFF800  }
0x7d: {  	[tilespmem:s23], [sflag:$0x2] =	stream.indirect.gather [spmem:s2], $0x10, s8, s21, $0xb8;
	[tilespmem:$0x1A000] =	vst v63  }
0x7e: {  	_ =	swait.ge [sflag:s24], $0x800  }
0x7f: {  	[sflag:s24] =	ssyncset.done $0x0  }
.Ltmp1:
0x80: {  	s8 =	sadd.s32 $0x15300, s7;
	[sflag:s24] =	ssyncadd.s32 $0xFFFFF800;
	(pc) =	sbr.rel @p0 .LBB2_4-.Ltmp1, $4  }
0x81: {  	[tilespmem:s26], [sflag:$0x3] =	stream.indirect.gather [spmem:s2], $0x10, s8, s21, $0xb8;
	[tilespmem:$0x1A000] =	vst v63  }
0x82: {  	_ =	swait.ge [sflag:s28], $0x800  }
0x83: {  	[sflag:s28] =	ssyncset.done $0x0  }
0x84: {  	s7 =	sadd.s32 $0x15380, s7;
	[sflag:s28] =	ssyncadd.s32 $0xFFFFF800  }
0x85: {  	[tilespmem:s29], [sflag:$0x4] =	stream.indirect.gather [spmem:s2], $0x10, s7, s21, $0xb8;
	[tilespmem:$0x1A000] =	vst v63  }
0x86: {  	_ =	swait.ge [sflag:s30], $0x800  }
0x87: {  	[sflag:s30] =	ssyncset.done $0x0  }
0x88: {  	s6 =	simm.s32 $0x19E00;
	[sflag:s30] =	ssyncadd.s32 $0xFFFFF800  }
0x89: {  	[spmem:s3] =	stream.indirect.scatter.add.f32 [tilespmem:s15], [sflag:$0x5], $0x10, s6, s21, $0xb8;
	[tilespmem:$0x1A000] =	vst v63  }
0x8a: {  	_ =	swait.ge [sflag:s31], $0x800  }
0x8b: {  	[sflag:s31] =	ssyncset.done $0x0  }
0x8c: {  	s8 =	simm.s32 $0x19E80;
	[sflag:s31] =	ssyncadd.s32 $0xFFFFF800  }
0x8d: {  	[spmem:s3] =	stream.indirect.scatter.add.f32 [tilespmem:s23], [sflag:$0x6], $0x10, s8, s21, $0xb8;
	[tilespmem:$0x1A000] =	vst v63  }
0x8e: {  	_ =	swait.ge [sflag:s0], $0x800  }
0x8f: {  	[sflag:s0] =	ssyncset.done $0x0  }
0x90: {  	s7 =	simm.s32 $0x19F00;
	[sflag:s0] =	ssyncadd.s32 $0xFFFFF800  }
0x91: {  	[spmem:s3] =	stream.indirect.scatter.add.f32 [tilespmem:s26], [sflag:$0x7], $0x10, s7, s21, $0xb8;
	[tilespmem:$0x1A000] =	vst v63  }
0x92: {  	_ =	swait.ge [sflag:s1], $0x800  }
0x93: {  	[sflag:s1] =	ssyncset.done $0x0  }
0x94: {  	s8 =	simm.s32 $0x19F80;
	[sflag:s1] =	ssyncadd.s32 $0xFFFFF800  }
0x95: {  	[spmem:s3] =	stream.indirect.scatter.add.f32 [tilespmem:s29], [sflag:$0x8], $0x10, s8, s21, $0xb8;
	[tilespmem:$0x1A000] =	vst v63  }
0x96: {  	_ =	swait.ge [sflag:s20], $0x800  }
0x97: {  	[sflag:s20] =	ssyncset.done $0x0  }
0x98: {  	[sflag:s20] =	ssyncadd.s32 $0xFFFFF800  }
0x99: {  	_ =	swait.ge [sflag:s22], $0x800  }
0x9a: {  	[sflag:s22] =	ssyncset.done $0x0  }
0x9b: {  	[sflag:s22] =	ssyncadd.s32 $0xFFFFF800  }
0x9c: {  	_ =	swait.ge [sflag:s24], $0x800  }
0x9d: {  	[sflag:s24] =	ssyncset.done $0x0  }
0x9e: {  	[sflag:s24] =	ssyncadd.s32 $0xFFFFF800  }
0x9f: {  	_ =	swait.ge [sflag:s28], $0x800  }
0xa0: {  	s4 =	sadd.s32 $0x1, s4;
	[sflag:s28] =	ssyncset.done $0x0  }
0xa1: {  	p0 =	sne.s32 s4, s10;
	[sflag:s28] =	ssyncadd.s32 $0xFFFFF800  }
.Ltmp2:
0xa2: {  	[bflag:$0x0] =	sbarrier.arrive $0xFFFF;
	(pc) =	sbr.rel @p0 .LBB2_1-.Ltmp2, $4  }
0xa3: {  	[hbm:s9], [sflag:s17] =	dma.local [spmem:s25], $0x2800  }
0xa4: {  	_ =	swait.ge [sflag:s16], $0x2800  }
0xa5: {  	[sflag:s16] =	ssyncset.done $0x0  }
0xa6: {  	[sflag:s16] =	ssyncadd.s32 $0xFFFFD800  }
0xa7: {  	_ =	sfence.sel $0x180000  }
0xa8: {  	[bflag:$0x0] =	sbarrier.arrive $0xFFFF  }
0xa9: {  	_ =	strace $0x90000053  }
0xaa: {  	s0 =	stileid.u32;
	[bflag:$0x2] =	sbarrier.arrive $0xFFFF  }
0xab: {  	p0 =	sne.s32 s0, $0x0;
	s0 =	rddreg [dreg:$0x3]  }
0xac: {  	s0 =	sadd.s32 @!p0 $0x100000, s0  }
0xad: {  	[sflag:s0] =	ssyncadd.tile.s32 @!p0 $0x1;
	_ =	shalt  }
.Lfunc_end2:
_tile_overlayer_lowered:
.L_overlay_start_2:
0xae: {  	(tag) =	ssettag $0x2  }
0xaf: {  	s0 =	rddreg [dreg:$0x0];
	s2 =	stileid.u32  }
0xb0: {  	s1 =	rddreg [dreg:$0x1];
	p0 =	sne.s32 s2, $0x0  }
0xb1: {  	s3 =	rddreg [dreg:$0x2];
	[bflag:$0x3] =	sbarrier.arrive $0xFFFF;
	s2 =	simm.s32 @!p0 $0x1C09  }
0xb2: {  	[timem:s3], [sflag:s2] =	dma.local @!p0 [hbm:s0], s1  }
0xb3: {  	s0 =	simm.s32 @!p0 $0x9  }
0xb4: {  	_ =	swait.ge @!p0 [sflag:s0], s1  }
0xb5: {  	s1 =	ssub.s32 @!p0 $0x0, s1;
	[sflag:s0] =	ssyncset.done @!p0 $0x0  }
0xb6: {  	[sflag:s0] =	ssyncadd.s32 @!p0 s1  }
0xb7: {  	[bflag:$0x3] =	sbarrier.arrive $0xFFFF  }
0xb8: {  	_ =	shalt  }

</sc_bundles>
